<compile_context>
chip_gen: v7x
topology: tpu7x:2x2x1
jax: 0.10.2.dev20260603
libtpu: 0.0.44.dev20260713+nightly
codegen_flags: <defaults>
</compile_context>

<pallas_src>
import functools

import jax
import jax.numpy as jnp
from jax import lax
from jax.experimental import pallas as pl
from jax.experimental.pallas import tpu as pltpu
from jax.experimental.pallas import tpu_sc as plsc

N_ROWS = 128
N_COLS = 2048
K = 8
L = 16
NC = 2
NS = 16
NW = NC * NS
ROWS_PER_TILE = N_ROWS // NW
N_CHUNKS = N_COLS // L
CROW = N_COLS + L

_BIG_I32 = 2**31 - 1


def _tile_body(x_hbm, val_hbm, idx_hbm, rows_v, cidx_v, oval_v, oidx_v):
    wid = lax.axis_index("s") * NC + lax.axis_index("c")
    base = wid * ROWS_PER_TILE

    lane = lax.broadcasted_iota(jnp.int32, (L,), 0)
    neg_inf = jnp.full((L,), -jnp.inf, jnp.float32)
    big_idx = jnp.full((L,), _BIG_I32, jnp.int32)

    pltpu.sync_copy(x_hbm.at[pl.ds(base, ROWS_PER_TILE), :], rows_v)

    def p1(i, ms):
        ms = list(ms)
        for r in range(ROWS_PER_TILE):
            for u in range(2):
                x = rows_v[r, pl.ds((i * 2 + u) * L, L)]
                ms[r * 2 + u] = jnp.maximum(ms[r * 2 + u], x)
        return tuple(ms)

    ms = list(lax.fori_loop(0, N_CHUNKS // 2, p1,
                            tuple([neg_inf] * (2 * ROWS_PER_TILE))))
    t0s = [jnp.sort(jnp.maximum(ms[2 * r], ms[2 * r + 1]))[L - K]
           for r in range(ROWS_PER_TILE)]

    P2U = 4

    def p2(i, offs):
        offs = list(offs)
        for u in range(P2U):
            c = i * P2U + u
            xi = c * L + lane
            for r in range(ROWS_PER_TILE):
                x = rows_v[r, pl.ds(c * L, L)]
                ge = x >= t0s[r]
                plsc.store_compressed(
                    cidx_v.at[pl.ds(r * CROW + offs[r], L)], xi, mask=ge)
                offs[r] = offs[r] + plsc.all_reduce_population_count(ge)[0]
        return tuple(offs)

    zero = jnp.int32(0)
    ncands = list(lax.fori_loop(0, N_CHUNKS // P2U, p2,
                                tuple([zero] * ROWS_PER_TILE)))

    for p in range(ROWS_PER_TILE // 2):
        ra, rb = 2 * p, 2 * p + 1

        def p3(c, carry):
            out = []
            for r, cbase in ((ra, 0), (rb, 2 * K)):
                vals = list(carry[cbase:cbase + K])
                idxs = list(carry[cbase + K:cbase + 2 * K])
                live = (c * L + lane) < ncands[r]
                xi_raw = cidx_v[pl.ds(r * CROW + c * L, L)]
                xi_safe = jnp.clip(xi_raw, 0, N_COLS - 1)
                rowv = jnp.full((L,), r, jnp.int32)
                xv = plsc.load_gather(rows_v, [rowv, xi_safe])
                x = jnp.where(live, xv, neg_inf)
                xi = jnp.where(live, xi_safe, big_idx)
                for j in range(K):
                    gt = (x > vals[j]) | ((x == vals[j]) & (xi < idxs[j]))
                    nv = jnp.where(gt, x, vals[j])
                    ni = jnp.where(gt, xi, idxs[j])
                    x = jnp.where(gt, vals[j], x)
                    xi = jnp.where(gt, idxs[j], xi)
                    vals[j] = nv
                    idxs[j] = ni
                out.extend(vals)
                out.extend(idxs)
            return tuple(out)

        init = (tuple([neg_inf] * K) + tuple([big_idx] * K)) * 2
        nch = (jnp.maximum(ncands[ra], ncands[rb]) + L - 1) // L
        carry = lax.fori_loop(0, nch, p3, init)

        states = [
            [list(carry[0:K]), list(carry[K:2 * K])],
            [list(carry[2 * K:3 * K]), list(carry[3 * K:4 * K])],
        ]
        accs = [[neg_inf, big_idx], [neg_inf, big_idx]]
        for t in range(K):
            for s in range(2):
                vals, idxs = states[s]
                half = s * K
                gmax = jnp.max(vals[0])
                topmask = vals[0] == gmax
                cand_idx = jnp.where(topmask, idxs[0], big_idx)
                best = jnp.min(cand_idx)
                accs[s][0] = jnp.where(lane == half + t, gmax, accs[s][0])
                accs[s][1] = jnp.where(lane == half + t, best, accs[s][1])
                popmask = topmask & (idxs[0] == best)
                for j in range(K):
                    nxt_v = vals[j + 1] if j + 1 < K else neg_inf
                    nxt_i = idxs[j + 1] if j + 1 < K else big_idx
                    vals[j] = jnp.where(popmask, nxt_v, vals[j])
                    idxs[j] = jnp.where(popmask, nxt_i, idxs[j])
        lo = lane < K
        oval_v[p, :] = jnp.where(lo, accs[0][0], accs[1][0])
        oidx_v[p, :] = jnp.where(lo, accs[0][1], accs[1][1])

    pairs = ROWS_PER_TILE // 2
    pltpu.sync_copy(oval_v, val_hbm.at[pl.ds(wid * pairs, pairs), :])
    pltpu.sync_copy(oidx_v, idx_hbm.at[pl.ds(wid * pairs, pairs), :])


@functools.partial(jax.jit)
def _topk(x):
    mesh = plsc.VectorSubcoreMesh(core_axis_name="c", subcore_axis_name="s")
    f = pl.kernel(
        _tile_body,
        out_type=(
            jax.ShapeDtypeStruct((N_ROWS * K // L, L), jnp.float32),
            jax.ShapeDtypeStruct((N_ROWS * K // L, L), jnp.int32),
        ),
        mesh=mesh,
        compiler_params=pltpu.CompilerParams(needs_layout_passes=False),
        scratch_types=[
            pltpu.VMEM((ROWS_PER_TILE, N_COLS), jnp.float32),
            pltpu.VMEM((ROWS_PER_TILE * CROW,), jnp.int32),
            pltpu.VMEM((ROWS_PER_TILE // 2, L), jnp.float32),
            pltpu.VMEM((ROWS_PER_TILE // 2, L), jnp.int32),
        ],
    )
    v, i = f(x)
    return v.reshape(N_ROWS, K), i.reshape(N_ROWS, K)


def kernel(input):
    return _topk(input)

# --- scband reference (transcript-rebuilt; emitter-appended) ---
"""Pipeline reference for scband-classify-38362647888221 (READ-ONLY COPY).

The authoritative reference and input builder live on the scoring server;
editing this copy changes nothing except your own understanding.
"""

import jax, jax.numpy as jnp
import numpy as np

K = 8

def setup_inputs(seed: int = 0) -> dict:
    key = jax.random.key(seed)
    x = jax.random.normal(key, (128, 2048), dtype=jnp.float32)
    return {"input": x}

def reference(input):
    # Faithful core computation of Classify.forward: torch.topk(input, k)
    # over the last dimension. The original module then converts row 0's
    # indices to label strings and prints them (no tensor returned); here
    # we return the topk values and indices as the numerically meaningful output.
    values, indices = jax.lax.top_k(input, K)
    return values, indices

if __name__ == "__main__":
    import jax
    _d = setup_inputs()
    print(jax.jit(kernel)(*tuple(_d.values())))

</pallas_src>

<mosaic_0001>
#map = affine_map<(d0, d1) -> (0, 0)>
module attributes {stable_mosaic.version = 14 : i64} {
  func.func @_tile_body(%arg0: i32, %arg1: i32, %arg2: memref<128x2048xf32, #tpu.memory_space<hbm>>, %arg3: memref<64x16xf32, #tpu.memory_space<hbm>>, %arg4: memref<64x16xi32, #tpu.memory_space<hbm>>, %arg5: memref<4x2048xf32, #tpu.memory_space<vmem>>, %arg6: memref<8256xi32, #tpu.memory_space<vmem>>, %arg7: memref<2x16xf32, #tpu.memory_space<vmem>>, %arg8: memref<2x16xi32, #tpu.memory_space<vmem>>) attributes {dimension_semantics = [#tpu.dimension_semantics<core_parallel>, #tpu.dimension_semantics<subcore_parallel>], iteration_bounds = array<i64: 2, 16>, scalar_prefetch = 0 : i64, scratch_operands = 4 : i64, tpu.core_type = #tpu.core_type<sc_vector_subcore>, window_params = [{transform_indices = #map}, {transform_indices = #map}, {transform_indices = #map}]} {
    %mul3A = arith.constant 2 : i32
    %mul3A_0 = arith.muli %arg1, %mul3A : i32
    %add3A = arith.addi %mul3A_0, %arg0 : i32
    %mul3A_1 = arith.constant 4 : i32
    %mul3A_2 = arith.muli %add3A, %mul3A_1 : i32
    %iota3A = tpu.iota {dimensions = array<i32: 0>} : vector<16xi32>
    %broadcast_in_dim3A = arith.constant 0xFF800000 : f32
    %broadcast_in_dim3A_3 = vector.broadcast %broadcast_in_dim3A : f32 to vector<16xf32>
    %broadcast_in_dim3A_4 = arith.constant 2147483647 : i32
    %broadcast_in_dim3A_5 = vector.broadcast %broadcast_in_dim3A_4 : i32 to vector<16xi32>
    "tpu.region"() ({
      %run_scoped3A = tpu.sem_alloc : memref<!tpu.dma_semaphore, #tpu.memory_space<semaphore_mem>>
      %dma_start3A = arith.constant 0 : i32
      %dma_start3A_1549 = tpu.memref_slice %arg2[%mul3A_2, %dma_start3A] : memref<128x2048xf32, #tpu.memory_space<hbm>> -> memref<4x2048xf32, #tpu.memory_space<hbm>>
      %dma_start3A_1550 = arith.constant 0 : i32
      %dma_start3A_1551 = tpu.memref_slice %arg2[%mul3A_2, %dma_start3A_1550] : memref<128x2048xf32, #tpu.memory_space<hbm>> -> memref<4x2048xf32, #tpu.memory_space<hbm>>
      tpu.enqueue_dma source(%dma_start3A_1551 : memref<4x2048xf32, #tpu.memory_space<hbm>>) target(%arg5 : memref<4x2048xf32, #tpu.memory_space<vmem>>) target_semaphore(%run_scoped3A : memref<!tpu.dma_semaphore, #tpu.memory_space<semaphore_mem>>)
      %dma_wait3A = arith.constant 0 : i32
      %dma_wait3A_1552 = tpu.memref_slice %arg2[%mul3A_2, %dma_wait3A] : memref<128x2048xf32, #tpu.memory_space<hbm>> -> memref<4x2048xf32, #tpu.memory_space<hbm>>
      %dma_wait3A_1553 = arith.constant 0 : i32
      %dma_wait3A_1554 = tpu.memref_slice %arg2[%mul3A_2, %dma_wait3A_1553] : memref<128x2048xf32, #tpu.memory_space<hbm>> -> memref<4x2048xf32, #tpu.memory_space<hbm>>
      tpu.wait_dma2 semaphore(%run_scoped3A : memref<!tpu.dma_semaphore, #tpu.memory_space<semaphore_mem>>) src(%dma_wait3A_1554 : memref<4x2048xf32, #tpu.memory_space<hbm>>) dst(%arg5 : memref<4x2048xf32, #tpu.memory_space<vmem>>)
      tpu.yield
    }) : () -> ()
    %scan3A = arith.constant 0 : i32
    %scan3A_6 = arith.constant 64 : i32
    %scan3A_7 = arith.addi %scan3A, %scan3A_6 : i32
    %scan3A_8 = arith.constant 1 : i32
    %scan3A_9:8 = scf.for %scan3A_1549 = %scan3A to %scan3A_7 step %scan3A_8 iter_args(%scan3A_1550 = %broadcast_in_dim3A_3, %scan3A_1551 = %broadcast_in_dim3A_3, %scan3A_1552 = %broadcast_in_dim3A_3, %scan3A_1553 = %broadcast_in_dim3A_3, %scan3A_1554 = %broadcast_in_dim3A_3, %scan3A_1555 = %broadcast_in_dim3A_3, %scan3A_1556 = %broadcast_in_dim3A_3, %scan3A_1557 = %broadcast_in_dim3A_3) -> (vector<16xf32>, vector<16xf32>, vector<16xf32>, vector<16xf32>, vector<16xf32>, vector<16xf32>, vector<16xf32>, vector<16xf32>)  : i32 {
      %mul3A_1558 = arith.constant 2 : i32
      %mul3A_1559 = arith.muli %scan3A_1549, %mul3A_1558 : i32
      %add3A_1560 = arith.constant 0 : i32
      %add3A_1561 = arith.addi %mul3A_1559, %add3A_1560 : i32
      %mul3A_1562 = arith.constant 16 : i32
      %mul3A_1563 = arith.muli %add3A_1561, %mul3A_1562 : i32
      %get3A = arith.constant 0 : i32
      %get3A_1564 = arith.index_cast %get3A : i32 to index
      %get3A_1565 = arith.index_cast %mul3A_1563 : i32 to index
      %get3A_1566 = tpu.vector_load %arg5[%get3A_1564, %get3A_1565] {strides = array<i32>} : memref<4x2048xf32, #tpu.memory_space<vmem>>, vector<16xf32>,
      %max3A_1567 = arith.maximumf %scan3A_1550, %get3A_1566 : vector<16xf32>
      %mul3A_1568 = arith.constant 2 : i32
      %mul3A_1569 = arith.muli %scan3A_1549, %mul3A_1568 : i32
      %add3A_1570 = arith.constant 1 : i32
      %add3A_1571 = arith.addi %mul3A_1569, %add3A_1570 : i32
      %mul3A_1572 = arith.constant 16 : i32
      %mul3A_1573 = arith.muli %add3A_1571, %mul3A_1572 : i32
      %get3A_1574 = arith.constant 0 : i32
      %get3A_1575 = arith.index_cast %get3A_1574 : i32 to index
      %get3A_1576 = arith.index_cast %mul3A_1573 : i32 to index
      %get3A_1577 = tpu.vector_load %arg5[%get3A_1575, %get3A_1576] {strides = array<i32>} : memref<4x2048xf32, #tpu.memory_space<vmem>>, vector<16xf32>,
      %max3A_1578 = arith.maximumf %scan3A_1551, %get3A_1577 : vector<16xf32>
      %mul3A_1579 = arith.constant 2 : i32
      %mul3A_1580 = arith.muli %scan3A_1549, %mul3A_1579 : i32
      %add3A_1581 = arith.constant 0 : i32
      %add3A_1582 = arith.addi %mul3A_1580, %add3A_1581 : i32
      %mul3A_1583 = arith.constant 16 : i32
      %mul3A_1584 = arith.muli %add3A_1582, %mul3A_1583 : i32
      %get3A_1585 = arith.constant 1 : i32
      %get3A_1586 = arith.index_cast %get3A_1585 : i32 to index
      %get3A_1587 = arith.index_cast %mul3A_1584 : i32 to index
      %get3A_1588 = tpu.vector_load %arg5[%get3A_1586, %get3A_1587] {strides = array<i32>} : memref<4x2048xf32, #tpu.memory_space<vmem>>, vector<16xf32>,
      %max3A_1589 = arith.maximumf %scan3A_1552, %get3A_1588 : vector<16xf32>
      %mul3A_1590 = arith.constant 2 : i32
      %mul3A_1591 = arith.muli %scan3A_1549, %mul3A_1590 : i32
      %add3A_1592 = arith.constant 1 : i32
      %add3A_1593 = arith.addi %mul3A_1591, %add3A_1592 : i32
      %mul3A_1594 = arith.constant 16 : i32
      %mul3A_1595 = arith.muli %add3A_1593, %mul3A_1594 : i32
      %get3A_1596 = arith.constant 1 : i32
      %get3A_1597 = arith.index_cast %get3A_1596 : i32 to index
      %get3A_1598 = arith.index_cast %mul3A_1595 : i32 to index
      %get3A_1599 = tpu.vector_load %arg5[%get3A_1597, %get3A_1598] {strides = array<i32>} : memref<4x2048xf32, #tpu.memory_space<vmem>>, vector<16xf32>,
      %max3A_1600 = arith.maximumf %scan3A_1553, %get3A_1599 : vector<16xf32>
      %mul3A_1601 = arith.constant 2 : i32
      %mul3A_1602 = arith.muli %scan3A_1549, %mul3A_1601 : i32
      %add3A_1603 = arith.constant 0 : i32
      %add3A_1604 = arith.addi %mul3A_1602, %add3A_1603 : i32
      %mul3A_1605 = arith.constant 16 : i32
      %mul3A_1606 = arith.muli %add3A_1604, %mul3A_1605 : i32
      %get3A_1607 = arith.constant 2 : i32
      %get3A_1608 = arith.index_cast %get3A_1607 : i32 to index
      %get3A_1609 = arith.index_cast %mul3A_1606 : i32 to index
      %get3A_1610 = tpu.vector_load %arg5[%get3A_1608, %get3A_1609] {strides = array<i32>} : memref<4x2048xf32, #tpu.memory_space<vmem>>, vector<16xf32>,
      %max3A_1611 = arith.maximumf %scan3A_1554, %get3A_1610 : vector<16xf32>
      %mul3A_1612 = arith.constant 2 : i32
      %mul3A_1613 = arith.muli %scan3A_1549, %mul3A_1612 : i32
      %add3A_1614 = arith.constant 1 : i32
      %add3A_1615 = arith.addi %mul3A_1613, %add3A_1614 : i32
      %mul3A_1616 = arith.constant 16 : i32
      %mul3A_1617 = arith.muli %add3A_1615, %mul3A_1616 : i32
      %get3A_1618 = arith.constant 2 : i32
      %get3A_1619 = arith.index_cast %get3A_1618 : i32 to index
      %get3A_1620 = arith.index_cast %mul3A_1617 : i32 to index
      %get3A_1621 = tpu.vector_load %arg5[%get3A_1619, %get3A_1620] {strides = array<i32>} : memref<4x2048xf32, #tpu.memory_space<vmem>>, vector<16xf32>,
      %max3A_1622 = arith.maximumf %scan3A_1555, %get3A_1621 : vector<16xf32>
      %mul3A_1623 = arith.constant 2 : i32
      %mul3A_1624 = arith.muli %scan3A_1549, %mul3A_1623 : i32
      %add3A_1625 = arith.constant 0 : i32
      %add3A_1626 = arith.addi %mul3A_1624, %add3A_1625 : i32
      %mul3A_1627 = arith.constant 16 : i32
      %mul3A_1628 = arith.muli %add3A_1626, %mul3A_1627 : i32
      %get3A_1629 = arith.constant 3 : i32
      %get3A_1630 = arith.index_cast %get3A_1629 : i32 to index
      %get3A_1631 = arith.index_cast %mul3A_1628 : i32 to index
      %get3A_1632 = tpu.vector_load %arg5[%get3A_1630, %get3A_1631] {strides = array<i32>} : memref<4x2048xf32, #tpu.memory_space<vmem>>, vector<16xf32>,
      %max3A_1633 = arith.maximumf %scan3A_1556, %get3A_1632 : vector<16xf32>
      %mul3A_1634 = arith.constant 2 : i32
      %mul3A_1635 = arith.muli %scan3A_1549, %mul3A_1634 : i32
      %add3A_1636 = arith.constant 1 : i32
      %add3A_1637 = arith.addi %mul3A_1635, %add3A_1636 : i32
      %mul3A_1638 = arith.constant 16 : i32
      %mul3A_1639 = arith.muli %add3A_1637, %mul3A_1638 : i32
      %get3A_1640 = arith.constant 3 : i32
      %get3A_1641 = arith.index_cast %get3A_1640 : i32 to index
      %get3A_1642 = arith.index_cast %mul3A_1639 : i32 to index
      %get3A_1643 = tpu.vector_load %arg5[%get3A_1641, %get3A_1642] {strides = array<i32>} : memref<4x2048xf32, #tpu.memory_space<vmem>>, vector<16xf32>,
      %max3A_1644 = arith.maximumf %scan3A_1557, %get3A_1643 : vector<16xf32>
      scf.yield %max3A_1567, %max3A_1578, %max3A_1589, %max3A_1600, %max3A_1611, %max3A_1622, %max3A_1633, %max3A_1644 : vector<16xf32>, vector<16xf32>, vector<16xf32>, vector<16xf32>, vector<16xf32>, vector<16xf32>, vector<16xf32>, vector<16xf32>
    }
    %scan3A_10 = arith.constant 64 : i32
    %max3A = arith.maximumf %scan3A_9#0, %scan3A_9#1 : vector<16xf32>
    %sort3A = arith.constant dense<true> : vector<16xi1>
    %sort3A_11, %sort3A_12, %sort3A_13 = tpu.sort %max3A, %max3A masked %sort3A : (vector<16xf32>, vector<16xf32>, vector<16xi1>) -> (vector<16xi1>, vector<16xf32>, vector<16xf32>)
    %slice3A = vector.extract_strided_slice %sort3A_12 {offsets = [8], sizes = [1], strides = [1]} : vector<16xf32> to vector<1xf32>
    %squeeze3A = vector.extract %slice3A[0] : f32 from vector<1xf32>
    %max3A_14 = arith.maximumf %scan3A_9#2, %scan3A_9#3 : vector<16xf32>
    %sort3A_15 = arith.constant dense<true> : vector<16xi1>
    %sort3A_16, %sort3A_17, %sort3A_18 = tpu.sort %max3A_14, %max3A_14 masked %sort3A_15 : (vector<16xf32>, vector<16xf32>, vector<16xi1>) -> (vector<16xi1>, vector<16xf32>, vector<16xf32>)
    %slice3A_19 = vector.extract_strided_slice %sort3A_17 {offsets = [8], sizes = [1], strides = [1]} : vector<16xf32> to vector<1xf32>
    %squeeze3A_20 = vector.extract %slice3A_19[0] : f32 from vector<1xf32>
    %max3A_21 = arith.maximumf %scan3A_9#4, %scan3A_9#5 : vector<16xf32>
    %sort3A_22 = arith.constant dense<true> : vector<16xi1>
    %sort3A_23, %sort3A_24, %sort3A_25 = tpu.sort %max3A_21, %max3A_21 masked %sort3A_22 : (vector<16xf32>, vector<16xf32>, vector<16xi1>) -> (vector<16xi1>, vector<16xf32>, vector<16xf32>)
    %slice3A_26 = vector.extract_strided_slice %sort3A_24 {offsets = [8], sizes = [1], strides = [1]} : vector<16xf32> to vector<1xf32>
    %squeeze3A_27 = vector.extract %slice3A_26[0] : f32 from vector<1xf32>
    %max3A_28 = arith.maximumf %scan3A_9#6, %scan3A_9#7 : vector<16xf32>
    %sort3A_29 = arith.constant dense<true> : vector<16xi1>
    %sort3A_30, %sort3A_31, %sort3A_32 = tpu.sort %max3A_28, %max3A_28 masked %sort3A_29 : (vector<16xf32>, vector<16xf32>, vector<16xi1>) -> (vector<16xi1>, vector<16xf32>, vector<16xf32>)
    %slice3A_33 = vector.extract_strided_slice %sort3A_31 {offsets = [8], sizes = [1], strides = [1]} : vector<16xf32> to vector<1xf32>
    %squeeze3A_34 = vector.extract %slice3A_33[0] : f32 from vector<1xf32>
    %scan3A_35 = arith.constant 0 : i32
    %scan3A_36 = arith.constant 0 : i32
    %scan3A_37 = arith.constant 0 : i32
    %scan3A_38 = arith.constant 0 : i32
    %scan3A_39 = arith.constant 0 : i32
    %scan3A_40 = arith.constant 32 : i32
    %scan3A_41 = arith.addi %scan3A_39, %scan3A_40 : i32
    %scan3A_42 = arith.constant 1 : i32
    %scan3A_43:4 = scf.for %scan3A_1549 = %scan3A_39 to %scan3A_41 step %scan3A_42 iter_args(%scan3A_1550 = %scan3A_35, %scan3A_1551 = %scan3A_36, %scan3A_1552 = %scan3A_37, %scan3A_1553 = %scan3A_38) -> (i32, i32, i32, i32)  : i32 {
      %mul3A_1554 = arith.constant 4 : i32
      %mul3A_1555 = arith.muli %scan3A_1549, %mul3A_1554 : i32
      %add3A_1556 = arith.constant 0 : i32
      %add3A_1557 = arith.addi %mul3A_1555, %add3A_1556 : i32
      %mul3A_1558 = arith.constant 16 : i32
      %mul3A_1559 = arith.muli %add3A_1557, %mul3A_1558 : i32
      %add3A_1560 = vector.broadcast %mul3A_1559 : i32 to vector<16xi32>
      %add3A_1561 = arith.addi %add3A_1560, %iota3A : vector<16xi32>
      %mul3A_1562 = arith.constant 16 : i32
      %mul3A_1563 = arith.muli %add3A_1557, %mul3A_1562 : i32
      %get3A = arith.constant 0 : i32
      %get3A_1564 = arith.index_cast %get3A : i32 to index
      %get3A_1565 = arith.index_cast %mul3A_1563 : i32 to index
      %get3A_1566 = tpu.vector_load %arg5[%get3A_1564, %get3A_1565] {strides = array<i32>} : memref<4x2048xf32, #tpu.memory_space<vmem>>, vector<16xf32>,
      %ge3A = vector.broadcast %squeeze3A : f32 to vector<16xf32>
      %ge3A_1567 = arith.cmpf oge, %get3A_1566, %ge3A : vector<16xf32>
      %add3A_1568 = arith.constant 0 : i32
      %add3A_1569 = arith.addi %add3A_1568, %scan3A_1550 : i32
      %swap3A_1570 = arith.index_cast %add3A_1569 : i32 to index
      %swap3A_1571 = tpu.vector_load %arg6[%swap3A_1570] masked %ge3A_1567 {strides = array<i32>} : memref<8256xi32, #tpu.memory_space<vmem>>, vector<16xi32>, vector<16xi1>
      tpu.vector_store %arg6[%swap3A_1570], %add3A_1561 masked %ge3A_1567 {strides = array<i32>} : memref<8256xi32, #tpu.memory_space<vmem>>, vector<16xi32>, vector<16xi1>
      %all_reduce_population_count3A = tpu.all_reduce %ge3A_1567 {dim = 0 : i64, kind = #tpu.reduction_kind<sum>} : vector<16xi1> -> vector<16xi32>
      %slice3A_1572 = vector.extract_strided_slice %all_reduce_population_count3A {offsets = [0], sizes = [1], strides = [1]} : vector<16xi32> to vector<1xi32>
      %squeeze3A_1573 = vector.extract %slice3A_1572[0] : i32 from vector<1xi32>
      %add3A_1574 = arith.addi %scan3A_1550, %squeeze3A_1573 : i32
      %mul3A_1575 = arith.constant 16 : i32
      %mul3A_1576 = arith.muli %add3A_1557, %mul3A_1575 : i32
      %get3A_1577 = arith.constant 1 : i32
      %get3A_1578 = arith.index_cast %get3A_1577 : i32 to index
      %get3A_1579 = arith.index_cast %mul3A_1576 : i32 to index
      %get3A_1580 = tpu.vector_load %arg5[%get3A_1578, %get3A_1579] {strides = array<i32>} : memref<4x2048xf32, #tpu.memory_space<vmem>>, vector<16xf32>,
      %ge3A_1581 = vector.broadcast %squeeze3A_20 : f32 to vector<16xf32>
      %ge3A_1582 = arith.cmpf oge, %get3A_1580, %ge3A_1581 : vector<16xf32>
      %add3A_1583 = arith.constant 2064 : i32
      %add3A_1584 = arith.addi %add3A_1583, %scan3A_1551 : i32
      %swap3A_1585 = arith.index_cast %add3A_1584 : i32 to index
      %swap3A_1586 = tpu.vector_load %arg6[%swap3A_1585] masked %ge3A_1582 {strides = array<i32>} : memref<8256xi32, #tpu.memory_space<vmem>>, vector<16xi32>, vector<16xi1>
      tpu.vector_store %arg6[%swap3A_1585], %add3A_1561 masked %ge3A_1582 {strides = array<i32>} : memref<8256xi32, #tpu.memory_space<vmem>>, vector<16xi32>, vector<16xi1>
      %all_reduce_population_count3A_1587 = tpu.all_reduce %ge3A_1582 {dim = 0 : i64, kind = #tpu.reduction_kind<sum>} : vector<16xi1> -> vector<16xi32>
      %slice3A_1588 = vector.extract_strided_slice %all_reduce_population_count3A_1587 {offsets = [0], sizes = [1], strides = [1]} : vector<16xi32> to vector<1xi32>
      %squeeze3A_1589 = vector.extract %slice3A_1588[0] : i32 from vector<1xi32>
      %add3A_1590 = arith.addi %scan3A_1551, %squeeze3A_1589 : i32
      %mul3A_1591 = arith.constant 16 : i32
      %mul3A_1592 = arith.muli %add3A_1557, %mul3A_1591 : i32
      %get3A_1593 = arith.constant 2 : i32
      %get3A_1594 = arith.index_cast %get3A_1593 : i32 to index
      %get3A_1595 = arith.index_cast %mul3A_1592 : i32 to index
      %get3A_1596 = tpu.vector_load %arg5[%get3A_1594, %get3A_1595] {strides = array<i32>} : memref<4x2048xf32, #tpu.memory_space<vmem>>, vector<16xf32>,
      %ge3A_1597 = vector.broadcast %squeeze3A_27 : f32 to vector<16xf32>
      %ge3A_1598 = arith.cmpf oge, %get3A_1596, %ge3A_1597 : vector<16xf32>
      %add3A_1599 = arith.constant 4128 : i32
      %add3A_1600 = arith.addi %add3A_1599, %scan3A_1552 : i32
      %swap3A_1601 = arith.index_cast %add3A_1600 : i32 to index
      %swap3A_1602 = tpu.vector_load %arg6[%swap3A_1601] masked %ge3A_1598 {strides = array<i32>} : memref<8256xi32, #tpu.memory_space<vmem>>, vector<16xi32>, vector<16xi1>
      tpu.vector_store %arg6[%swap3A_1601], %add3A_1561 masked %ge3A_1598 {strides = array<i32>} : memref<8256xi32, #tpu.memory_space<vmem>>, vector<16xi32>, vector<16xi1>
      %all_reduce_population_count3A_1603 = tpu.all_reduce %ge3A_1598 {dim = 0 : i64, kind = #tpu.reduction_kind<sum>} : vector<16xi1> -> vector<16xi32>
      %slice3A_1604 = vector.extract_strided_slice %all_reduce_population_count3A_1603 {offsets = [0], sizes = [1], strides = [1]} : vector<16xi32> to vector<1xi32>
      %squeeze3A_1605 = vector.extract %slice3A_1604[0] : i32 from vector<1xi32>
      %add3A_1606 = arith.addi %scan3A_1552, %squeeze3A_1605 : i32
      %mul3A_1607 = arith.constant 16 : i32
      %mul3A_1608 = arith.muli %add3A_1557, %mul3A_1607 : i32
      %get3A_1609 = arith.constant 3 : i32
      %get3A_1610 = arith.index_cast %get3A_1609 : i32 to index
      %get3A_1611 = arith.index_cast %mul3A_1608 : i32 to index
      %get3A_1612 = tpu.vector_load %arg5[%get3A_1610, %get3A_1611] {strides = array<i32>} : memref<4x2048xf32, #tpu.memory_space<vmem>>, vector<16xf32>,
      %ge3A_1613 = vector.broadcast %squeeze3A_34 : f32 to vector<16xf32>
      %ge3A_1614 = arith.cmpf oge, %get3A_1612, %ge3A_1613 : vector<16xf32>
      %add3A_1615 = arith.constant 6192 : i32
      %add3A_1616 = arith.addi %add3A_1615, %scan3A_1553 : i32
      %swap3A_1617 = arith.index_cast %add3A_1616 : i32 to index
      %swap3A_1618 = tpu.vector_load %arg6[%swap3A_1617] masked %ge3A_1614 {strides = array<i32>} : memref<8256xi32, #tpu.memory_space<vmem>>, vector<16xi32>, vector<16xi1>
      tpu.vector_store %arg6[%swap3A_1617], %add3A_1561 masked %ge3A_1614 {strides = array<i32>} : memref<8256xi32, #tpu.memory_space<vmem>>, vector<16xi32>, vector<16xi1>
      %all_reduce_population_count3A_1619 = tpu.all_reduce %ge3A_1614 {dim = 0 : i64, kind = #tpu.reduction_kind<sum>} : vector<16xi1> -> vector<16xi32>
      %slice3A_1620 = vector.extract_strided_slice %all_reduce_population_count3A_1619 {offsets = [0], sizes = [1], strides = [1]} : vector<16xi32> to vector<1xi32>
      %squeeze3A_1621 = vector.extract %slice3A_1620[0] : i32 from vector<1xi32>
      %add3A_1622 = arith.addi %scan3A_1553, %squeeze3A_1621 : i32
      %mul3A_1623 = arith.constant 4 : i32
      %mul3A_1624 = arith.muli %scan3A_1549, %mul3A_1623 : i32
      %add3A_1625 = arith.constant 1 : i32
      %add3A_1626 = arith.addi %mul3A_1624, %add3A_1625 : i32
      %mul3A_1627 = arith.constant 16 : i32
      %mul3A_1628 = arith.muli %add3A_1626, %mul3A_1627 : i32
      %add3A_1629 = vector.broadcast %mul3A_1628 : i32 to vector<16xi32>
      %add3A_1630 = arith.addi %add3A_1629, %iota3A : vector<16xi32>
      %mul3A_1631 = arith.constant 16 : i32
      %mul3A_1632 = arith.muli %add3A_1626, %mul3A_1631 : i32
      %get3A_1633 = arith.constant 0 : i32
      %get3A_1634 = arith.index_cast %get3A_1633 : i32 to index
      %get3A_1635 = arith.index_cast %mul3A_1632 : i32 to index
      %get3A_1636 = tpu.vector_load %arg5[%get3A_1634, %get3A_1635] {strides = array<i32>} : memref<4x2048xf32, #tpu.memory_space<vmem>>, vector<16xf32>,
      %ge3A_1637 = vector.broadcast %squeeze3A : f32 to vector<16xf32>
      %ge3A_1638 = arith.cmpf oge, %get3A_1636, %ge3A_1637 : vector<16xf32>
      %add3A_1639 = arith.constant 0 : i32
      %add3A_1640 = arith.addi %add3A_1639, %add3A_1574 : i32
      %swap3A_1641 = arith.index_cast %add3A_1640 : i32 to index
      %swap3A_1642 = tpu.vector_load %arg6[%swap3A_1641] masked %ge3A_1638 {strides = array<i32>} : memref<8256xi32, #tpu.memory_space<vmem>>, vector<16xi32>, vector<16xi1>
      tpu.vector_store %arg6[%swap3A_1641], %add3A_1630 masked %ge3A_1638 {strides = array<i32>} : memref<8256xi32, #tpu.memory_space<vmem>>, vector<16xi32>, vector<16xi1>
      %all_reduce_population_count3A_1643 = tpu.all_reduce %ge3A_1638 {dim = 0 : i64, kind = #tpu.reduction_kind<sum>} : vector<16xi1> -> vector<16xi32>
      %slice3A_1644 = vector.extract_strided_slice %all_reduce_population_count3A_1643 {offsets = [0], sizes = [1], strides = [1]} : vector<16xi32> to vector<1xi32>
      %squeeze3A_1645 = vector.extract %slice3A_1644[0] : i32 from vector<1xi32>
      %add3A_1646 = arith.addi %add3A_1574, %squeeze3A_1645 : i32
      %mul3A_1647 = arith.constant 16 : i32
      %mul3A_1648 = arith.muli %add3A_1626, %mul3A_1647 : i32
      %get3A_1649 = arith.constant 1 : i32
      %get3A_1650 = arith.index_cast %get3A_1649 : i32 to index
      %get3A_1651 = arith.index_cast %mul3A_1648 : i32 to index
      %get3A_1652 = tpu.vector_load %arg5[%get3A_1650, %get3A_1651] {strides = array<i32>} : memref<4x2048xf32, #tpu.memory_space<vmem>>, vector<16xf32>,
      %ge3A_1653 = vector.broadcast %squeeze3A_20 : f32 to vector<16xf32>
      %ge3A_1654 = arith.cmpf oge, %get3A_1652, %ge3A_1653 : vector<16xf32>
      %add3A_1655 = arith.constant 2064 : i32
      %add3A_1656 = arith.addi %add3A_1655, %add3A_1590 : i32
      %swap3A_1657 = arith.index_cast %add3A_1656 : i32 to index
      %swap3A_1658 = tpu.vector_load %arg6[%swap3A_1657] masked %ge3A_1654 {strides = array<i32>} : memref<8256xi32, #tpu.memory_space<vmem>>, vector<16xi32>, vector<16xi1>
      tpu.vector_store %arg6[%swap3A_1657], %add3A_1630 masked %ge3A_1654 {strides = array<i32>} : memref<8256xi32, #tpu.memory_space<vmem>>, vector<16xi32>, vector<16xi1>
      %all_reduce_population_count3A_1659 = tpu.all_reduce %ge3A_1654 {dim = 0 : i64, kind = #tpu.reduction_kind<sum>} : vector<16xi1> -> vector<16xi32>
      %slice3A_1660 = vector.extract_strided_slice %all_reduce_population_count3A_1659 {offsets = [0], sizes = [1], strides = [1]} : vector<16xi32> to vector<1xi32>
      %squeeze3A_1661 = vector.extract %slice3A_1660[0] : i32 from vector<1xi32>
      %add3A_1662 = arith.addi %add3A_1590, %squeeze3A_1661 : i32
      %mul3A_1663 = arith.constant 16 : i32
      %mul3A_1664 = arith.muli %add3A_1626, %mul3A_1663 : i32
      %get3A_1665 = arith.constant 2 : i32
      %get3A_1666 = arith.index_cast %get3A_1665 : i32 to index
      %get3A_1667 = arith.index_cast %mul3A_1664 : i32 to index
      %get3A_1668 = tpu.vector_load %arg5[%get3A_1666, %get3A_1667] {strides = array<i32>} : memref<4x2048xf32, #tpu.memory_space<vmem>>, vector<16xf32>,
      %ge3A_1669 = vector.broadcast %squeeze3A_27 : f32 to vector<16xf32>
      %ge3A_1670 = arith.cmpf oge, %get3A_1668, %ge3A_1669 : vector<16xf32>
      %add3A_1671 = arith.constant 4128 : i32
      %add3A_1672 = arith.addi %add3A_1671, %add3A_1606 : i32
      %swap3A_1673 = arith.index_cast %add3A_1672 : i32 to index
      %swap3A_1674 = tpu.vector_load %arg6[%swap3A_1673] masked %ge3A_1670 {strides = array<i32>} : memref<8256xi32, #tpu.memory_space<vmem>>, vector<16xi32>, vector<16xi1>
      tpu.vector_store %arg6[%swap3A_1673], %add3A_1630 masked %ge3A_1670 {strides = array<i32>} : memref<8256xi32, #tpu.memory_space<vmem>>, vector<16xi32>, vector<16xi1>
      %all_reduce_population_count3A_1675 = tpu.all_reduce %ge3A_1670 {dim = 0 : i64, kind = #tpu.reduction_kind<sum>} : vector<16xi1> -> vector<16xi32>
      %slice3A_1676 = vector.extract_strided_slice %all_reduce_population_count3A_1675 {offsets = [0], sizes = [1], strides = [1]} : vector<16xi32> to vector<1xi32>
      %squeeze3A_1677 = vector.extract %slice3A_1676[0] : i32 from vector<1xi32>
      %add3A_1678 = arith.addi %add3A_1606, %squeeze3A_1677 : i32
      %mul3A_1679 = arith.constant 16 : i32
      %mul3A_1680 = arith.muli %add3A_1626, %mul3A_1679 : i32
      %get3A_1681 = arith.constant 3 : i32
      %get3A_1682 = arith.index_cast %get3A_1681 : i32 to index
      %get3A_1683 = arith.index_cast %mul3A_1680 : i32 to index
      %get3A_1684 = tpu.vector_load %arg5[%get3A_1682, %get3A_1683] {strides = array<i32>} : memref<4x2048xf32, #tpu.memory_space<vmem>>, vector<16xf32>,
      %ge3A_1685 = vector.broadcast %squeeze3A_34 : f32 to vector<16xf32>
      %ge3A_1686 = arith.cmpf oge, %get3A_1684, %ge3A_1685 : vector<16xf32>
      %add3A_1687 = arith.constant 6192 : i32
      %add3A_1688 = arith.addi %add3A_1687, %add3A_1622 : i32
      %swap3A_1689 = arith.index_cast %add3A_1688 : i32 to index
      %swap3A_1690 = tpu.vector_load %arg6[%swap3A_1689] masked %ge3A_1686 {strides = array<i32>} : memref<8256xi32, #tpu.memory_space<vmem>>, vector<16xi32>, vector<16xi1>
      tpu.vector_store %arg6[%swap3A_1689], %add3A_1630 masked %ge3A_1686 {strides = array<i32>} : memref<8256xi32, #tpu.memory_space<vmem>>, vector<16xi32>, vector<16xi1>
      %all_reduce_population_count3A_1691 = tpu.all_reduce %ge3A_1686 {dim = 0 : i64, kind = #tpu.reduction_kind<sum>} : vector<16xi1> -> vector<16xi32>
      %slice3A_1692 = vector.extract_strided_slice %all_reduce_population_count3A_1691 {offsets = [0], sizes = [1], strides = [1]} : vector<16xi32> to vector<1xi32>
      %squeeze3A_1693 = vector.extract %slice3A_1692[0] : i32 from vector<1xi32>
      %add3A_1694 = arith.addi %add3A_1622, %squeeze3A_1693 : i32
      %mul3A_1695 = arith.constant 4 : i32
      %mul3A_1696 = arith.muli %scan3A_1549, %mul3A_1695 : i32
      %add3A_1697 = arith.constant 2 : i32
      %add3A_1698 = arith.addi %mul3A_1696, %add3A_1697 : i32
      %mul3A_1699 = arith.constant 16 : i32
      %mul3A_1700 = arith.muli %add3A_1698, %mul3A_1699 : i32
      %add3A_1701 = vector.broadcast %mul3A_1700 : i32 to vector<16xi32>
      %add3A_1702 = arith.addi %add3A_1701, %iota3A : vector<16xi32>
      %mul3A_1703 = arith.constant 16 : i32
      %mul3A_1704 = arith.muli %add3A_1698, %mul3A_1703 : i32
      %get3A_1705 = arith.constant 0 : i32
      %get3A_1706 = arith.index_cast %get3A_1705 : i32 to index
      %get3A_1707 = arith.index_cast %mul3A_1704 : i32 to index
      %get3A_1708 = tpu.vector_load %arg5[%get3A_1706, %get3A_1707] {strides = array<i32>} : memref<4x2048xf32, #tpu.memory_space<vmem>>, vector<16xf32>,
      %ge3A_1709 = vector.broadcast %squeeze3A : f32 to vector<16xf32>
      %ge3A_1710 = arith.cmpf oge, %get3A_1708, %ge3A_1709 : vector<16xf32>
      %add3A_1711 = arith.constant 0 : i32
      %add3A_1712 = arith.addi %add3A_1711, %add3A_1646 : i32
      %swap3A_1713 = arith.index_cast %add3A_1712 : i32 to index
      %swap3A_1714 = tpu.vector_load %arg6[%swap3A_1713] masked %ge3A_1710 {strides = array<i32>} : memref<8256xi32, #tpu.memory_space<vmem>>, vector<16xi32>, vector<16xi1>
      tpu.vector_store %arg6[%swap3A_1713], %add3A_1702 masked %ge3A_1710 {strides = array<i32>} : memref<8256xi32, #tpu.memory_space<vmem>>, vector<16xi32>, vector<16xi1>
      %all_reduce_population_count3A_1715 = tpu.all_reduce %ge3A_1710 {dim = 0 : i64, kind = #tpu.reduction_kind<sum>} : vector<16xi1> -> vector<16xi32>
      %slice3A_1716 = vector.extract_strided_slice %all_reduce_population_count3A_1715 {offsets = [0], sizes = [1], strides = [1]} : vector<16xi32> to vector<1xi32>
      %squeeze3A_1717 = vector.extract %slice3A_1716[0] : i32 from vector<1xi32>
      %add3A_1718 = arith.addi %add3A_1646, %squeeze3A_1717 : i32
      %mul3A_1719 = arith.constant 16 : i32
      %mul3A_1720 = arith.muli %add3A_1698, %mul3A_1719 : i32
      %get3A_1721 = arith.constant 1 : i32
      %get3A_1722 = arith.index_cast %get3A_1721 : i32 to index
      %get3A_1723 = arith.index_cast %mul3A_1720 : i32 to index
      %get3A_1724 = tpu.vector_load %arg5[%get3A_1722, %get3A_1723] {strides = array<i32>} : memref<4x2048xf32, #tpu.memory_space<vmem>>, vector<16xf32>,
      %ge3A_1725 = vector.broadcast %squeeze3A_20 : f32 to vector<16xf32>
      %ge3A_1726 = arith.cmpf oge, %get3A_1724, %ge3A_1725 : vector<16xf32>
      %add3A_1727 = arith.constant 2064 : i32
      %add3A_1728 = arith.addi %add3A_1727, %add3A_1662 : i32
      %swap3A_1729 = arith.index_cast %add3A_1728 : i32 to index
      %swap3A_1730 = tpu.vector_load %arg6[%swap3A_1729] masked %ge3A_1726 {strides = array<i32>} : memref<8256xi32, #tpu.memory_space<vmem>>, vector<16xi32>, vector<16xi1>
      tpu.vector_store %arg6[%swap3A_1729], %add3A_1702 masked %ge3A_1726 {strides = array<i32>} : memref<8256xi32, #tpu.memory_space<vmem>>, vector<16xi32>, vector<16xi1>
      %all_reduce_population_count3A_1731 = tpu.all_reduce %ge3A_1726 {dim = 0 : i64, kind = #tpu.reduction_kind<sum>} : vector<16xi1> -> vector<16xi32>
      %slice3A_1732 = vector.extract_strided_slice %all_reduce_population_count3A_1731 {offsets = [0], sizes = [1], strides = [1]} : vector<16xi32> to vector<1xi32>
      %squeeze3A_1733 = vector.extract %slice3A_1732[0] : i32 from vector<1xi32>
      %add3A_1734 = arith.addi %add3A_1662, %squeeze3A_1733 : i32
      %mul3A_1735 = arith.constant 16 : i32
      %mul3A_1736 = arith.muli %add3A_1698, %mul3A_1735 : i32
      %get3A_1737 = arith.constant 2 : i32
      %get3A_1738 = arith.index_cast %get3A_1737 : i32 to index
      %get3A_1739 = arith.index_cast %mul3A_1736 : i32 to index
      %get3A_1740 = tpu.vector_load %arg5[%get3A_1738, %get3A_1739] {strides = array<i32>} : memref<4x2048xf32, #tpu.memory_space<vmem>>, vector<16xf32>,
      %ge3A_1741 = vector.broadcast %squeeze3A_27 : f32 to vector<16xf32>
      %ge3A_1742 = arith.cmpf oge, %get3A_1740, %ge3A_1741 : vector<16xf32>
      %add3A_1743 = arith.constant 4128 : i32
      %add3A_1744 = arith.addi %add3A_1743, %add3A_1678 : i32
      %swap3A_1745 = arith.index_cast %add3A_1744 : i32 to index
      %swap3A_1746 = tpu.vector_load %arg6[%swap3A_1745] masked %ge3A_1742 {strides = array<i32>} : memref<8256xi32, #tpu.memory_space<vmem>>, vector<16xi32>, vector<16xi1>
      tpu.vector_store %arg6[%swap3A_1745], %add3A_1702 masked %ge3A_1742 {strides = array<i32>} : memref<8256xi32, #tpu.memory_space<vmem>>, vector<16xi32>, vector<16xi1>
      %all_reduce_population_count3A_1747 = tpu.all_reduce %ge3A_1742 {dim = 0 : i64, kind = #tpu.reduction_kind<sum>} : vector<16xi1> -> vector<16xi32>
      %slice3A_1748 = vector.extract_strided_slice %all_reduce_population_count3A_1747 {offsets = [0], sizes = [1], strides = [1]} : vector<16xi32> to vector<1xi32>
      %squeeze3A_1749 = vector.extract %slice3A_1748[0] : i32 from vector<1xi32>
      %add3A_1750 = arith.addi %add3A_1678, %squeeze3A_1749 : i32
      %mul3A_1751 = arith.constant 16 : i32
      %mul3A_1752 = arith.muli %add3A_1698, %mul3A_1751 : i32
      %get3A_1753 = arith.constant 3 : i32
      %get3A_1754 = arith.index_cast %get3A_1753 : i32 to index
      %get3A_1755 = arith.index_cast %mul3A_1752 : i32 to index
      %get3A_1756 = tpu.vector_load %arg5[%get3A_1754, %get3A_1755] {strides = array<i32>} : memref<4x2048xf32, #tpu.memory_space<vmem>>, vector<16xf32>,
      %ge3A_1757 = vector.broadcast %squeeze3A_34 : f32 to vector<16xf32>
      %ge3A_1758 = arith.cmpf oge, %get3A_1756, %ge3A_1757 : vector<16xf32>
      %add3A_1759 = arith.constant 6192 : i32
      %add3A_1760 = arith.addi %add3A_1759, %add3A_1694 : i32
      %swap3A_1761 = arith.index_cast %add3A_1760 : i32 to index
      %swap3A_1762 = tpu.vector_load %arg6[%swap3A_1761] masked %ge3A_1758 {strides = array<i32>} : memref<8256xi32, #tpu.memory_space<vmem>>, vector<16xi32>, vector<16xi1>
      tpu.vector_store %arg6[%swap3A_1761], %add3A_1702 masked %ge3A_1758 {strides = array<i32>} : memref<8256xi32, #tpu.memory_space<vmem>>, vector<16xi32>, vector<16xi1>
      %all_reduce_population_count3A_1763 = tpu.all_reduce %ge3A_1758 {dim = 0 : i64, kind = #tpu.reduction_kind<sum>} : vector<16xi1> -> vector<16xi32>
      %slice3A_1764 = vector.extract_strided_slice %all_reduce_population_count3A_1763 {offsets = [0], sizes = [1], strides = [1]} : vector<16xi32> to vector<1xi32>
      %squeeze3A_1765 = vector.extract %slice3A_1764[0] : i32 from vector<1xi32>
      %add3A_1766 = arith.addi %add3A_1694, %squeeze3A_1765 : i32
      %mul3A_1767 = arith.constant 4 : i32
      %mul3A_1768 = arith.muli %scan3A_1549, %mul3A_1767 : i32
      %add3A_1769 = arith.constant 3 : i32
      %add3A_1770 = arith.addi %mul3A_1768, %add3A_1769 : i32
      %mul3A_1771 = arith.constant 16 : i32
      %mul3A_1772 = arith.muli %add3A_1770, %mul3A_1771 : i32
      %add3A_1773 = vector.broadcast %mul3A_1772 : i32 to vector<16xi32>
      %add3A_1774 = arith.addi %add3A_1773, %iota3A : vector<16xi32>
      %mul3A_1775 = arith.constant 16 : i32
      %mul3A_1776 = arith.muli %add3A_1770, %mul3A_1775 : i32
      %get3A_1777 = arith.constant 0 : i32
      %get3A_1778 = arith.index_cast %get3A_1777 : i32 to index
      %get3A_1779 = arith.index_cast %mul3A_1776 : i32 to index
      %get3A_1780 = tpu.vector_load %arg5[%get3A_1778, %get3A_1779] {strides = array<i32>} : memref<4x2048xf32, #tpu.memory_space<vmem>>, vector<16xf32>,
      %ge3A_1781 = vector.broadcast %squeeze3A : f32 to vector<16xf32>
      %ge3A_1782 = arith.cmpf oge, %get3A_1780, %ge3A_1781 : vector<16xf32>
      %add3A_1783 = arith.constant 0 : i32
      %add3A_1784 = arith.addi %add3A_1783, %add3A_1718 : i32
      %swap3A_1785 = arith.index_cast %add3A_1784 : i32 to index
      %swap3A_1786 = tpu.vector_load %arg6[%swap3A_1785] masked %ge3A_1782 {strides = array<i32>} : memref<8256xi32, #tpu.memory_space<vmem>>, vector<16xi32>, vector<16xi1>
      tpu.vector_store %arg6[%swap3A_1785], %add3A_1774 masked %ge3A_1782 {strides = array<i32>} : memref<8256xi32, #tpu.memory_space<vmem>>, vector<16xi32>, vector<16xi1>
      %all_reduce_population_count3A_1787 = tpu.all_reduce %ge3A_1782 {dim = 0 : i64, kind = #tpu.reduction_kind<sum>} : vector<16xi1> -> vector<16xi32>
      %slice3A_1788 = vector.extract_strided_slice %all_reduce_population_count3A_1787 {offsets = [0], sizes = [1], strides = [1]} : vector<16xi32> to vector<1xi32>
      %squeeze3A_1789 = vector.extract %slice3A_1788[0] : i32 from vector<1xi32>
      %add3A_1790 = arith.addi %add3A_1718, %squeeze3A_1789 : i32
      %mul3A_1791 = arith.constant 16 : i32
      %mul3A_1792 = arith.muli %add3A_1770, %mul3A_1791 : i32
      %get3A_1793 = arith.constant 1 : i32
      %get3A_1794 = arith.index_cast %get3A_1793 : i32 to index
      %get3A_1795 = arith.index_cast %mul3A_1792 : i32 to index
      %get3A_1796 = tpu.vector_load %arg5[%get3A_1794, %get3A_1795] {strides = array<i32>} : memref<4x2048xf32, #tpu.memory_space<vmem>>, vector<16xf32>,
      %ge3A_1797 = vector.broadcast %squeeze3A_20 : f32 to vector<16xf32>
      %ge3A_1798 = arith.cmpf oge, %get3A_1796, %ge3A_1797 : vector<16xf32>
      %add3A_1799 = arith.constant 2064 : i32
      %add3A_1800 = arith.addi %add3A_1799, %add3A_1734 : i32
      %swap3A_1801 = arith.index_cast %add3A_1800 : i32 to index
      %swap3A_1802 = tpu.vector_load %arg6[%swap3A_1801] masked %ge3A_1798 {strides = array<i32>} : memref<8256xi32, #tpu.memory_space<vmem>>, vector<16xi32>, vector<16xi1>
      tpu.vector_store %arg6[%swap3A_1801], %add3A_1774 masked %ge3A_1798 {strides = array<i32>} : memref<8256xi32, #tpu.memory_space<vmem>>, vector<16xi32>, vector<16xi1>
      %all_reduce_population_count3A_1803 = tpu.all_reduce %ge3A_1798 {dim = 0 : i64, kind = #tpu.reduction_kind<sum>} : vector<16xi1> -> vector<16xi32>
      %slice3A_1804 = vector.extract_strided_slice %all_reduce_population_count3A_1803 {offsets = [0], sizes = [1], strides = [1]} : vector<16xi32> to vector<1xi32>
      %squeeze3A_1805 = vector.extract %slice3A_1804[0] : i32 from vector<1xi32>
      %add3A_1806 = arith.addi %add3A_1734, %squeeze3A_1805 : i32
      %mul3A_1807 = arith.constant 16 : i32
      %mul3A_1808 = arith.muli %add3A_1770, %mul3A_1807 : i32
      %get3A_1809 = arith.constant 2 : i32
      %get3A_1810 = arith.index_cast %get3A_1809 : i32 to index
      %get3A_1811 = arith.index_cast %mul3A_1808 : i32 to index
      %get3A_1812 = tpu.vector_load %arg5[%get3A_1810, %get3A_1811] {strides = array<i32>} : memref<4x2048xf32, #tpu.memory_space<vmem>>, vector<16xf32>,
      %ge3A_1813 = vector.broadcast %squeeze3A_27 : f32 to vector<16xf32>
      %ge3A_1814 = arith.cmpf oge, %get3A_1812, %ge3A_1813 : vector<16xf32>
      %add3A_1815 = arith.constant 4128 : i32
      %add3A_1816 = arith.addi %add3A_1815, %add3A_1750 : i32
      %swap3A_1817 = arith.index_cast %add3A_1816 : i32 to index
      %swap3A_1818 = tpu.vector_load %arg6[%swap3A_1817] masked %ge3A_1814 {strides = array<i32>} : memref<8256xi32, #tpu.memory_space<vmem>>, vector<16xi32>, vector<16xi1>
      tpu.vector_store %arg6[%swap3A_1817], %add3A_1774 masked %ge3A_1814 {strides = array<i32>} : memref<8256xi32, #tpu.memory_space<vmem>>, vector<16xi32>, vector<16xi1>
      %all_reduce_population_count3A_1819 = tpu.all_reduce %ge3A_1814 {dim = 0 : i64, kind = #tpu.reduction_kind<sum>} : vector<16xi1> -> vector<16xi32>
      %slice3A_1820 = vector.extract_strided_slice %all_reduce_population_count3A_1819 {offsets = [0], sizes = [1], strides = [1]} : vector<16xi32> to vector<1xi32>
      %squeeze3A_1821 = vector.extract %slice3A_1820[0] : i32 from vector<1xi32>
      %add3A_1822 = arith.addi %add3A_1750, %squeeze3A_1821 : i32
      %mul3A_1823 = arith.constant 16 : i32
      %mul3A_1824 = arith.muli %add3A_1770, %mul3A_1823 : i32
      %get3A_1825 = arith.constant 3 : i32
      %get3A_1826 = arith.index_cast %get3A_1825 : i32 to index
      %get3A_1827 = arith.index_cast %mul3A_1824 : i32 to index
      %get3A_1828 = tpu.vector_load %arg5[%get3A_1826, %get3A_1827] {strides = array<i32>} : memref<4x2048xf32, #tpu.memory_space<vmem>>, vector<16xf32>,
      %ge3A_1829 = vector.broadcast %squeeze3A_34 : f32 to vector<16xf32>
      %ge3A_1830 = arith.cmpf oge, %get3A_1828, %ge3A_1829 : vector<16xf32>
      %add3A_1831 = arith.constant 6192 : i32
      %add3A_1832 = arith.addi %add3A_1831, %add3A_1766 : i32
      %swap3A_1833 = arith.index_cast %add3A_1832 : i32 to index
      %swap3A_1834 = tpu.vector_load %arg6[%swap3A_1833] masked %ge3A_1830 {strides = array<i32>} : memref<8256xi32, #tpu.memory_space<vmem>>, vector<16xi32>, vector<16xi1>
      tpu.vector_store %arg6[%swap3A_1833], %add3A_1774 masked %ge3A_1830 {strides = array<i32>} : memref<8256xi32, #tpu.memory_space<vmem>>, vector<16xi32>, vector<16xi1>
      %all_reduce_population_count3A_1835 = tpu.all_reduce %ge3A_1830 {dim = 0 : i64, kind = #tpu.reduction_kind<sum>} : vector<16xi1> -> vector<16xi32>
      %slice3A_1836 = vector.extract_strided_slice %all_reduce_population_count3A_1835 {offsets = [0], sizes = [1], strides = [1]} : vector<16xi32> to vector<1xi32>
      %squeeze3A_1837 = vector.extract %slice3A_1836[0] : i32 from vector<1xi32>
      %add3A_1838 = arith.addi %add3A_1766, %squeeze3A_1837 : i32
      scf.yield %add3A_1790, %add3A_1806, %add3A_1822, %add3A_1838 : i32, i32, i32, i32
    }
    %scan3A_44 = arith.constant 32 : i32
    %max3A_45 = arith.maxsi %scan3A_43#0, %scan3A_43#1 : i32
    %add3A_46 = arith.constant 16 : i32
    %add3A_47 = arith.addi %max3A_45, %add3A_46 : i32
    %sub3A = arith.constant 1 : i32
    %sub3A_48 = arith.subi %add3A_47, %sub3A : i32
    %jit3A = arith.constant 16 : i32
    %div3A = arith.divsi %sub3A_48, %jit3A : i32
    %sign3A = arith.constant 0 : i32
    %sign3A_49 = arith.cmpi sgt, %sub3A_48, %sign3A : i32
    %sign3A_50 = arith.extui %sign3A_49 : i1 to i32
    %sign3A_51 = arith.constant 0 : i32
    %sign3A_52 = arith.cmpi slt, %sub3A_48, %sign3A_51 : i32
    %sign3A_53 = arith.extui %sign3A_52 : i1 to i32
    %sign3A_54 = arith.subi %sign3A_50, %sign3A_53 : i32
    %sign3A_55 = arith.constant 0 : i32
    %sign3A_56 = arith.cmpi sgt, %jit3A, %sign3A_55 : i32
    %sign3A_57 = arith.extui %sign3A_56 : i1 to i32
    %sign3A_58 = arith.constant 0 : i32
    %sign3A_59 = arith.cmpi slt, %jit3A, %sign3A_58 : i32
    %sign3A_60 = arith.extui %sign3A_59 : i1 to i32
    %sign3A_61 = arith.subi %sign3A_57, %sign3A_60 : i32
    %ne3A = arith.cmpi ne, %sign3A_54, %sign3A_61 : i32
    %rem3A = arith.remsi %sub3A_48, %jit3A : i32
    %ne3A_62 = arith.constant 0 : i32
    %ne3A_63 = arith.cmpi ne, %rem3A, %ne3A_62 : i32
    %and3A = arith.andi %ne3A, %ne3A_63 : i1
    %sub3A_64 = arith.constant 1 : i32
    %sub3A_65 = arith.subi %div3A, %sub3A_64 : i32
    %select_n3A = arith.select %and3A, %sub3A_65, %div3A : i32
    %while3A = arith.constant 0 : i32
    %while3A_66 = arith.subi %select_n3A, %while3A : i32
    %while3A_67 = arith.addi %while3A, %while3A_66 : i32
    %while3A_68 = arith.constant 1 : i32
    %while3A_69 = arith.divsi %while3A_66, %while3A_68 : i32
    %while3A_70 = arith.muli %while3A_69, %while3A_68 : i32
    %while3A_71 = arith.addi %while3A, %while3A_70 : i32
    %while3A_72 = arith.constant 1 : i32
    %while3A_73:32 = scf.for %while3A_1549 = %while3A to %while3A_71 step %while3A_72 iter_args(%while3A_1550 = %broadcast_in_dim3A_3, %while3A_1551 = %broadcast_in_dim3A_3, %while3A_1552 = %broadcast_in_dim3A_3, %while3A_1553 = %broadcast_in_dim3A_3, %while3A_1554 = %broadcast_in_dim3A_3, %while3A_1555 = %broadcast_in_dim3A_3, %while3A_1556 = %broadcast_in_dim3A_3, %while3A_1557 = %broadcast_in_dim3A_3, %while3A_1558 = %broadcast_in_dim3A_5, %while3A_1559 = %broadcast_in_dim3A_5, %while3A_1560 = %broadcast_in_dim3A_5, %while3A_1561 = %broadcast_in_dim3A_5, %while3A_1562 = %broadcast_in_dim3A_5, %while3A_1563 = %broadcast_in_dim3A_5, %while3A_1564 = %broadcast_in_dim3A_5, %while3A_1565 = %broadcast_in_dim3A_5, %while3A_1566 = %broadcast_in_dim3A_3, %while3A_1567 = %broadcast_in_dim3A_3, %while3A_1568 = %broadcast_in_dim3A_3, %while3A_1569 = %broadcast_in_dim3A_3, %while3A_1570 = %broadcast_in_dim3A_3, %while3A_1571 = %broadcast_in_dim3A_3, %while3A_1572 = %broadcast_in_dim3A_3, %while3A_1573 = %broadcast_in_dim3A_3, %while3A_1574 = %broadcast_in_dim3A_5, %while3A_1575 = %broadcast_in_dim3A_5, %while3A_1576 = %broadcast_in_dim3A_5, %while3A_1577 = %broadcast_in_dim3A_5, %while3A_1578 = %broadcast_in_dim3A_5, %while3A_1579 = %broadcast_in_dim3A_5, %while3A_1580 = %broadcast_in_dim3A_5, %while3A_1581 = %broadcast_in_dim3A_5) -> (vector<16xf32>, vector<16xf32>, vector<16xf32>, vector<16xf32>, vector<16xf32>, vector<16xf32>, vector<16xf32>, vector<16xf32>, vector<16xi32>, vector<16xi32>, vector<16xi32>, vector<16xi32>, vector<16xi32>, vector<16xi32>, vector<16xi32>, vector<16xi32>, vector<16xf32>, vector<16xf32>, vector<16xf32>, vector<16xf32>, vector<16xf32>, vector<16xf32>, vector<16xf32>, vector<16xf32>, vector<16xi32>, vector<16xi32>, vector<16xi32>, vector<16xi32>, vector<16xi32>, vector<16xi32>, vector<16xi32>, vector<16xi32>)  : i32 {
      %mul3A_1582 = arith.constant 16 : i32
      %mul3A_1583 = arith.muli %while3A_1549, %mul3A_1582 : i32
      %add3A_1584 = vector.broadcast %mul3A_1583 : i32 to vector<16xi32>
      %add3A_1585 = arith.addi %add3A_1584, %iota3A : vector<16xi32>
      %lt3A_1586 = vector.broadcast %scan3A_43#0 : i32 to vector<16xi32>
      %lt3A_1587 = arith.cmpi slt, %add3A_1585, %lt3A_1586 : vector<16xi32>
      %mul3A_1588 = arith.constant 16 : i32
      %mul3A_1589 = arith.muli %while3A_1549, %mul3A_1588 : i32
      %add3A_1590 = arith.constant 0 : i32
      %add3A_1591 = arith.addi %add3A_1590, %mul3A_1589 : i32
      %get3A = arith.index_cast %add3A_1591 : i32 to index
      %get3A_1592 = tpu.vector_load %arg6[%get3A] {strides = array<i32>} : memref<8256xi32, #tpu.memory_space<vmem>>, vector<16xi32>,
      %jit3A_1593 = arith.constant 0 : i32
      %jit3A_1594 = arith.constant 2047 : i32
      %max3A_1595 = vector.broadcast %jit3A_1593 : i32 to vector<16xi32>
      %max3A_1596 = arith.maxsi %max3A_1595, %get3A_1592 : vector<16xi32>
      %min3A = vector.broadcast %jit3A_1594 : i32 to vector<16xi32>
      %min3A_1597 = arith.minsi %min3A, %max3A_1596 : vector<16xi32>
      %broadcast_in_dim3A_1598 = arith.constant 0 : i32
      %broadcast_in_dim3A_1599 = vector.broadcast %broadcast_in_dim3A_1598 : i32 to vector<16xi32>
      %gather3A = tpu.vector_load_idx %arg5[%broadcast_in_dim3A_1599, %min3A_1597] : memref<4x2048xf32, #tpu.memory_space<vmem>>[vector<16xi32>, vector<16xi32>], vector<16xf32>,
      %select_n3A_1600 = arith.select %lt3A_1587, %gather3A, %broadcast_in_dim3A_3 : vector<16xi1>, vector<16xf32>
      %select_n3A_1601 = arith.select %lt3A_1587, %min3A_1597, %broadcast_in_dim3A_5 : vector<16xi1>, vector<16xi32>
      %gt3A = arith.cmpf ogt, %select_n3A_1600, %while3A_1550 : vector<16xf32>
      %eq3A_1602 = arith.cmpf oeq, %select_n3A_1600, %while3A_1550 : vector<16xf32>
      %lt3A_1603 = arith.cmpi slt, %select_n3A_1601, %while3A_1558 : vector<16xi32>
      %and3A_1604 = arith.andi %eq3A_1602, %lt3A_1603 : vector<16xi1>
      %or3A = arith.ori %gt3A, %and3A_1604 : vector<16xi1>
      %select_n3A_1605 = arith.select %or3A, %select_n3A_1600, %while3A_1550 : vector<16xi1>, vector<16xf32>
      %select_n3A_1606 = arith.select %or3A, %select_n3A_1601, %while3A_1558 : vector<16xi1>, vector<16xi32>
      %select_n3A_1607 = arith.select %or3A, %while3A_1550, %select_n3A_1600 : vector<16xi1>, vector<16xf32>
      %select_n3A_1608 = arith.select %or3A, %while3A_1558, %select_n3A_1601 : vector<16xi1>, vector<16xi32>
      %gt3A_1609 = arith.cmpf ogt, %select_n3A_1607, %while3A_1551 : vector<16xf32>
      %eq3A_1610 = arith.cmpf oeq, %select_n3A_1607, %while3A_1551 : vector<16xf32>
      %lt3A_1611 = arith.cmpi slt, %select_n3A_1608, %while3A_1559 : vector<16xi32>
      %and3A_1612 = arith.andi %eq3A_1610, %lt3A_1611 : vector<16xi1>
      %or3A_1613 = arith.ori %gt3A_1609, %and3A_1612 : vector<16xi1>
      %select_n3A_1614 = arith.select %or3A_1613, %select_n3A_1607, %while3A_1551 : vector<16xi1>, vector<16xf32>
      %select_n3A_1615 = arith.select %or3A_1613, %select_n3A_1608, %while3A_1559 : vector<16xi1>, vector<16xi32>
      %select_n3A_1616 = arith.select %or3A_1613, %while3A_1551, %select_n3A_1607 : vector<16xi1>, vector<16xf32>
      %select_n3A_1617 = arith.select %or3A_1613, %while3A_1559, %select_n3A_1608 : vector<16xi1>, vector<16xi32>
      %gt3A_1618 = arith.cmpf ogt, %select_n3A_1616, %while3A_1552 : vector<16xf32>
      %eq3A_1619 = arith.cmpf oeq, %select_n3A_1616, %while3A_1552 : vector<16xf32>
      %lt3A_1620 = arith.cmpi slt, %select_n3A_1617, %while3A_1560 : vector<16xi32>
      %and3A_1621 = arith.andi %eq3A_1619, %lt3A_1620 : vector<16xi1>
      %or3A_1622 = arith.ori %gt3A_1618, %and3A_1621 : vector<16xi1>
      %select_n3A_1623 = arith.select %or3A_1622, %select_n3A_1616, %while3A_1552 : vector<16xi1>, vector<16xf32>
      %select_n3A_1624 = arith.select %or3A_1622, %select_n3A_1617, %while3A_1560 : vector<16xi1>, vector<16xi32>
      %select_n3A_1625 = arith.select %or3A_1622, %while3A_1552, %select_n3A_1616 : vector<16xi1>, vector<16xf32>
      %select_n3A_1626 = arith.select %or3A_1622, %while3A_1560, %select_n3A_1617 : vector<16xi1>, vector<16xi32>
      %gt3A_1627 = arith.cmpf ogt, %select_n3A_1625, %while3A_1553 : vector<16xf32>
      %eq3A_1628 = arith.cmpf oeq, %select_n3A_1625, %while3A_1553 : vector<16xf32>
      %lt3A_1629 = arith.cmpi slt, %select_n3A_1626, %while3A_1561 : vector<16xi32>
      %and3A_1630 = arith.andi %eq3A_1628, %lt3A_1629 : vector<16xi1>
      %or3A_1631 = arith.ori %gt3A_1627, %and3A_1630 : vector<16xi1>
      %select_n3A_1632 = arith.select %or3A_1631, %select_n3A_1625, %while3A_1553 : vector<16xi1>, vector<16xf32>
      %select_n3A_1633 = arith.select %or3A_1631, %select_n3A_1626, %while3A_1561 : vector<16xi1>, vector<16xi32>
      %select_n3A_1634 = arith.select %or3A_1631, %while3A_1553, %select_n3A_1625 : vector<16xi1>, vector<16xf32>
      %select_n3A_1635 = arith.select %or3A_1631, %while3A_1561, %select_n3A_1626 : vector<16xi1>, vector<16xi32>
      %gt3A_1636 = arith.cmpf ogt, %select_n3A_1634, %while3A_1554 : vector<16xf32>
      %eq3A_1637 = arith.cmpf oeq, %select_n3A_1634, %while3A_1554 : vector<16xf32>
      %lt3A_1638 = arith.cmpi slt, %select_n3A_1635, %while3A_1562 : vector<16xi32>
      %and3A_1639 = arith.andi %eq3A_1637, %lt3A_1638 : vector<16xi1>
      %or3A_1640 = arith.ori %gt3A_1636, %and3A_1639 : vector<16xi1>
      %select_n3A_1641 = arith.select %or3A_1640, %select_n3A_1634, %while3A_1554 : vector<16xi1>, vector<16xf32>
      %select_n3A_1642 = arith.select %or3A_1640, %select_n3A_1635, %while3A_1562 : vector<16xi1>, vector<16xi32>
      %select_n3A_1643 = arith.select %or3A_1640, %while3A_1554, %select_n3A_1634 : vector<16xi1>, vector<16xf32>
      %select_n3A_1644 = arith.select %or3A_1640, %while3A_1562, %select_n3A_1635 : vector<16xi1>, vector<16xi32>
      %gt3A_1645 = arith.cmpf ogt, %select_n3A_1643, %while3A_1555 : vector<16xf32>
      %eq3A_1646 = arith.cmpf oeq, %select_n3A_1643, %while3A_1555 : vector<16xf32>
      %lt3A_1647 = arith.cmpi slt, %select_n3A_1644, %while3A_1563 : vector<16xi32>
      %and3A_1648 = arith.andi %eq3A_1646, %lt3A_1647 : vector<16xi1>
      %or3A_1649 = arith.ori %gt3A_1645, %and3A_1648 : vector<16xi1>
      %select_n3A_1650 = arith.select %or3A_1649, %select_n3A_1643, %while3A_1555 : vector<16xi1>, vector<16xf32>
      %select_n3A_1651 = arith.select %or3A_1649, %select_n3A_1644, %while3A_1563 : vector<16xi1>, vector<16xi32>
      %select_n3A_1652 = arith.select %or3A_1649, %while3A_1555, %select_n3A_1643 : vector<16xi1>, vector<16xf32>
      %select_n3A_1653 = arith.select %or3A_1649, %while3A_1563, %select_n3A_1644 : vector<16xi1>, vector<16xi32>
      %gt3A_1654 = arith.cmpf ogt, %select_n3A_1652, %while3A_1556 : vector<16xf32>
      %eq3A_1655 = arith.cmpf oeq, %select_n3A_1652, %while3A_1556 : vector<16xf32>
      %lt3A_1656 = arith.cmpi slt, %select_n3A_1653, %while3A_1564 : vector<16xi32>
      %and3A_1657 = arith.andi %eq3A_1655, %lt3A_1656 : vector<16xi1>
      %or3A_1658 = arith.ori %gt3A_1654, %and3A_1657 : vector<16xi1>
      %select_n3A_1659 = arith.select %or3A_1658, %select_n3A_1652, %while3A_1556 : vector<16xi1>, vector<16xf32>
      %select_n3A_1660 = arith.select %or3A_1658, %select_n3A_1653, %while3A_1564 : vector<16xi1>, vector<16xi32>
      %select_n3A_1661 = arith.select %or3A_1658, %while3A_1556, %select_n3A_1652 : vector<16xi1>, vector<16xf32>
      %select_n3A_1662 = arith.select %or3A_1658, %while3A_1564, %select_n3A_1653 : vector<16xi1>, vector<16xi32>
      %gt3A_1663 = arith.cmpf ogt, %select_n3A_1661, %while3A_1557 : vector<16xf32>
      %eq3A_1664 = arith.cmpf oeq, %select_n3A_1661, %while3A_1557 : vector<16xf32>
      %lt3A_1665 = arith.cmpi slt, %select_n3A_1662, %while3A_1565 : vector<16xi32>
      %and3A_1666 = arith.andi %eq3A_1664, %lt3A_1665 : vector<16xi1>
      %or3A_1667 = arith.ori %gt3A_1663, %and3A_1666 : vector<16xi1>
      %select_n3A_1668 = arith.select %or3A_1667, %select_n3A_1661, %while3A_1557 : vector<16xi1>, vector<16xf32>
      %select_n3A_1669 = arith.select %or3A_1667, %select_n3A_1662, %while3A_1565 : vector<16xi1>, vector<16xi32>
      %select_n3A_1670 = arith.select %or3A_1667, %while3A_1557, %select_n3A_1661 : vector<16xi1>, vector<16xf32>
      %select_n3A_1671 = arith.select %or3A_1667, %while3A_1565, %select_n3A_1662 : vector<16xi1>, vector<16xi32>
      %mul3A_1672 = arith.constant 16 : i32
      %mul3A_1673 = arith.muli %while3A_1549, %mul3A_1672 : i32
      %add3A_1674 = vector.broadcast %mul3A_1673 : i32 to vector<16xi32>
      %add3A_1675 = arith.addi %add3A_1674, %iota3A : vector<16xi32>
      %lt3A_1676 = vector.broadcast %scan3A_43#1 : i32 to vector<16xi32>
      %lt3A_1677 = arith.cmpi slt, %add3A_1675, %lt3A_1676 : vector<16xi32>
      %mul3A_1678 = arith.constant 16 : i32
      %mul3A_1679 = arith.muli %while3A_1549, %mul3A_1678 : i32
      %add3A_1680 = arith.constant 2064 : i32
      %add3A_1681 = arith.addi %add3A_1680, %mul3A_1679 : i32
      %get3A_1682 = arith.index_cast %add3A_1681 : i32 to index
      %get3A_1683 = tpu.vector_load %arg6[%get3A_1682] {strides = array<i32>} : memref<8256xi32, #tpu.memory_space<vmem>>, vector<16xi32>,
      %jit3A_1684 = arith.constant 0 : i32
      %jit3A_1685 = arith.constant 2047 : i32
      %max3A_1686 = vector.broadcast %jit3A_1684 : i32 to vector<16xi32>
      %max3A_1687 = arith.maxsi %max3A_1686, %get3A_1683 : vector<16xi32>
      %min3A_1688 = vector.broadcast %jit3A_1685 : i32 to vector<16xi32>
      %min3A_1689 = arith.minsi %min3A_1688, %max3A_1687 : vector<16xi32>
      %broadcast_in_dim3A_1690 = arith.constant 1 : i32
      %broadcast_in_dim3A_1691 = vector.broadcast %broadcast_in_dim3A_1690 : i32 to vector<16xi32>
      %gather3A_1692 = tpu.vector_load_idx %arg5[%broadcast_in_dim3A_1691, %min3A_1689] : memref<4x2048xf32, #tpu.memory_space<vmem>>[vector<16xi32>, vector<16xi32>], vector<16xf32>,
      %select_n3A_1693 = arith.select %lt3A_1677, %gather3A_1692, %broadcast_in_dim3A_3 : vector<16xi1>, vector<16xf32>
      %select_n3A_1694 = arith.select %lt3A_1677, %min3A_1689, %broadcast_in_dim3A_5 : vector<16xi1>, vector<16xi32>
      %gt3A_1695 = arith.cmpf ogt, %select_n3A_1693, %while3A_1566 : vector<16xf32>
      %eq3A_1696 = arith.cmpf oeq, %select_n3A_1693, %while3A_1566 : vector<16xf32>
      %lt3A_1697 = arith.cmpi slt, %select_n3A_1694, %while3A_1574 : vector<16xi32>
      %and3A_1698 = arith.andi %eq3A_1696, %lt3A_1697 : vector<16xi1>
      %or3A_1699 = arith.ori %gt3A_1695, %and3A_1698 : vector<16xi1>
      %select_n3A_1700 = arith.select %or3A_1699, %select_n3A_1693, %while3A_1566 : vector<16xi1>, vector<16xf32>
      %select_n3A_1701 = arith.select %or3A_1699, %select_n3A_1694, %while3A_1574 : vector<16xi1>, vector<16xi32>
      %select_n3A_1702 = arith.select %or3A_1699, %while3A_1566, %select_n3A_1693 : vector<16xi1>, vector<16xf32>
      %select_n3A_1703 = arith.select %or3A_1699, %while3A_1574, %select_n3A_1694 : vector<16xi1>, vector<16xi32>
      %gt3A_1704 = arith.cmpf ogt, %select_n3A_1702, %while3A_1567 : vector<16xf32>
      %eq3A_1705 = arith.cmpf oeq, %select_n3A_1702, %while3A_1567 : vector<16xf32>
      %lt3A_1706 = arith.cmpi slt, %select_n3A_1703, %while3A_1575 : vector<16xi32>
      %and3A_1707 = arith.andi %eq3A_1705, %lt3A_1706 : vector<16xi1>
      %or3A_1708 = arith.ori %gt3A_1704, %and3A_1707 : vector<16xi1>
      %select_n3A_1709 = arith.select %or3A_1708, %select_n3A_1702, %while3A_1567 : vector<16xi1>, vector<16xf32>
      %select_n3A_1710 = arith.select %or3A_1708, %select_n3A_1703, %while3A_1575 : vector<16xi1>, vector<16xi32>
      %select_n3A_1711 = arith.select %or3A_1708, %while3A_1567, %select_n3A_1702 : vector<16xi1>, vector<16xf32>
      %select_n3A_1712 = arith.select %or3A_1708, %while3A_1575, %select_n3A_1703 : vector<16xi1>, vector<16xi32>
      %gt3A_1713 = arith.cmpf ogt, %select_n3A_1711, %while3A_1568 : vector<16xf32>
      %eq3A_1714 = arith.cmpf oeq, %select_n3A_1711, %while3A_1568 : vector<16xf32>
      %lt3A_1715 = arith.cmpi slt, %select_n3A_1712, %while3A_1576 : vector<16xi32>
      %and3A_1716 = arith.andi %eq3A_1714, %lt3A_1715 : vector<16xi1>
      %or3A_1717 = arith.ori %gt3A_1713, %and3A_1716 : vector<16xi1>
      %select_n3A_1718 = arith.select %or3A_1717, %select_n3A_1711, %while3A_1568 : vector<16xi1>, vector<16xf32>
      %select_n3A_1719 = arith.select %or3A_1717, %select_n3A_1712, %while3A_1576 : vector<16xi1>, vector<16xi32>
      %select_n3A_1720 = arith.select %or3A_1717, %while3A_1568, %select_n3A_1711 : vector<16xi1>, vector<16xf32>
      %select_n3A_1721 = arith.select %or3A_1717, %while3A_1576, %select_n3A_1712 : vector<16xi1>, vector<16xi32>
      %gt3A_1722 = arith.cmpf ogt, %select_n3A_1720, %while3A_1569 : vector<16xf32>
      %eq3A_1723 = arith.cmpf oeq, %select_n3A_1720, %while3A_1569 : vector<16xf32>
      %lt3A_1724 = arith.cmpi slt, %select_n3A_1721, %while3A_1577 : vector<16xi32>
      %and3A_1725 = arith.andi %eq3A_1723, %lt3A_1724 : vector<16xi1>
      %or3A_1726 = arith.ori %gt3A_1722, %and3A_1725 : vector<16xi1>
      %select_n3A_1727 = arith.select %or3A_1726, %select_n3A_1720, %while3A_1569 : vector<16xi1>, vector<16xf32>
      %select_n3A_1728 = arith.select %or3A_1726, %select_n3A_1721, %while3A_1577 : vector<16xi1>, vector<16xi32>
      %select_n3A_1729 = arith.select %or3A_1726, %while3A_1569, %select_n3A_1720 : vector<16xi1>, vector<16xf32>
      %select_n3A_1730 = arith.select %or3A_1726, %while3A_1577, %select_n3A_1721 : vector<16xi1>, vector<16xi32>
      %gt3A_1731 = arith.cmpf ogt, %select_n3A_1729, %while3A_1570 : vector<16xf32>
      %eq3A_1732 = arith.cmpf oeq, %select_n3A_1729, %while3A_1570 : vector<16xf32>
      %lt3A_1733 = arith.cmpi slt, %select_n3A_1730, %while3A_1578 : vector<16xi32>
      %and3A_1734 = arith.andi %eq3A_1732, %lt3A_1733 : vector<16xi1>
      %or3A_1735 = arith.ori %gt3A_1731, %and3A_1734 : vector<16xi1>
      %select_n3A_1736 = arith.select %or3A_1735, %select_n3A_1729, %while3A_1570 : vector<16xi1>, vector<16xf32>
      %select_n3A_1737 = arith.select %or3A_1735, %select_n3A_1730, %while3A_1578 : vector<16xi1>, vector<16xi32>
      %select_n3A_1738 = arith.select %or3A_1735, %while3A_1570, %select_n3A_1729 : vector<16xi1>, vector<16xf32>
      %select_n3A_1739 = arith.select %or3A_1735, %while3A_1578, %select_n3A_1730 : vector<16xi1>, vector<16xi32>
      %gt3A_1740 = arith.cmpf ogt, %select_n3A_1738, %while3A_1571 : vector<16xf32>
      %eq3A_1741 = arith.cmpf oeq, %select_n3A_1738, %while3A_1571 : vector<16xf32>
      %lt3A_1742 = arith.cmpi slt, %select_n3A_1739, %while3A_1579 : vector<16xi32>
      %and3A_1743 = arith.andi %eq3A_1741, %lt3A_1742 : vector<16xi1>
      %or3A_1744 = arith.ori %gt3A_1740, %and3A_1743 : vector<16xi1>
      %select_n3A_1745 = arith.select %or3A_1744, %select_n3A_1738, %while3A_1571 : vector<16xi1>, vector<16xf32>
      %select_n3A_1746 = arith.select %or3A_1744, %select_n3A_1739, %while3A_1579 : vector<16xi1>, vector<16xi32>
      %select_n3A_1747 = arith.select %or3A_1744, %while3A_1571, %select_n3A_1738 : vector<16xi1>, vector<16xf32>
      %select_n3A_1748 = arith.select %or3A_1744, %while3A_1579, %select_n3A_1739 : vector<16xi1>, vector<16xi32>
      %gt3A_1749 = arith.cmpf ogt, %select_n3A_1747, %while3A_1572 : vector<16xf32>
      %eq3A_1750 = arith.cmpf oeq, %select_n3A_1747, %while3A_1572 : vector<16xf32>
      %lt3A_1751 = arith.cmpi slt, %select_n3A_1748, %while3A_1580 : vector<16xi32>
      %and3A_1752 = arith.andi %eq3A_1750, %lt3A_1751 : vector<16xi1>
      %or3A_1753 = arith.ori %gt3A_1749, %and3A_1752 : vector<16xi1>
      %select_n3A_1754 = arith.select %or3A_1753, %select_n3A_1747, %while3A_1572 : vector<16xi1>, vector<16xf32>
      %select_n3A_1755 = arith.select %or3A_1753, %select_n3A_1748, %while3A_1580 : vector<16xi1>, vector<16xi32>
      %select_n3A_1756 = arith.select %or3A_1753, %while3A_1572, %select_n3A_1747 : vector<16xi1>, vector<16xf32>
      %select_n3A_1757 = arith.select %or3A_1753, %while3A_1580, %select_n3A_1748 : vector<16xi1>, vector<16xi32>
      %gt3A_1758 = arith.cmpf ogt, %select_n3A_1756, %while3A_1573 : vector<16xf32>
      %eq3A_1759 = arith.cmpf oeq, %select_n3A_1756, %while3A_1573 : vector<16xf32>
      %lt3A_1760 = arith.cmpi slt, %select_n3A_1757, %while3A_1581 : vector<16xi32>
      %and3A_1761 = arith.andi %eq3A_1759, %lt3A_1760 : vector<16xi1>
      %or3A_1762 = arith.ori %gt3A_1758, %and3A_1761 : vector<16xi1>
      %select_n3A_1763 = arith.select %or3A_1762, %select_n3A_1756, %while3A_1573 : vector<16xi1>, vector<16xf32>
      %select_n3A_1764 = arith.select %or3A_1762, %select_n3A_1757, %while3A_1581 : vector<16xi1>, vector<16xi32>
      %select_n3A_1765 = arith.select %or3A_1762, %while3A_1573, %select_n3A_1756 : vector<16xi1>, vector<16xf32>
      %select_n3A_1766 = arith.select %or3A_1762, %while3A_1581, %select_n3A_1757 : vector<16xi1>, vector<16xi32>
      scf.yield %select_n3A_1605, %select_n3A_1614, %select_n3A_1623, %select_n3A_1632, %select_n3A_1641, %select_n3A_1650, %select_n3A_1659, %select_n3A_1668, %select_n3A_1606, %select_n3A_1615, %select_n3A_1624, %select_n3A_1633, %select_n3A_1642, %select_n3A_1651, %select_n3A_1660, %select_n3A_1669, %select_n3A_1700, %select_n3A_1709, %select_n3A_1718, %select_n3A_1727, %select_n3A_1736, %select_n3A_1745, %select_n3A_1754, %select_n3A_1763, %select_n3A_1701, %select_n3A_1710, %select_n3A_1719, %select_n3A_1728, %select_n3A_1737, %select_n3A_1746, %select_n3A_1755, %select_n3A_1764 : vector<16xf32>, vector<16xf32>, vector<16xf32>, vector<16xf32>, vector<16xf32>, vector<16xf32>, vector<16xf32>, vector<16xf32>, vector<16xi32>, vector<16xi32>, vector<16xi32>, vector<16xi32>, vector<16xi32>, vector<16xi32>, vector<16xi32>, vector<16xi32>, vector<16xf32>, vector<16xf32>, vector<16xf32>, vector<16xf32>, vector<16xf32>, vector<16xf32>, vector<16xf32>, vector<16xf32>, vector<16xi32>, vector<16xi32>, vector<16xi32>, vector<16xi32>, vector<16xi32>, vector<16xi32>, vector<16xi32>, vector<16xi32>
    }
    %while3A_74 = arith.constant 1 : i32
    %while3A_75:32 = scf.for %while3A_1549 = %while3A_71 to %while3A_67 step %while3A_74 iter_args(%while3A_1550 = %while3A_73#0, %while3A_1551 = %while3A_73#1, %while3A_1552 = %while3A_73#2, %while3A_1553 = %while3A_73#3, %while3A_1554 = %while3A_73#4, %while3A_1555 = %while3A_73#5, %while3A_1556 = %while3A_73#6, %while3A_1557 = %while3A_73#7, %while3A_1558 = %while3A_73#8, %while3A_1559 = %while3A_73#9, %while3A_1560 = %while3A_73#10, %while3A_1561 = %while3A_73#11, %while3A_1562 = %while3A_73#12, %while3A_1563 = %while3A_73#13, %while3A_1564 = %while3A_73#14, %while3A_1565 = %while3A_73#15, %while3A_1566 = %while3A_73#16, %while3A_1567 = %while3A_73#17, %while3A_1568 = %while3A_73#18, %while3A_1569 = %while3A_73#19, %while3A_1570 = %while3A_73#20, %while3A_1571 = %while3A_73#21, %while3A_1572 = %while3A_73#22, %while3A_1573 = %while3A_73#23, %while3A_1574 = %while3A_73#24, %while3A_1575 = %while3A_73#25, %while3A_1576 = %while3A_73#26, %while3A_1577 = %while3A_73#27, %while3A_1578 = %while3A_73#28, %while3A_1579 = %while3A_73#29, %while3A_1580 = %while3A_73#30, %while3A_1581 = %while3A_73#31) -> (vector<16xf32>, vector<16xf32>, vector<16xf32>, vector<16xf32>, vector<16xf32>, vector<16xf32>, vector<16xf32>, vector<16xf32>, vector<16xi32>, vector<16xi32>, vector<16xi32>, vector<16xi32>, vector<16xi32>, vector<16xi32>, vector<16xi32>, vector<16xi32>, vector<16xf32>, vector<16xf32>, vector<16xf32>, vector<16xf32>, vector<16xf32>, vector<16xf32>, vector<16xf32>, vector<16xf32>, vector<16xi32>, vector<16xi32>, vector<16xi32>, vector<16xi32>, vector<16xi32>, vector<16xi32>, vector<16xi32>, vector<16xi32>)  : i32 {
      %mul3A_1582 = arith.constant 16 : i32
      %mul3A_1583 = arith.muli %while3A_1549, %mul3A_1582 : i32
      %add3A_1584 = vector.broadcast %mul3A_1583 : i32 to vector<16xi32>
      %add3A_1585 = arith.addi %add3A_1584, %iota3A : vector<16xi32>
      %lt3A_1586 = vector.broadcast %scan3A_43#0 : i32 to vector<16xi32>
      %lt3A_1587 = arith.cmpi slt, %add3A_1585, %lt3A_1586 : vector<16xi32>
      %mul3A_1588 = arith.constant 16 : i32
      %mul3A_1589 = arith.muli %while3A_1549, %mul3A_1588 : i32
      %add3A_1590 = arith.constant 0 : i32
      %add3A_1591 = arith.addi %add3A_1590, %mul3A_1589 : i32
      %get3A = arith.index_cast %add3A_1591 : i32 to index
      %get3A_1592 = tpu.vector_load %arg6[%get3A] {strides = array<i32>} : memref<8256xi32, #tpu.memory_space<vmem>>, vector<16xi32>,
      %jit3A_1593 = arith.constant 0 : i32
      %jit3A_1594 = arith.constant 2047 : i32
      %max3A_1595 = vector.broadcast %jit3A_1593 : i32 to vector<16xi32>
      %max3A_1596 = arith.maxsi %max3A_1595, %get3A_1592 : vector<16xi32>
      %min3A = vector.broadcast %jit3A_1594 : i32 to vector<16xi32>
      %min3A_1597 = arith.minsi %min3A, %max3A_1596 : vector<16xi32>
      %broadcast_in_dim3A_1598 = arith.constant 0 : i32
      %broadcast_in_dim3A_1599 = vector.broadcast %broadcast_in_dim3A_1598 : i32 to vector<16xi32>
      %gather3A = tpu.vector_load_idx %arg5[%broadcast_in_dim3A_1599, %min3A_1597] : memref<4x2048xf32, #tpu.memory_space<vmem>>[vector<16xi32>, vector<16xi32>], vector<16xf32>,
      %select_n3A_1600 = arith.select %lt3A_1587, %gather3A, %broadcast_in_dim3A_3 : vector<16xi1>, vector<16xf32>
      %select_n3A_1601 = arith.select %lt3A_1587, %min3A_1597, %broadcast_in_dim3A_5 : vector<16xi1>, vector<16xi32>
      %gt3A = arith.cmpf ogt, %select_n3A_1600, %while3A_1550 : vector<16xf32>
      %eq3A_1602 = arith.cmpf oeq, %select_n3A_1600, %while3A_1550 : vector<16xf32>
      %lt3A_1603 = arith.cmpi slt, %select_n3A_1601, %while3A_1558 : vector<16xi32>
      %and3A_1604 = arith.andi %eq3A_1602, %lt3A_1603 : vector<16xi1>
      %or3A = arith.ori %gt3A, %and3A_1604 : vector<16xi1>
      %select_n3A_1605 = arith.select %or3A, %select_n3A_1600, %while3A_1550 : vector<16xi1>, vector<16xf32>
      %select_n3A_1606 = arith.select %or3A, %select_n3A_1601, %while3A_1558 : vector<16xi1>, vector<16xi32>
      %select_n3A_1607 = arith.select %or3A, %while3A_1550, %select_n3A_1600 : vector<16xi1>, vector<16xf32>
      %select_n3A_1608 = arith.select %or3A, %while3A_1558, %select_n3A_1601 : vector<16xi1>, vector<16xi32>
      %gt3A_1609 = arith.cmpf ogt, %select_n3A_1607, %while3A_1551 : vector<16xf32>
      %eq3A_1610 = arith.cmpf oeq, %select_n3A_1607, %while3A_1551 : vector<16xf32>
      %lt3A_1611 = arith.cmpi slt, %select_n3A_1608, %while3A_1559 : vector<16xi32>
      %and3A_1612 = arith.andi %eq3A_1610, %lt3A_1611 : vector<16xi1>
      %or3A_1613 = arith.ori %gt3A_1609, %and3A_1612 : vector<16xi1>
      %select_n3A_1614 = arith.select %or3A_1613, %select_n3A_1607, %while3A_1551 : vector<16xi1>, vector<16xf32>
      %select_n3A_1615 = arith.select %or3A_1613, %select_n3A_1608, %while3A_1559 : vector<16xi1>, vector<16xi32>
      %select_n3A_1616 = arith.select %or3A_1613, %while3A_1551, %select_n3A_1607 : vector<16xi1>, vector<16xf32>
      %select_n3A_1617 = arith.select %or3A_1613, %while3A_1559, %select_n3A_1608 : vector<16xi1>, vector<16xi32>
      %gt3A_1618 = arith.cmpf ogt, %select_n3A_1616, %while3A_1552 : vector<16xf32>
      %eq3A_1619 = arith.cmpf oeq, %select_n3A_1616, %while3A_1552 : vector<16xf32>
      %lt3A_1620 = arith.cmpi slt, %select_n3A_1617, %while3A_1560 : vector<16xi32>
      %and3A_1621 = arith.andi %eq3A_1619, %lt3A_1620 : vector<16xi1>
      %or3A_1622 = arith.ori %gt3A_1618, %and3A_1621 : vector<16xi1>
      %select_n3A_1623 = arith.select %or3A_1622, %select_n3A_1616, %while3A_1552 : vector<16xi1>, vector<16xf32>
      %select_n3A_1624 = arith.select %or3A_1622, %select_n3A_1617, %while3A_1560 : vector<16xi1>, vector<16xi32>
      %select_n3A_1625 = arith.select %or3A_1622, %while3A_1552, %select_n3A_1616 : vector<16xi1>, vector<16xf32>
      %select_n3A_1626 = arith.select %or3A_1622, %while3A_1560, %select_n3A_1617 : vector<16xi1>, vector<16xi32>
      %gt3A_1627 = arith.cmpf ogt, %select_n3A_1625, %while3A_1553 : vector<16xf32>
      %eq3A_1628 = arith.cmpf oeq, %select_n3A_1625, %while3A_1553 : vector<16xf32>
      %lt3A_1629 = arith.cmpi slt, %select_n3A_1626, %while3A_1561 : vector<16xi32>
      %and3A_1630 = arith.andi %eq3A_1628, %lt3A_1629 : vector<16xi1>
      %or3A_1631 = arith.ori %gt3A_1627, %and3A_1630 : vector<16xi1>
      %select_n3A_1632 = arith.select %or3A_1631, %select_n3A_1625, %while3A_1553 : vector<16xi1>, vector<16xf32>
      %select_n3A_1633 = arith.select %or3A_1631, %select_n3A_1626, %while3A_1561 : vector<16xi1>, vector<16xi32>
      %select_n3A_1634 = arith.select %or3A_1631, %while3A_1553, %select_n3A_1625 : vector<16xi1>, vector<16xf32>
      %select_n3A_1635 = arith.select %or3A_1631, %while3A_1561, %select_n3A_1626 : vector<16xi1>, vector<16xi32>
      %gt3A_1636 = arith.cmpf ogt, %select_n3A_1634, %while3A_1554 : vector<16xf32>
      %eq3A_1637 = arith.cmpf oeq, %select_n3A_1634, %while3A_1554 : vector<16xf32>
      %lt3A_1638 = arith.cmpi slt, %select_n3A_1635, %while3A_1562 : vector<16xi32>
      %and3A_1639 = arith.andi %eq3A_1637, %lt3A_1638 : vector<16xi1>
      %or3A_1640 = arith.ori %gt3A_1636, %and3A_1639 : vector<16xi1>
      %select_n3A_1641 = arith.select %or3A_1640, %select_n3A_1634, %while3A_1554 : vector<16xi1>, vector<16xf32>
      %select_n3A_1642 = arith.select %or3A_1640, %select_n3A_1635, %while3A_1562 : vector<16xi1>, vector<16xi32>
      %select_n3A_1643 = arith.select %or3A_1640, %while3A_1554, %select_n3A_1634 : vector<16xi1>, vector<16xf32>
      %select_n3A_1644 = arith.select %or3A_1640, %while3A_1562, %select_n3A_1635 : vector<16xi1>, vector<16xi32>
      %gt3A_1645 = arith.cmpf ogt, %select_n3A_1643, %while3A_1555 : vector<16xf32>
      %eq3A_1646 = arith.cmpf oeq, %select_n3A_1643, %while3A_1555 : vector<16xf32>
      %lt3A_1647 = arith.cmpi slt, %select_n3A_1644, %while3A_1563 : vector<16xi32>
      %and3A_1648 = arith.andi %eq3A_1646, %lt3A_1647 : vector<16xi1>
      %or3A_1649 = arith.ori %gt3A_1645, %and3A_1648 : vector<16xi1>
      %select_n3A_1650 = arith.select %or3A_1649, %select_n3A_1643, %while3A_1555 : vector<16xi1>, vector<16xf32>
      %select_n3A_1651 = arith.select %or3A_1649, %select_n3A_1644, %while3A_1563 : vector<16xi1>, vector<16xi32>
      %select_n3A_1652 = arith.select %or3A_1649, %while3A_1555, %select_n3A_1643 : vector<16xi1>, vector<16xf32>
      %select_n3A_1653 = arith.select %or3A_1649, %while3A_1563, %select_n3A_1644 : vector<16xi1>, vector<16xi32>
      %gt3A_1654 = arith.cmpf ogt, %select_n3A_1652, %while3A_1556 : vector<16xf32>
      %eq3A_1655 = arith.cmpf oeq, %select_n3A_1652, %while3A_1556 : vector<16xf32>
      %lt3A_1656 = arith.cmpi slt, %select_n3A_1653, %while3A_1564 : vector<16xi32>
      %and3A_1657 = arith.andi %eq3A_1655, %lt3A_1656 : vector<16xi1>
      %or3A_1658 = arith.ori %gt3A_1654, %and3A_1657 : vector<16xi1>
      %select_n3A_1659 = arith.select %or3A_1658, %select_n3A_1652, %while3A_1556 : vector<16xi1>, vector<16xf32>
      %select_n3A_1660 = arith.select %or3A_1658, %select_n3A_1653, %while3A_1564 : vector<16xi1>, vector<16xi32>
      %select_n3A_1661 = arith.select %or3A_1658, %while3A_1556, %select_n3A_1652 : vector<16xi1>, vector<16xf32>
      %select_n3A_1662 = arith.select %or3A_1658, %while3A_1564, %select_n3A_1653 : vector<16xi1>, vector<16xi32>
      %gt3A_1663 = arith.cmpf ogt, %select_n3A_1661, %while3A_1557 : vector<16xf32>
      %eq3A_1664 = arith.cmpf oeq, %select_n3A_1661, %while3A_1557 : vector<16xf32>
      %lt3A_1665 = arith.cmpi slt, %select_n3A_1662, %while3A_1565 : vector<16xi32>
      %and3A_1666 = arith.andi %eq3A_1664, %lt3A_1665 : vector<16xi1>
      %or3A_1667 = arith.ori %gt3A_1663, %and3A_1666 : vector<16xi1>
      %select_n3A_1668 = arith.select %or3A_1667, %select_n3A_1661, %while3A_1557 : vector<16xi1>, vector<16xf32>
      %select_n3A_1669 = arith.select %or3A_1667, %select_n3A_1662, %while3A_1565 : vector<16xi1>, vector<16xi32>
      %select_n3A_1670 = arith.select %or3A_1667, %while3A_1557, %select_n3A_1661 : vector<16xi1>, vector<16xf32>
      %select_n3A_1671 = arith.select %or3A_1667, %while3A_1565, %select_n3A_1662 : vector<16xi1>, vector<16xi32>
      %mul3A_1672 = arith.constant 16 : i32
      %mul3A_1673 = arith.muli %while3A_1549, %mul3A_1672 : i32
      %add3A_1674 = vector.broadcast %mul3A_1673 : i32 to vector<16xi32>
      %add3A_1675 = arith.addi %add3A_1674, %iota3A : vector<16xi32>
      %lt3A_1676 = vector.broadcast %scan3A_43#1 : i32 to vector<16xi32>
      %lt3A_1677 = arith.cmpi slt, %add3A_1675, %lt3A_1676 : vector<16xi32>
      %mul3A_1678 = arith.constant 16 : i32
      %mul3A_1679 = arith.muli %while3A_1549, %mul3A_1678 : i32
      %add3A_1680 = arith.constant 2064 : i32
      %add3A_1681 = arith.addi %add3A_1680, %mul3A_1679 : i32
      %get3A_1682 = arith.index_cast %add3A_1681 : i32 to index
      %get3A_1683 = tpu.vector_load %arg6[%get3A_1682] {strides = array<i32>} : memref<8256xi32, #tpu.memory_space<vmem>>, vector<16xi32>,
      %jit3A_1684 = arith.constant 0 : i32
      %jit3A_1685 = arith.constant 2047 : i32
      %max3A_1686 = vector.broadcast %jit3A_1684 : i32 to vector<16xi32>
      %max3A_1687 = arith.maxsi %max3A_1686, %get3A_1683 : vector<16xi32>
      %min3A_1688 = vector.broadcast %jit3A_1685 : i32 to vector<16xi32>
      %min3A_1689 = arith.minsi %min3A_1688, %max3A_1687 : vector<16xi32>
      %broadcast_in_dim3A_1690 = arith.constant 1 : i32
      %broadcast_in_dim3A_1691 = vector.broadcast %broadcast_in_dim3A_1690 : i32 to vector<16xi32>
      %gather3A_1692 = tpu.vector_load_idx %arg5[%broadcast_in_dim3A_1691, %min3A_1689] : memref<4x2048xf32, #tpu.memory_space<vmem>>[vector<16xi32>, vector<16xi32>], vector<16xf32>,
      %select_n3A_1693 = arith.select %lt3A_1677, %gather3A_1692, %broadcast_in_dim3A_3 : vector<16xi1>, vector<16xf32>
      %select_n3A_1694 = arith.select %lt3A_1677, %min3A_1689, %broadcast_in_dim3A_5 : vector<16xi1>, vector<16xi32>
      %gt3A_1695 = arith.cmpf ogt, %select_n3A_1693, %while3A_1566 : vector<16xf32>
      %eq3A_1696 = arith.cmpf oeq, %select_n3A_1693, %while3A_1566 : vector<16xf32>
      %lt3A_1697 = arith.cmpi slt, %select_n3A_1694, %while3A_1574 : vector<16xi32>
      %and3A_1698 = arith.andi %eq3A_1696, %lt3A_1697 : vector<16xi1>
      %or3A_1699 = arith.ori %gt3A_1695, %and3A_1698 : vector<16xi1>
      %select_n3A_1700 = arith.select %or3A_1699, %select_n3A_1693, %while3A_1566 : vector<16xi1>, vector<16xf32>
      %select_n3A_1701 = arith.select %or3A_1699, %select_n3A_1694, %while3A_1574 : vector<16xi1>, vector<16xi32>
      %select_n3A_1702 = arith.select %or3A_1699, %while3A_1566, %select_n3A_1693 : vector<16xi1>, vector<16xf32>
      %select_n3A_1703 = arith.select %or3A_1699, %while3A_1574, %select_n3A_1694 : vector<16xi1>, vector<16xi32>
      %gt3A_1704 = arith.cmpf ogt, %select_n3A_1702, %while3A_1567 : vector<16xf32>
      %eq3A_1705 = arith.cmpf oeq, %select_n3A_1702, %while3A_1567 : vector<16xf32>
      %lt3A_1706 = arith.cmpi slt, %select_n3A_1703, %while3A_1575 : vector<16xi32>
      %and3A_1707 = arith.andi %eq3A_1705, %lt3A_1706 : vector<16xi1>
      %or3A_1708 = arith.ori %gt3A_1704, %and3A_1707 : vector<16xi1>
      %select_n3A_1709 = arith.select %or3A_1708, %select_n3A_1702, %while3A_1567 : vector<16xi1>, vector<16xf32>
      %select_n3A_1710 = arith.select %or3A_1708, %select_n3A_1703, %while3A_1575 : vector<16xi1>, vector<16xi32>
      %select_n3A_1711 = arith.select %or3A_1708, %while3A_1567, %select_n3A_1702 : vector<16xi1>, vector<16xf32>
      %select_n3A_1712 = arith.select %or3A_1708, %while3A_1575, %select_n3A_1703 : vector<16xi1>, vector<16xi32>
      %gt3A_1713 = arith.cmpf ogt, %select_n3A_1711, %while3A_1568 : vector<16xf32>
      %eq3A_1714 = arith.cmpf oeq, %select_n3A_1711, %while3A_1568 : vector<16xf32>
      %lt3A_1715 = arith.cmpi slt, %select_n3A_1712, %while3A_1576 : vector<16xi32>
      %and3A_1716 = arith.andi %eq3A_1714, %lt3A_1715 : vector<16xi1>
      %or3A_1717 = arith.ori %gt3A_1713, %and3A_1716 : vector<16xi1>
      %select_n3A_1718 = arith.select %or3A_1717, %select_n3A_1711, %while3A_1568 : vector<16xi1>, vector<16xf32>
      %select_n3A_1719 = arith.select %or3A_1717, %select_n3A_1712, %while3A_1576 : vector<16xi1>, vector<16xi32>
      %select_n3A_1720 = arith.select %or3A_1717, %while3A_1568, %select_n3A_1711 : vector<16xi1>, vector<16xf32>
      %select_n3A_1721 = arith.select %or3A_1717, %while3A_1576, %select_n3A_1712 : vector<16xi1>, vector<16xi32>
      %gt3A_1722 = arith.cmpf ogt, %select_n3A_1720, %while3A_1569 : vector<16xf32>
      %eq3A_1723 = arith.cmpf oeq, %select_n3A_1720, %while3A_1569 : vector<16xf32>
      %lt3A_1724 = arith.cmpi slt, %select_n3A_1721, %while3A_1577 : vector<16xi32>
      %and3A_1725 = arith.andi %eq3A_1723, %lt3A_1724 : vector<16xi1>
      %or3A_1726 = arith.ori %gt3A_1722, %and3A_1725 : vector<16xi1>
      %select_n3A_1727 = arith.select %or3A_1726, %select_n3A_1720, %while3A_1569 : vector<16xi1>, vector<16xf32>
      %select_n3A_1728 = arith.select %or3A_1726, %select_n3A_1721, %while3A_1577 : vector<16xi1>, vector<16xi32>
      %select_n3A_1729 = arith.select %or3A_1726, %while3A_1569, %select_n3A_1720 : vector<16xi1>, vector<16xf32>
      %select_n3A_1730 = arith.select %or3A_1726, %while3A_1577, %select_n3A_1721 : vector<16xi1>, vector<16xi32>
      %gt3A_1731 = arith.cmpf ogt, %select_n3A_1729, %while3A_1570 : vector<16xf32>
      %eq3A_1732 = arith.cmpf oeq, %select_n3A_1729, %while3A_1570 : vector<16xf32>
      %lt3A_1733 = arith.cmpi slt, %select_n3A_1730, %while3A_1578 : vector<16xi32>
      %and3A_1734 = arith.andi %eq3A_1732, %lt3A_1733 : vector<16xi1>
      %or3A_1735 = arith.ori %gt3A_1731, %and3A_1734 : vector<16xi1>
      %select_n3A_1736 = arith.select %or3A_1735, %select_n3A_1729, %while3A_1570 : vector<16xi1>, vector<16xf32>
      %select_n3A_1737 = arith.select %or3A_1735, %select_n3A_1730, %while3A_1578 : vector<16xi1>, vector<16xi32>
      %select_n3A_1738 = arith.select %or3A_1735, %while3A_1570, %select_n3A_1729 : vector<16xi1>, vector<16xf32>
      %select_n3A_1739 = arith.select %or3A_1735, %while3A_1578, %select_n3A_1730 : vector<16xi1>, vector<16xi32>
      %gt3A_1740 = arith.cmpf ogt, %select_n3A_1738, %while3A_1571 : vector<16xf32>
      %eq3A_1741 = arith.cmpf oeq, %select_n3A_1738, %while3A_1571 : vector<16xf32>
      %lt3A_1742 = arith.cmpi slt, %select_n3A_1739, %while3A_1579 : vector<16xi32>
      %and3A_1743 = arith.andi %eq3A_1741, %lt3A_1742 : vector<16xi1>
      %or3A_1744 = arith.ori %gt3A_1740, %and3A_1743 : vector<16xi1>
      %select_n3A_1745 = arith.select %or3A_1744, %select_n3A_1738, %while3A_1571 : vector<16xi1>, vector<16xf32>
      %select_n3A_1746 = arith.select %or3A_1744, %select_n3A_1739, %while3A_1579 : vector<16xi1>, vector<16xi32>
      %select_n3A_1747 = arith.select %or3A_1744, %while3A_1571, %select_n3A_1738 : vector<16xi1>, vector<16xf32>
      %select_n3A_1748 = arith.select %or3A_1744, %while3A_1579, %select_n3A_1739 : vector<16xi1>, vector<16xi32>
      %gt3A_1749 = arith.cmpf ogt, %select_n3A_1747, %while3A_1572 : vector<16xf32>
      %eq3A_1750 = arith.cmpf oeq, %select_n3A_1747, %while3A_1572 : vector<16xf32>
      %lt3A_1751 = arith.cmpi slt, %select_n3A_1748, %while3A_1580 : vector<16xi32>
      %and3A_1752 = arith.andi %eq3A_1750, %lt3A_1751 : vector<16xi1>
      %or3A_1753 = arith.ori %gt3A_1749, %and3A_1752 : vector<16xi1>
      %select_n3A_1754 = arith.select %or3A_1753, %select_n3A_1747, %while3A_1572 : vector<16xi1>, vector<16xf32>
      %select_n3A_1755 = arith.select %or3A_1753, %select_n3A_1748, %while3A_1580 : vector<16xi1>, vector<16xi32>
      %select_n3A_1756 = arith.select %or3A_1753, %while3A_1572, %select_n3A_1747 : vector<16xi1>, vector<16xf32>
      %select_n3A_1757 = arith.select %or3A_1753, %while3A_1580, %select_n3A_1748 : vector<16xi1>, vector<16xi32>
      %gt3A_1758 = arith.cmpf ogt, %select_n3A_1756, %while3A_1573 : vector<16xf32>
      %eq3A_1759 = arith.cmpf oeq, %select_n3A_1756, %while3A_1573 : vector<16xf32>
      %lt3A_1760 = arith.cmpi slt, %select_n3A_1757, %while3A_1581 : vector<16xi32>
      %and3A_1761 = arith.andi %eq3A_1759, %lt3A_1760 : vector<16xi1>
      %or3A_1762 = arith.ori %gt3A_1758, %and3A_1761 : vector<16xi1>
      %select_n3A_1763 = arith.select %or3A_1762, %select_n3A_1756, %while3A_1573 : vector<16xi1>, vector<16xf32>
      %select_n3A_1764 = arith.select %or3A_1762, %select_n3A_1757, %while3A_1581 : vector<16xi1>, vector<16xi32>
      %select_n3A_1765 = arith.select %or3A_1762, %while3A_1573, %select_n3A_1756 : vector<16xi1>, vector<16xf32>
      %select_n3A_1766 = arith.select %or3A_1762, %while3A_1581, %select_n3A_1757 : vector<16xi1>, vector<16xi32>
      scf.yield %select_n3A_1605, %select_n3A_1614, %select_n3A_1623, %select_n3A_1632, %select_n3A_1641, %select_n3A_1650, %select_n3A_1659, %select_n3A_1668, %select_n3A_1606, %select_n3A_1615, %select_n3A_1624, %select_n3A_1633, %select_n3A_1642, %select_n3A_1651, %select_n3A_1660, %select_n3A_1669, %select_n3A_1700, %select_n3A_1709, %select_n3A_1718, %select_n3A_1727, %select_n3A_1736, %select_n3A_1745, %select_n3A_1754, %select_n3A_1763, %select_n3A_1701, %select_n3A_1710, %select_n3A_1719, %select_n3A_1728, %select_n3A_1737, %select_n3A_1746, %select_n3A_1755, %select_n3A_1764 : vector<16xf32>, vector<16xf32>, vector<16xf32>, vector<16xf32>, vector<16xf32>, vector<16xf32>, vector<16xf32>, vector<16xf32>, vector<16xi32>, vector<16xi32>, vector<16xi32>, vector<16xi32>, vector<16xi32>, vector<16xi32>, vector<16xi32>, vector<16xi32>, vector<16xf32>, vector<16xf32>, vector<16xf32>, vector<16xf32>, vector<16xf32>, vector<16xf32>, vector<16xf32>, vector<16xf32>, vector<16xi32>, vector<16xi32>, vector<16xi32>, vector<16xi32>, vector<16xi32>, vector<16xi32>, vector<16xi32>, vector<16xi32>
    }
    %reduce_max3A = arith.constant true
    %reduce_max3A_76 = vector.broadcast %reduce_max3A : i1 to vector<16xi1>
    %reduce_max3A_77 = tpu.scan <max>, %while3A_75#0 masked %reduce_max3A_76 : vector<16xf32>, vector<16xi1> -> vector<16xf32>
    %reduce_max3A_78 = vector.extract %reduce_max3A_77[15] : f32 from vector<16xf32>
    %eq3A = vector.broadcast %reduce_max3A_78 : f32 to vector<16xf32>
    %eq3A_79 = arith.cmpf oeq, %while3A_75#0, %eq3A : vector<16xf32>
    %select_n3A_80 = arith.select %eq3A_79, %while3A_75#8, %broadcast_in_dim3A_5 : vector<16xi1>, vector<16xi32>
    %reduce_min3A = arith.constant true
    %reduce_min3A_81 = vector.broadcast %reduce_min3A : i1 to vector<16xi1>
    %reduce_min3A_82 = arith.constant -2147483648 : i32
    %reduce_min3A_83 = vector.broadcast %reduce_min3A_82 : i32 to vector<16xi32>
    %reduce_min3A_84 = arith.xori %select_n3A_80, %reduce_min3A_83 : vector<16xi32>
    %reduce_min3A_85 = tpu.scan <min>, %reduce_min3A_84 masked %reduce_min3A_81 : vector<16xi32>, vector<16xi1> -> vector<16xi32>
    %reduce_min3A_86 = arith.xori %reduce_min3A_85, %reduce_min3A_83 : vector<16xi32>
    %reduce_min3A_87 = vector.extract %reduce_min3A_86[15] : i32 from vector<16xi32>
    %eq3A_88 = arith.constant 0 : i32
    %eq3A_89 = vector.broadcast %eq3A_88 : i32 to vector<16xi32>
    %eq3A_90 = arith.cmpi eq, %iota3A, %eq3A_89 : vector<16xi32>
    %broadcast_in_dim3A_91 = vector.broadcast %reduce_max3A_78 : f32 to vector<16xf32>
    %select_n3A_92 = arith.select %eq3A_90, %broadcast_in_dim3A_91, %broadcast_in_dim3A_3 : vector<16xi1>, vector<16xf32>
    %eq3A_93 = arith.constant 0 : i32
    %eq3A_94 = vector.broadcast %eq3A_93 : i32 to vector<16xi32>
    %eq3A_95 = arith.cmpi eq, %iota3A, %eq3A_94 : vector<16xi32>
    %broadcast_in_dim3A_96 = vector.broadcast %reduce_min3A_87 : i32 to vector<16xi32>
    %select_n3A_97 = arith.select %eq3A_95, %broadcast_in_dim3A_96, %broadcast_in_dim3A_5 : vector<16xi1>, vector<16xi32>
    %eq3A_98 = vector.broadcast %reduce_min3A_87 : i32 to vector<16xi32>
    %eq3A_99 = arith.cmpi eq, %while3A_75#8, %eq3A_98 : vector<16xi32>
    %and3A_100 = arith.andi %eq3A_79, %eq3A_99 : vector<16xi1>
    %select_n3A_101 = arith.select %and3A_100, %while3A_75#1, %while3A_75#0 : vector<16xi1>, vector<16xf32>
    %select_n3A_102 = arith.select %and3A_100, %while3A_75#9, %while3A_75#8 : vector<16xi1>, vector<16xi32>
    %select_n3A_103 = arith.select %and3A_100, %while3A_75#2, %while3A_75#1 : vector<16xi1>, vector<16xf32>
    %select_n3A_104 = arith.select %and3A_100, %while3A_75#10, %while3A_75#9 : vector<16xi1>, vector<16xi32>
    %select_n3A_105 = arith.select %and3A_100, %while3A_75#3, %while3A_75#2 : vector<16xi1>, vector<16xf32>
    %select_n3A_106 = arith.select %and3A_100, %while3A_75#11, %while3A_75#10 : vector<16xi1>, vector<16xi32>
    %select_n3A_107 = arith.select %and3A_100, %while3A_75#4, %while3A_75#3 : vector<16xi1>, vector<16xf32>
    %select_n3A_108 = arith.select %and3A_100, %while3A_75#12, %while3A_75#11 : vector<16xi1>, vector<16xi32>
    %select_n3A_109 = arith.select %and3A_100, %while3A_75#5, %while3A_75#4 : vector<16xi1>, vector<16xf32>
    %select_n3A_110 = arith.select %and3A_100, %while3A_75#13, %while3A_75#12 : vector<16xi1>, vector<16xi32>
    %select_n3A_111 = arith.select %and3A_100, %while3A_75#6, %while3A_75#5 : vector<16xi1>, vector<16xf32>
    %select_n3A_112 = arith.select %and3A_100, %while3A_75#14, %while3A_75#13 : vector<16xi1>, vector<16xi32>
    %select_n3A_113 = arith.select %and3A_100, %while3A_75#7, %while3A_75#6 : vector<16xi1>, vector<16xf32>
    %select_n3A_114 = arith.select %and3A_100, %while3A_75#15, %while3A_75#14 : vector<16xi1>, vector<16xi32>
    %select_n3A_115 = arith.select %and3A_100, %broadcast_in_dim3A_3, %while3A_75#7 : vector<16xi1>, vector<16xf32>
    %select_n3A_116 = arith.select %and3A_100, %broadcast_in_dim3A_5, %while3A_75#15 : vector<16xi1>, vector<16xi32>
    %reduce_max3A_117 = arith.constant true
    %reduce_max3A_118 = vector.broadcast %reduce_max3A_117 : i1 to vector<16xi1>
    %reduce_max3A_119 = tpu.scan <max>, %while3A_75#16 masked %reduce_max3A_118 : vector<16xf32>, vector<16xi1> -> vector<16xf32>
    %reduce_max3A_120 = vector.extract %reduce_max3A_119[15] : f32 from vector<16xf32>
    %eq3A_121 = vector.broadcast %reduce_max3A_120 : f32 to vector<16xf32>
    %eq3A_122 = arith.cmpf oeq, %while3A_75#16, %eq3A_121 : vector<16xf32>
    %select_n3A_123 = arith.select %eq3A_122, %while3A_75#24, %broadcast_in_dim3A_5 : vector<16xi1>, vector<16xi32>
    %reduce_min3A_124 = arith.constant true
    %reduce_min3A_125 = vector.broadcast %reduce_min3A_124 : i1 to vector<16xi1>
    %reduce_min3A_126 = arith.constant -2147483648 : i32
    %reduce_min3A_127 = vector.broadcast %reduce_min3A_126 : i32 to vector<16xi32>
    %reduce_min3A_128 = arith.xori %select_n3A_123, %reduce_min3A_127 : vector<16xi32>
    %reduce_min3A_129 = tpu.scan <min>, %reduce_min3A_128 masked %reduce_min3A_125 : vector<16xi32>, vector<16xi1> -> vector<16xi32>
    %reduce_min3A_130 = arith.xori %reduce_min3A_129, %reduce_min3A_127 : vector<16xi32>
    %reduce_min3A_131 = vector.extract %reduce_min3A_130[15] : i32 from vector<16xi32>
    %eq3A_132 = arith.constant 8 : i32
    %eq3A_133 = vector.broadcast %eq3A_132 : i32 to vector<16xi32>
    %eq3A_134 = arith.cmpi eq, %iota3A, %eq3A_133 : vector<16xi32>
    %broadcast_in_dim3A_135 = vector.broadcast %reduce_max3A_120 : f32 to vector<16xf32>
    %select_n3A_136 = arith.select %eq3A_134, %broadcast_in_dim3A_135, %broadcast_in_dim3A_3 : vector<16xi1>, vector<16xf32>
    %eq3A_137 = arith.constant 8 : i32
    %eq3A_138 = vector.broadcast %eq3A_137 : i32 to vector<16xi32>
    %eq3A_139 = arith.cmpi eq, %iota3A, %eq3A_138 : vector<16xi32>
    %broadcast_in_dim3A_140 = vector.broadcast %reduce_min3A_131 : i32 to vector<16xi32>
    %select_n3A_141 = arith.select %eq3A_139, %broadcast_in_dim3A_140, %broadcast_in_dim3A_5 : vector<16xi1>, vector<16xi32>
    %eq3A_142 = vector.broadcast %reduce_min3A_131 : i32 to vector<16xi32>
    %eq3A_143 = arith.cmpi eq, %while3A_75#24, %eq3A_142 : vector<16xi32>
    %and3A_144 = arith.andi %eq3A_122, %eq3A_143 : vector<16xi1>
    %select_n3A_145 = arith.select %and3A_144, %while3A_75#17, %while3A_75#16 : vector<16xi1>, vector<16xf32>
    %select_n3A_146 = arith.select %and3A_144, %while3A_75#25, %while3A_75#24 : vector<16xi1>, vector<16xi32>
    %select_n3A_147 = arith.select %and3A_144, %while3A_75#18, %while3A_75#17 : vector<16xi1>, vector<16xf32>
    %select_n3A_148 = arith.select %and3A_144, %while3A_75#26, %while3A_75#25 : vector<16xi1>, vector<16xi32>
    %select_n3A_149 = arith.select %and3A_144, %while3A_75#19, %while3A_75#18 : vector<16xi1>, vector<16xf32>
    %select_n3A_150 = arith.select %and3A_144, %while3A_75#27, %while3A_75#26 : vector<16xi1>, vector<16xi32>
    %select_n3A_151 = arith.select %and3A_144, %while3A_75#20, %while3A_75#19 : vector<16xi1>, vector<16xf32>
    %select_n3A_152 = arith.select %and3A_144, %while3A_75#28, %while3A_75#27 : vector<16xi1>, vector<16xi32>
    %select_n3A_153 = arith.select %and3A_144, %while3A_75#21, %while3A_75#20 : vector<16xi1>, vector<16xf32>
    %select_n3A_154 = arith.select %and3A_144, %while3A_75#29, %while3A_75#28 : vector<16xi1>, vector<16xi32>
    %select_n3A_155 = arith.select %and3A_144, %while3A_75#22, %while3A_75#21 : vector<16xi1>, vector<16xf32>
    %select_n3A_156 = arith.select %and3A_144, %while3A_75#30, %while3A_75#29 : vector<16xi1>, vector<16xi32>
    %select_n3A_157 = arith.select %and3A_144, %while3A_75#23, %while3A_75#22 : vector<16xi1>, vector<16xf32>
    %select_n3A_158 = arith.select %and3A_144, %while3A_75#31, %while3A_75#30 : vector<16xi1>, vector<16xi32>
    %select_n3A_159 = arith.select %and3A_144, %broadcast_in_dim3A_3, %while3A_75#23 : vector<16xi1>, vector<16xf32>
    %select_n3A_160 = arith.select %and3A_144, %broadcast_in_dim3A_5, %while3A_75#31 : vector<16xi1>, vector<16xi32>
    %reduce_max3A_161 = arith.constant true
    %reduce_max3A_162 = vector.broadcast %reduce_max3A_161 : i1 to vector<16xi1>
    %reduce_max3A_163 = tpu.scan <max>, %select_n3A_101 masked %reduce_max3A_162 : vector<16xf32>, vector<16xi1> -> vector<16xf32>
    %reduce_max3A_164 = vector.extract %reduce_max3A_163[15] : f32 from vector<16xf32>
    %eq3A_165 = vector.broadcast %reduce_max3A_164 : f32 to vector<16xf32>
    %eq3A_166 = arith.cmpf oeq, %select_n3A_101, %eq3A_165 : vector<16xf32>
    %select_n3A_167 = arith.select %eq3A_166, %select_n3A_102, %broadcast_in_dim3A_5 : vector<16xi1>, vector<16xi32>
    %reduce_min3A_168 = arith.constant true
    %reduce_min3A_169 = vector.broadcast %reduce_min3A_168 : i1 to vector<16xi1>
    %reduce_min3A_170 = arith.constant -2147483648 : i32
    %reduce_min3A_171 = vector.broadcast %reduce_min3A_170 : i32 to vector<16xi32>
    %reduce_min3A_172 = arith.xori %select_n3A_167, %reduce_min3A_171 : vector<16xi32>
    %reduce_min3A_173 = tpu.scan <min>, %reduce_min3A_172 masked %reduce_min3A_169 : vector<16xi32>, vector<16xi1> -> vector<16xi32>
    %reduce_min3A_174 = arith.xori %reduce_min3A_173, %reduce_min3A_171 : vector<16xi32>
    %reduce_min3A_175 = vector.extract %reduce_min3A_174[15] : i32 from vector<16xi32>
    %eq3A_176 = arith.constant 1 : i32
    %eq3A_177 = vector.broadcast %eq3A_176 : i32 to vector<16xi32>
    %eq3A_178 = arith.cmpi eq, %iota3A, %eq3A_177 : vector<16xi32>
    %broadcast_in_dim3A_179 = vector.broadcast %reduce_max3A_164 : f32 to vector<16xf32>
    %select_n3A_180 = arith.select %eq3A_178, %broadcast_in_dim3A_179, %select_n3A_92 : vector<16xi1>, vector<16xf32>
    %eq3A_181 = arith.constant 1 : i32
    %eq3A_182 = vector.broadcast %eq3A_181 : i32 to vector<16xi32>
    %eq3A_183 = arith.cmpi eq, %iota3A, %eq3A_182 : vector<16xi32>
    %broadcast_in_dim3A_184 = vector.broadcast %reduce_min3A_175 : i32 to vector<16xi32>
    %select_n3A_185 = arith.select %eq3A_183, %broadcast_in_dim3A_184, %select_n3A_97 : vector<16xi1>, vector<16xi32>
    %eq3A_186 = vector.broadcast %reduce_min3A_175 : i32 to vector<16xi32>
    %eq3A_187 = arith.cmpi eq, %select_n3A_102, %eq3A_186 : vector<16xi32>
    %and3A_188 = arith.andi %eq3A_166, %eq3A_187 : vector<16xi1>
    %select_n3A_189 = arith.select %and3A_188, %select_n3A_103, %select_n3A_101 : vector<16xi1>, vector<16xf32>
    %select_n3A_190 = arith.select %and3A_188, %select_n3A_104, %select_n3A_102 : vector<16xi1>, vector<16xi32>
    %select_n3A_191 = arith.select %and3A_188, %select_n3A_105, %select_n3A_103 : vector<16xi1>, vector<16xf32>
    %select_n3A_192 = arith.select %and3A_188, %select_n3A_106, %select_n3A_104 : vector<16xi1>, vector<16xi32>
    %select_n3A_193 = arith.select %and3A_188, %select_n3A_107, %select_n3A_105 : vector<16xi1>, vector<16xf32>
    %select_n3A_194 = arith.select %and3A_188, %select_n3A_108, %select_n3A_106 : vector<16xi1>, vector<16xi32>
    %select_n3A_195 = arith.select %and3A_188, %select_n3A_109, %select_n3A_107 : vector<16xi1>, vector<16xf32>
    %select_n3A_196 = arith.select %and3A_188, %select_n3A_110, %select_n3A_108 : vector<16xi1>, vector<16xi32>
    %select_n3A_197 = arith.select %and3A_188, %select_n3A_111, %select_n3A_109 : vector<16xi1>, vector<16xf32>
    %select_n3A_198 = arith.select %and3A_188, %select_n3A_112, %select_n3A_110 : vector<16xi1>, vector<16xi32>
    %select_n3A_199 = arith.select %and3A_188, %select_n3A_113, %select_n3A_111 : vector<16xi1>, vector<16xf32>
    %select_n3A_200 = arith.select %and3A_188, %select_n3A_114, %select_n3A_112 : vector<16xi1>, vector<16xi32>
    %select_n3A_201 = arith.select %and3A_188, %select_n3A_115, %select_n3A_113 : vector<16xi1>, vector<16xf32>
    %select_n3A_202 = arith.select %and3A_188, %select_n3A_116, %select_n3A_114 : vector<16xi1>, vector<16xi32>
    %select_n3A_203 = arith.select %and3A_188, %broadcast_in_dim3A_3, %select_n3A_115 : vector<16xi1>, vector<16xf32>
    %select_n3A_204 = arith.select %and3A_188, %broadcast_in_dim3A_5, %select_n3A_116 : vector<16xi1>, vector<16xi32>
    %reduce_max3A_205 = arith.constant true
    %reduce_max3A_206 = vector.broadcast %reduce_max3A_205 : i1 to vector<16xi1>
    %reduce_max3A_207 = tpu.scan <max>, %select_n3A_145 masked %reduce_max3A_206 : vector<16xf32>, vector<16xi1> -> vector<16xf32>
    %reduce_max3A_208 = vector.extract %reduce_max3A_207[15] : f32 from vector<16xf32>
    %eq3A_209 = vector.broadcast %reduce_max3A_208 : f32 to vector<16xf32>
    %eq3A_210 = arith.cmpf oeq, %select_n3A_145, %eq3A_209 : vector<16xf32>
    %select_n3A_211 = arith.select %eq3A_210, %select_n3A_146, %broadcast_in_dim3A_5 : vector<16xi1>, vector<16xi32>
    %reduce_min3A_212 = arith.constant true
    %reduce_min3A_213 = vector.broadcast %reduce_min3A_212 : i1 to vector<16xi1>
    %reduce_min3A_214 = arith.constant -2147483648 : i32
    %reduce_min3A_215 = vector.broadcast %reduce_min3A_214 : i32 to vector<16xi32>
    %reduce_min3A_216 = arith.xori %select_n3A_211, %reduce_min3A_215 : vector<16xi32>
    %reduce_min3A_217 = tpu.scan <min>, %reduce_min3A_216 masked %reduce_min3A_213 : vector<16xi32>, vector<16xi1> -> vector<16xi32>
    %reduce_min3A_218 = arith.xori %reduce_min3A_217, %reduce_min3A_215 : vector<16xi32>
    %reduce_min3A_219 = vector.extract %reduce_min3A_218[15] : i32 from vector<16xi32>
    %eq3A_220 = arith.constant 9 : i32
    %eq3A_221 = vector.broadcast %eq3A_220 : i32 to vector<16xi32>
    %eq3A_222 = arith.cmpi eq, %iota3A, %eq3A_221 : vector<16xi32>
    %broadcast_in_dim3A_223 = vector.broadcast %reduce_max3A_208 : f32 to vector<16xf32>
    %select_n3A_224 = arith.select %eq3A_222, %broadcast_in_dim3A_223, %select_n3A_136 : vector<16xi1>, vector<16xf32>
    %eq3A_225 = arith.constant 9 : i32
    %eq3A_226 = vector.broadcast %eq3A_225 : i32 to vector<16xi32>
    %eq3A_227 = arith.cmpi eq, %iota3A, %eq3A_226 : vector<16xi32>
    %broadcast_in_dim3A_228 = vector.broadcast %reduce_min3A_219 : i32 to vector<16xi32>
    %select_n3A_229 = arith.select %eq3A_227, %broadcast_in_dim3A_228, %select_n3A_141 : vector<16xi1>, vector<16xi32>
    %eq3A_230 = vector.broadcast %reduce_min3A_219 : i32 to vector<16xi32>
    %eq3A_231 = arith.cmpi eq, %select_n3A_146, %eq3A_230 : vector<16xi32>
    %and3A_232 = arith.andi %eq3A_210, %eq3A_231 : vector<16xi1>
    %select_n3A_233 = arith.select %and3A_232, %select_n3A_147, %select_n3A_145 : vector<16xi1>, vector<16xf32>
    %select_n3A_234 = arith.select %and3A_232, %select_n3A_148, %select_n3A_146 : vector<16xi1>, vector<16xi32>
    %select_n3A_235 = arith.select %and3A_232, %select_n3A_149, %select_n3A_147 : vector<16xi1>, vector<16xf32>
    %select_n3A_236 = arith.select %and3A_232, %select_n3A_150, %select_n3A_148 : vector<16xi1>, vector<16xi32>
    %select_n3A_237 = arith.select %and3A_232, %select_n3A_151, %select_n3A_149 : vector<16xi1>, vector<16xf32>
    %select_n3A_238 = arith.select %and3A_232, %select_n3A_152, %select_n3A_150 : vector<16xi1>, vector<16xi32>
    %select_n3A_239 = arith.select %and3A_232, %select_n3A_153, %select_n3A_151 : vector<16xi1>, vector<16xf32>
    %select_n3A_240 = arith.select %and3A_232, %select_n3A_154, %select_n3A_152 : vector<16xi1>, vector<16xi32>
    %select_n3A_241 = arith.select %and3A_232, %select_n3A_155, %select_n3A_153 : vector<16xi1>, vector<16xf32>
    %select_n3A_242 = arith.select %and3A_232, %select_n3A_156, %select_n3A_154 : vector<16xi1>, vector<16xi32>
    %select_n3A_243 = arith.select %and3A_232, %select_n3A_157, %select_n3A_155 : vector<16xi1>, vector<16xf32>
    %select_n3A_244 = arith.select %and3A_232, %select_n3A_158, %select_n3A_156 : vector<16xi1>, vector<16xi32>
    %select_n3A_245 = arith.select %and3A_232, %select_n3A_159, %select_n3A_157 : vector<16xi1>, vector<16xf32>
    %select_n3A_246 = arith.select %and3A_232, %select_n3A_160, %select_n3A_158 : vector<16xi1>, vector<16xi32>
    %select_n3A_247 = arith.select %and3A_232, %broadcast_in_dim3A_3, %select_n3A_159 : vector<16xi1>, vector<16xf32>
    %select_n3A_248 = arith.select %and3A_232, %broadcast_in_dim3A_5, %select_n3A_160 : vector<16xi1>, vector<16xi32>
    %reduce_max3A_249 = arith.constant true
    %reduce_max3A_250 = vector.broadcast %reduce_max3A_249 : i1 to vector<16xi1>
    %reduce_max3A_251 = tpu.scan <max>, %select_n3A_189 masked %reduce_max3A_250 : vector<16xf32>, vector<16xi1> -> vector<16xf32>
    %reduce_max3A_252 = vector.extract %reduce_max3A_251[15] : f32 from vector<16xf32>
    %eq3A_253 = vector.broadcast %reduce_max3A_252 : f32 to vector<16xf32>
    %eq3A_254 = arith.cmpf oeq, %select_n3A_189, %eq3A_253 : vector<16xf32>
    %select_n3A_255 = arith.select %eq3A_254, %select_n3A_190, %broadcast_in_dim3A_5 : vector<16xi1>, vector<16xi32>
    %reduce_min3A_256 = arith.constant true
    %reduce_min3A_257 = vector.broadcast %reduce_min3A_256 : i1 to vector<16xi1>
    %reduce_min3A_258 = arith.constant -2147483648 : i32
    %reduce_min3A_259 = vector.broadcast %reduce_min3A_258 : i32 to vector<16xi32>
    %reduce_min3A_260 = arith.xori %select_n3A_255, %reduce_min3A_259 : vector<16xi32>
    %reduce_min3A_261 = tpu.scan <min>, %reduce_min3A_260 masked %reduce_min3A_257 : vector<16xi32>, vector<16xi1> -> vector<16xi32>
    %reduce_min3A_262 = arith.xori %reduce_min3A_261, %reduce_min3A_259 : vector<16xi32>
    %reduce_min3A_263 = vector.extract %reduce_min3A_262[15] : i32 from vector<16xi32>
    %eq3A_264 = arith.constant 2 : i32
    %eq3A_265 = vector.broadcast %eq3A_264 : i32 to vector<16xi32>
    %eq3A_266 = arith.cmpi eq, %iota3A, %eq3A_265 : vector<16xi32>
    %broadcast_in_dim3A_267 = vector.broadcast %reduce_max3A_252 : f32 to vector<16xf32>
    %select_n3A_268 = arith.select %eq3A_266, %broadcast_in_dim3A_267, %select_n3A_180 : vector<16xi1>, vector<16xf32>
    %eq3A_269 = arith.constant 2 : i32
    %eq3A_270 = vector.broadcast %eq3A_269 : i32 to vector<16xi32>
    %eq3A_271 = arith.cmpi eq, %iota3A, %eq3A_270 : vector<16xi32>
    %broadcast_in_dim3A_272 = vector.broadcast %reduce_min3A_263 : i32 to vector<16xi32>
    %select_n3A_273 = arith.select %eq3A_271, %broadcast_in_dim3A_272, %select_n3A_185 : vector<16xi1>, vector<16xi32>
    %eq3A_274 = vector.broadcast %reduce_min3A_263 : i32 to vector<16xi32>
    %eq3A_275 = arith.cmpi eq, %select_n3A_190, %eq3A_274 : vector<16xi32>
    %and3A_276 = arith.andi %eq3A_254, %eq3A_275 : vector<16xi1>
    %select_n3A_277 = arith.select %and3A_276, %select_n3A_191, %select_n3A_189 : vector<16xi1>, vector<16xf32>
    %select_n3A_278 = arith.select %and3A_276, %select_n3A_192, %select_n3A_190 : vector<16xi1>, vector<16xi32>
    %select_n3A_279 = arith.select %and3A_276, %select_n3A_193, %select_n3A_191 : vector<16xi1>, vector<16xf32>
    %select_n3A_280 = arith.select %and3A_276, %select_n3A_194, %select_n3A_192 : vector<16xi1>, vector<16xi32>
    %select_n3A_281 = arith.select %and3A_276, %select_n3A_195, %select_n3A_193 : vector<16xi1>, vector<16xf32>
    %select_n3A_282 = arith.select %and3A_276, %select_n3A_196, %select_n3A_194 : vector<16xi1>, vector<16xi32>
    %select_n3A_283 = arith.select %and3A_276, %select_n3A_197, %select_n3A_195 : vector<16xi1>, vector<16xf32>
    %select_n3A_284 = arith.select %and3A_276, %select_n3A_198, %select_n3A_196 : vector<16xi1>, vector<16xi32>
    %select_n3A_285 = arith.select %and3A_276, %select_n3A_199, %select_n3A_197 : vector<16xi1>, vector<16xf32>
    %select_n3A_286 = arith.select %and3A_276, %select_n3A_200, %select_n3A_198 : vector<16xi1>, vector<16xi32>
    %select_n3A_287 = arith.select %and3A_276, %select_n3A_201, %select_n3A_199 : vector<16xi1>, vector<16xf32>
    %select_n3A_288 = arith.select %and3A_276, %select_n3A_202, %select_n3A_200 : vector<16xi1>, vector<16xi32>
    %select_n3A_289 = arith.select %and3A_276, %select_n3A_203, %select_n3A_201 : vector<16xi1>, vector<16xf32>
    %select_n3A_290 = arith.select %and3A_276, %select_n3A_204, %select_n3A_202 : vector<16xi1>, vector<16xi32>
    %select_n3A_291 = arith.select %and3A_276, %broadcast_in_dim3A_3, %select_n3A_203 : vector<16xi1>, vector<16xf32>
    %select_n3A_292 = arith.select %and3A_276, %broadcast_in_dim3A_5, %select_n3A_204 : vector<16xi1>, vector<16xi32>
    %reduce_max3A_293 = arith.constant true
    %reduce_max3A_294 = vector.broadcast %reduce_max3A_293 : i1 to vector<16xi1>
    %reduce_max3A_295 = tpu.scan <max>, %select_n3A_233 masked %reduce_max3A_294 : vector<16xf32>, vector<16xi1> -> vector<16xf32>
    %reduce_max3A_296 = vector.extract %reduce_max3A_295[15] : f32 from vector<16xf32>
    %eq3A_297 = vector.broadcast %reduce_max3A_296 : f32 to vector<16xf32>
    %eq3A_298 = arith.cmpf oeq, %select_n3A_233, %eq3A_297 : vector<16xf32>
    %select_n3A_299 = arith.select %eq3A_298, %select_n3A_234, %broadcast_in_dim3A_5 : vector<16xi1>, vector<16xi32>
    %reduce_min3A_300 = arith.constant true
    %reduce_min3A_301 = vector.broadcast %reduce_min3A_300 : i1 to vector<16xi1>
    %reduce_min3A_302 = arith.constant -2147483648 : i32
    %reduce_min3A_303 = vector.broadcast %reduce_min3A_302 : i32 to vector<16xi32>
    %reduce_min3A_304 = arith.xori %select_n3A_299, %reduce_min3A_303 : vector<16xi32>
    %reduce_min3A_305 = tpu.scan <min>, %reduce_min3A_304 masked %reduce_min3A_301 : vector<16xi32>, vector<16xi1> -> vector<16xi32>
    %reduce_min3A_306 = arith.xori %reduce_min3A_305, %reduce_min3A_303 : vector<16xi32>
    %reduce_min3A_307 = vector.extract %reduce_min3A_306[15] : i32 from vector<16xi32>
    %eq3A_308 = arith.constant 10 : i32
    %eq3A_309 = vector.broadcast %eq3A_308 : i32 to vector<16xi32>
    %eq3A_310 = arith.cmpi eq, %iota3A, %eq3A_309 : vector<16xi32>
    %broadcast_in_dim3A_311 = vector.broadcast %reduce_max3A_296 : f32 to vector<16xf32>
    %select_n3A_312 = arith.select %eq3A_310, %broadcast_in_dim3A_311, %select_n3A_224 : vector<16xi1>, vector<16xf32>
    %eq3A_313 = arith.constant 10 : i32
    %eq3A_314 = vector.broadcast %eq3A_313 : i32 to vector<16xi32>
    %eq3A_315 = arith.cmpi eq, %iota3A, %eq3A_314 : vector<16xi32>
    %broadcast_in_dim3A_316 = vector.broadcast %reduce_min3A_307 : i32 to vector<16xi32>
    %select_n3A_317 = arith.select %eq3A_315, %broadcast_in_dim3A_316, %select_n3A_229 : vector<16xi1>, vector<16xi32>
    %eq3A_318 = vector.broadcast %reduce_min3A_307 : i32 to vector<16xi32>
    %eq3A_319 = arith.cmpi eq, %select_n3A_234, %eq3A_318 : vector<16xi32>
    %and3A_320 = arith.andi %eq3A_298, %eq3A_319 : vector<16xi1>
    %select_n3A_321 = arith.select %and3A_320, %select_n3A_235, %select_n3A_233 : vector<16xi1>, vector<16xf32>
    %select_n3A_322 = arith.select %and3A_320, %select_n3A_236, %select_n3A_234 : vector<16xi1>, vector<16xi32>
    %select_n3A_323 = arith.select %and3A_320, %select_n3A_237, %select_n3A_235 : vector<16xi1>, vector<16xf32>
    %select_n3A_324 = arith.select %and3A_320, %select_n3A_238, %select_n3A_236 : vector<16xi1>, vector<16xi32>
    %select_n3A_325 = arith.select %and3A_320, %select_n3A_239, %select_n3A_237 : vector<16xi1>, vector<16xf32>
    %select_n3A_326 = arith.select %and3A_320, %select_n3A_240, %select_n3A_238 : vector<16xi1>, vector<16xi32>
    %select_n3A_327 = arith.select %and3A_320, %select_n3A_241, %select_n3A_239 : vector<16xi1>, vector<16xf32>
    %select_n3A_328 = arith.select %and3A_320, %select_n3A_242, %select_n3A_240 : vector<16xi1>, vector<16xi32>
    %select_n3A_329 = arith.select %and3A_320, %select_n3A_243, %select_n3A_241 : vector<16xi1>, vector<16xf32>
    %select_n3A_330 = arith.select %and3A_320, %select_n3A_244, %select_n3A_242 : vector<16xi1>, vector<16xi32>
    %select_n3A_331 = arith.select %and3A_320, %select_n3A_245, %select_n3A_243 : vector<16xi1>, vector<16xf32>
    %select_n3A_332 = arith.select %and3A_320, %select_n3A_246, %select_n3A_244 : vector<16xi1>, vector<16xi32>
    %select_n3A_333 = arith.select %and3A_320, %select_n3A_247, %select_n3A_245 : vector<16xi1>, vector<16xf32>
    %select_n3A_334 = arith.select %and3A_320, %select_n3A_248, %select_n3A_246 : vector<16xi1>, vector<16xi32>
    %select_n3A_335 = arith.select %and3A_320, %broadcast_in_dim3A_3, %select_n3A_247 : vector<16xi1>, vector<16xf32>
    %select_n3A_336 = arith.select %and3A_320, %broadcast_in_dim3A_5, %select_n3A_248 : vector<16xi1>, vector<16xi32>
    %reduce_max3A_337 = arith.constant true
    %reduce_max3A_338 = vector.broadcast %reduce_max3A_337 : i1 to vector<16xi1>
    %reduce_max3A_339 = tpu.scan <max>, %select_n3A_277 masked %reduce_max3A_338 : vector<16xf32>, vector<16xi1> -> vector<16xf32>
    %reduce_max3A_340 = vector.extract %reduce_max3A_339[15] : f32 from vector<16xf32>
    %eq3A_341 = vector.broadcast %reduce_max3A_340 : f32 to vector<16xf32>
    %eq3A_342 = arith.cmpf oeq, %select_n3A_277, %eq3A_341 : vector<16xf32>
    %select_n3A_343 = arith.select %eq3A_342, %select_n3A_278, %broadcast_in_dim3A_5 : vector<16xi1>, vector<16xi32>
    %reduce_min3A_344 = arith.constant true
    %reduce_min3A_345 = vector.broadcast %reduce_min3A_344 : i1 to vector<16xi1>
    %reduce_min3A_346 = arith.constant -2147483648 : i32
    %reduce_min3A_347 = vector.broadcast %reduce_min3A_346 : i32 to vector<16xi32>
    %reduce_min3A_348 = arith.xori %select_n3A_343, %reduce_min3A_347 : vector<16xi32>
    %reduce_min3A_349 = tpu.scan <min>, %reduce_min3A_348 masked %reduce_min3A_345 : vector<16xi32>, vector<16xi1> -> vector<16xi32>
    %reduce_min3A_350 = arith.xori %reduce_min3A_349, %reduce_min3A_347 : vector<16xi32>
    %reduce_min3A_351 = vector.extract %reduce_min3A_350[15] : i32 from vector<16xi32>
    %eq3A_352 = arith.constant 3 : i32
    %eq3A_353 = vector.broadcast %eq3A_352 : i32 to vector<16xi32>
    %eq3A_354 = arith.cmpi eq, %iota3A, %eq3A_353 : vector<16xi32>
    %broadcast_in_dim3A_355 = vector.broadcast %reduce_max3A_340 : f32 to vector<16xf32>
    %select_n3A_356 = arith.select %eq3A_354, %broadcast_in_dim3A_355, %select_n3A_268 : vector<16xi1>, vector<16xf32>
    %eq3A_357 = arith.constant 3 : i32
    %eq3A_358 = vector.broadcast %eq3A_357 : i32 to vector<16xi32>
    %eq3A_359 = arith.cmpi eq, %iota3A, %eq3A_358 : vector<16xi32>
    %broadcast_in_dim3A_360 = vector.broadcast %reduce_min3A_351 : i32 to vector<16xi32>
    %select_n3A_361 = arith.select %eq3A_359, %broadcast_in_dim3A_360, %select_n3A_273 : vector<16xi1>, vector<16xi32>
    %eq3A_362 = vector.broadcast %reduce_min3A_351 : i32 to vector<16xi32>
    %eq3A_363 = arith.cmpi eq, %select_n3A_278, %eq3A_362 : vector<16xi32>
    %and3A_364 = arith.andi %eq3A_342, %eq3A_363 : vector<16xi1>
    %select_n3A_365 = arith.select %and3A_364, %select_n3A_279, %select_n3A_277 : vector<16xi1>, vector<16xf32>
    %select_n3A_366 = arith.select %and3A_364, %select_n3A_280, %select_n3A_278 : vector<16xi1>, vector<16xi32>
    %select_n3A_367 = arith.select %and3A_364, %select_n3A_281, %select_n3A_279 : vector<16xi1>, vector<16xf32>
    %select_n3A_368 = arith.select %and3A_364, %select_n3A_282, %select_n3A_280 : vector<16xi1>, vector<16xi32>
    %select_n3A_369 = arith.select %and3A_364, %select_n3A_283, %select_n3A_281 : vector<16xi1>, vector<16xf32>
    %select_n3A_370 = arith.select %and3A_364, %select_n3A_284, %select_n3A_282 : vector<16xi1>, vector<16xi32>
    %select_n3A_371 = arith.select %and3A_364, %select_n3A_285, %select_n3A_283 : vector<16xi1>, vector<16xf32>
    %select_n3A_372 = arith.select %and3A_364, %select_n3A_286, %select_n3A_284 : vector<16xi1>, vector<16xi32>
    %select_n3A_373 = arith.select %and3A_364, %select_n3A_287, %select_n3A_285 : vector<16xi1>, vector<16xf32>
    %select_n3A_374 = arith.select %and3A_364, %select_n3A_288, %select_n3A_286 : vector<16xi1>, vector<16xi32>
    %select_n3A_375 = arith.select %and3A_364, %select_n3A_289, %select_n3A_287 : vector<16xi1>, vector<16xf32>
    %select_n3A_376 = arith.select %and3A_364, %select_n3A_290, %select_n3A_288 : vector<16xi1>, vector<16xi32>
    %select_n3A_377 = arith.select %and3A_364, %select_n3A_291, %select_n3A_289 : vector<16xi1>, vector<16xf32>
    %select_n3A_378 = arith.select %and3A_364, %select_n3A_292, %select_n3A_290 : vector<16xi1>, vector<16xi32>
    %select_n3A_379 = arith.select %and3A_364, %broadcast_in_dim3A_3, %select_n3A_291 : vector<16xi1>, vector<16xf32>
    %select_n3A_380 = arith.select %and3A_364, %broadcast_in_dim3A_5, %select_n3A_292 : vector<16xi1>, vector<16xi32>
    %reduce_max3A_381 = arith.constant true
    %reduce_max3A_382 = vector.broadcast %reduce_max3A_381 : i1 to vector<16xi1>
    %reduce_max3A_383 = tpu.scan <max>, %select_n3A_321 masked %reduce_max3A_382 : vector<16xf32>, vector<16xi1> -> vector<16xf32>
    %reduce_max3A_384 = vector.extract %reduce_max3A_383[15] : f32 from vector<16xf32>
    %eq3A_385 = vector.broadcast %reduce_max3A_384 : f32 to vector<16xf32>
    %eq3A_386 = arith.cmpf oeq, %select_n3A_321, %eq3A_385 : vector<16xf32>
    %select_n3A_387 = arith.select %eq3A_386, %select_n3A_322, %broadcast_in_dim3A_5 : vector<16xi1>, vector<16xi32>
    %reduce_min3A_388 = arith.constant true
    %reduce_min3A_389 = vector.broadcast %reduce_min3A_388 : i1 to vector<16xi1>
    %reduce_min3A_390 = arith.constant -2147483648 : i32
    %reduce_min3A_391 = vector.broadcast %reduce_min3A_390 : i32 to vector<16xi32>
    %reduce_min3A_392 = arith.xori %select_n3A_387, %reduce_min3A_391 : vector<16xi32>
    %reduce_min3A_393 = tpu.scan <min>, %reduce_min3A_392 masked %reduce_min3A_389 : vector<16xi32>, vector<16xi1> -> vector<16xi32>
    %reduce_min3A_394 = arith.xori %reduce_min3A_393, %reduce_min3A_391 : vector<16xi32>
    %reduce_min3A_395 = vector.extract %reduce_min3A_394[15] : i32 from vector<16xi32>
    %eq3A_396 = arith.constant 11 : i32
    %eq3A_397 = vector.broadcast %eq3A_396 : i32 to vector<16xi32>
    %eq3A_398 = arith.cmpi eq, %iota3A, %eq3A_397 : vector<16xi32>
    %broadcast_in_dim3A_399 = vector.broadcast %reduce_max3A_384 : f32 to vector<16xf32>
    %select_n3A_400 = arith.select %eq3A_398, %broadcast_in_dim3A_399, %select_n3A_312 : vector<16xi1>, vector<16xf32>
    %eq3A_401 = arith.constant 11 : i32
    %eq3A_402 = vector.broadcast %eq3A_401 : i32 to vector<16xi32>
    %eq3A_403 = arith.cmpi eq, %iota3A, %eq3A_402 : vector<16xi32>
    %broadcast_in_dim3A_404 = vector.broadcast %reduce_min3A_395 : i32 to vector<16xi32>
    %select_n3A_405 = arith.select %eq3A_403, %broadcast_in_dim3A_404, %select_n3A_317 : vector<16xi1>, vector<16xi32>
    %eq3A_406 = vector.broadcast %reduce_min3A_395 : i32 to vector<16xi32>
    %eq3A_407 = arith.cmpi eq, %select_n3A_322, %eq3A_406 : vector<16xi32>
    %and3A_408 = arith.andi %eq3A_386, %eq3A_407 : vector<16xi1>
    %select_n3A_409 = arith.select %and3A_408, %select_n3A_323, %select_n3A_321 : vector<16xi1>, vector<16xf32>
    %select_n3A_410 = arith.select %and3A_408, %select_n3A_324, %select_n3A_322 : vector<16xi1>, vector<16xi32>
    %select_n3A_411 = arith.select %and3A_408, %select_n3A_325, %select_n3A_323 : vector<16xi1>, vector<16xf32>
    %select_n3A_412 = arith.select %and3A_408, %select_n3A_326, %select_n3A_324 : vector<16xi1>, vector<16xi32>
    %select_n3A_413 = arith.select %and3A_408, %select_n3A_327, %select_n3A_325 : vector<16xi1>, vector<16xf32>
    %select_n3A_414 = arith.select %and3A_408, %select_n3A_328, %select_n3A_326 : vector<16xi1>, vector<16xi32>
    %select_n3A_415 = arith.select %and3A_408, %select_n3A_329, %select_n3A_327 : vector<16xi1>, vector<16xf32>
    %select_n3A_416 = arith.select %and3A_408, %select_n3A_330, %select_n3A_328 : vector<16xi1>, vector<16xi32>
    %select_n3A_417 = arith.select %and3A_408, %select_n3A_331, %select_n3A_329 : vector<16xi1>, vector<16xf32>
    %select_n3A_418 = arith.select %and3A_408, %select_n3A_332, %select_n3A_330 : vector<16xi1>, vector<16xi32>
    %select_n3A_419 = arith.select %and3A_408, %select_n3A_333, %select_n3A_331 : vector<16xi1>, vector<16xf32>
    %select_n3A_420 = arith.select %and3A_408, %select_n3A_334, %select_n3A_332 : vector<16xi1>, vector<16xi32>
    %select_n3A_421 = arith.select %and3A_408, %select_n3A_335, %select_n3A_333 : vector<16xi1>, vector<16xf32>
    %select_n3A_422 = arith.select %and3A_408, %select_n3A_336, %select_n3A_334 : vector<16xi1>, vector<16xi32>
    %select_n3A_423 = arith.select %and3A_408, %broadcast_in_dim3A_3, %select_n3A_335 : vector<16xi1>, vector<16xf32>
    %select_n3A_424 = arith.select %and3A_408, %broadcast_in_dim3A_5, %select_n3A_336 : vector<16xi1>, vector<16xi32>
    %reduce_max3A_425 = arith.constant true
    %reduce_max3A_426 = vector.broadcast %reduce_max3A_425 : i1 to vector<16xi1>
    %reduce_max3A_427 = tpu.scan <max>, %select_n3A_365 masked %reduce_max3A_426 : vector<16xf32>, vector<16xi1> -> vector<16xf32>
    %reduce_max3A_428 = vector.extract %reduce_max3A_427[15] : f32 from vector<16xf32>
    %eq3A_429 = vector.broadcast %reduce_max3A_428 : f32 to vector<16xf32>
    %eq3A_430 = arith.cmpf oeq, %select_n3A_365, %eq3A_429 : vector<16xf32>
    %select_n3A_431 = arith.select %eq3A_430, %select_n3A_366, %broadcast_in_dim3A_5 : vector<16xi1>, vector<16xi32>
    %reduce_min3A_432 = arith.constant true
    %reduce_min3A_433 = vector.broadcast %reduce_min3A_432 : i1 to vector<16xi1>
    %reduce_min3A_434 = arith.constant -2147483648 : i32
    %reduce_min3A_435 = vector.broadcast %reduce_min3A_434 : i32 to vector<16xi32>
    %reduce_min3A_436 = arith.xori %select_n3A_431, %reduce_min3A_435 : vector<16xi32>
    %reduce_min3A_437 = tpu.scan <min>, %reduce_min3A_436 masked %reduce_min3A_433 : vector<16xi32>, vector<16xi1> -> vector<16xi32>
    %reduce_min3A_438 = arith.xori %reduce_min3A_437, %reduce_min3A_435 : vector<16xi32>
    %reduce_min3A_439 = vector.extract %reduce_min3A_438[15] : i32 from vector<16xi32>
    %eq3A_440 = arith.constant 4 : i32
    %eq3A_441 = vector.broadcast %eq3A_440 : i32 to vector<16xi32>
    %eq3A_442 = arith.cmpi eq, %iota3A, %eq3A_441 : vector<16xi32>
    %broadcast_in_dim3A_443 = vector.broadcast %reduce_max3A_428 : f32 to vector<16xf32>
    %select_n3A_444 = arith.select %eq3A_442, %broadcast_in_dim3A_443, %select_n3A_356 : vector<16xi1>, vector<16xf32>
    %eq3A_445 = arith.constant 4 : i32
    %eq3A_446 = vector.broadcast %eq3A_445 : i32 to vector<16xi32>
    %eq3A_447 = arith.cmpi eq, %iota3A, %eq3A_446 : vector<16xi32>
    %broadcast_in_dim3A_448 = vector.broadcast %reduce_min3A_439 : i32 to vector<16xi32>
    %select_n3A_449 = arith.select %eq3A_447, %broadcast_in_dim3A_448, %select_n3A_361 : vector<16xi1>, vector<16xi32>
    %eq3A_450 = vector.broadcast %reduce_min3A_439 : i32 to vector<16xi32>
    %eq3A_451 = arith.cmpi eq, %select_n3A_366, %eq3A_450 : vector<16xi32>
    %and3A_452 = arith.andi %eq3A_430, %eq3A_451 : vector<16xi1>
    %select_n3A_453 = arith.select %and3A_452, %select_n3A_367, %select_n3A_365 : vector<16xi1>, vector<16xf32>
    %select_n3A_454 = arith.select %and3A_452, %select_n3A_368, %select_n3A_366 : vector<16xi1>, vector<16xi32>
    %select_n3A_455 = arith.select %and3A_452, %select_n3A_369, %select_n3A_367 : vector<16xi1>, vector<16xf32>
    %select_n3A_456 = arith.select %and3A_452, %select_n3A_370, %select_n3A_368 : vector<16xi1>, vector<16xi32>
    %select_n3A_457 = arith.select %and3A_452, %select_n3A_371, %select_n3A_369 : vector<16xi1>, vector<16xf32>
    %select_n3A_458 = arith.select %and3A_452, %select_n3A_372, %select_n3A_370 : vector<16xi1>, vector<16xi32>
    %select_n3A_459 = arith.select %and3A_452, %select_n3A_373, %select_n3A_371 : vector<16xi1>, vector<16xf32>
    %select_n3A_460 = arith.select %and3A_452, %select_n3A_374, %select_n3A_372 : vector<16xi1>, vector<16xi32>
    %select_n3A_461 = arith.select %and3A_452, %select_n3A_375, %select_n3A_373 : vector<16xi1>, vector<16xf32>
    %select_n3A_462 = arith.select %and3A_452, %select_n3A_376, %select_n3A_374 : vector<16xi1>, vector<16xi32>
    %select_n3A_463 = arith.select %and3A_452, %select_n3A_377, %select_n3A_375 : vector<16xi1>, vector<16xf32>
    %select_n3A_464 = arith.select %and3A_452, %select_n3A_378, %select_n3A_376 : vector<16xi1>, vector<16xi32>
    %select_n3A_465 = arith.select %and3A_452, %select_n3A_379, %select_n3A_377 : vector<16xi1>, vector<16xf32>
    %select_n3A_466 = arith.select %and3A_452, %select_n3A_380, %select_n3A_378 : vector<16xi1>, vector<16xi32>
    %select_n3A_467 = arith.select %and3A_452, %broadcast_in_dim3A_3, %select_n3A_379 : vector<16xi1>, vector<16xf32>
    %select_n3A_468 = arith.select %and3A_452, %broadcast_in_dim3A_5, %select_n3A_380 : vector<16xi1>, vector<16xi32>
    %reduce_max3A_469 = arith.constant true
    %reduce_max3A_470 = vector.broadcast %reduce_max3A_469 : i1 to vector<16xi1>
    %reduce_max3A_471 = tpu.scan <max>, %select_n3A_409 masked %reduce_max3A_470 : vector<16xf32>, vector<16xi1> -> vector<16xf32>
    %reduce_max3A_472 = vector.extract %reduce_max3A_471[15] : f32 from vector<16xf32>
    %eq3A_473 = vector.broadcast %reduce_max3A_472 : f32 to vector<16xf32>
    %eq3A_474 = arith.cmpf oeq, %select_n3A_409, %eq3A_473 : vector<16xf32>
    %select_n3A_475 = arith.select %eq3A_474, %select_n3A_410, %broadcast_in_dim3A_5 : vector<16xi1>, vector<16xi32>
    %reduce_min3A_476 = arith.constant true
    %reduce_min3A_477 = vector.broadcast %reduce_min3A_476 : i1 to vector<16xi1>
    %reduce_min3A_478 = arith.constant -2147483648 : i32
    %reduce_min3A_479 = vector.broadcast %reduce_min3A_478 : i32 to vector<16xi32>
    %reduce_min3A_480 = arith.xori %select_n3A_475, %reduce_min3A_479 : vector<16xi32>
    %reduce_min3A_481 = tpu.scan <min>, %reduce_min3A_480 masked %reduce_min3A_477 : vector<16xi32>, vector<16xi1> -> vector<16xi32>
    %reduce_min3A_482 = arith.xori %reduce_min3A_481, %reduce_min3A_479 : vector<16xi32>
    %reduce_min3A_483 = vector.extract %reduce_min3A_482[15] : i32 from vector<16xi32>
    %eq3A_484 = arith.constant 12 : i32
    %eq3A_485 = vector.broadcast %eq3A_484 : i32 to vector<16xi32>
    %eq3A_486 = arith.cmpi eq, %iota3A, %eq3A_485 : vector<16xi32>
    %broadcast_in_dim3A_487 = vector.broadcast %reduce_max3A_472 : f32 to vector<16xf32>
    %select_n3A_488 = arith.select %eq3A_486, %broadcast_in_dim3A_487, %select_n3A_400 : vector<16xi1>, vector<16xf32>
    %eq3A_489 = arith.constant 12 : i32
    %eq3A_490 = vector.broadcast %eq3A_489 : i32 to vector<16xi32>
    %eq3A_491 = arith.cmpi eq, %iota3A, %eq3A_490 : vector<16xi32>
    %broadcast_in_dim3A_492 = vector.broadcast %reduce_min3A_483 : i32 to vector<16xi32>
    %select_n3A_493 = arith.select %eq3A_491, %broadcast_in_dim3A_492, %select_n3A_405 : vector<16xi1>, vector<16xi32>
    %eq3A_494 = vector.broadcast %reduce_min3A_483 : i32 to vector<16xi32>
    %eq3A_495 = arith.cmpi eq, %select_n3A_410, %eq3A_494 : vector<16xi32>
    %and3A_496 = arith.andi %eq3A_474, %eq3A_495 : vector<16xi1>
    %select_n3A_497 = arith.select %and3A_496, %select_n3A_411, %select_n3A_409 : vector<16xi1>, vector<16xf32>
    %select_n3A_498 = arith.select %and3A_496, %select_n3A_412, %select_n3A_410 : vector<16xi1>, vector<16xi32>
    %select_n3A_499 = arith.select %and3A_496, %select_n3A_413, %select_n3A_411 : vector<16xi1>, vector<16xf32>
    %select_n3A_500 = arith.select %and3A_496, %select_n3A_414, %select_n3A_412 : vector<16xi1>, vector<16xi32>
    %select_n3A_501 = arith.select %and3A_496, %select_n3A_415, %select_n3A_413 : vector<16xi1>, vector<16xf32>
    %select_n3A_502 = arith.select %and3A_496, %select_n3A_416, %select_n3A_414 : vector<16xi1>, vector<16xi32>
    %select_n3A_503 = arith.select %and3A_496, %select_n3A_417, %select_n3A_415 : vector<16xi1>, vector<16xf32>
    %select_n3A_504 = arith.select %and3A_496, %select_n3A_418, %select_n3A_416 : vector<16xi1>, vector<16xi32>
    %select_n3A_505 = arith.select %and3A_496, %select_n3A_419, %select_n3A_417 : vector<16xi1>, vector<16xf32>
    %select_n3A_506 = arith.select %and3A_496, %select_n3A_420, %select_n3A_418 : vector<16xi1>, vector<16xi32>
    %select_n3A_507 = arith.select %and3A_496, %select_n3A_421, %select_n3A_419 : vector<16xi1>, vector<16xf32>
    %select_n3A_508 = arith.select %and3A_496, %select_n3A_422, %select_n3A_420 : vector<16xi1>, vector<16xi32>
    %select_n3A_509 = arith.select %and3A_496, %select_n3A_423, %select_n3A_421 : vector<16xi1>, vector<16xf32>
    %select_n3A_510 = arith.select %and3A_496, %select_n3A_424, %select_n3A_422 : vector<16xi1>, vector<16xi32>
    %select_n3A_511 = arith.select %and3A_496, %broadcast_in_dim3A_3, %select_n3A_423 : vector<16xi1>, vector<16xf32>
    %select_n3A_512 = arith.select %and3A_496, %broadcast_in_dim3A_5, %select_n3A_424 : vector<16xi1>, vector<16xi32>
    %reduce_max3A_513 = arith.constant true
    %reduce_max3A_514 = vector.broadcast %reduce_max3A_513 : i1 to vector<16xi1>
    %reduce_max3A_515 = tpu.scan <max>, %select_n3A_453 masked %reduce_max3A_514 : vector<16xf32>, vector<16xi1> -> vector<16xf32>
    %reduce_max3A_516 = vector.extract %reduce_max3A_515[15] : f32 from vector<16xf32>
    %eq3A_517 = vector.broadcast %reduce_max3A_516 : f32 to vector<16xf32>
    %eq3A_518 = arith.cmpf oeq, %select_n3A_453, %eq3A_517 : vector<16xf32>
    %select_n3A_519 = arith.select %eq3A_518, %select_n3A_454, %broadcast_in_dim3A_5 : vector<16xi1>, vector<16xi32>
    %reduce_min3A_520 = arith.constant true
    %reduce_min3A_521 = vector.broadcast %reduce_min3A_520 : i1 to vector<16xi1>
    %reduce_min3A_522 = arith.constant -2147483648 : i32
    %reduce_min3A_523 = vector.broadcast %reduce_min3A_522 : i32 to vector<16xi32>
    %reduce_min3A_524 = arith.xori %select_n3A_519, %reduce_min3A_523 : vector<16xi32>
    %reduce_min3A_525 = tpu.scan <min>, %reduce_min3A_524 masked %reduce_min3A_521 : vector<16xi32>, vector<16xi1> -> vector<16xi32>
    %reduce_min3A_526 = arith.xori %reduce_min3A_525, %reduce_min3A_523 : vector<16xi32>
    %reduce_min3A_527 = vector.extract %reduce_min3A_526[15] : i32 from vector<16xi32>
    %eq3A_528 = arith.constant 5 : i32
    %eq3A_529 = vector.broadcast %eq3A_528 : i32 to vector<16xi32>
    %eq3A_530 = arith.cmpi eq, %iota3A, %eq3A_529 : vector<16xi32>
    %broadcast_in_dim3A_531 = vector.broadcast %reduce_max3A_516 : f32 to vector<16xf32>
    %select_n3A_532 = arith.select %eq3A_530, %broadcast_in_dim3A_531, %select_n3A_444 : vector<16xi1>, vector<16xf32>
    %eq3A_533 = arith.constant 5 : i32
    %eq3A_534 = vector.broadcast %eq3A_533 : i32 to vector<16xi32>
    %eq3A_535 = arith.cmpi eq, %iota3A, %eq3A_534 : vector<16xi32>
    %broadcast_in_dim3A_536 = vector.broadcast %reduce_min3A_527 : i32 to vector<16xi32>
    %select_n3A_537 = arith.select %eq3A_535, %broadcast_in_dim3A_536, %select_n3A_449 : vector<16xi1>, vector<16xi32>
    %eq3A_538 = vector.broadcast %reduce_min3A_527 : i32 to vector<16xi32>
    %eq3A_539 = arith.cmpi eq, %select_n3A_454, %eq3A_538 : vector<16xi32>
    %and3A_540 = arith.andi %eq3A_518, %eq3A_539 : vector<16xi1>
    %select_n3A_541 = arith.select %and3A_540, %select_n3A_455, %select_n3A_453 : vector<16xi1>, vector<16xf32>
    %select_n3A_542 = arith.select %and3A_540, %select_n3A_456, %select_n3A_454 : vector<16xi1>, vector<16xi32>
    %select_n3A_543 = arith.select %and3A_540, %select_n3A_457, %select_n3A_455 : vector<16xi1>, vector<16xf32>
    %select_n3A_544 = arith.select %and3A_540, %select_n3A_458, %select_n3A_456 : vector<16xi1>, vector<16xi32>
    %select_n3A_545 = arith.select %and3A_540, %select_n3A_459, %select_n3A_457 : vector<16xi1>, vector<16xf32>
    %select_n3A_546 = arith.select %and3A_540, %select_n3A_460, %select_n3A_458 : vector<16xi1>, vector<16xi32>
    %select_n3A_547 = arith.select %and3A_540, %select_n3A_461, %select_n3A_459 : vector<16xi1>, vector<16xf32>
    %select_n3A_548 = arith.select %and3A_540, %select_n3A_462, %select_n3A_460 : vector<16xi1>, vector<16xi32>
    %select_n3A_549 = arith.select %and3A_540, %select_n3A_463, %select_n3A_461 : vector<16xi1>, vector<16xf32>
    %select_n3A_550 = arith.select %and3A_540, %select_n3A_464, %select_n3A_462 : vector<16xi1>, vector<16xi32>
    %select_n3A_551 = arith.select %and3A_540, %select_n3A_465, %select_n3A_463 : vector<16xi1>, vector<16xf32>
    %select_n3A_552 = arith.select %and3A_540, %select_n3A_466, %select_n3A_464 : vector<16xi1>, vector<16xi32>
    %select_n3A_553 = arith.select %and3A_540, %select_n3A_467, %select_n3A_465 : vector<16xi1>, vector<16xf32>
    %select_n3A_554 = arith.select %and3A_540, %select_n3A_468, %select_n3A_466 : vector<16xi1>, vector<16xi32>
    %select_n3A_555 = arith.select %and3A_540, %broadcast_in_dim3A_3, %select_n3A_467 : vector<16xi1>, vector<16xf32>
    %select_n3A_556 = arith.select %and3A_540, %broadcast_in_dim3A_5, %select_n3A_468 : vector<16xi1>, vector<16xi32>
    %reduce_max3A_557 = arith.constant true
    %reduce_max3A_558 = vector.broadcast %reduce_max3A_557 : i1 to vector<16xi1>
    %reduce_max3A_559 = tpu.scan <max>, %select_n3A_497 masked %reduce_max3A_558 : vector<16xf32>, vector<16xi1> -> vector<16xf32>
    %reduce_max3A_560 = vector.extract %reduce_max3A_559[15] : f32 from vector<16xf32>
    %eq3A_561 = vector.broadcast %reduce_max3A_560 : f32 to vector<16xf32>
    %eq3A_562 = arith.cmpf oeq, %select_n3A_497, %eq3A_561 : vector<16xf32>
    %select_n3A_563 = arith.select %eq3A_562, %select_n3A_498, %broadcast_in_dim3A_5 : vector<16xi1>, vector<16xi32>
    %reduce_min3A_564 = arith.constant true
    %reduce_min3A_565 = vector.broadcast %reduce_min3A_564 : i1 to vector<16xi1>
    %reduce_min3A_566 = arith.constant -2147483648 : i32
    %reduce_min3A_567 = vector.broadcast %reduce_min3A_566 : i32 to vector<16xi32>
    %reduce_min3A_568 = arith.xori %select_n3A_563, %reduce_min3A_567 : vector<16xi32>
    %reduce_min3A_569 = tpu.scan <min>, %reduce_min3A_568 masked %reduce_min3A_565 : vector<16xi32>, vector<16xi1> -> vector<16xi32>
    %reduce_min3A_570 = arith.xori %reduce_min3A_569, %reduce_min3A_567 : vector<16xi32>
    %reduce_min3A_571 = vector.extract %reduce_min3A_570[15] : i32 from vector<16xi32>
    %eq3A_572 = arith.constant 13 : i32
    %eq3A_573 = vector.broadcast %eq3A_572 : i32 to vector<16xi32>
    %eq3A_574 = arith.cmpi eq, %iota3A, %eq3A_573 : vector<16xi32>
    %broadcast_in_dim3A_575 = vector.broadcast %reduce_max3A_560 : f32 to vector<16xf32>
    %select_n3A_576 = arith.select %eq3A_574, %broadcast_in_dim3A_575, %select_n3A_488 : vector<16xi1>, vector<16xf32>
    %eq3A_577 = arith.constant 13 : i32
    %eq3A_578 = vector.broadcast %eq3A_577 : i32 to vector<16xi32>
    %eq3A_579 = arith.cmpi eq, %iota3A, %eq3A_578 : vector<16xi32>
    %broadcast_in_dim3A_580 = vector.broadcast %reduce_min3A_571 : i32 to vector<16xi32>
    %select_n3A_581 = arith.select %eq3A_579, %broadcast_in_dim3A_580, %select_n3A_493 : vector<16xi1>, vector<16xi32>
    %eq3A_582 = vector.broadcast %reduce_min3A_571 : i32 to vector<16xi32>
    %eq3A_583 = arith.cmpi eq, %select_n3A_498, %eq3A_582 : vector<16xi32>
    %and3A_584 = arith.andi %eq3A_562, %eq3A_583 : vector<16xi1>
    %select_n3A_585 = arith.select %and3A_584, %select_n3A_499, %select_n3A_497 : vector<16xi1>, vector<16xf32>
    %select_n3A_586 = arith.select %and3A_584, %select_n3A_500, %select_n3A_498 : vector<16xi1>, vector<16xi32>
    %select_n3A_587 = arith.select %and3A_584, %select_n3A_501, %select_n3A_499 : vector<16xi1>, vector<16xf32>
    %select_n3A_588 = arith.select %and3A_584, %select_n3A_502, %select_n3A_500 : vector<16xi1>, vector<16xi32>
    %select_n3A_589 = arith.select %and3A_584, %select_n3A_503, %select_n3A_501 : vector<16xi1>, vector<16xf32>
    %select_n3A_590 = arith.select %and3A_584, %select_n3A_504, %select_n3A_502 : vector<16xi1>, vector<16xi32>
    %select_n3A_591 = arith.select %and3A_584, %select_n3A_505, %select_n3A_503 : vector<16xi1>, vector<16xf32>
    %select_n3A_592 = arith.select %and3A_584, %select_n3A_506, %select_n3A_504 : vector<16xi1>, vector<16xi32>
    %select_n3A_593 = arith.select %and3A_584, %select_n3A_507, %select_n3A_505 : vector<16xi1>, vector<16xf32>
    %select_n3A_594 = arith.select %and3A_584, %select_n3A_508, %select_n3A_506 : vector<16xi1>, vector<16xi32>
    %select_n3A_595 = arith.select %and3A_584, %select_n3A_509, %select_n3A_507 : vector<16xi1>, vector<16xf32>
    %select_n3A_596 = arith.select %and3A_584, %select_n3A_510, %select_n3A_508 : vector<16xi1>, vector<16xi32>
    %select_n3A_597 = arith.select %and3A_584, %select_n3A_511, %select_n3A_509 : vector<16xi1>, vector<16xf32>
    %select_n3A_598 = arith.select %and3A_584, %select_n3A_512, %select_n3A_510 : vector<16xi1>, vector<16xi32>
    %select_n3A_599 = arith.select %and3A_584, %broadcast_in_dim3A_3, %select_n3A_511 : vector<16xi1>, vector<16xf32>
    %select_n3A_600 = arith.select %and3A_584, %broadcast_in_dim3A_5, %select_n3A_512 : vector<16xi1>, vector<16xi32>
    %reduce_max3A_601 = arith.constant true
    %reduce_max3A_602 = vector.broadcast %reduce_max3A_601 : i1 to vector<16xi1>
    %reduce_max3A_603 = tpu.scan <max>, %select_n3A_541 masked %reduce_max3A_602 : vector<16xf32>, vector<16xi1> -> vector<16xf32>
    %reduce_max3A_604 = vector.extract %reduce_max3A_603[15] : f32 from vector<16xf32>
    %eq3A_605 = vector.broadcast %reduce_max3A_604 : f32 to vector<16xf32>
    %eq3A_606 = arith.cmpf oeq, %select_n3A_541, %eq3A_605 : vector<16xf32>
    %select_n3A_607 = arith.select %eq3A_606, %select_n3A_542, %broadcast_in_dim3A_5 : vector<16xi1>, vector<16xi32>
    %reduce_min3A_608 = arith.constant true
    %reduce_min3A_609 = vector.broadcast %reduce_min3A_608 : i1 to vector<16xi1>
    %reduce_min3A_610 = arith.constant -2147483648 : i32
    %reduce_min3A_611 = vector.broadcast %reduce_min3A_610 : i32 to vector<16xi32>
    %reduce_min3A_612 = arith.xori %select_n3A_607, %reduce_min3A_611 : vector<16xi32>
    %reduce_min3A_613 = tpu.scan <min>, %reduce_min3A_612 masked %reduce_min3A_609 : vector<16xi32>, vector<16xi1> -> vector<16xi32>
    %reduce_min3A_614 = arith.xori %reduce_min3A_613, %reduce_min3A_611 : vector<16xi32>
    %reduce_min3A_615 = vector.extract %reduce_min3A_614[15] : i32 from vector<16xi32>
    %eq3A_616 = arith.constant 6 : i32
    %eq3A_617 = vector.broadcast %eq3A_616 : i32 to vector<16xi32>
    %eq3A_618 = arith.cmpi eq, %iota3A, %eq3A_617 : vector<16xi32>
    %broadcast_in_dim3A_619 = vector.broadcast %reduce_max3A_604 : f32 to vector<16xf32>
    %select_n3A_620 = arith.select %eq3A_618, %broadcast_in_dim3A_619, %select_n3A_532 : vector<16xi1>, vector<16xf32>
    %eq3A_621 = arith.constant 6 : i32
    %eq3A_622 = vector.broadcast %eq3A_621 : i32 to vector<16xi32>
    %eq3A_623 = arith.cmpi eq, %iota3A, %eq3A_622 : vector<16xi32>
    %broadcast_in_dim3A_624 = vector.broadcast %reduce_min3A_615 : i32 to vector<16xi32>
    %select_n3A_625 = arith.select %eq3A_623, %broadcast_in_dim3A_624, %select_n3A_537 : vector<16xi1>, vector<16xi32>
    %eq3A_626 = vector.broadcast %reduce_min3A_615 : i32 to vector<16xi32>
    %eq3A_627 = arith.cmpi eq, %select_n3A_542, %eq3A_626 : vector<16xi32>
    %and3A_628 = arith.andi %eq3A_606, %eq3A_627 : vector<16xi1>
    %select_n3A_629 = arith.select %and3A_628, %select_n3A_543, %select_n3A_541 : vector<16xi1>, vector<16xf32>
    %select_n3A_630 = arith.select %and3A_628, %select_n3A_544, %select_n3A_542 : vector<16xi1>, vector<16xi32>
    %select_n3A_631 = arith.select %and3A_628, %select_n3A_545, %select_n3A_543 : vector<16xi1>, vector<16xf32>
    %select_n3A_632 = arith.select %and3A_628, %select_n3A_546, %select_n3A_544 : vector<16xi1>, vector<16xi32>
    %select_n3A_633 = arith.select %and3A_628, %select_n3A_547, %select_n3A_545 : vector<16xi1>, vector<16xf32>
    %select_n3A_634 = arith.select %and3A_628, %select_n3A_548, %select_n3A_546 : vector<16xi1>, vector<16xi32>
    %select_n3A_635 = arith.select %and3A_628, %select_n3A_549, %select_n3A_547 : vector<16xi1>, vector<16xf32>
    %select_n3A_636 = arith.select %and3A_628, %select_n3A_550, %select_n3A_548 : vector<16xi1>, vector<16xi32>
    %select_n3A_637 = arith.select %and3A_628, %select_n3A_551, %select_n3A_549 : vector<16xi1>, vector<16xf32>
    %select_n3A_638 = arith.select %and3A_628, %select_n3A_552, %select_n3A_550 : vector<16xi1>, vector<16xi32>
    %select_n3A_639 = arith.select %and3A_628, %select_n3A_553, %select_n3A_551 : vector<16xi1>, vector<16xf32>
    %select_n3A_640 = arith.select %and3A_628, %select_n3A_554, %select_n3A_552 : vector<16xi1>, vector<16xi32>
    %select_n3A_641 = arith.select %and3A_628, %select_n3A_555, %select_n3A_553 : vector<16xi1>, vector<16xf32>
    %select_n3A_642 = arith.select %and3A_628, %select_n3A_556, %select_n3A_554 : vector<16xi1>, vector<16xi32>
    %select_n3A_643 = arith.select %and3A_628, %broadcast_in_dim3A_3, %select_n3A_555 : vector<16xi1>, vector<16xf32>
    %select_n3A_644 = arith.select %and3A_628, %broadcast_in_dim3A_5, %select_n3A_556 : vector<16xi1>, vector<16xi32>
    %reduce_max3A_645 = arith.constant true
    %reduce_max3A_646 = vector.broadcast %reduce_max3A_645 : i1 to vector<16xi1>
    %reduce_max3A_647 = tpu.scan <max>, %select_n3A_585 masked %reduce_max3A_646 : vector<16xf32>, vector<16xi1> -> vector<16xf32>
    %reduce_max3A_648 = vector.extract %reduce_max3A_647[15] : f32 from vector<16xf32>
    %eq3A_649 = vector.broadcast %reduce_max3A_648 : f32 to vector<16xf32>
    %eq3A_650 = arith.cmpf oeq, %select_n3A_585, %eq3A_649 : vector<16xf32>
    %select_n3A_651 = arith.select %eq3A_650, %select_n3A_586, %broadcast_in_dim3A_5 : vector<16xi1>, vector<16xi32>
    %reduce_min3A_652 = arith.constant true
    %reduce_min3A_653 = vector.broadcast %reduce_min3A_652 : i1 to vector<16xi1>
    %reduce_min3A_654 = arith.constant -2147483648 : i32
    %reduce_min3A_655 = vector.broadcast %reduce_min3A_654 : i32 to vector<16xi32>
    %reduce_min3A_656 = arith.xori %select_n3A_651, %reduce_min3A_655 : vector<16xi32>
    %reduce_min3A_657 = tpu.scan <min>, %reduce_min3A_656 masked %reduce_min3A_653 : vector<16xi32>, vector<16xi1> -> vector<16xi32>
    %reduce_min3A_658 = arith.xori %reduce_min3A_657, %reduce_min3A_655 : vector<16xi32>
    %reduce_min3A_659 = vector.extract %reduce_min3A_658[15] : i32 from vector<16xi32>
    %eq3A_660 = arith.constant 14 : i32
    %eq3A_661 = vector.broadcast %eq3A_660 : i32 to vector<16xi32>
    %eq3A_662 = arith.cmpi eq, %iota3A, %eq3A_661 : vector<16xi32>
    %broadcast_in_dim3A_663 = vector.broadcast %reduce_max3A_648 : f32 to vector<16xf32>
    %select_n3A_664 = arith.select %eq3A_662, %broadcast_in_dim3A_663, %select_n3A_576 : vector<16xi1>, vector<16xf32>
    %eq3A_665 = arith.constant 14 : i32
    %eq3A_666 = vector.broadcast %eq3A_665 : i32 to vector<16xi32>
    %eq3A_667 = arith.cmpi eq, %iota3A, %eq3A_666 : vector<16xi32>
    %broadcast_in_dim3A_668 = vector.broadcast %reduce_min3A_659 : i32 to vector<16xi32>
    %select_n3A_669 = arith.select %eq3A_667, %broadcast_in_dim3A_668, %select_n3A_581 : vector<16xi1>, vector<16xi32>
    %eq3A_670 = vector.broadcast %reduce_min3A_659 : i32 to vector<16xi32>
    %eq3A_671 = arith.cmpi eq, %select_n3A_586, %eq3A_670 : vector<16xi32>
    %and3A_672 = arith.andi %eq3A_650, %eq3A_671 : vector<16xi1>
    %select_n3A_673 = arith.select %and3A_672, %select_n3A_587, %select_n3A_585 : vector<16xi1>, vector<16xf32>
    %select_n3A_674 = arith.select %and3A_672, %select_n3A_588, %select_n3A_586 : vector<16xi1>, vector<16xi32>
    %select_n3A_675 = arith.select %and3A_672, %select_n3A_589, %select_n3A_587 : vector<16xi1>, vector<16xf32>
    %select_n3A_676 = arith.select %and3A_672, %select_n3A_590, %select_n3A_588 : vector<16xi1>, vector<16xi32>
    %select_n3A_677 = arith.select %and3A_672, %select_n3A_591, %select_n3A_589 : vector<16xi1>, vector<16xf32>
    %select_n3A_678 = arith.select %and3A_672, %select_n3A_592, %select_n3A_590 : vector<16xi1>, vector<16xi32>
    %select_n3A_679 = arith.select %and3A_672, %select_n3A_593, %select_n3A_591 : vector<16xi1>, vector<16xf32>
    %select_n3A_680 = arith.select %and3A_672, %select_n3A_594, %select_n3A_592 : vector<16xi1>, vector<16xi32>
    %select_n3A_681 = arith.select %and3A_672, %select_n3A_595, %select_n3A_593 : vector<16xi1>, vector<16xf32>
    %select_n3A_682 = arith.select %and3A_672, %select_n3A_596, %select_n3A_594 : vector<16xi1>, vector<16xi32>
    %select_n3A_683 = arith.select %and3A_672, %select_n3A_597, %select_n3A_595 : vector<16xi1>, vector<16xf32>
    %select_n3A_684 = arith.select %and3A_672, %select_n3A_598, %select_n3A_596 : vector<16xi1>, vector<16xi32>
    %select_n3A_685 = arith.select %and3A_672, %select_n3A_599, %select_n3A_597 : vector<16xi1>, vector<16xf32>
    %select_n3A_686 = arith.select %and3A_672, %select_n3A_600, %select_n3A_598 : vector<16xi1>, vector<16xi32>
    %select_n3A_687 = arith.select %and3A_672, %broadcast_in_dim3A_3, %select_n3A_599 : vector<16xi1>, vector<16xf32>
    %select_n3A_688 = arith.select %and3A_672, %broadcast_in_dim3A_5, %select_n3A_600 : vector<16xi1>, vector<16xi32>
    %reduce_max3A_689 = arith.constant true
    %reduce_max3A_690 = vector.broadcast %reduce_max3A_689 : i1 to vector<16xi1>
    %reduce_max3A_691 = tpu.scan <max>, %select_n3A_629 masked %reduce_max3A_690 : vector<16xf32>, vector<16xi1> -> vector<16xf32>
    %reduce_max3A_692 = vector.extract %reduce_max3A_691[15] : f32 from vector<16xf32>
    %eq3A_693 = vector.broadcast %reduce_max3A_692 : f32 to vector<16xf32>
    %eq3A_694 = arith.cmpf oeq, %select_n3A_629, %eq3A_693 : vector<16xf32>
    %select_n3A_695 = arith.select %eq3A_694, %select_n3A_630, %broadcast_in_dim3A_5 : vector<16xi1>, vector<16xi32>
    %reduce_min3A_696 = arith.constant true
    %reduce_min3A_697 = vector.broadcast %reduce_min3A_696 : i1 to vector<16xi1>
    %reduce_min3A_698 = arith.constant -2147483648 : i32
    %reduce_min3A_699 = vector.broadcast %reduce_min3A_698 : i32 to vector<16xi32>
    %reduce_min3A_700 = arith.xori %select_n3A_695, %reduce_min3A_699 : vector<16xi32>
    %reduce_min3A_701 = tpu.scan <min>, %reduce_min3A_700 masked %reduce_min3A_697 : vector<16xi32>, vector<16xi1> -> vector<16xi32>
    %reduce_min3A_702 = arith.xori %reduce_min3A_701, %reduce_min3A_699 : vector<16xi32>
    %reduce_min3A_703 = vector.extract %reduce_min3A_702[15] : i32 from vector<16xi32>
    %eq3A_704 = arith.constant 7 : i32
    %eq3A_705 = vector.broadcast %eq3A_704 : i32 to vector<16xi32>
    %eq3A_706 = arith.cmpi eq, %iota3A, %eq3A_705 : vector<16xi32>
    %broadcast_in_dim3A_707 = vector.broadcast %reduce_max3A_692 : f32 to vector<16xf32>
    %select_n3A_708 = arith.select %eq3A_706, %broadcast_in_dim3A_707, %select_n3A_620 : vector<16xi1>, vector<16xf32>
    %eq3A_709 = arith.constant 7 : i32
    %eq3A_710 = vector.broadcast %eq3A_709 : i32 to vector<16xi32>
    %eq3A_711 = arith.cmpi eq, %iota3A, %eq3A_710 : vector<16xi32>
    %broadcast_in_dim3A_712 = vector.broadcast %reduce_min3A_703 : i32 to vector<16xi32>
    %select_n3A_713 = arith.select %eq3A_711, %broadcast_in_dim3A_712, %select_n3A_625 : vector<16xi1>, vector<16xi32>
    %eq3A_714 = vector.broadcast %reduce_min3A_703 : i32 to vector<16xi32>
    %eq3A_715 = arith.cmpi eq, %select_n3A_630, %eq3A_714 : vector<16xi32>
    %and3A_716 = arith.andi %eq3A_694, %eq3A_715 : vector<16xi1>
    %select_n3A_717 = arith.select %and3A_716, %select_n3A_631, %select_n3A_629 : vector<16xi1>, vector<16xf32>
    %select_n3A_718 = arith.select %and3A_716, %select_n3A_632, %select_n3A_630 : vector<16xi1>, vector<16xi32>
    %select_n3A_719 = arith.select %and3A_716, %select_n3A_633, %select_n3A_631 : vector<16xi1>, vector<16xf32>
    %select_n3A_720 = arith.select %and3A_716, %select_n3A_634, %select_n3A_632 : vector<16xi1>, vector<16xi32>
    %select_n3A_721 = arith.select %and3A_716, %select_n3A_635, %select_n3A_633 : vector<16xi1>, vector<16xf32>
    %select_n3A_722 = arith.select %and3A_716, %select_n3A_636, %select_n3A_634 : vector<16xi1>, vector<16xi32>
    %select_n3A_723 = arith.select %and3A_716, %select_n3A_637, %select_n3A_635 : vector<16xi1>, vector<16xf32>
    %select_n3A_724 = arith.select %and3A_716, %select_n3A_638, %select_n3A_636 : vector<16xi1>, vector<16xi32>
    %select_n3A_725 = arith.select %and3A_716, %select_n3A_639, %select_n3A_637 : vector<16xi1>, vector<16xf32>
    %select_n3A_726 = arith.select %and3A_716, %select_n3A_640, %select_n3A_638 : vector<16xi1>, vector<16xi32>
    %select_n3A_727 = arith.select %and3A_716, %select_n3A_641, %select_n3A_639 : vector<16xi1>, vector<16xf32>
    %select_n3A_728 = arith.select %and3A_716, %select_n3A_642, %select_n3A_640 : vector<16xi1>, vector<16xi32>
    %select_n3A_729 = arith.select %and3A_716, %select_n3A_643, %select_n3A_641 : vector<16xi1>, vector<16xf32>
    %select_n3A_730 = arith.select %and3A_716, %select_n3A_644, %select_n3A_642 : vector<16xi1>, vector<16xi32>
    %select_n3A_731 = arith.select %and3A_716, %broadcast_in_dim3A_3, %select_n3A_643 : vector<16xi1>, vector<16xf32>
    %select_n3A_732 = arith.select %and3A_716, %broadcast_in_dim3A_5, %select_n3A_644 : vector<16xi1>, vector<16xi32>
    %reduce_max3A_733 = arith.constant true
    %reduce_max3A_734 = vector.broadcast %reduce_max3A_733 : i1 to vector<16xi1>
    %reduce_max3A_735 = tpu.scan <max>, %select_n3A_673 masked %reduce_max3A_734 : vector<16xf32>, vector<16xi1> -> vector<16xf32>
    %reduce_max3A_736 = vector.extract %reduce_max3A_735[15] : f32 from vector<16xf32>
    %eq3A_737 = vector.broadcast %reduce_max3A_736 : f32 to vector<16xf32>
    %eq3A_738 = arith.cmpf oeq, %select_n3A_673, %eq3A_737 : vector<16xf32>
    %select_n3A_739 = arith.select %eq3A_738, %select_n3A_674, %broadcast_in_dim3A_5 : vector<16xi1>, vector<16xi32>
    %reduce_min3A_740 = arith.constant true
    %reduce_min3A_741 = vector.broadcast %reduce_min3A_740 : i1 to vector<16xi1>
    %reduce_min3A_742 = arith.constant -2147483648 : i32
    %reduce_min3A_743 = vector.broadcast %reduce_min3A_742 : i32 to vector<16xi32>
    %reduce_min3A_744 = arith.xori %select_n3A_739, %reduce_min3A_743 : vector<16xi32>
    %reduce_min3A_745 = tpu.scan <min>, %reduce_min3A_744 masked %reduce_min3A_741 : vector<16xi32>, vector<16xi1> -> vector<16xi32>
    %reduce_min3A_746 = arith.xori %reduce_min3A_745, %reduce_min3A_743 : vector<16xi32>
    %reduce_min3A_747 = vector.extract %reduce_min3A_746[15] : i32 from vector<16xi32>
    %eq3A_748 = arith.constant 15 : i32
    %eq3A_749 = vector.broadcast %eq3A_748 : i32 to vector<16xi32>
    %eq3A_750 = arith.cmpi eq, %iota3A, %eq3A_749 : vector<16xi32>
    %broadcast_in_dim3A_751 = vector.broadcast %reduce_max3A_736 : f32 to vector<16xf32>
    %select_n3A_752 = arith.select %eq3A_750, %broadcast_in_dim3A_751, %select_n3A_664 : vector<16xi1>, vector<16xf32>
    %eq3A_753 = arith.constant 15 : i32
    %eq3A_754 = vector.broadcast %eq3A_753 : i32 to vector<16xi32>
    %eq3A_755 = arith.cmpi eq, %iota3A, %eq3A_754 : vector<16xi32>
    %broadcast_in_dim3A_756 = vector.broadcast %reduce_min3A_747 : i32 to vector<16xi32>
    %select_n3A_757 = arith.select %eq3A_755, %broadcast_in_dim3A_756, %select_n3A_669 : vector<16xi1>, vector<16xi32>
    %eq3A_758 = vector.broadcast %reduce_min3A_747 : i32 to vector<16xi32>
    %eq3A_759 = arith.cmpi eq, %select_n3A_674, %eq3A_758 : vector<16xi32>
    %and3A_760 = arith.andi %eq3A_738, %eq3A_759 : vector<16xi1>
    %select_n3A_761 = arith.select %and3A_760, %select_n3A_675, %select_n3A_673 : vector<16xi1>, vector<16xf32>
    %select_n3A_762 = arith.select %and3A_760, %select_n3A_676, %select_n3A_674 : vector<16xi1>, vector<16xi32>
    %select_n3A_763 = arith.select %and3A_760, %select_n3A_677, %select_n3A_675 : vector<16xi1>, vector<16xf32>
    %select_n3A_764 = arith.select %and3A_760, %select_n3A_678, %select_n3A_676 : vector<16xi1>, vector<16xi32>
    %select_n3A_765 = arith.select %and3A_760, %select_n3A_679, %select_n3A_677 : vector<16xi1>, vector<16xf32>
    %select_n3A_766 = arith.select %and3A_760, %select_n3A_680, %select_n3A_678 : vector<16xi1>, vector<16xi32>
    %select_n3A_767 = arith.select %and3A_760, %select_n3A_681, %select_n3A_679 : vector<16xi1>, vector<16xf32>
    %select_n3A_768 = arith.select %and3A_760, %select_n3A_682, %select_n3A_680 : vector<16xi1>, vector<16xi32>
    %select_n3A_769 = arith.select %and3A_760, %select_n3A_683, %select_n3A_681 : vector<16xi1>, vector<16xf32>
    %select_n3A_770 = arith.select %and3A_760, %select_n3A_684, %select_n3A_682 : vector<16xi1>, vector<16xi32>
    %select_n3A_771 = arith.select %and3A_760, %select_n3A_685, %select_n3A_683 : vector<16xi1>, vector<16xf32>
    %select_n3A_772 = arith.select %and3A_760, %select_n3A_686, %select_n3A_684 : vector<16xi1>, vector<16xi32>
    %select_n3A_773 = arith.select %and3A_760, %select_n3A_687, %select_n3A_685 : vector<16xi1>, vector<16xf32>
    %select_n3A_774 = arith.select %and3A_760, %select_n3A_688, %select_n3A_686 : vector<16xi1>, vector<16xi32>
    %select_n3A_775 = arith.select %and3A_760, %broadcast_in_dim3A_3, %select_n3A_687 : vector<16xi1>, vector<16xf32>
    %select_n3A_776 = arith.select %and3A_760, %broadcast_in_dim3A_5, %select_n3A_688 : vector<16xi1>, vector<16xi32>
    %lt3A = arith.constant 8 : i32
    %lt3A_777 = vector.broadcast %lt3A : i32 to vector<16xi32>
    %lt3A_778 = arith.cmpi slt, %iota3A, %lt3A_777 : vector<16xi32>
    %select_n3A_779 = arith.select %lt3A_778, %select_n3A_708, %select_n3A_752 : vector<16xi1>, vector<16xf32>
    %swap3A = arith.constant 0 : i32
    %swap3A_780 = arith.index_cast %swap3A : i32 to index
    %swap3A_781 = arith.constant 0 : index
    %swap3A_782 = tpu.vector_load %arg7[%swap3A_780, %swap3A_781] {strides = array<i32>} : memref<2x16xf32, #tpu.memory_space<vmem>>, vector<16xf32>,
    tpu.vector_store %arg7[%swap3A_780, %swap3A_781], %select_n3A_779 {strides = array<i32>} : memref<2x16xf32, #tpu.memory_space<vmem>>, vector<16xf32>,
    %select_n3A_783 = arith.select %lt3A_778, %select_n3A_713, %select_n3A_757 : vector<16xi1>, vector<16xi32>
    %swap3A_784 = arith.constant 0 : i32
    %swap3A_785 = arith.index_cast %swap3A_784 : i32 to index
    %swap3A_786 = arith.constant 0 : index
    %swap3A_787 = tpu.vector_load %arg8[%swap3A_785, %swap3A_786] {strides = array<i32>} : memref<2x16xi32, #tpu.memory_space<vmem>>, vector<16xi32>,
    tpu.vector_store %arg8[%swap3A_785, %swap3A_786], %select_n3A_783 {strides = array<i32>} : memref<2x16xi32, #tpu.memory_space<vmem>>, vector<16xi32>,
    %max3A_788 = arith.maxsi %scan3A_43#2, %scan3A_43#3 : i32
    %add3A_789 = arith.constant 16 : i32
    %add3A_790 = arith.addi %max3A_788, %add3A_789 : i32
    %sub3A_791 = arith.constant 1 : i32
    %sub3A_792 = arith.subi %add3A_790, %sub3A_791 : i32
    %jit3A_793 = arith.constant 16 : i32
    %div3A_794 = arith.divsi %sub3A_792, %jit3A_793 : i32
    %sign3A_795 = arith.constant 0 : i32
    %sign3A_796 = arith.cmpi sgt, %sub3A_792, %sign3A_795 : i32
    %sign3A_797 = arith.extui %sign3A_796 : i1 to i32
    %sign3A_798 = arith.constant 0 : i32
    %sign3A_799 = arith.cmpi slt, %sub3A_792, %sign3A_798 : i32
    %sign3A_800 = arith.extui %sign3A_799 : i1 to i32
    %sign3A_801 = arith.subi %sign3A_797, %sign3A_800 : i32
    %sign3A_802 = arith.constant 0 : i32
    %sign3A_803 = arith.cmpi sgt, %jit3A_793, %sign3A_802 : i32
    %sign3A_804 = arith.extui %sign3A_803 : i1 to i32
    %sign3A_805 = arith.constant 0 : i32
    %sign3A_806 = arith.cmpi slt, %jit3A_793, %sign3A_805 : i32
    %sign3A_807 = arith.extui %sign3A_806 : i1 to i32
    %sign3A_808 = arith.subi %sign3A_804, %sign3A_807 : i32
    %ne3A_809 = arith.cmpi ne, %sign3A_801, %sign3A_808 : i32
    %rem3A_810 = arith.remsi %sub3A_792, %jit3A_793 : i32
    %ne3A_811 = arith.constant 0 : i32
    %ne3A_812 = arith.cmpi ne, %rem3A_810, %ne3A_811 : i32
    %and3A_813 = arith.andi %ne3A_809, %ne3A_812 : i1
    %sub3A_814 = arith.constant 1 : i32
    %sub3A_815 = arith.subi %div3A_794, %sub3A_814 : i32
    %select_n3A_816 = arith.select %and3A_813, %sub3A_815, %div3A_794 : i32
    %while3A_817 = arith.constant 0 : i32
    %while3A_818 = arith.subi %select_n3A_816, %while3A_817 : i32
    %while3A_819 = arith.addi %while3A_817, %while3A_818 : i32
    %while3A_820 = arith.constant 1 : i32
    %while3A_821 = arith.divsi %while3A_818, %while3A_820 : i32
    %while3A_822 = arith.muli %while3A_821, %while3A_820 : i32
    %while3A_823 = arith.addi %while3A_817, %while3A_822 : i32
    %while3A_824 = arith.constant 1 : i32
    %while3A_825:32 = scf.for %while3A_1549 = %while3A_817 to %while3A_823 step %while3A_824 iter_args(%while3A_1550 = %broadcast_in_dim3A_3, %while3A_1551 = %broadcast_in_dim3A_3, %while3A_1552 = %broadcast_in_dim3A_3, %while3A_1553 = %broadcast_in_dim3A_3, %while3A_1554 = %broadcast_in_dim3A_3, %while3A_1555 = %broadcast_in_dim3A_3, %while3A_1556 = %broadcast_in_dim3A_3, %while3A_1557 = %broadcast_in_dim3A_3, %while3A_1558 = %broadcast_in_dim3A_5, %while3A_1559 = %broadcast_in_dim3A_5, %while3A_1560 = %broadcast_in_dim3A_5, %while3A_1561 = %broadcast_in_dim3A_5, %while3A_1562 = %broadcast_in_dim3A_5, %while3A_1563 = %broadcast_in_dim3A_5, %while3A_1564 = %broadcast_in_dim3A_5, %while3A_1565 = %broadcast_in_dim3A_5, %while3A_1566 = %broadcast_in_dim3A_3, %while3A_1567 = %broadcast_in_dim3A_3, %while3A_1568 = %broadcast_in_dim3A_3, %while3A_1569 = %broadcast_in_dim3A_3, %while3A_1570 = %broadcast_in_dim3A_3, %while3A_1571 = %broadcast_in_dim3A_3, %while3A_1572 = %broadcast_in_dim3A_3, %while3A_1573 = %broadcast_in_dim3A_3, %while3A_1574 = %broadcast_in_dim3A_5, %while3A_1575 = %broadcast_in_dim3A_5, %while3A_1576 = %broadcast_in_dim3A_5, %while3A_1577 = %broadcast_in_dim3A_5, %while3A_1578 = %broadcast_in_dim3A_5, %while3A_1579 = %broadcast_in_dim3A_5, %while3A_1580 = %broadcast_in_dim3A_5, %while3A_1581 = %broadcast_in_dim3A_5) -> (vector<16xf32>, vector<16xf32>, vector<16xf32>, vector<16xf32>, vector<16xf32>, vector<16xf32>, vector<16xf32>, vector<16xf32>, vector<16xi32>, vector<16xi32>, vector<16xi32>, vector<16xi32>, vector<16xi32>, vector<16xi32>, vector<16xi32>, vector<16xi32>, vector<16xf32>, vector<16xf32>, vector<16xf32>, vector<16xf32>, vector<16xf32>, vector<16xf32>, vector<16xf32>, vector<16xf32>, vector<16xi32>, vector<16xi32>, vector<16xi32>, vector<16xi32>, vector<16xi32>, vector<16xi32>, vector<16xi32>, vector<16xi32>)  : i32 {
      %mul3A_1582 = arith.constant 16 : i32
      %mul3A_1583 = arith.muli %while3A_1549, %mul3A_1582 : i32
      %add3A_1584 = vector.broadcast %mul3A_1583 : i32 to vector<16xi32>
      %add3A_1585 = arith.addi %add3A_1584, %iota3A : vector<16xi32>
      %lt3A_1586 = vector.broadcast %scan3A_43#2 : i32 to vector<16xi32>
      %lt3A_1587 = arith.cmpi slt, %add3A_1585, %lt3A_1586 : vector<16xi32>
      %mul3A_1588 = arith.constant 16 : i32
      %mul3A_1589 = arith.muli %while3A_1549, %mul3A_1588 : i32
      %add3A_1590 = arith.constant 4128 : i32
      %add3A_1591 = arith.addi %add3A_1590, %mul3A_1589 : i32
      %get3A = arith.index_cast %add3A_1591 : i32 to index
      %get3A_1592 = tpu.vector_load %arg6[%get3A] {strides = array<i32>} : memref<8256xi32, #tpu.memory_space<vmem>>, vector<16xi32>,
      %jit3A_1593 = arith.constant 0 : i32
      %jit3A_1594 = arith.constant 2047 : i32
      %max3A_1595 = vector.broadcast %jit3A_1593 : i32 to vector<16xi32>
      %max3A_1596 = arith.maxsi %max3A_1595, %get3A_1592 : vector<16xi32>
      %min3A = vector.broadcast %jit3A_1594 : i32 to vector<16xi32>
      %min3A_1597 = arith.minsi %min3A, %max3A_1596 : vector<16xi32>
      %broadcast_in_dim3A_1598 = arith.constant 2 : i32
      %broadcast_in_dim3A_1599 = vector.broadcast %broadcast_in_dim3A_1598 : i32 to vector<16xi32>
      %gather3A = tpu.vector_load_idx %arg5[%broadcast_in_dim3A_1599, %min3A_1597] : memref<4x2048xf32, #tpu.memory_space<vmem>>[vector<16xi32>, vector<16xi32>], vector<16xf32>,
      %select_n3A_1600 = arith.select %lt3A_1587, %gather3A, %broadcast_in_dim3A_3 : vector<16xi1>, vector<16xf32>
      %select_n3A_1601 = arith.select %lt3A_1587, %min3A_1597, %broadcast_in_dim3A_5 : vector<16xi1>, vector<16xi32>
      %gt3A = arith.cmpf ogt, %select_n3A_1600, %while3A_1550 : vector<16xf32>
      %eq3A_1602 = arith.cmpf oeq, %select_n3A_1600, %while3A_1550 : vector<16xf32>
      %lt3A_1603 = arith.cmpi slt, %select_n3A_1601, %while3A_1558 : vector<16xi32>
      %and3A_1604 = arith.andi %eq3A_1602, %lt3A_1603 : vector<16xi1>
      %or3A = arith.ori %gt3A, %and3A_1604 : vector<16xi1>
      %select_n3A_1605 = arith.select %or3A, %select_n3A_1600, %while3A_1550 : vector<16xi1>, vector<16xf32>
      %select_n3A_1606 = arith.select %or3A, %select_n3A_1601, %while3A_1558 : vector<16xi1>, vector<16xi32>
      %select_n3A_1607 = arith.select %or3A, %while3A_1550, %select_n3A_1600 : vector<16xi1>, vector<16xf32>
      %select_n3A_1608 = arith.select %or3A, %while3A_1558, %select_n3A_1601 : vector<16xi1>, vector<16xi32>
      %gt3A_1609 = arith.cmpf ogt, %select_n3A_1607, %while3A_1551 : vector<16xf32>
      %eq3A_1610 = arith.cmpf oeq, %select_n3A_1607, %while3A_1551 : vector<16xf32>
      %lt3A_1611 = arith.cmpi slt, %select_n3A_1608, %while3A_1559 : vector<16xi32>
      %and3A_1612 = arith.andi %eq3A_1610, %lt3A_1611 : vector<16xi1>
      %or3A_1613 = arith.ori %gt3A_1609, %and3A_1612 : vector<16xi1>
      %select_n3A_1614 = arith.select %or3A_1613, %select_n3A_1607, %while3A_1551 : vector<16xi1>, vector<16xf32>
      %select_n3A_1615 = arith.select %or3A_1613, %select_n3A_1608, %while3A_1559 : vector<16xi1>, vector<16xi32>
      %select_n3A_1616 = arith.select %or3A_1613, %while3A_1551, %select_n3A_1607 : vector<16xi1>, vector<16xf32>
      %select_n3A_1617 = arith.select %or3A_1613, %while3A_1559, %select_n3A_1608 : vector<16xi1>, vector<16xi32>
      %gt3A_1618 = arith.cmpf ogt, %select_n3A_1616, %while3A_1552 : vector<16xf32>
      %eq3A_1619 = arith.cmpf oeq, %select_n3A_1616, %while3A_1552 : vector<16xf32>
      %lt3A_1620 = arith.cmpi slt, %select_n3A_1617, %while3A_1560 : vector<16xi32>
      %and3A_1621 = arith.andi %eq3A_1619, %lt3A_1620 : vector<16xi1>
      %or3A_1622 = arith.ori %gt3A_1618, %and3A_1621 : vector<16xi1>
      %select_n3A_1623 = arith.select %or3A_1622, %select_n3A_1616, %while3A_1552 : vector<16xi1>, vector<16xf32>
      %select_n3A_1624 = arith.select %or3A_1622, %select_n3A_1617, %while3A_1560 : vector<16xi1>, vector<16xi32>
      %select_n3A_1625 = arith.select %or3A_1622, %while3A_1552, %select_n3A_1616 : vector<16xi1>, vector<16xf32>
      %select_n3A_1626 = arith.select %or3A_1622, %while3A_1560, %select_n3A_1617 : vector<16xi1>, vector<16xi32>
      %gt3A_1627 = arith.cmpf ogt, %select_n3A_1625, %while3A_1553 : vector<16xf32>
      %eq3A_1628 = arith.cmpf oeq, %select_n3A_1625, %while3A_1553 : vector<16xf32>
      %lt3A_1629 = arith.cmpi slt, %select_n3A_1626, %while3A_1561 : vector<16xi32>
      %and3A_1630 = arith.andi %eq3A_1628, %lt3A_1629 : vector<16xi1>
      %or3A_1631 = arith.ori %gt3A_1627, %and3A_1630 : vector<16xi1>
      %select_n3A_1632 = arith.select %or3A_1631, %select_n3A_1625, %while3A_1553 : vector<16xi1>, vector<16xf32>
      %select_n3A_1633 = arith.select %or3A_1631, %select_n3A_1626, %while3A_1561 : vector<16xi1>, vector<16xi32>
      %select_n3A_1634 = arith.select %or3A_1631, %while3A_1553, %select_n3A_1625 : vector<16xi1>, vector<16xf32>
      %select_n3A_1635 = arith.select %or3A_1631, %while3A_1561, %select_n3A_1626 : vector<16xi1>, vector<16xi32>
      %gt3A_1636 = arith.cmpf ogt, %select_n3A_1634, %while3A_1554 : vector<16xf32>
      %eq3A_1637 = arith.cmpf oeq, %select_n3A_1634, %while3A_1554 : vector<16xf32>
      %lt3A_1638 = arith.cmpi slt, %select_n3A_1635, %while3A_1562 : vector<16xi32>
      %and3A_1639 = arith.andi %eq3A_1637, %lt3A_1638 : vector<16xi1>
      %or3A_1640 = arith.ori %gt3A_1636, %and3A_1639 : vector<16xi1>
      %select_n3A_1641 = arith.select %or3A_1640, %select_n3A_1634, %while3A_1554 : vector<16xi1>, vector<16xf32>
      %select_n3A_1642 = arith.select %or3A_1640, %select_n3A_1635, %while3A_1562 : vector<16xi1>, vector<16xi32>
      %select_n3A_1643 = arith.select %or3A_1640, %while3A_1554, %select_n3A_1634 : vector<16xi1>, vector<16xf32>
      %select_n3A_1644 = arith.select %or3A_1640, %while3A_1562, %select_n3A_1635 : vector<16xi1>, vector<16xi32>
      %gt3A_1645 = arith.cmpf ogt, %select_n3A_1643, %while3A_1555 : vector<16xf32>
      %eq3A_1646 = arith.cmpf oeq, %select_n3A_1643, %while3A_1555 : vector<16xf32>
      %lt3A_1647 = arith.cmpi slt, %select_n3A_1644, %while3A_1563 : vector<16xi32>
      %and3A_1648 = arith.andi %eq3A_1646, %lt3A_1647 : vector<16xi1>
      %or3A_1649 = arith.ori %gt3A_1645, %and3A_1648 : vector<16xi1>
      %select_n3A_1650 = arith.select %or3A_1649, %select_n3A_1643, %while3A_1555 : vector<16xi1>, vector<16xf32>
      %select_n3A_1651 = arith.select %or3A_1649, %select_n3A_1644, %while3A_1563 : vector<16xi1>, vector<16xi32>
      %select_n3A_1652 = arith.select %or3A_1649, %while3A_1555, %select_n3A_1643 : vector<16xi1>, vector<16xf32>
      %select_n3A_1653 = arith.select %or3A_1649, %while3A_1563, %select_n3A_1644 : vector<16xi1>, vector<16xi32>
      %gt3A_1654 = arith.cmpf ogt, %select_n3A_1652, %while3A_1556 : vector<16xf32>
      %eq3A_1655 = arith.cmpf oeq, %select_n3A_1652, %while3A_1556 : vector<16xf32>
      %lt3A_1656 = arith.cmpi slt, %select_n3A_1653, %while3A_1564 : vector<16xi32>
      %and3A_1657 = arith.andi %eq3A_1655, %lt3A_1656 : vector<16xi1>
      %or3A_1658 = arith.ori %gt3A_1654, %and3A_1657 : vector<16xi1>
      %select_n3A_1659 = arith.select %or3A_1658, %select_n3A_1652, %while3A_1556 : vector<16xi1>, vector<16xf32>
      %select_n3A_1660 = arith.select %or3A_1658, %select_n3A_1653, %while3A_1564 : vector<16xi1>, vector<16xi32>
      %select_n3A_1661 = arith.select %or3A_1658, %while3A_1556, %select_n3A_1652 : vector<16xi1>, vector<16xf32>
      %select_n3A_1662 = arith.select %or3A_1658, %while3A_1564, %select_n3A_1653 : vector<16xi1>, vector<16xi32>
      %gt3A_1663 = arith.cmpf ogt, %select_n3A_1661, %while3A_1557 : vector<16xf32>
      %eq3A_1664 = arith.cmpf oeq, %select_n3A_1661, %while3A_1557 : vector<16xf32>
      %lt3A_1665 = arith.cmpi slt, %select_n3A_1662, %while3A_1565 : vector<16xi32>
      %and3A_1666 = arith.andi %eq3A_1664, %lt3A_1665 : vector<16xi1>
      %or3A_1667 = arith.ori %gt3A_1663, %and3A_1666 : vector<16xi1>
      %select_n3A_1668 = arith.select %or3A_1667, %select_n3A_1661, %while3A_1557 : vector<16xi1>, vector<16xf32>
      %select_n3A_1669 = arith.select %or3A_1667, %select_n3A_1662, %while3A_1565 : vector<16xi1>, vector<16xi32>
      %select_n3A_1670 = arith.select %or3A_1667, %while3A_1557, %select_n3A_1661 : vector<16xi1>, vector<16xf32>
      %select_n3A_1671 = arith.select %or3A_1667, %while3A_1565, %select_n3A_1662 : vector<16xi1>, vector<16xi32>
      %mul3A_1672 = arith.constant 16 : i32
      %mul3A_1673 = arith.muli %while3A_1549, %mul3A_1672 : i32
      %add3A_1674 = vector.broadcast %mul3A_1673 : i32 to vector<16xi32>
      %add3A_1675 = arith.addi %add3A_1674, %iota3A : vector<16xi32>
      %lt3A_1676 = vector.broadcast %scan3A_43#3 : i32 to vector<16xi32>
      %lt3A_1677 = arith.cmpi slt, %add3A_1675, %lt3A_1676 : vector<16xi32>
      %mul3A_1678 = arith.constant 16 : i32
      %mul3A_1679 = arith.muli %while3A_1549, %mul3A_1678 : i32
      %add3A_1680 = arith.constant 6192 : i32
      %add3A_1681 = arith.addi %add3A_1680, %mul3A_1679 : i32
      %get3A_1682 = arith.index_cast %add3A_1681 : i32 to index
      %get3A_1683 = tpu.vector_load %arg6[%get3A_1682] {strides = array<i32>} : memref<8256xi32, #tpu.memory_space<vmem>>, vector<16xi32>,
      %jit3A_1684 = arith.constant 0 : i32
      %jit3A_1685 = arith.constant 2047 : i32
      %max3A_1686 = vector.broadcast %jit3A_1684 : i32 to vector<16xi32>
      %max3A_1687 = arith.maxsi %max3A_1686, %get3A_1683 : vector<16xi32>
      %min3A_1688 = vector.broadcast %jit3A_1685 : i32 to vector<16xi32>
      %min3A_1689 = arith.minsi %min3A_1688, %max3A_1687 : vector<16xi32>
      %broadcast_in_dim3A_1690 = arith.constant 3 : i32
      %broadcast_in_dim3A_1691 = vector.broadcast %broadcast_in_dim3A_1690 : i32 to vector<16xi32>
      %gather3A_1692 = tpu.vector_load_idx %arg5[%broadcast_in_dim3A_1691, %min3A_1689] : memref<4x2048xf32, #tpu.memory_space<vmem>>[vector<16xi32>, vector<16xi32>], vector<16xf32>,
      %select_n3A_1693 = arith.select %lt3A_1677, %gather3A_1692, %broadcast_in_dim3A_3 : vector<16xi1>, vector<16xf32>
      %select_n3A_1694 = arith.select %lt3A_1677, %min3A_1689, %broadcast_in_dim3A_5 : vector<16xi1>, vector<16xi32>
      %gt3A_1695 = arith.cmpf ogt, %select_n3A_1693, %while3A_1566 : vector<16xf32>
      %eq3A_1696 = arith.cmpf oeq, %select_n3A_1693, %while3A_1566 : vector<16xf32>
      %lt3A_1697 = arith.cmpi slt, %select_n3A_1694, %while3A_1574 : vector<16xi32>
      %and3A_1698 = arith.andi %eq3A_1696, %lt3A_1697 : vector<16xi1>
      %or3A_1699 = arith.ori %gt3A_1695, %and3A_1698 : vector<16xi1>
      %select_n3A_1700 = arith.select %or3A_1699, %select_n3A_1693, %while3A_1566 : vector<16xi1>, vector<16xf32>
      %select_n3A_1701 = arith.select %or3A_1699, %select_n3A_1694, %while3A_1574 : vector<16xi1>, vector<16xi32>
      %select_n3A_1702 = arith.select %or3A_1699, %while3A_1566, %select_n3A_1693 : vector<16xi1>, vector<16xf32>
      %select_n3A_1703 = arith.select %or3A_1699, %while3A_1574, %select_n3A_1694 : vector<16xi1>, vector<16xi32>
      %gt3A_1704 = arith.cmpf ogt, %select_n3A_1702, %while3A_1567 : vector<16xf32>
      %eq3A_1705 = arith.cmpf oeq, %select_n3A_1702, %while3A_1567 : vector<16xf32>
      %lt3A_1706 = arith.cmpi slt, %select_n3A_1703, %while3A_1575 : vector<16xi32>
      %and3A_1707 = arith.andi %eq3A_1705, %lt3A_1706 : vector<16xi1>
      %or3A_1708 = arith.ori %gt3A_1704, %and3A_1707 : vector<16xi1>
      %select_n3A_1709 = arith.select %or3A_1708, %select_n3A_1702, %while3A_1567 : vector<16xi1>, vector<16xf32>
      %select_n3A_1710 = arith.select %or3A_1708, %select_n3A_1703, %while3A_1575 : vector<16xi1>, vector<16xi32>
      %select_n3A_1711 = arith.select %or3A_1708, %while3A_1567, %select_n3A_1702 : vector<16xi1>, vector<16xf32>
      %select_n3A_1712 = arith.select %or3A_1708, %while3A_1575, %select_n3A_1703 : vector<16xi1>, vector<16xi32>
      %gt3A_1713 = arith.cmpf ogt, %select_n3A_1711, %while3A_1568 : vector<16xf32>
      %eq3A_1714 = arith.cmpf oeq, %select_n3A_1711, %while3A_1568 : vector<16xf32>
      %lt3A_1715 = arith.cmpi slt, %select_n3A_1712, %while3A_1576 : vector<16xi32>
      %and3A_1716 = arith.andi %eq3A_1714, %lt3A_1715 : vector<16xi1>
      %or3A_1717 = arith.ori %gt3A_1713, %and3A_1716 : vector<16xi1>
      %select_n3A_1718 = arith.select %or3A_1717, %select_n3A_1711, %while3A_1568 : vector<16xi1>, vector<16xf32>
      %select_n3A_1719 = arith.select %or3A_1717, %select_n3A_1712, %while3A_1576 : vector<16xi1>, vector<16xi32>
      %select_n3A_1720 = arith.select %or3A_1717, %while3A_1568, %select_n3A_1711 : vector<16xi1>, vector<16xf32>
      %select_n3A_1721 = arith.select %or3A_1717, %while3A_1576, %select_n3A_1712 : vector<16xi1>, vector<16xi32>
      %gt3A_1722 = arith.cmpf ogt, %select_n3A_1720, %while3A_1569 : vector<16xf32>
      %eq3A_1723 = arith.cmpf oeq, %select_n3A_1720, %while3A_1569 : vector<16xf32>
      %lt3A_1724 = arith.cmpi slt, %select_n3A_1721, %while3A_1577 : vector<16xi32>
      %and3A_1725 = arith.andi %eq3A_1723, %lt3A_1724 : vector<16xi1>
      %or3A_1726 = arith.ori %gt3A_1722, %and3A_1725 : vector<16xi1>
      %select_n3A_1727 = arith.select %or3A_1726, %select_n3A_1720, %while3A_1569 : vector<16xi1>, vector<16xf32>
      %select_n3A_1728 = arith.select %or3A_1726, %select_n3A_1721, %while3A_1577 : vector<16xi1>, vector<16xi32>
      %select_n3A_1729 = arith.select %or3A_1726, %while3A_1569, %select_n3A_1720 : vector<16xi1>, vector<16xf32>
      %select_n3A_1730 = arith.select %or3A_1726, %while3A_1577, %select_n3A_1721 : vector<16xi1>, vector<16xi32>
      %gt3A_1731 = arith.cmpf ogt, %select_n3A_1729, %while3A_1570 : vector<16xf32>
      %eq3A_1732 = arith.cmpf oeq, %select_n3A_1729, %while3A_1570 : vector<16xf32>
      %lt3A_1733 = arith.cmpi slt, %select_n3A_1730, %while3A_1578 : vector<16xi32>
      %and3A_1734 = arith.andi %eq3A_1732, %lt3A_1733 : vector<16xi1>
      %or3A_1735 = arith.ori %gt3A_1731, %and3A_1734 : vector<16xi1>
      %select_n3A_1736 = arith.select %or3A_1735, %select_n3A_1729, %while3A_1570 : vector<16xi1>, vector<16xf32>
      %select_n3A_1737 = arith.select %or3A_1735, %select_n3A_1730, %while3A_1578 : vector<16xi1>, vector<16xi32>
      %select_n3A_1738 = arith.select %or3A_1735, %while3A_1570, %select_n3A_1729 : vector<16xi1>, vector<16xf32>
      %select_n3A_1739 = arith.select %or3A_1735, %while3A_1578, %select_n3A_1730 : vector<16xi1>, vector<16xi32>
      %gt3A_1740 = arith.cmpf ogt, %select_n3A_1738, %while3A_1571 : vector<16xf32>
      %eq3A_1741 = arith.cmpf oeq, %select_n3A_1738, %while3A_1571 : vector<16xf32>
      %lt3A_1742 = arith.cmpi slt, %select_n3A_1739, %while3A_1579 : vector<16xi32>
      %and3A_1743 = arith.andi %eq3A_1741, %lt3A_1742 : vector<16xi1>
      %or3A_1744 = arith.ori %gt3A_1740, %and3A_1743 : vector<16xi1>
      %select_n3A_1745 = arith.select %or3A_1744, %select_n3A_1738, %while3A_1571 : vector<16xi1>, vector<16xf32>
      %select_n3A_1746 = arith.select %or3A_1744, %select_n3A_1739, %while3A_1579 : vector<16xi1>, vector<16xi32>
      %select_n3A_1747 = arith.select %or3A_1744, %while3A_1571, %select_n3A_1738 : vector<16xi1>, vector<16xf32>
      %select_n3A_1748 = arith.select %or3A_1744, %while3A_1579, %select_n3A_1739 : vector<16xi1>, vector<16xi32>
      %gt3A_1749 = arith.cmpf ogt, %select_n3A_1747, %while3A_1572 : vector<16xf32>
      %eq3A_1750 = arith.cmpf oeq, %select_n3A_1747, %while3A_1572 : vector<16xf32>
      %lt3A_1751 = arith.cmpi slt, %select_n3A_1748, %while3A_1580 : vector<16xi32>
      %and3A_1752 = arith.andi %eq3A_1750, %lt3A_1751 : vector<16xi1>
      %or3A_1753 = arith.ori %gt3A_1749, %and3A_1752 : vector<16xi1>
      %select_n3A_1754 = arith.select %or3A_1753, %select_n3A_1747, %while3A_1572 : vector<16xi1>, vector<16xf32>
      %select_n3A_1755 = arith.select %or3A_1753, %select_n3A_1748, %while3A_1580 : vector<16xi1>, vector<16xi32>
      %select_n3A_1756 = arith.select %or3A_1753, %while3A_1572, %select_n3A_1747 : vector<16xi1>, vector<16xf32>
      %select_n3A_1757 = arith.select %or3A_1753, %while3A_1580, %select_n3A_1748 : vector<16xi1>, vector<16xi32>
      %gt3A_1758 = arith.cmpf ogt, %select_n3A_1756, %while3A_1573 : vector<16xf32>
      %eq3A_1759 = arith.cmpf oeq, %select_n3A_1756, %while3A_1573 : vector<16xf32>
      %lt3A_1760 = arith.cmpi slt, %select_n3A_1757, %while3A_1581 : vector<16xi32>
      %and3A_1761 = arith.andi %eq3A_1759, %lt3A_1760 : vector<16xi1>
      %or3A_1762 = arith.ori %gt3A_1758, %and3A_1761 : vector<16xi1>
      %select_n3A_1763 = arith.select %or3A_1762, %select_n3A_1756, %while3A_1573 : vector<16xi1>, vector<16xf32>
      %select_n3A_1764 = arith.select %or3A_1762, %select_n3A_1757, %while3A_1581 : vector<16xi1>, vector<16xi32>
      %select_n3A_1765 = arith.select %or3A_1762, %while3A_1573, %select_n3A_1756 : vector<16xi1>, vector<16xf32>
      %select_n3A_1766 = arith.select %or3A_1762, %while3A_1581, %select_n3A_1757 : vector<16xi1>, vector<16xi32>
      scf.yield %select_n3A_1605, %select_n3A_1614, %select_n3A_1623, %select_n3A_1632, %select_n3A_1641, %select_n3A_1650, %select_n3A_1659, %select_n3A_1668, %select_n3A_1606, %select_n3A_1615, %select_n3A_1624, %select_n3A_1633, %select_n3A_1642, %select_n3A_1651, %select_n3A_1660, %select_n3A_1669, %select_n3A_1700, %select_n3A_1709, %select_n3A_1718, %select_n3A_1727, %select_n3A_1736, %select_n3A_1745, %select_n3A_1754, %select_n3A_1763, %select_n3A_1701, %select_n3A_1710, %select_n3A_1719, %select_n3A_1728, %select_n3A_1737, %select_n3A_1746, %select_n3A_1755, %select_n3A_1764 : vector<16xf32>, vector<16xf32>, vector<16xf32>, vector<16xf32>, vector<16xf32>, vector<16xf32>, vector<16xf32>, vector<16xf32>, vector<16xi32>, vector<16xi32>, vector<16xi32>, vector<16xi32>, vector<16xi32>, vector<16xi32>, vector<16xi32>, vector<16xi32>, vector<16xf32>, vector<16xf32>, vector<16xf32>, vector<16xf32>, vector<16xf32>, vector<16xf32>, vector<16xf32>, vector<16xf32>, vector<16xi32>, vector<16xi32>, vector<16xi32>, vector<16xi32>, vector<16xi32>, vector<16xi32>, vector<16xi32>, vector<16xi32>
    }
    %while3A_826 = arith.constant 1 : i32
    %while3A_827:32 = scf.for %while3A_1549 = %while3A_823 to %while3A_819 step %while3A_826 iter_args(%while3A_1550 = %while3A_825#0, %while3A_1551 = %while3A_825#1, %while3A_1552 = %while3A_825#2, %while3A_1553 = %while3A_825#3, %while3A_1554 = %while3A_825#4, %while3A_1555 = %while3A_825#5, %while3A_1556 = %while3A_825#6, %while3A_1557 = %while3A_825#7, %while3A_1558 = %while3A_825#8, %while3A_1559 = %while3A_825#9, %while3A_1560 = %while3A_825#10, %while3A_1561 = %while3A_825#11, %while3A_1562 = %while3A_825#12, %while3A_1563 = %while3A_825#13, %while3A_1564 = %while3A_825#14, %while3A_1565 = %while3A_825#15, %while3A_1566 = %while3A_825#16, %while3A_1567 = %while3A_825#17, %while3A_1568 = %while3A_825#18, %while3A_1569 = %while3A_825#19, %while3A_1570 = %while3A_825#20, %while3A_1571 = %while3A_825#21, %while3A_1572 = %while3A_825#22, %while3A_1573 = %while3A_825#23, %while3A_1574 = %while3A_825#24, %while3A_1575 = %while3A_825#25, %while3A_1576 = %while3A_825#26, %while3A_1577 = %while3A_825#27, %while3A_1578 = %while3A_825#28, %while3A_1579 = %while3A_825#29, %while3A_1580 = %while3A_825#30, %while3A_1581 = %while3A_825#31) -> (vector<16xf32>, vector<16xf32>, vector<16xf32>, vector<16xf32>, vector<16xf32>, vector<16xf32>, vector<16xf32>, vector<16xf32>, vector<16xi32>, vector<16xi32>, vector<16xi32>, vector<16xi32>, vector<16xi32>, vector<16xi32>, vector<16xi32>, vector<16xi32>, vector<16xf32>, vector<16xf32>, vector<16xf32>, vector<16xf32>, vector<16xf32>, vector<16xf32>, vector<16xf32>, vector<16xf32>, vector<16xi32>, vector<16xi32>, vector<16xi32>, vector<16xi32>, vector<16xi32>, vector<16xi32>, vector<16xi32>, vector<16xi32>)  : i32 {
      %mul3A_1582 = arith.constant 16 : i32
      %mul3A_1583 = arith.muli %while3A_1549, %mul3A_1582 : i32
      %add3A_1584 = vector.broadcast %mul3A_1583 : i32 to vector<16xi32>
      %add3A_1585 = arith.addi %add3A_1584, %iota3A : vector<16xi32>
      %lt3A_1586 = vector.broadcast %scan3A_43#2 : i32 to vector<16xi32>
      %lt3A_1587 = arith.cmpi slt, %add3A_1585, %lt3A_1586 : vector<16xi32>
      %mul3A_1588 = arith.constant 16 : i32
      %mul3A_1589 = arith.muli %while3A_1549, %mul3A_1588 : i32
      %add3A_1590 = arith.constant 4128 : i32
      %add3A_1591 = arith.addi %add3A_1590, %mul3A_1589 : i32
      %get3A = arith.index_cast %add3A_1591 : i32 to index
      %get3A_1592 = tpu.vector_load %arg6[%get3A] {strides = array<i32>} : memref<8256xi32, #tpu.memory_space<vmem>>, vector<16xi32>,
      %jit3A_1593 = arith.constant 0 : i32
      %jit3A_1594 = arith.constant 2047 : i32
      %max3A_1595 = vector.broadcast %jit3A_1593 : i32 to vector<16xi32>
      %max3A_1596 = arith.maxsi %max3A_1595, %get3A_1592 : vector<16xi32>
      %min3A = vector.broadcast %jit3A_1594 : i32 to vector<16xi32>
      %min3A_1597 = arith.minsi %min3A, %max3A_1596 : vector<16xi32>
      %broadcast_in_dim3A_1598 = arith.constant 2 : i32
      %broadcast_in_dim3A_1599 = vector.broadcast %broadcast_in_dim3A_1598 : i32 to vector<16xi32>
      %gather3A = tpu.vector_load_idx %arg5[%broadcast_in_dim3A_1599, %min3A_1597] : memref<4x2048xf32, #tpu.memory_space<vmem>>[vector<16xi32>, vector<16xi32>], vector<16xf32>,
      %select_n3A_1600 = arith.select %lt3A_1587, %gather3A, %broadcast_in_dim3A_3 : vector<16xi1>, vector<16xf32>
      %select_n3A_1601 = arith.select %lt3A_1587, %min3A_1597, %broadcast_in_dim3A_5 : vector<16xi1>, vector<16xi32>
      %gt3A = arith.cmpf ogt, %select_n3A_1600, %while3A_1550 : vector<16xf32>
      %eq3A_1602 = arith.cmpf oeq, %select_n3A_1600, %while3A_1550 : vector<16xf32>
      %lt3A_1603 = arith.cmpi slt, %select_n3A_1601, %while3A_1558 : vector<16xi32>
      %and3A_1604 = arith.andi %eq3A_1602, %lt3A_1603 : vector<16xi1>
      %or3A = arith.ori %gt3A, %and3A_1604 : vector<16xi1>
      %select_n3A_1605 = arith.select %or3A, %select_n3A_1600, %while3A_1550 : vector<16xi1>, vector<16xf32>
      %select_n3A_1606 = arith.select %or3A, %select_n3A_1601, %while3A_1558 : vector<16xi1>, vector<16xi32>
      %select_n3A_1607 = arith.select %or3A, %while3A_1550, %select_n3A_1600 : vector<16xi1>, vector<16xf32>
      %select_n3A_1608 = arith.select %or3A, %while3A_1558, %select_n3A_1601 : vector<16xi1>, vector<16xi32>
      %gt3A_1609 = arith.cmpf ogt, %select_n3A_1607, %while3A_1551 : vector<16xf32>
      %eq3A_1610 = arith.cmpf oeq, %select_n3A_1607, %while3A_1551 : vector<16xf32>
      %lt3A_1611 = arith.cmpi slt, %select_n3A_1608, %while3A_1559 : vector<16xi32>
      %and3A_1612 = arith.andi %eq3A_1610, %lt3A_1611 : vector<16xi1>
      %or3A_1613 = arith.ori %gt3A_1609, %and3A_1612 : vector<16xi1>
      %select_n3A_1614 = arith.select %or3A_1613, %select_n3A_1607, %while3A_1551 : vector<16xi1>, vector<16xf32>
      %select_n3A_1615 = arith.select %or3A_1613, %select_n3A_1608, %while3A_1559 : vector<16xi1>, vector<16xi32>
      %select_n3A_1616 = arith.select %or3A_1613, %while3A_1551, %select_n3A_1607 : vector<16xi1>, vector<16xf32>
      %select_n3A_1617 = arith.select %or3A_1613, %while3A_1559, %select_n3A_1608 : vector<16xi1>, vector<16xi32>
      %gt3A_1618 = arith.cmpf ogt, %select_n3A_1616, %while3A_1552 : vector<16xf32>
      %eq3A_1619 = arith.cmpf oeq, %select_n3A_1616, %while3A_1552 : vector<16xf32>
      %lt3A_1620 = arith.cmpi slt, %select_n3A_1617, %while3A_1560 : vector<16xi32>
      %and3A_1621 = arith.andi %eq3A_1619, %lt3A_1620 : vector<16xi1>
      %or3A_1622 = arith.ori %gt3A_1618, %and3A_1621 : vector<16xi1>
      %select_n3A_1623 = arith.select %or3A_1622, %select_n3A_1616, %while3A_1552 : vector<16xi1>, vector<16xf32>
      %select_n3A_1624 = arith.select %or3A_1622, %select_n3A_1617, %while3A_1560 : vector<16xi1>, vector<16xi32>
      %select_n3A_1625 = arith.select %or3A_1622, %while3A_1552, %select_n3A_1616 : vector<16xi1>, vector<16xf32>
      %select_n3A_1626 = arith.select %or3A_1622, %while3A_1560, %select_n3A_1617 : vector<16xi1>, vector<16xi32>
      %gt3A_1627 = arith.cmpf ogt, %select_n3A_1625, %while3A_1553 : vector<16xf32>
      %eq3A_1628 = arith.cmpf oeq, %select_n3A_1625, %while3A_1553 : vector<16xf32>
      %lt3A_1629 = arith.cmpi slt, %select_n3A_1626, %while3A_1561 : vector<16xi32>
      %and3A_1630 = arith.andi %eq3A_1628, %lt3A_1629 : vector<16xi1>
      %or3A_1631 = arith.ori %gt3A_1627, %and3A_1630 : vector<16xi1>
      %select_n3A_1632 = arith.select %or3A_1631, %select_n3A_1625, %while3A_1553 : vector<16xi1>, vector<16xf32>
      %select_n3A_1633 = arith.select %or3A_1631, %select_n3A_1626, %while3A_1561 : vector<16xi1>, vector<16xi32>
      %select_n3A_1634 = arith.select %or3A_1631, %while3A_1553, %select_n3A_1625 : vector<16xi1>, vector<16xf32>
      %select_n3A_1635 = arith.select %or3A_1631, %while3A_1561, %select_n3A_1626 : vector<16xi1>, vector<16xi32>
      %gt3A_1636 = arith.cmpf ogt, %select_n3A_1634, %while3A_1554 : vector<16xf32>
      %eq3A_1637 = arith.cmpf oeq, %select_n3A_1634, %while3A_1554 : vector<16xf32>
      %lt3A_1638 = arith.cmpi slt, %select_n3A_1635, %while3A_1562 : vector<16xi32>
      %and3A_1639 = arith.andi %eq3A_1637, %lt3A_1638 : vector<16xi1>
      %or3A_1640 = arith.ori %gt3A_1636, %and3A_1639 : vector<16xi1>
      %select_n3A_1641 = arith.select %or3A_1640, %select_n3A_1634, %while3A_1554 : vector<16xi1>, vector<16xf32>
      %select_n3A_1642 = arith.select %or3A_1640, %select_n3A_1635, %while3A_1562 : vector<16xi1>, vector<16xi32>
      %select_n3A_1643 = arith.select %or3A_1640, %while3A_1554, %select_n3A_1634 : vector<16xi1>, vector<16xf32>
      %select_n3A_1644 = arith.select %or3A_1640, %while3A_1562, %select_n3A_1635 : vector<16xi1>, vector<16xi32>
      %gt3A_1645 = arith.cmpf ogt, %select_n3A_1643, %while3A_1555 : vector<16xf32>
      %eq3A_1646 = arith.cmpf oeq, %select_n3A_1643, %while3A_1555 : vector<16xf32>
      %lt3A_1647 = arith.cmpi slt, %select_n3A_1644, %while3A_1563 : vector<16xi32>
      %and3A_1648 = arith.andi %eq3A_1646, %lt3A_1647 : vector<16xi1>
      %or3A_1649 = arith.ori %gt3A_1645, %and3A_1648 : vector<16xi1>
      %select_n3A_1650 = arith.select %or3A_1649, %select_n3A_1643, %while3A_1555 : vector<16xi1>, vector<16xf32>
      %select_n3A_1651 = arith.select %or3A_1649, %select_n3A_1644, %while3A_1563 : vector<16xi1>, vector<16xi32>
      %select_n3A_1652 = arith.select %or3A_1649, %while3A_1555, %select_n3A_1643 : vector<16xi1>, vector<16xf32>
      %select_n3A_1653 = arith.select %or3A_1649, %while3A_1563, %select_n3A_1644 : vector<16xi1>, vector<16xi32>
      %gt3A_1654 = arith.cmpf ogt, %select_n3A_1652, %while3A_1556 : vector<16xf32>
      %eq3A_1655 = arith.cmpf oeq, %select_n3A_1652, %while3A_1556 : vector<16xf32>
      %lt3A_1656 = arith.cmpi slt, %select_n3A_1653, %while3A_1564 : vector<16xi32>
      %and3A_1657 = arith.andi %eq3A_1655, %lt3A_1656 : vector<16xi1>
      %or3A_1658 = arith.ori %gt3A_1654, %and3A_1657 : vector<16xi1>
      %select_n3A_1659 = arith.select %or3A_1658, %select_n3A_1652, %while3A_1556 : vector<16xi1>, vector<16xf32>
      %select_n3A_1660 = arith.select %or3A_1658, %select_n3A_1653, %while3A_1564 : vector<16xi1>, vector<16xi32>
      %select_n3A_1661 = arith.select %or3A_1658, %while3A_1556, %select_n3A_1652 : vector<16xi1>, vector<16xf32>
      %select_n3A_1662 = arith.select %or3A_1658, %while3A_1564, %select_n3A_1653 : vector<16xi1>, vector<16xi32>
      %gt3A_1663 = arith.cmpf ogt, %select_n3A_1661, %while3A_1557 : vector<16xf32>
      %eq3A_1664 = arith.cmpf oeq, %select_n3A_1661, %while3A_1557 : vector<16xf32>
      %lt3A_1665 = arith.cmpi slt, %select_n3A_1662, %while3A_1565 : vector<16xi32>
      %and3A_1666 = arith.andi %eq3A_1664, %lt3A_1665 : vector<16xi1>
      %or3A_1667 = arith.ori %gt3A_1663, %and3A_1666 : vector<16xi1>
      %select_n3A_1668 = arith.select %or3A_1667, %select_n3A_1661, %while3A_1557 : vector<16xi1>, vector<16xf32>
      %select_n3A_1669 = arith.select %or3A_1667, %select_n3A_1662, %while3A_1565 : vector<16xi1>, vector<16xi32>
      %select_n3A_1670 = arith.select %or3A_1667, %while3A_1557, %select_n3A_1661 : vector<16xi1>, vector<16xf32>
      %select_n3A_1671 = arith.select %or3A_1667, %while3A_1565, %select_n3A_1662 : vector<16xi1>, vector<16xi32>
      %mul3A_1672 = arith.constant 16 : i32
      %mul3A_1673 = arith.muli %while3A_1549, %mul3A_1672 : i32
      %add3A_1674 = vector.broadcast %mul3A_1673 : i32 to vector<16xi32>
      %add3A_1675 = arith.addi %add3A_1674, %iota3A : vector<16xi32>
      %lt3A_1676 = vector.broadcast %scan3A_43#3 : i32 to vector<16xi32>
      %lt3A_1677 = arith.cmpi slt, %add3A_1675, %lt3A_1676 : vector<16xi32>
      %mul3A_1678 = arith.constant 16 : i32
      %mul3A_1679 = arith.muli %while3A_1549, %mul3A_1678 : i32
      %add3A_1680 = arith.constant 6192 : i32
      %add3A_1681 = arith.addi %add3A_1680, %mul3A_1679 : i32
      %get3A_1682 = arith.index_cast %add3A_1681 : i32 to index
      %get3A_1683 = tpu.vector_load %arg6[%get3A_1682] {strides = array<i32>} : memref<8256xi32, #tpu.memory_space<vmem>>, vector<16xi32>,
      %jit3A_1684 = arith.constant 0 : i32
      %jit3A_1685 = arith.constant 2047 : i32
      %max3A_1686 = vector.broadcast %jit3A_1684 : i32 to vector<16xi32>
      %max3A_1687 = arith.maxsi %max3A_1686, %get3A_1683 : vector<16xi32>
      %min3A_1688 = vector.broadcast %jit3A_1685 : i32 to vector<16xi32>
      %min3A_1689 = arith.minsi %min3A_1688, %max3A_1687 : vector<16xi32>
      %broadcast_in_dim3A_1690 = arith.constant 3 : i32
      %broadcast_in_dim3A_1691 = vector.broadcast %broadcast_in_dim3A_1690 : i32 to vector<16xi32>
      %gather3A_1692 = tpu.vector_load_idx %arg5[%broadcast_in_dim3A_1691, %min3A_1689] : memref<4x2048xf32, #tpu.memory_space<vmem>>[vector<16xi32>, vector<16xi32>], vector<16xf32>,
      %select_n3A_1693 = arith.select %lt3A_1677, %gather3A_1692, %broadcast_in_dim3A_3 : vector<16xi1>, vector<16xf32>
      %select_n3A_1694 = arith.select %lt3A_1677, %min3A_1689, %broadcast_in_dim3A_5 : vector<16xi1>, vector<16xi32>
      %gt3A_1695 = arith.cmpf ogt, %select_n3A_1693, %while3A_1566 : vector<16xf32>
      %eq3A_1696 = arith.cmpf oeq, %select_n3A_1693, %while3A_1566 : vector<16xf32>
      %lt3A_1697 = arith.cmpi slt, %select_n3A_1694, %while3A_1574 : vector<16xi32>
      %and3A_1698 = arith.andi %eq3A_1696, %lt3A_1697 : vector<16xi1>
      %or3A_1699 = arith.ori %gt3A_1695, %and3A_1698 : vector<16xi1>
      %select_n3A_1700 = arith.select %or3A_1699, %select_n3A_1693, %while3A_1566 : vector<16xi1>, vector<16xf32>
      %select_n3A_1701 = arith.select %or3A_1699, %select_n3A_1694, %while3A_1574 : vector<16xi1>, vector<16xi32>
      %select_n3A_1702 = arith.select %or3A_1699, %while3A_1566, %select_n3A_1693 : vector<16xi1>, vector<16xf32>
      %select_n3A_1703 = arith.select %or3A_1699, %while3A_1574, %select_n3A_1694 : vector<16xi1>, vector<16xi32>
      %gt3A_1704 = arith.cmpf ogt, %select_n3A_1702, %while3A_1567 : vector<16xf32>
      %eq3A_1705 = arith.cmpf oeq, %select_n3A_1702, %while3A_1567 : vector<16xf32>
      %lt3A_1706 = arith.cmpi slt, %select_n3A_1703, %while3A_1575 : vector<16xi32>
      %and3A_1707 = arith.andi %eq3A_1705, %lt3A_1706 : vector<16xi1>
      %or3A_1708 = arith.ori %gt3A_1704, %and3A_1707 : vector<16xi1>
      %select_n3A_1709 = arith.select %or3A_1708, %select_n3A_1702, %while3A_1567 : vector<16xi1>, vector<16xf32>
      %select_n3A_1710 = arith.select %or3A_1708, %select_n3A_1703, %while3A_1575 : vector<16xi1>, vector<16xi32>
      %select_n3A_1711 = arith.select %or3A_1708, %while3A_1567, %select_n3A_1702 : vector<16xi1>, vector<16xf32>
      %select_n3A_1712 = arith.select %or3A_1708, %while3A_1575, %select_n3A_1703 : vector<16xi1>, vector<16xi32>
      %gt3A_1713 = arith.cmpf ogt, %select_n3A_1711, %while3A_1568 : vector<16xf32>
      %eq3A_1714 = arith.cmpf oeq, %select_n3A_1711, %while3A_1568 : vector<16xf32>
      %lt3A_1715 = arith.cmpi slt, %select_n3A_1712, %while3A_1576 : vector<16xi32>
      %and3A_1716 = arith.andi %eq3A_1714, %lt3A_1715 : vector<16xi1>
      %or3A_1717 = arith.ori %gt3A_1713, %and3A_1716 : vector<16xi1>
      %select_n3A_1718 = arith.select %or3A_1717, %select_n3A_1711, %while3A_1568 : vector<16xi1>, vector<16xf32>
      %select_n3A_1719 = arith.select %or3A_1717, %select_n3A_1712, %while3A_1576 : vector<16xi1>, vector<16xi32>
      %select_n3A_1720 = arith.select %or3A_1717, %while3A_1568, %select_n3A_1711 : vector<16xi1>, vector<16xf32>
      %select_n3A_1721 = arith.select %or3A_1717, %while3A_1576, %select_n3A_1712 : vector<16xi1>, vector<16xi32>
      %gt3A_1722 = arith.cmpf ogt, %select_n3A_1720, %while3A_1569 : vector<16xf32>
      %eq3A_1723 = arith.cmpf oeq, %select_n3A_1720, %while3A_1569 : vector<16xf32>
      %lt3A_1724 = arith.cmpi slt, %select_n3A_1721, %while3A_1577 : vector<16xi32>
      %and3A_1725 = arith.andi %eq3A_1723, %lt3A_1724 : vector<16xi1>
      %or3A_1726 = arith.ori %gt3A_1722, %and3A_1725 : vector<16xi1>
      %select_n3A_1727 = arith.select %or3A_1726, %select_n3A_1720, %while3A_1569 : vector<16xi1>, vector<16xf32>
      %select_n3A_1728 = arith.select %or3A_1726, %select_n3A_1721, %while3A_1577 : vector<16xi1>, vector<16xi32>
      %select_n3A_1729 = arith.select %or3A_1726, %while3A_1569, %select_n3A_1720 : vector<16xi1>, vector<16xf32>
      %select_n3A_1730 = arith.select %or3A_1726, %while3A_1577, %select_n3A_1721 : vector<16xi1>, vector<16xi32>
      %gt3A_1731 = arith.cmpf ogt, %select_n3A_1729, %while3A_1570 : vector<16xf32>
      %eq3A_1732 = arith.cmpf oeq, %select_n3A_1729, %while3A_1570 : vector<16xf32>
      %lt3A_1733 = arith.cmpi slt, %select_n3A_1730, %while3A_1578 : vector<16xi32>
      %and3A_1734 = arith.andi %eq3A_1732, %lt3A_1733 : vector<16xi1>
      %or3A_1735 = arith.ori %gt3A_1731, %and3A_1734 : vector<16xi1>
      %select_n3A_1736 = arith.select %or3A_1735, %select_n3A_1729, %while3A_1570 : vector<16xi1>, vector<16xf32>
      %select_n3A_1737 = arith.select %or3A_1735, %select_n3A_1730, %while3A_1578 : vector<16xi1>, vector<16xi32>
      %select_n3A_1738 = arith.select %or3A_1735, %while3A_1570, %select_n3A_1729 : vector<16xi1>, vector<16xf32>
      %select_n3A_1739 = arith.select %or3A_1735, %while3A_1578, %select_n3A_1730 : vector<16xi1>, vector<16xi32>
      %gt3A_1740 = arith.cmpf ogt, %select_n3A_1738, %while3A_1571 : vector<16xf32>
      %eq3A_1741 = arith.cmpf oeq, %select_n3A_1738, %while3A_1571 : vector<16xf32>
      %lt3A_1742 = arith.cmpi slt, %select_n3A_1739, %while3A_1579 : vector<16xi32>
      %and3A_1743 = arith.andi %eq3A_1741, %lt3A_1742 : vector<16xi1>
      %or3A_1744 = arith.ori %gt3A_1740, %and3A_1743 : vector<16xi1>
      %select_n3A_1745 = arith.select %or3A_1744, %select_n3A_1738, %while3A_1571 : vector<16xi1>, vector<16xf32>
      %select_n3A_1746 = arith.select %or3A_1744, %select_n3A_1739, %while3A_1579 : vector<16xi1>, vector<16xi32>
      %select_n3A_1747 = arith.select %or3A_1744, %while3A_1571, %select_n3A_1738 : vector<16xi1>, vector<16xf32>
      %select_n3A_1748 = arith.select %or3A_1744, %while3A_1579, %select_n3A_1739 : vector<16xi1>, vector<16xi32>
      %gt3A_1749 = arith.cmpf ogt, %select_n3A_1747, %while3A_1572 : vector<16xf32>
      %eq3A_1750 = arith.cmpf oeq, %select_n3A_1747, %while3A_1572 : vector<16xf32>
      %lt3A_1751 = arith.cmpi slt, %select_n3A_1748, %while3A_1580 : vector<16xi32>
      %and3A_1752 = arith.andi %eq3A_1750, %lt3A_1751 : vector<16xi1>
      %or3A_1753 = arith.ori %gt3A_1749, %and3A_1752 : vector<16xi1>
      %select_n3A_1754 = arith.select %or3A_1753, %select_n3A_1747, %while3A_1572 : vector<16xi1>, vector<16xf32>
      %select_n3A_1755 = arith.select %or3A_1753, %select_n3A_1748, %while3A_1580 : vector<16xi1>, vector<16xi32>
      %select_n3A_1756 = arith.select %or3A_1753, %while3A_1572, %select_n3A_1747 : vector<16xi1>, vector<16xf32>
      %select_n3A_1757 = arith.select %or3A_1753, %while3A_1580, %select_n3A_1748 : vector<16xi1>, vector<16xi32>
      %gt3A_1758 = arith.cmpf ogt, %select_n3A_1756, %while3A_1573 : vector<16xf32>
      %eq3A_1759 = arith.cmpf oeq, %select_n3A_1756, %while3A_1573 : vector<16xf32>
      %lt3A_1760 = arith.cmpi slt, %select_n3A_1757, %while3A_1581 : vector<16xi32>
      %and3A_1761 = arith.andi %eq3A_1759, %lt3A_1760 : vector<16xi1>
      %or3A_1762 = arith.ori %gt3A_1758, %and3A_1761 : vector<16xi1>
      %select_n3A_1763 = arith.select %or3A_1762, %select_n3A_1756, %while3A_1573 : vector<16xi1>, vector<16xf32>
      %select_n3A_1764 = arith.select %or3A_1762, %select_n3A_1757, %while3A_1581 : vector<16xi1>, vector<16xi32>
      %select_n3A_1765 = arith.select %or3A_1762, %while3A_1573, %select_n3A_1756 : vector<16xi1>, vector<16xf32>
      %select_n3A_1766 = arith.select %or3A_1762, %while3A_1581, %select_n3A_1757 : vector<16xi1>, vector<16xi32>
      scf.yield %select_n3A_1605, %select_n3A_1614, %select_n3A_1623, %select_n3A_1632, %select_n3A_1641, %select_n3A_1650, %select_n3A_1659, %select_n3A_1668, %select_n3A_1606, %select_n3A_1615, %select_n3A_1624, %select_n3A_1633, %select_n3A_1642, %select_n3A_1651, %select_n3A_1660, %select_n3A_1669, %select_n3A_1700, %select_n3A_1709, %select_n3A_1718, %select_n3A_1727, %select_n3A_1736, %select_n3A_1745, %select_n3A_1754, %select_n3A_1763, %select_n3A_1701, %select_n3A_1710, %select_n3A_1719, %select_n3A_1728, %select_n3A_1737, %select_n3A_1746, %select_n3A_1755, %select_n3A_1764 : vector<16xf32>, vector<16xf32>, vector<16xf32>, vector<16xf32>, vector<16xf32>, vector<16xf32>, vector<16xf32>, vector<16xf32>, vector<16xi32>, vector<16xi32>, vector<16xi32>, vector<16xi32>, vector<16xi32>, vector<16xi32>, vector<16xi32>, vector<16xi32>, vector<16xf32>, vector<16xf32>, vector<16xf32>, vector<16xf32>, vector<16xf32>, vector<16xf32>, vector<16xf32>, vector<16xf32>, vector<16xi32>, vector<16xi32>, vector<16xi32>, vector<16xi32>, vector<16xi32>, vector<16xi32>, vector<16xi32>, vector<16xi32>
    }
    %reduce_max3A_828 = arith.constant true
    %reduce_max3A_829 = vector.broadcast %reduce_max3A_828 : i1 to vector<16xi1>
    %reduce_max3A_830 = tpu.scan <max>, %while3A_827#0 masked %reduce_max3A_829 : vector<16xf32>, vector<16xi1> -> vector<16xf32>
    %reduce_max3A_831 = vector.extract %reduce_max3A_830[15] : f32 from vector<16xf32>
    %eq3A_832 = vector.broadcast %reduce_max3A_831 : f32 to vector<16xf32>
    %eq3A_833 = arith.cmpf oeq, %while3A_827#0, %eq3A_832 : vector<16xf32>
    %select_n3A_834 = arith.select %eq3A_833, %while3A_827#8, %broadcast_in_dim3A_5 : vector<16xi1>, vector<16xi32>
    %reduce_min3A_835 = arith.constant true
    %reduce_min3A_836 = vector.broadcast %reduce_min3A_835 : i1 to vector<16xi1>
    %reduce_min3A_837 = arith.constant -2147483648 : i32
    %reduce_min3A_838 = vector.broadcast %reduce_min3A_837 : i32 to vector<16xi32>
    %reduce_min3A_839 = arith.xori %select_n3A_834, %reduce_min3A_838 : vector<16xi32>
    %reduce_min3A_840 = tpu.scan <min>, %reduce_min3A_839 masked %reduce_min3A_836 : vector<16xi32>, vector<16xi1> -> vector<16xi32>
    %reduce_min3A_841 = arith.xori %reduce_min3A_840, %reduce_min3A_838 : vector<16xi32>
    %reduce_min3A_842 = vector.extract %reduce_min3A_841[15] : i32 from vector<16xi32>
    %eq3A_843 = arith.constant 0 : i32
    %eq3A_844 = vector.broadcast %eq3A_843 : i32 to vector<16xi32>
    %eq3A_845 = arith.cmpi eq, %iota3A, %eq3A_844 : vector<16xi32>
    %broadcast_in_dim3A_846 = vector.broadcast %reduce_max3A_831 : f32 to vector<16xf32>
    %select_n3A_847 = arith.select %eq3A_845, %broadcast_in_dim3A_846, %broadcast_in_dim3A_3 : vector<16xi1>, vector<16xf32>
    %eq3A_848 = arith.constant 0 : i32
    %eq3A_849 = vector.broadcast %eq3A_848 : i32 to vector<16xi32>
    %eq3A_850 = arith.cmpi eq, %iota3A, %eq3A_849 : vector<16xi32>
    %broadcast_in_dim3A_851 = vector.broadcast %reduce_min3A_842 : i32 to vector<16xi32>
    %select_n3A_852 = arith.select %eq3A_850, %broadcast_in_dim3A_851, %broadcast_in_dim3A_5 : vector<16xi1>, vector<16xi32>
    %eq3A_853 = vector.broadcast %reduce_min3A_842 : i32 to vector<16xi32>
    %eq3A_854 = arith.cmpi eq, %while3A_827#8, %eq3A_853 : vector<16xi32>
    %and3A_855 = arith.andi %eq3A_833, %eq3A_854 : vector<16xi1>
    %select_n3A_856 = arith.select %and3A_855, %while3A_827#1, %while3A_827#0 : vector<16xi1>, vector<16xf32>
    %select_n3A_857 = arith.select %and3A_855, %while3A_827#9, %while3A_827#8 : vector<16xi1>, vector<16xi32>
    %select_n3A_858 = arith.select %and3A_855, %while3A_827#2, %while3A_827#1 : vector<16xi1>, vector<16xf32>
    %select_n3A_859 = arith.select %and3A_855, %while3A_827#10, %while3A_827#9 : vector<16xi1>, vector<16xi32>
    %select_n3A_860 = arith.select %and3A_855, %while3A_827#3, %while3A_827#2 : vector<16xi1>, vector<16xf32>
    %select_n3A_861 = arith.select %and3A_855, %while3A_827#11, %while3A_827#10 : vector<16xi1>, vector<16xi32>
    %select_n3A_862 = arith.select %and3A_855, %while3A_827#4, %while3A_827#3 : vector<16xi1>, vector<16xf32>
    %select_n3A_863 = arith.select %and3A_855, %while3A_827#12, %while3A_827#11 : vector<16xi1>, vector<16xi32>
    %select_n3A_864 = arith.select %and3A_855, %while3A_827#5, %while3A_827#4 : vector<16xi1>, vector<16xf32>
    %select_n3A_865 = arith.select %and3A_855, %while3A_827#13, %while3A_827#12 : vector<16xi1>, vector<16xi32>
    %select_n3A_866 = arith.select %and3A_855, %while3A_827#6, %while3A_827#5 : vector<16xi1>, vector<16xf32>
    %select_n3A_867 = arith.select %and3A_855, %while3A_827#14, %while3A_827#13 : vector<16xi1>, vector<16xi32>
    %select_n3A_868 = arith.select %and3A_855, %while3A_827#7, %while3A_827#6 : vector<16xi1>, vector<16xf32>
    %select_n3A_869 = arith.select %and3A_855, %while3A_827#15, %while3A_827#14 : vector<16xi1>, vector<16xi32>
    %select_n3A_870 = arith.select %and3A_855, %broadcast_in_dim3A_3, %while3A_827#7 : vector<16xi1>, vector<16xf32>
    %select_n3A_871 = arith.select %and3A_855, %broadcast_in_dim3A_5, %while3A_827#15 : vector<16xi1>, vector<16xi32>
    %reduce_max3A_872 = arith.constant true
    %reduce_max3A_873 = vector.broadcast %reduce_max3A_872 : i1 to vector<16xi1>
    %reduce_max3A_874 = tpu.scan <max>, %while3A_827#16 masked %reduce_max3A_873 : vector<16xf32>, vector<16xi1> -> vector<16xf32>
    %reduce_max3A_875 = vector.extract %reduce_max3A_874[15] : f32 from vector<16xf32>
    %eq3A_876 = vector.broadcast %reduce_max3A_875 : f32 to vector<16xf32>
    %eq3A_877 = arith.cmpf oeq, %while3A_827#16, %eq3A_876 : vector<16xf32>
    %select_n3A_878 = arith.select %eq3A_877, %while3A_827#24, %broadcast_in_dim3A_5 : vector<16xi1>, vector<16xi32>
    %reduce_min3A_879 = arith.constant true
    %reduce_min3A_880 = vector.broadcast %reduce_min3A_879 : i1 to vector<16xi1>
    %reduce_min3A_881 = arith.constant -2147483648 : i32
    %reduce_min3A_882 = vector.broadcast %reduce_min3A_881 : i32 to vector<16xi32>
    %reduce_min3A_883 = arith.xori %select_n3A_878, %reduce_min3A_882 : vector<16xi32>
    %reduce_min3A_884 = tpu.scan <min>, %reduce_min3A_883 masked %reduce_min3A_880 : vector<16xi32>, vector<16xi1> -> vector<16xi32>
    %reduce_min3A_885 = arith.xori %reduce_min3A_884, %reduce_min3A_882 : vector<16xi32>
    %reduce_min3A_886 = vector.extract %reduce_min3A_885[15] : i32 from vector<16xi32>
    %eq3A_887 = arith.constant 8 : i32
    %eq3A_888 = vector.broadcast %eq3A_887 : i32 to vector<16xi32>
    %eq3A_889 = arith.cmpi eq, %iota3A, %eq3A_888 : vector<16xi32>
    %broadcast_in_dim3A_890 = vector.broadcast %reduce_max3A_875 : f32 to vector<16xf32>
    %select_n3A_891 = arith.select %eq3A_889, %broadcast_in_dim3A_890, %broadcast_in_dim3A_3 : vector<16xi1>, vector<16xf32>
    %eq3A_892 = arith.constant 8 : i32
    %eq3A_893 = vector.broadcast %eq3A_892 : i32 to vector<16xi32>
    %eq3A_894 = arith.cmpi eq, %iota3A, %eq3A_893 : vector<16xi32>
    %broadcast_in_dim3A_895 = vector.broadcast %reduce_min3A_886 : i32 to vector<16xi32>
    %select_n3A_896 = arith.select %eq3A_894, %broadcast_in_dim3A_895, %broadcast_in_dim3A_5 : vector<16xi1>, vector<16xi32>
    %eq3A_897 = vector.broadcast %reduce_min3A_886 : i32 to vector<16xi32>
    %eq3A_898 = arith.cmpi eq, %while3A_827#24, %eq3A_897 : vector<16xi32>
    %and3A_899 = arith.andi %eq3A_877, %eq3A_898 : vector<16xi1>
    %select_n3A_900 = arith.select %and3A_899, %while3A_827#17, %while3A_827#16 : vector<16xi1>, vector<16xf32>
    %select_n3A_901 = arith.select %and3A_899, %while3A_827#25, %while3A_827#24 : vector<16xi1>, vector<16xi32>
    %select_n3A_902 = arith.select %and3A_899, %while3A_827#18, %while3A_827#17 : vector<16xi1>, vector<16xf32>
    %select_n3A_903 = arith.select %and3A_899, %while3A_827#26, %while3A_827#25 : vector<16xi1>, vector<16xi32>
    %select_n3A_904 = arith.select %and3A_899, %while3A_827#19, %while3A_827#18 : vector<16xi1>, vector<16xf32>
    %select_n3A_905 = arith.select %and3A_899, %while3A_827#27, %while3A_827#26 : vector<16xi1>, vector<16xi32>
    %select_n3A_906 = arith.select %and3A_899, %while3A_827#20, %while3A_827#19 : vector<16xi1>, vector<16xf32>
    %select_n3A_907 = arith.select %and3A_899, %while3A_827#28, %while3A_827#27 : vector<16xi1>, vector<16xi32>
    %select_n3A_908 = arith.select %and3A_899, %while3A_827#21, %while3A_827#20 : vector<16xi1>, vector<16xf32>
    %select_n3A_909 = arith.select %and3A_899, %while3A_827#29, %while3A_827#28 : vector<16xi1>, vector<16xi32>
    %select_n3A_910 = arith.select %and3A_899, %while3A_827#22, %while3A_827#21 : vector<16xi1>, vector<16xf32>
    %select_n3A_911 = arith.select %and3A_899, %while3A_827#30, %while3A_827#29 : vector<16xi1>, vector<16xi32>
    %select_n3A_912 = arith.select %and3A_899, %while3A_827#23, %while3A_827#22 : vector<16xi1>, vector<16xf32>
    %select_n3A_913 = arith.select %and3A_899, %while3A_827#31, %while3A_827#30 : vector<16xi1>, vector<16xi32>
    %select_n3A_914 = arith.select %and3A_899, %broadcast_in_dim3A_3, %while3A_827#23 : vector<16xi1>, vector<16xf32>
    %select_n3A_915 = arith.select %and3A_899, %broadcast_in_dim3A_5, %while3A_827#31 : vector<16xi1>, vector<16xi32>
    %reduce_max3A_916 = arith.constant true
    %reduce_max3A_917 = vector.broadcast %reduce_max3A_916 : i1 to vector<16xi1>
    %reduce_max3A_918 = tpu.scan <max>, %select_n3A_856 masked %reduce_max3A_917 : vector<16xf32>, vector<16xi1> -> vector<16xf32>
    %reduce_max3A_919 = vector.extract %reduce_max3A_918[15] : f32 from vector<16xf32>
    %eq3A_920 = vector.broadcast %reduce_max3A_919 : f32 to vector<16xf32>
    %eq3A_921 = arith.cmpf oeq, %select_n3A_856, %eq3A_920 : vector<16xf32>
    %select_n3A_922 = arith.select %eq3A_921, %select_n3A_857, %broadcast_in_dim3A_5 : vector<16xi1>, vector<16xi32>
    %reduce_min3A_923 = arith.constant true
    %reduce_min3A_924 = vector.broadcast %reduce_min3A_923 : i1 to vector<16xi1>
    %reduce_min3A_925 = arith.constant -2147483648 : i32
    %reduce_min3A_926 = vector.broadcast %reduce_min3A_925 : i32 to vector<16xi32>
    %reduce_min3A_927 = arith.xori %select_n3A_922, %reduce_min3A_926 : vector<16xi32>
    %reduce_min3A_928 = tpu.scan <min>, %reduce_min3A_927 masked %reduce_min3A_924 : vector<16xi32>, vector<16xi1> -> vector<16xi32>
    %reduce_min3A_929 = arith.xori %reduce_min3A_928, %reduce_min3A_926 : vector<16xi32>
    %reduce_min3A_930 = vector.extract %reduce_min3A_929[15] : i32 from vector<16xi32>
    %eq3A_931 = arith.constant 1 : i32
    %eq3A_932 = vector.broadcast %eq3A_931 : i32 to vector<16xi32>
    %eq3A_933 = arith.cmpi eq, %iota3A, %eq3A_932 : vector<16xi32>
    %broadcast_in_dim3A_934 = vector.broadcast %reduce_max3A_919 : f32 to vector<16xf32>
    %select_n3A_935 = arith.select %eq3A_933, %broadcast_in_dim3A_934, %select_n3A_847 : vector<16xi1>, vector<16xf32>
    %eq3A_936 = arith.constant 1 : i32
    %eq3A_937 = vector.broadcast %eq3A_936 : i32 to vector<16xi32>
    %eq3A_938 = arith.cmpi eq, %iota3A, %eq3A_937 : vector<16xi32>
    %broadcast_in_dim3A_939 = vector.broadcast %reduce_min3A_930 : i32 to vector<16xi32>
    %select_n3A_940 = arith.select %eq3A_938, %broadcast_in_dim3A_939, %select_n3A_852 : vector<16xi1>, vector<16xi32>
    %eq3A_941 = vector.broadcast %reduce_min3A_930 : i32 to vector<16xi32>
    %eq3A_942 = arith.cmpi eq, %select_n3A_857, %eq3A_941 : vector<16xi32>
    %and3A_943 = arith.andi %eq3A_921, %eq3A_942 : vector<16xi1>
    %select_n3A_944 = arith.select %and3A_943, %select_n3A_858, %select_n3A_856 : vector<16xi1>, vector<16xf32>
    %select_n3A_945 = arith.select %and3A_943, %select_n3A_859, %select_n3A_857 : vector<16xi1>, vector<16xi32>
    %select_n3A_946 = arith.select %and3A_943, %select_n3A_860, %select_n3A_858 : vector<16xi1>, vector<16xf32>
    %select_n3A_947 = arith.select %and3A_943, %select_n3A_861, %select_n3A_859 : vector<16xi1>, vector<16xi32>
    %select_n3A_948 = arith.select %and3A_943, %select_n3A_862, %select_n3A_860 : vector<16xi1>, vector<16xf32>
    %select_n3A_949 = arith.select %and3A_943, %select_n3A_863, %select_n3A_861 : vector<16xi1>, vector<16xi32>
    %select_n3A_950 = arith.select %and3A_943, %select_n3A_864, %select_n3A_862 : vector<16xi1>, vector<16xf32>
    %select_n3A_951 = arith.select %and3A_943, %select_n3A_865, %select_n3A_863 : vector<16xi1>, vector<16xi32>
    %select_n3A_952 = arith.select %and3A_943, %select_n3A_866, %select_n3A_864 : vector<16xi1>, vector<16xf32>
    %select_n3A_953 = arith.select %and3A_943, %select_n3A_867, %select_n3A_865 : vector<16xi1>, vector<16xi32>
    %select_n3A_954 = arith.select %and3A_943, %select_n3A_868, %select_n3A_866 : vector<16xi1>, vector<16xf32>
    %select_n3A_955 = arith.select %and3A_943, %select_n3A_869, %select_n3A_867 : vector<16xi1>, vector<16xi32>
    %select_n3A_956 = arith.select %and3A_943, %select_n3A_870, %select_n3A_868 : vector<16xi1>, vector<16xf32>
    %select_n3A_957 = arith.select %and3A_943, %select_n3A_871, %select_n3A_869 : vector<16xi1>, vector<16xi32>
    %select_n3A_958 = arith.select %and3A_943, %broadcast_in_dim3A_3, %select_n3A_870 : vector<16xi1>, vector<16xf32>
    %select_n3A_959 = arith.select %and3A_943, %broadcast_in_dim3A_5, %select_n3A_871 : vector<16xi1>, vector<16xi32>
    %reduce_max3A_960 = arith.constant true
    %reduce_max3A_961 = vector.broadcast %reduce_max3A_960 : i1 to vector<16xi1>
    %reduce_max3A_962 = tpu.scan <max>, %select_n3A_900 masked %reduce_max3A_961 : vector<16xf32>, vector<16xi1> -> vector<16xf32>
    %reduce_max3A_963 = vector.extract %reduce_max3A_962[15] : f32 from vector<16xf32>
    %eq3A_964 = vector.broadcast %reduce_max3A_963 : f32 to vector<16xf32>
    %eq3A_965 = arith.cmpf oeq, %select_n3A_900, %eq3A_964 : vector<16xf32>
    %select_n3A_966 = arith.select %eq3A_965, %select_n3A_901, %broadcast_in_dim3A_5 : vector<16xi1>, vector<16xi32>
    %reduce_min3A_967 = arith.constant true
    %reduce_min3A_968 = vector.broadcast %reduce_min3A_967 : i1 to vector<16xi1>
    %reduce_min3A_969 = arith.constant -2147483648 : i32
    %reduce_min3A_970 = vector.broadcast %reduce_min3A_969 : i32 to vector<16xi32>
    %reduce_min3A_971 = arith.xori %select_n3A_966, %reduce_min3A_970 : vector<16xi32>
    %reduce_min3A_972 = tpu.scan <min>, %reduce_min3A_971 masked %reduce_min3A_968 : vector<16xi32>, vector<16xi1> -> vector<16xi32>
    %reduce_min3A_973 = arith.xori %reduce_min3A_972, %reduce_min3A_970 : vector<16xi32>
    %reduce_min3A_974 = vector.extract %reduce_min3A_973[15] : i32 from vector<16xi32>
    %eq3A_975 = arith.constant 9 : i32
    %eq3A_976 = vector.broadcast %eq3A_975 : i32 to vector<16xi32>
    %eq3A_977 = arith.cmpi eq, %iota3A, %eq3A_976 : vector<16xi32>
    %broadcast_in_dim3A_978 = vector.broadcast %reduce_max3A_963 : f32 to vector<16xf32>
    %select_n3A_979 = arith.select %eq3A_977, %broadcast_in_dim3A_978, %select_n3A_891 : vector<16xi1>, vector<16xf32>
    %eq3A_980 = arith.constant 9 : i32
    %eq3A_981 = vector.broadcast %eq3A_980 : i32 to vector<16xi32>
    %eq3A_982 = arith.cmpi eq, %iota3A, %eq3A_981 : vector<16xi32>
    %broadcast_in_dim3A_983 = vector.broadcast %reduce_min3A_974 : i32 to vector<16xi32>
    %select_n3A_984 = arith.select %eq3A_982, %broadcast_in_dim3A_983, %select_n3A_896 : vector<16xi1>, vector<16xi32>
    %eq3A_985 = vector.broadcast %reduce_min3A_974 : i32 to vector<16xi32>
    %eq3A_986 = arith.cmpi eq, %select_n3A_901, %eq3A_985 : vector<16xi32>
    %and3A_987 = arith.andi %eq3A_965, %eq3A_986 : vector<16xi1>
    %select_n3A_988 = arith.select %and3A_987, %select_n3A_902, %select_n3A_900 : vector<16xi1>, vector<16xf32>
    %select_n3A_989 = arith.select %and3A_987, %select_n3A_903, %select_n3A_901 : vector<16xi1>, vector<16xi32>
    %select_n3A_990 = arith.select %and3A_987, %select_n3A_904, %select_n3A_902 : vector<16xi1>, vector<16xf32>
    %select_n3A_991 = arith.select %and3A_987, %select_n3A_905, %select_n3A_903 : vector<16xi1>, vector<16xi32>
    %select_n3A_992 = arith.select %and3A_987, %select_n3A_906, %select_n3A_904 : vector<16xi1>, vector<16xf32>
    %select_n3A_993 = arith.select %and3A_987, %select_n3A_907, %select_n3A_905 : vector<16xi1>, vector<16xi32>
    %select_n3A_994 = arith.select %and3A_987, %select_n3A_908, %select_n3A_906 : vector<16xi1>, vector<16xf32>
    %select_n3A_995 = arith.select %and3A_987, %select_n3A_909, %select_n3A_907 : vector<16xi1>, vector<16xi32>
    %select_n3A_996 = arith.select %and3A_987, %select_n3A_910, %select_n3A_908 : vector<16xi1>, vector<16xf32>
    %select_n3A_997 = arith.select %and3A_987, %select_n3A_911, %select_n3A_909 : vector<16xi1>, vector<16xi32>
    %select_n3A_998 = arith.select %and3A_987, %select_n3A_912, %select_n3A_910 : vector<16xi1>, vector<16xf32>
    %select_n3A_999 = arith.select %and3A_987, %select_n3A_913, %select_n3A_911 : vector<16xi1>, vector<16xi32>
    %select_n3A_1000 = arith.select %and3A_987, %select_n3A_914, %select_n3A_912 : vector<16xi1>, vector<16xf32>
    %select_n3A_1001 = arith.select %and3A_987, %select_n3A_915, %select_n3A_913 : vector<16xi1>, vector<16xi32>
    %select_n3A_1002 = arith.select %and3A_987, %broadcast_in_dim3A_3, %select_n3A_914 : vector<16xi1>, vector<16xf32>
    %select_n3A_1003 = arith.select %and3A_987, %broadcast_in_dim3A_5, %select_n3A_915 : vector<16xi1>, vector<16xi32>
    %reduce_max3A_1004 = arith.constant true
    %reduce_max3A_1005 = vector.broadcast %reduce_max3A_1004 : i1 to vector<16xi1>
    %reduce_max3A_1006 = tpu.scan <max>, %select_n3A_944 masked %reduce_max3A_1005 : vector<16xf32>, vector<16xi1> -> vector<16xf32>
    %reduce_max3A_1007 = vector.extract %reduce_max3A_1006[15] : f32 from vector<16xf32>
    %eq3A_1008 = vector.broadcast %reduce_max3A_1007 : f32 to vector<16xf32>
    %eq3A_1009 = arith.cmpf oeq, %select_n3A_944, %eq3A_1008 : vector<16xf32>
    %select_n3A_1010 = arith.select %eq3A_1009, %select_n3A_945, %broadcast_in_dim3A_5 : vector<16xi1>, vector<16xi32>
    %reduce_min3A_1011 = arith.constant true
    %reduce_min3A_1012 = vector.broadcast %reduce_min3A_1011 : i1 to vector<16xi1>
    %reduce_min3A_1013 = arith.constant -2147483648 : i32
    %reduce_min3A_1014 = vector.broadcast %reduce_min3A_1013 : i32 to vector<16xi32>
    %reduce_min3A_1015 = arith.xori %select_n3A_1010, %reduce_min3A_1014 : vector<16xi32>
    %reduce_min3A_1016 = tpu.scan <min>, %reduce_min3A_1015 masked %reduce_min3A_1012 : vector<16xi32>, vector<16xi1> -> vector<16xi32>
    %reduce_min3A_1017 = arith.xori %reduce_min3A_1016, %reduce_min3A_1014 : vector<16xi32>
    %reduce_min3A_1018 = vector.extract %reduce_min3A_1017[15] : i32 from vector<16xi32>
    %eq3A_1019 = arith.constant 2 : i32
    %eq3A_1020 = vector.broadcast %eq3A_1019 : i32 to vector<16xi32>
    %eq3A_1021 = arith.cmpi eq, %iota3A, %eq3A_1020 : vector<16xi32>
    %broadcast_in_dim3A_1022 = vector.broadcast %reduce_max3A_1007 : f32 to vector<16xf32>
    %select_n3A_1023 = arith.select %eq3A_1021, %broadcast_in_dim3A_1022, %select_n3A_935 : vector<16xi1>, vector<16xf32>
    %eq3A_1024 = arith.constant 2 : i32
    %eq3A_1025 = vector.broadcast %eq3A_1024 : i32 to vector<16xi32>
    %eq3A_1026 = arith.cmpi eq, %iota3A, %eq3A_1025 : vector<16xi32>
    %broadcast_in_dim3A_1027 = vector.broadcast %reduce_min3A_1018 : i32 to vector<16xi32>
    %select_n3A_1028 = arith.select %eq3A_1026, %broadcast_in_dim3A_1027, %select_n3A_940 : vector<16xi1>, vector<16xi32>
    %eq3A_1029 = vector.broadcast %reduce_min3A_1018 : i32 to vector<16xi32>
    %eq3A_1030 = arith.cmpi eq, %select_n3A_945, %eq3A_1029 : vector<16xi32>
    %and3A_1031 = arith.andi %eq3A_1009, %eq3A_1030 : vector<16xi1>
    %select_n3A_1032 = arith.select %and3A_1031, %select_n3A_946, %select_n3A_944 : vector<16xi1>, vector<16xf32>
    %select_n3A_1033 = arith.select %and3A_1031, %select_n3A_947, %select_n3A_945 : vector<16xi1>, vector<16xi32>
    %select_n3A_1034 = arith.select %and3A_1031, %select_n3A_948, %select_n3A_946 : vector<16xi1>, vector<16xf32>
    %select_n3A_1035 = arith.select %and3A_1031, %select_n3A_949, %select_n3A_947 : vector<16xi1>, vector<16xi32>
    %select_n3A_1036 = arith.select %and3A_1031, %select_n3A_950, %select_n3A_948 : vector<16xi1>, vector<16xf32>
    %select_n3A_1037 = arith.select %and3A_1031, %select_n3A_951, %select_n3A_949 : vector<16xi1>, vector<16xi32>
    %select_n3A_1038 = arith.select %and3A_1031, %select_n3A_952, %select_n3A_950 : vector<16xi1>, vector<16xf32>
    %select_n3A_1039 = arith.select %and3A_1031, %select_n3A_953, %select_n3A_951 : vector<16xi1>, vector<16xi32>
    %select_n3A_1040 = arith.select %and3A_1031, %select_n3A_954, %select_n3A_952 : vector<16xi1>, vector<16xf32>
    %select_n3A_1041 = arith.select %and3A_1031, %select_n3A_955, %select_n3A_953 : vector<16xi1>, vector<16xi32>
    %select_n3A_1042 = arith.select %and3A_1031, %select_n3A_956, %select_n3A_954 : vector<16xi1>, vector<16xf32>
    %select_n3A_1043 = arith.select %and3A_1031, %select_n3A_957, %select_n3A_955 : vector<16xi1>, vector<16xi32>
    %select_n3A_1044 = arith.select %and3A_1031, %select_n3A_958, %select_n3A_956 : vector<16xi1>, vector<16xf32>
    %select_n3A_1045 = arith.select %and3A_1031, %select_n3A_959, %select_n3A_957 : vector<16xi1>, vector<16xi32>
    %select_n3A_1046 = arith.select %and3A_1031, %broadcast_in_dim3A_3, %select_n3A_958 : vector<16xi1>, vector<16xf32>
    %select_n3A_1047 = arith.select %and3A_1031, %broadcast_in_dim3A_5, %select_n3A_959 : vector<16xi1>, vector<16xi32>
    %reduce_max3A_1048 = arith.constant true
    %reduce_max3A_1049 = vector.broadcast %reduce_max3A_1048 : i1 to vector<16xi1>
    %reduce_max3A_1050 = tpu.scan <max>, %select_n3A_988 masked %reduce_max3A_1049 : vector<16xf32>, vector<16xi1> -> vector<16xf32>
    %reduce_max3A_1051 = vector.extract %reduce_max3A_1050[15] : f32 from vector<16xf32>
    %eq3A_1052 = vector.broadcast %reduce_max3A_1051 : f32 to vector<16xf32>
    %eq3A_1053 = arith.cmpf oeq, %select_n3A_988, %eq3A_1052 : vector<16xf32>
    %select_n3A_1054 = arith.select %eq3A_1053, %select_n3A_989, %broadcast_in_dim3A_5 : vector<16xi1>, vector<16xi32>
    %reduce_min3A_1055 = arith.constant true
    %reduce_min3A_1056 = vector.broadcast %reduce_min3A_1055 : i1 to vector<16xi1>
    %reduce_min3A_1057 = arith.constant -2147483648 : i32
    %reduce_min3A_1058 = vector.broadcast %reduce_min3A_1057 : i32 to vector<16xi32>
    %reduce_min3A_1059 = arith.xori %select_n3A_1054, %reduce_min3A_1058 : vector<16xi32>
    %reduce_min3A_1060 = tpu.scan <min>, %reduce_min3A_1059 masked %reduce_min3A_1056 : vector<16xi32>, vector<16xi1> -> vector<16xi32>
    %reduce_min3A_1061 = arith.xori %reduce_min3A_1060, %reduce_min3A_1058 : vector<16xi32>
    %reduce_min3A_1062 = vector.extract %reduce_min3A_1061[15] : i32 from vector<16xi32>
    %eq3A_1063 = arith.constant 10 : i32
    %eq3A_1064 = vector.broadcast %eq3A_1063 : i32 to vector<16xi32>
    %eq3A_1065 = arith.cmpi eq, %iota3A, %eq3A_1064 : vector<16xi32>
    %broadcast_in_dim3A_1066 = vector.broadcast %reduce_max3A_1051 : f32 to vector<16xf32>
    %select_n3A_1067 = arith.select %eq3A_1065, %broadcast_in_dim3A_1066, %select_n3A_979 : vector<16xi1>, vector<16xf32>
    %eq3A_1068 = arith.constant 10 : i32
    %eq3A_1069 = vector.broadcast %eq3A_1068 : i32 to vector<16xi32>
    %eq3A_1070 = arith.cmpi eq, %iota3A, %eq3A_1069 : vector<16xi32>
    %broadcast_in_dim3A_1071 = vector.broadcast %reduce_min3A_1062 : i32 to vector<16xi32>
    %select_n3A_1072 = arith.select %eq3A_1070, %broadcast_in_dim3A_1071, %select_n3A_984 : vector<16xi1>, vector<16xi32>
    %eq3A_1073 = vector.broadcast %reduce_min3A_1062 : i32 to vector<16xi32>
    %eq3A_1074 = arith.cmpi eq, %select_n3A_989, %eq3A_1073 : vector<16xi32>
    %and3A_1075 = arith.andi %eq3A_1053, %eq3A_1074 : vector<16xi1>
    %select_n3A_1076 = arith.select %and3A_1075, %select_n3A_990, %select_n3A_988 : vector<16xi1>, vector<16xf32>
    %select_n3A_1077 = arith.select %and3A_1075, %select_n3A_991, %select_n3A_989 : vector<16xi1>, vector<16xi32>
    %select_n3A_1078 = arith.select %and3A_1075, %select_n3A_992, %select_n3A_990 : vector<16xi1>, vector<16xf32>
    %select_n3A_1079 = arith.select %and3A_1075, %select_n3A_993, %select_n3A_991 : vector<16xi1>, vector<16xi32>
    %select_n3A_1080 = arith.select %and3A_1075, %select_n3A_994, %select_n3A_992 : vector<16xi1>, vector<16xf32>
    %select_n3A_1081 = arith.select %and3A_1075, %select_n3A_995, %select_n3A_993 : vector<16xi1>, vector<16xi32>
    %select_n3A_1082 = arith.select %and3A_1075, %select_n3A_996, %select_n3A_994 : vector<16xi1>, vector<16xf32>
    %select_n3A_1083 = arith.select %and3A_1075, %select_n3A_997, %select_n3A_995 : vector<16xi1>, vector<16xi32>
    %select_n3A_1084 = arith.select %and3A_1075, %select_n3A_998, %select_n3A_996 : vector<16xi1>, vector<16xf32>
    %select_n3A_1085 = arith.select %and3A_1075, %select_n3A_999, %select_n3A_997 : vector<16xi1>, vector<16xi32>
    %select_n3A_1086 = arith.select %and3A_1075, %select_n3A_1000, %select_n3A_998 : vector<16xi1>, vector<16xf32>
    %select_n3A_1087 = arith.select %and3A_1075, %select_n3A_1001, %select_n3A_999 : vector<16xi1>, vector<16xi32>
    %select_n3A_1088 = arith.select %and3A_1075, %select_n3A_1002, %select_n3A_1000 : vector<16xi1>, vector<16xf32>
    %select_n3A_1089 = arith.select %and3A_1075, %select_n3A_1003, %select_n3A_1001 : vector<16xi1>, vector<16xi32>
    %select_n3A_1090 = arith.select %and3A_1075, %broadcast_in_dim3A_3, %select_n3A_1002 : vector<16xi1>, vector<16xf32>
    %select_n3A_1091 = arith.select %and3A_1075, %broadcast_in_dim3A_5, %select_n3A_1003 : vector<16xi1>, vector<16xi32>
    %reduce_max3A_1092 = arith.constant true
    %reduce_max3A_1093 = vector.broadcast %reduce_max3A_1092 : i1 to vector<16xi1>
    %reduce_max3A_1094 = tpu.scan <max>, %select_n3A_1032 masked %reduce_max3A_1093 : vector<16xf32>, vector<16xi1> -> vector<16xf32>
    %reduce_max3A_1095 = vector.extract %reduce_max3A_1094[15] : f32 from vector<16xf32>
    %eq3A_1096 = vector.broadcast %reduce_max3A_1095 : f32 to vector<16xf32>
    %eq3A_1097 = arith.cmpf oeq, %select_n3A_1032, %eq3A_1096 : vector<16xf32>
    %select_n3A_1098 = arith.select %eq3A_1097, %select_n3A_1033, %broadcast_in_dim3A_5 : vector<16xi1>, vector<16xi32>
    %reduce_min3A_1099 = arith.constant true
    %reduce_min3A_1100 = vector.broadcast %reduce_min3A_1099 : i1 to vector<16xi1>
    %reduce_min3A_1101 = arith.constant -2147483648 : i32
    %reduce_min3A_1102 = vector.broadcast %reduce_min3A_1101 : i32 to vector<16xi32>
    %reduce_min3A_1103 = arith.xori %select_n3A_1098, %reduce_min3A_1102 : vector<16xi32>
    %reduce_min3A_1104 = tpu.scan <min>, %reduce_min3A_1103 masked %reduce_min3A_1100 : vector<16xi32>, vector<16xi1> -> vector<16xi32>
    %reduce_min3A_1105 = arith.xori %reduce_min3A_1104, %reduce_min3A_1102 : vector<16xi32>
    %reduce_min3A_1106 = vector.extract %reduce_min3A_1105[15] : i32 from vector<16xi32>
    %eq3A_1107 = arith.constant 3 : i32
    %eq3A_1108 = vector.broadcast %eq3A_1107 : i32 to vector<16xi32>
    %eq3A_1109 = arith.cmpi eq, %iota3A, %eq3A_1108 : vector<16xi32>
    %broadcast_in_dim3A_1110 = vector.broadcast %reduce_max3A_1095 : f32 to vector<16xf32>
    %select_n3A_1111 = arith.select %eq3A_1109, %broadcast_in_dim3A_1110, %select_n3A_1023 : vector<16xi1>, vector<16xf32>
    %eq3A_1112 = arith.constant 3 : i32
    %eq3A_1113 = vector.broadcast %eq3A_1112 : i32 to vector<16xi32>
    %eq3A_1114 = arith.cmpi eq, %iota3A, %eq3A_1113 : vector<16xi32>
    %broadcast_in_dim3A_1115 = vector.broadcast %reduce_min3A_1106 : i32 to vector<16xi32>
    %select_n3A_1116 = arith.select %eq3A_1114, %broadcast_in_dim3A_1115, %select_n3A_1028 : vector<16xi1>, vector<16xi32>
    %eq3A_1117 = vector.broadcast %reduce_min3A_1106 : i32 to vector<16xi32>
    %eq3A_1118 = arith.cmpi eq, %select_n3A_1033, %eq3A_1117 : vector<16xi32>
    %and3A_1119 = arith.andi %eq3A_1097, %eq3A_1118 : vector<16xi1>
    %select_n3A_1120 = arith.select %and3A_1119, %select_n3A_1034, %select_n3A_1032 : vector<16xi1>, vector<16xf32>
    %select_n3A_1121 = arith.select %and3A_1119, %select_n3A_1035, %select_n3A_1033 : vector<16xi1>, vector<16xi32>
    %select_n3A_1122 = arith.select %and3A_1119, %select_n3A_1036, %select_n3A_1034 : vector<16xi1>, vector<16xf32>
    %select_n3A_1123 = arith.select %and3A_1119, %select_n3A_1037, %select_n3A_1035 : vector<16xi1>, vector<16xi32>
    %select_n3A_1124 = arith.select %and3A_1119, %select_n3A_1038, %select_n3A_1036 : vector<16xi1>, vector<16xf32>
    %select_n3A_1125 = arith.select %and3A_1119, %select_n3A_1039, %select_n3A_1037 : vector<16xi1>, vector<16xi32>
    %select_n3A_1126 = arith.select %and3A_1119, %select_n3A_1040, %select_n3A_1038 : vector<16xi1>, vector<16xf32>
    %select_n3A_1127 = arith.select %and3A_1119, %select_n3A_1041, %select_n3A_1039 : vector<16xi1>, vector<16xi32>
    %select_n3A_1128 = arith.select %and3A_1119, %select_n3A_1042, %select_n3A_1040 : vector<16xi1>, vector<16xf32>
    %select_n3A_1129 = arith.select %and3A_1119, %select_n3A_1043, %select_n3A_1041 : vector<16xi1>, vector<16xi32>
    %select_n3A_1130 = arith.select %and3A_1119, %select_n3A_1044, %select_n3A_1042 : vector<16xi1>, vector<16xf32>
    %select_n3A_1131 = arith.select %and3A_1119, %select_n3A_1045, %select_n3A_1043 : vector<16xi1>, vector<16xi32>
    %select_n3A_1132 = arith.select %and3A_1119, %select_n3A_1046, %select_n3A_1044 : vector<16xi1>, vector<16xf32>
    %select_n3A_1133 = arith.select %and3A_1119, %select_n3A_1047, %select_n3A_1045 : vector<16xi1>, vector<16xi32>
    %select_n3A_1134 = arith.select %and3A_1119, %broadcast_in_dim3A_3, %select_n3A_1046 : vector<16xi1>, vector<16xf32>
    %select_n3A_1135 = arith.select %and3A_1119, %broadcast_in_dim3A_5, %select_n3A_1047 : vector<16xi1>, vector<16xi32>
    %reduce_max3A_1136 = arith.constant true
    %reduce_max3A_1137 = vector.broadcast %reduce_max3A_1136 : i1 to vector<16xi1>
    %reduce_max3A_1138 = tpu.scan <max>, %select_n3A_1076 masked %reduce_max3A_1137 : vector<16xf32>, vector<16xi1> -> vector<16xf32>
    %reduce_max3A_1139 = vector.extract %reduce_max3A_1138[15] : f32 from vector<16xf32>
    %eq3A_1140 = vector.broadcast %reduce_max3A_1139 : f32 to vector<16xf32>
    %eq3A_1141 = arith.cmpf oeq, %select_n3A_1076, %eq3A_1140 : vector<16xf32>
    %select_n3A_1142 = arith.select %eq3A_1141, %select_n3A_1077, %broadcast_in_dim3A_5 : vector<16xi1>, vector<16xi32>
    %reduce_min3A_1143 = arith.constant true
    %reduce_min3A_1144 = vector.broadcast %reduce_min3A_1143 : i1 to vector<16xi1>
    %reduce_min3A_1145 = arith.constant -2147483648 : i32
    %reduce_min3A_1146 = vector.broadcast %reduce_min3A_1145 : i32 to vector<16xi32>
    %reduce_min3A_1147 = arith.xori %select_n3A_1142, %reduce_min3A_1146 : vector<16xi32>
    %reduce_min3A_1148 = tpu.scan <min>, %reduce_min3A_1147 masked %reduce_min3A_1144 : vector<16xi32>, vector<16xi1> -> vector<16xi32>
    %reduce_min3A_1149 = arith.xori %reduce_min3A_1148, %reduce_min3A_1146 : vector<16xi32>
    %reduce_min3A_1150 = vector.extract %reduce_min3A_1149[15] : i32 from vector<16xi32>
    %eq3A_1151 = arith.constant 11 : i32
    %eq3A_1152 = vector.broadcast %eq3A_1151 : i32 to vector<16xi32>
    %eq3A_1153 = arith.cmpi eq, %iota3A, %eq3A_1152 : vector<16xi32>
    %broadcast_in_dim3A_1154 = vector.broadcast %reduce_max3A_1139 : f32 to vector<16xf32>
    %select_n3A_1155 = arith.select %eq3A_1153, %broadcast_in_dim3A_1154, %select_n3A_1067 : vector<16xi1>, vector<16xf32>
    %eq3A_1156 = arith.constant 11 : i32
    %eq3A_1157 = vector.broadcast %eq3A_1156 : i32 to vector<16xi32>
    %eq3A_1158 = arith.cmpi eq, %iota3A, %eq3A_1157 : vector<16xi32>
    %broadcast_in_dim3A_1159 = vector.broadcast %reduce_min3A_1150 : i32 to vector<16xi32>
    %select_n3A_1160 = arith.select %eq3A_1158, %broadcast_in_dim3A_1159, %select_n3A_1072 : vector<16xi1>, vector<16xi32>
    %eq3A_1161 = vector.broadcast %reduce_min3A_1150 : i32 to vector<16xi32>
    %eq3A_1162 = arith.cmpi eq, %select_n3A_1077, %eq3A_1161 : vector<16xi32>
    %and3A_1163 = arith.andi %eq3A_1141, %eq3A_1162 : vector<16xi1>
    %select_n3A_1164 = arith.select %and3A_1163, %select_n3A_1078, %select_n3A_1076 : vector<16xi1>, vector<16xf32>
    %select_n3A_1165 = arith.select %and3A_1163, %select_n3A_1079, %select_n3A_1077 : vector<16xi1>, vector<16xi32>
    %select_n3A_1166 = arith.select %and3A_1163, %select_n3A_1080, %select_n3A_1078 : vector<16xi1>, vector<16xf32>
    %select_n3A_1167 = arith.select %and3A_1163, %select_n3A_1081, %select_n3A_1079 : vector<16xi1>, vector<16xi32>
    %select_n3A_1168 = arith.select %and3A_1163, %select_n3A_1082, %select_n3A_1080 : vector<16xi1>, vector<16xf32>
    %select_n3A_1169 = arith.select %and3A_1163, %select_n3A_1083, %select_n3A_1081 : vector<16xi1>, vector<16xi32>
    %select_n3A_1170 = arith.select %and3A_1163, %select_n3A_1084, %select_n3A_1082 : vector<16xi1>, vector<16xf32>
    %select_n3A_1171 = arith.select %and3A_1163, %select_n3A_1085, %select_n3A_1083 : vector<16xi1>, vector<16xi32>
    %select_n3A_1172 = arith.select %and3A_1163, %select_n3A_1086, %select_n3A_1084 : vector<16xi1>, vector<16xf32>
    %select_n3A_1173 = arith.select %and3A_1163, %select_n3A_1087, %select_n3A_1085 : vector<16xi1>, vector<16xi32>
    %select_n3A_1174 = arith.select %and3A_1163, %select_n3A_1088, %select_n3A_1086 : vector<16xi1>, vector<16xf32>
    %select_n3A_1175 = arith.select %and3A_1163, %select_n3A_1089, %select_n3A_1087 : vector<16xi1>, vector<16xi32>
    %select_n3A_1176 = arith.select %and3A_1163, %select_n3A_1090, %select_n3A_1088 : vector<16xi1>, vector<16xf32>
    %select_n3A_1177 = arith.select %and3A_1163, %select_n3A_1091, %select_n3A_1089 : vector<16xi1>, vector<16xi32>
    %select_n3A_1178 = arith.select %and3A_1163, %broadcast_in_dim3A_3, %select_n3A_1090 : vector<16xi1>, vector<16xf32>
    %select_n3A_1179 = arith.select %and3A_1163, %broadcast_in_dim3A_5, %select_n3A_1091 : vector<16xi1>, vector<16xi32>
    %reduce_max3A_1180 = arith.constant true
    %reduce_max3A_1181 = vector.broadcast %reduce_max3A_1180 : i1 to vector<16xi1>
    %reduce_max3A_1182 = tpu.scan <max>, %select_n3A_1120 masked %reduce_max3A_1181 : vector<16xf32>, vector<16xi1> -> vector<16xf32>
    %reduce_max3A_1183 = vector.extract %reduce_max3A_1182[15] : f32 from vector<16xf32>
    %eq3A_1184 = vector.broadcast %reduce_max3A_1183 : f32 to vector<16xf32>
    %eq3A_1185 = arith.cmpf oeq, %select_n3A_1120, %eq3A_1184 : vector<16xf32>
    %select_n3A_1186 = arith.select %eq3A_1185, %select_n3A_1121, %broadcast_in_dim3A_5 : vector<16xi1>, vector<16xi32>
    %reduce_min3A_1187 = arith.constant true
    %reduce_min3A_1188 = vector.broadcast %reduce_min3A_1187 : i1 to vector<16xi1>
    %reduce_min3A_1189 = arith.constant -2147483648 : i32
    %reduce_min3A_1190 = vector.broadcast %reduce_min3A_1189 : i32 to vector<16xi32>
    %reduce_min3A_1191 = arith.xori %select_n3A_1186, %reduce_min3A_1190 : vector<16xi32>
    %reduce_min3A_1192 = tpu.scan <min>, %reduce_min3A_1191 masked %reduce_min3A_1188 : vector<16xi32>, vector<16xi1> -> vector<16xi32>
    %reduce_min3A_1193 = arith.xori %reduce_min3A_1192, %reduce_min3A_1190 : vector<16xi32>
    %reduce_min3A_1194 = vector.extract %reduce_min3A_1193[15] : i32 from vector<16xi32>
    %eq3A_1195 = arith.constant 4 : i32
    %eq3A_1196 = vector.broadcast %eq3A_1195 : i32 to vector<16xi32>
    %eq3A_1197 = arith.cmpi eq, %iota3A, %eq3A_1196 : vector<16xi32>
    %broadcast_in_dim3A_1198 = vector.broadcast %reduce_max3A_1183 : f32 to vector<16xf32>
    %select_n3A_1199 = arith.select %eq3A_1197, %broadcast_in_dim3A_1198, %select_n3A_1111 : vector<16xi1>, vector<16xf32>
    %eq3A_1200 = arith.constant 4 : i32
    %eq3A_1201 = vector.broadcast %eq3A_1200 : i32 to vector<16xi32>
    %eq3A_1202 = arith.cmpi eq, %iota3A, %eq3A_1201 : vector<16xi32>
    %broadcast_in_dim3A_1203 = vector.broadcast %reduce_min3A_1194 : i32 to vector<16xi32>
    %select_n3A_1204 = arith.select %eq3A_1202, %broadcast_in_dim3A_1203, %select_n3A_1116 : vector<16xi1>, vector<16xi32>
    %eq3A_1205 = vector.broadcast %reduce_min3A_1194 : i32 to vector<16xi32>
    %eq3A_1206 = arith.cmpi eq, %select_n3A_1121, %eq3A_1205 : vector<16xi32>
    %and3A_1207 = arith.andi %eq3A_1185, %eq3A_1206 : vector<16xi1>
    %select_n3A_1208 = arith.select %and3A_1207, %select_n3A_1122, %select_n3A_1120 : vector<16xi1>, vector<16xf32>
    %select_n3A_1209 = arith.select %and3A_1207, %select_n3A_1123, %select_n3A_1121 : vector<16xi1>, vector<16xi32>
    %select_n3A_1210 = arith.select %and3A_1207, %select_n3A_1124, %select_n3A_1122 : vector<16xi1>, vector<16xf32>
    %select_n3A_1211 = arith.select %and3A_1207, %select_n3A_1125, %select_n3A_1123 : vector<16xi1>, vector<16xi32>
    %select_n3A_1212 = arith.select %and3A_1207, %select_n3A_1126, %select_n3A_1124 : vector<16xi1>, vector<16xf32>
    %select_n3A_1213 = arith.select %and3A_1207, %select_n3A_1127, %select_n3A_1125 : vector<16xi1>, vector<16xi32>
    %select_n3A_1214 = arith.select %and3A_1207, %select_n3A_1128, %select_n3A_1126 : vector<16xi1>, vector<16xf32>
    %select_n3A_1215 = arith.select %and3A_1207, %select_n3A_1129, %select_n3A_1127 : vector<16xi1>, vector<16xi32>
    %select_n3A_1216 = arith.select %and3A_1207, %select_n3A_1130, %select_n3A_1128 : vector<16xi1>, vector<16xf32>
    %select_n3A_1217 = arith.select %and3A_1207, %select_n3A_1131, %select_n3A_1129 : vector<16xi1>, vector<16xi32>
    %select_n3A_1218 = arith.select %and3A_1207, %select_n3A_1132, %select_n3A_1130 : vector<16xi1>, vector<16xf32>
    %select_n3A_1219 = arith.select %and3A_1207, %select_n3A_1133, %select_n3A_1131 : vector<16xi1>, vector<16xi32>
    %select_n3A_1220 = arith.select %and3A_1207, %select_n3A_1134, %select_n3A_1132 : vector<16xi1>, vector<16xf32>
    %select_n3A_1221 = arith.select %and3A_1207, %select_n3A_1135, %select_n3A_1133 : vector<16xi1>, vector<16xi32>
    %select_n3A_1222 = arith.select %and3A_1207, %broadcast_in_dim3A_3, %select_n3A_1134 : vector<16xi1>, vector<16xf32>
    %select_n3A_1223 = arith.select %and3A_1207, %broadcast_in_dim3A_5, %select_n3A_1135 : vector<16xi1>, vector<16xi32>
    %reduce_max3A_1224 = arith.constant true
    %reduce_max3A_1225 = vector.broadcast %reduce_max3A_1224 : i1 to vector<16xi1>
    %reduce_max3A_1226 = tpu.scan <max>, %select_n3A_1164 masked %reduce_max3A_1225 : vector<16xf32>, vector<16xi1> -> vector<16xf32>
    %reduce_max3A_1227 = vector.extract %reduce_max3A_1226[15] : f32 from vector<16xf32>
    %eq3A_1228 = vector.broadcast %reduce_max3A_1227 : f32 to vector<16xf32>
    %eq3A_1229 = arith.cmpf oeq, %select_n3A_1164, %eq3A_1228 : vector<16xf32>
    %select_n3A_1230 = arith.select %eq3A_1229, %select_n3A_1165, %broadcast_in_dim3A_5 : vector<16xi1>, vector<16xi32>
    %reduce_min3A_1231 = arith.constant true
    %reduce_min3A_1232 = vector.broadcast %reduce_min3A_1231 : i1 to vector<16xi1>
    %reduce_min3A_1233 = arith.constant -2147483648 : i32
    %reduce_min3A_1234 = vector.broadcast %reduce_min3A_1233 : i32 to vector<16xi32>
    %reduce_min3A_1235 = arith.xori %select_n3A_1230, %reduce_min3A_1234 : vector<16xi32>
    %reduce_min3A_1236 = tpu.scan <min>, %reduce_min3A_1235 masked %reduce_min3A_1232 : vector<16xi32>, vector<16xi1> -> vector<16xi32>
    %reduce_min3A_1237 = arith.xori %reduce_min3A_1236, %reduce_min3A_1234 : vector<16xi32>
    %reduce_min3A_1238 = vector.extract %reduce_min3A_1237[15] : i32 from vector<16xi32>
    %eq3A_1239 = arith.constant 12 : i32
    %eq3A_1240 = vector.broadcast %eq3A_1239 : i32 to vector<16xi32>
    %eq3A_1241 = arith.cmpi eq, %iota3A, %eq3A_1240 : vector<16xi32>
    %broadcast_in_dim3A_1242 = vector.broadcast %reduce_max3A_1227 : f32 to vector<16xf32>
    %select_n3A_1243 = arith.select %eq3A_1241, %broadcast_in_dim3A_1242, %select_n3A_1155 : vector<16xi1>, vector<16xf32>
    %eq3A_1244 = arith.constant 12 : i32
    %eq3A_1245 = vector.broadcast %eq3A_1244 : i32 to vector<16xi32>
    %eq3A_1246 = arith.cmpi eq, %iota3A, %eq3A_1245 : vector<16xi32>
    %broadcast_in_dim3A_1247 = vector.broadcast %reduce_min3A_1238 : i32 to vector<16xi32>
    %select_n3A_1248 = arith.select %eq3A_1246, %broadcast_in_dim3A_1247, %select_n3A_1160 : vector<16xi1>, vector<16xi32>
    %eq3A_1249 = vector.broadcast %reduce_min3A_1238 : i32 to vector<16xi32>
    %eq3A_1250 = arith.cmpi eq, %select_n3A_1165, %eq3A_1249 : vector<16xi32>
    %and3A_1251 = arith.andi %eq3A_1229, %eq3A_1250 : vector<16xi1>
    %select_n3A_1252 = arith.select %and3A_1251, %select_n3A_1166, %select_n3A_1164 : vector<16xi1>, vector<16xf32>
    %select_n3A_1253 = arith.select %and3A_1251, %select_n3A_1167, %select_n3A_1165 : vector<16xi1>, vector<16xi32>
    %select_n3A_1254 = arith.select %and3A_1251, %select_n3A_1168, %select_n3A_1166 : vector<16xi1>, vector<16xf32>
    %select_n3A_1255 = arith.select %and3A_1251, %select_n3A_1169, %select_n3A_1167 : vector<16xi1>, vector<16xi32>
    %select_n3A_1256 = arith.select %and3A_1251, %select_n3A_1170, %select_n3A_1168 : vector<16xi1>, vector<16xf32>
    %select_n3A_1257 = arith.select %and3A_1251, %select_n3A_1171, %select_n3A_1169 : vector<16xi1>, vector<16xi32>
    %select_n3A_1258 = arith.select %and3A_1251, %select_n3A_1172, %select_n3A_1170 : vector<16xi1>, vector<16xf32>
    %select_n3A_1259 = arith.select %and3A_1251, %select_n3A_1173, %select_n3A_1171 : vector<16xi1>, vector<16xi32>
    %select_n3A_1260 = arith.select %and3A_1251, %select_n3A_1174, %select_n3A_1172 : vector<16xi1>, vector<16xf32>
    %select_n3A_1261 = arith.select %and3A_1251, %select_n3A_1175, %select_n3A_1173 : vector<16xi1>, vector<16xi32>
    %select_n3A_1262 = arith.select %and3A_1251, %select_n3A_1176, %select_n3A_1174 : vector<16xi1>, vector<16xf32>
    %select_n3A_1263 = arith.select %and3A_1251, %select_n3A_1177, %select_n3A_1175 : vector<16xi1>, vector<16xi32>
    %select_n3A_1264 = arith.select %and3A_1251, %select_n3A_1178, %select_n3A_1176 : vector<16xi1>, vector<16xf32>
    %select_n3A_1265 = arith.select %and3A_1251, %select_n3A_1179, %select_n3A_1177 : vector<16xi1>, vector<16xi32>
    %select_n3A_1266 = arith.select %and3A_1251, %broadcast_in_dim3A_3, %select_n3A_1178 : vector<16xi1>, vector<16xf32>
    %select_n3A_1267 = arith.select %and3A_1251, %broadcast_in_dim3A_5, %select_n3A_1179 : vector<16xi1>, vector<16xi32>
    %reduce_max3A_1268 = arith.constant true
    %reduce_max3A_1269 = vector.broadcast %reduce_max3A_1268 : i1 to vector<16xi1>
    %reduce_max3A_1270 = tpu.scan <max>, %select_n3A_1208 masked %reduce_max3A_1269 : vector<16xf32>, vector<16xi1> -> vector<16xf32>
    %reduce_max3A_1271 = vector.extract %reduce_max3A_1270[15] : f32 from vector<16xf32>
    %eq3A_1272 = vector.broadcast %reduce_max3A_1271 : f32 to vector<16xf32>
    %eq3A_1273 = arith.cmpf oeq, %select_n3A_1208, %eq3A_1272 : vector<16xf32>
    %select_n3A_1274 = arith.select %eq3A_1273, %select_n3A_1209, %broadcast_in_dim3A_5 : vector<16xi1>, vector<16xi32>
    %reduce_min3A_1275 = arith.constant true
    %reduce_min3A_1276 = vector.broadcast %reduce_min3A_1275 : i1 to vector<16xi1>
    %reduce_min3A_1277 = arith.constant -2147483648 : i32
    %reduce_min3A_1278 = vector.broadcast %reduce_min3A_1277 : i32 to vector<16xi32>
    %reduce_min3A_1279 = arith.xori %select_n3A_1274, %reduce_min3A_1278 : vector<16xi32>
    %reduce_min3A_1280 = tpu.scan <min>, %reduce_min3A_1279 masked %reduce_min3A_1276 : vector<16xi32>, vector<16xi1> -> vector<16xi32>
    %reduce_min3A_1281 = arith.xori %reduce_min3A_1280, %reduce_min3A_1278 : vector<16xi32>
    %reduce_min3A_1282 = vector.extract %reduce_min3A_1281[15] : i32 from vector<16xi32>
    %eq3A_1283 = arith.constant 5 : i32
    %eq3A_1284 = vector.broadcast %eq3A_1283 : i32 to vector<16xi32>
    %eq3A_1285 = arith.cmpi eq, %iota3A, %eq3A_1284 : vector<16xi32>
    %broadcast_in_dim3A_1286 = vector.broadcast %reduce_max3A_1271 : f32 to vector<16xf32>
    %select_n3A_1287 = arith.select %eq3A_1285, %broadcast_in_dim3A_1286, %select_n3A_1199 : vector<16xi1>, vector<16xf32>
    %eq3A_1288 = arith.constant 5 : i32
    %eq3A_1289 = vector.broadcast %eq3A_1288 : i32 to vector<16xi32>
    %eq3A_1290 = arith.cmpi eq, %iota3A, %eq3A_1289 : vector<16xi32>
    %broadcast_in_dim3A_1291 = vector.broadcast %reduce_min3A_1282 : i32 to vector<16xi32>
    %select_n3A_1292 = arith.select %eq3A_1290, %broadcast_in_dim3A_1291, %select_n3A_1204 : vector<16xi1>, vector<16xi32>
    %eq3A_1293 = vector.broadcast %reduce_min3A_1282 : i32 to vector<16xi32>
    %eq3A_1294 = arith.cmpi eq, %select_n3A_1209, %eq3A_1293 : vector<16xi32>
    %and3A_1295 = arith.andi %eq3A_1273, %eq3A_1294 : vector<16xi1>
    %select_n3A_1296 = arith.select %and3A_1295, %select_n3A_1210, %select_n3A_1208 : vector<16xi1>, vector<16xf32>
    %select_n3A_1297 = arith.select %and3A_1295, %select_n3A_1211, %select_n3A_1209 : vector<16xi1>, vector<16xi32>
    %select_n3A_1298 = arith.select %and3A_1295, %select_n3A_1212, %select_n3A_1210 : vector<16xi1>, vector<16xf32>
    %select_n3A_1299 = arith.select %and3A_1295, %select_n3A_1213, %select_n3A_1211 : vector<16xi1>, vector<16xi32>
    %select_n3A_1300 = arith.select %and3A_1295, %select_n3A_1214, %select_n3A_1212 : vector<16xi1>, vector<16xf32>
    %select_n3A_1301 = arith.select %and3A_1295, %select_n3A_1215, %select_n3A_1213 : vector<16xi1>, vector<16xi32>
    %select_n3A_1302 = arith.select %and3A_1295, %select_n3A_1216, %select_n3A_1214 : vector<16xi1>, vector<16xf32>
    %select_n3A_1303 = arith.select %and3A_1295, %select_n3A_1217, %select_n3A_1215 : vector<16xi1>, vector<16xi32>
    %select_n3A_1304 = arith.select %and3A_1295, %select_n3A_1218, %select_n3A_1216 : vector<16xi1>, vector<16xf32>
    %select_n3A_1305 = arith.select %and3A_1295, %select_n3A_1219, %select_n3A_1217 : vector<16xi1>, vector<16xi32>
    %select_n3A_1306 = arith.select %and3A_1295, %select_n3A_1220, %select_n3A_1218 : vector<16xi1>, vector<16xf32>
    %select_n3A_1307 = arith.select %and3A_1295, %select_n3A_1221, %select_n3A_1219 : vector<16xi1>, vector<16xi32>
    %select_n3A_1308 = arith.select %and3A_1295, %select_n3A_1222, %select_n3A_1220 : vector<16xi1>, vector<16xf32>
    %select_n3A_1309 = arith.select %and3A_1295, %select_n3A_1223, %select_n3A_1221 : vector<16xi1>, vector<16xi32>
    %select_n3A_1310 = arith.select %and3A_1295, %broadcast_in_dim3A_3, %select_n3A_1222 : vector<16xi1>, vector<16xf32>
    %select_n3A_1311 = arith.select %and3A_1295, %broadcast_in_dim3A_5, %select_n3A_1223 : vector<16xi1>, vector<16xi32>
    %reduce_max3A_1312 = arith.constant true
    %reduce_max3A_1313 = vector.broadcast %reduce_max3A_1312 : i1 to vector<16xi1>
    %reduce_max3A_1314 = tpu.scan <max>, %select_n3A_1252 masked %reduce_max3A_1313 : vector<16xf32>, vector<16xi1> -> vector<16xf32>
    %reduce_max3A_1315 = vector.extract %reduce_max3A_1314[15] : f32 from vector<16xf32>
    %eq3A_1316 = vector.broadcast %reduce_max3A_1315 : f32 to vector<16xf32>
    %eq3A_1317 = arith.cmpf oeq, %select_n3A_1252, %eq3A_1316 : vector<16xf32>
    %select_n3A_1318 = arith.select %eq3A_1317, %select_n3A_1253, %broadcast_in_dim3A_5 : vector<16xi1>, vector<16xi32>
    %reduce_min3A_1319 = arith.constant true
    %reduce_min3A_1320 = vector.broadcast %reduce_min3A_1319 : i1 to vector<16xi1>
    %reduce_min3A_1321 = arith.constant -2147483648 : i32
    %reduce_min3A_1322 = vector.broadcast %reduce_min3A_1321 : i32 to vector<16xi32>
    %reduce_min3A_1323 = arith.xori %select_n3A_1318, %reduce_min3A_1322 : vector<16xi32>
    %reduce_min3A_1324 = tpu.scan <min>, %reduce_min3A_1323 masked %reduce_min3A_1320 : vector<16xi32>, vector<16xi1> -> vector<16xi32>
    %reduce_min3A_1325 = arith.xori %reduce_min3A_1324, %reduce_min3A_1322 : vector<16xi32>
    %reduce_min3A_1326 = vector.extract %reduce_min3A_1325[15] : i32 from vector<16xi32>
    %eq3A_1327 = arith.constant 13 : i32
    %eq3A_1328 = vector.broadcast %eq3A_1327 : i32 to vector<16xi32>
    %eq3A_1329 = arith.cmpi eq, %iota3A, %eq3A_1328 : vector<16xi32>
    %broadcast_in_dim3A_1330 = vector.broadcast %reduce_max3A_1315 : f32 to vector<16xf32>
    %select_n3A_1331 = arith.select %eq3A_1329, %broadcast_in_dim3A_1330, %select_n3A_1243 : vector<16xi1>, vector<16xf32>
    %eq3A_1332 = arith.constant 13 : i32
    %eq3A_1333 = vector.broadcast %eq3A_1332 : i32 to vector<16xi32>
    %eq3A_1334 = arith.cmpi eq, %iota3A, %eq3A_1333 : vector<16xi32>
    %broadcast_in_dim3A_1335 = vector.broadcast %reduce_min3A_1326 : i32 to vector<16xi32>
    %select_n3A_1336 = arith.select %eq3A_1334, %broadcast_in_dim3A_1335, %select_n3A_1248 : vector<16xi1>, vector<16xi32>
    %eq3A_1337 = vector.broadcast %reduce_min3A_1326 : i32 to vector<16xi32>
    %eq3A_1338 = arith.cmpi eq, %select_n3A_1253, %eq3A_1337 : vector<16xi32>
    %and3A_1339 = arith.andi %eq3A_1317, %eq3A_1338 : vector<16xi1>
    %select_n3A_1340 = arith.select %and3A_1339, %select_n3A_1254, %select_n3A_1252 : vector<16xi1>, vector<16xf32>
    %select_n3A_1341 = arith.select %and3A_1339, %select_n3A_1255, %select_n3A_1253 : vector<16xi1>, vector<16xi32>
    %select_n3A_1342 = arith.select %and3A_1339, %select_n3A_1256, %select_n3A_1254 : vector<16xi1>, vector<16xf32>
    %select_n3A_1343 = arith.select %and3A_1339, %select_n3A_1257, %select_n3A_1255 : vector<16xi1>, vector<16xi32>
    %select_n3A_1344 = arith.select %and3A_1339, %select_n3A_1258, %select_n3A_1256 : vector<16xi1>, vector<16xf32>
    %select_n3A_1345 = arith.select %and3A_1339, %select_n3A_1259, %select_n3A_1257 : vector<16xi1>, vector<16xi32>
    %select_n3A_1346 = arith.select %and3A_1339, %select_n3A_1260, %select_n3A_1258 : vector<16xi1>, vector<16xf32>
    %select_n3A_1347 = arith.select %and3A_1339, %select_n3A_1261, %select_n3A_1259 : vector<16xi1>, vector<16xi32>
    %select_n3A_1348 = arith.select %and3A_1339, %select_n3A_1262, %select_n3A_1260 : vector<16xi1>, vector<16xf32>
    %select_n3A_1349 = arith.select %and3A_1339, %select_n3A_1263, %select_n3A_1261 : vector<16xi1>, vector<16xi32>
    %select_n3A_1350 = arith.select %and3A_1339, %select_n3A_1264, %select_n3A_1262 : vector<16xi1>, vector<16xf32>
    %select_n3A_1351 = arith.select %and3A_1339, %select_n3A_1265, %select_n3A_1263 : vector<16xi1>, vector<16xi32>
    %select_n3A_1352 = arith.select %and3A_1339, %select_n3A_1266, %select_n3A_1264 : vector<16xi1>, vector<16xf32>
    %select_n3A_1353 = arith.select %and3A_1339, %select_n3A_1267, %select_n3A_1265 : vector<16xi1>, vector<16xi32>
    %select_n3A_1354 = arith.select %and3A_1339, %broadcast_in_dim3A_3, %select_n3A_1266 : vector<16xi1>, vector<16xf32>
    %select_n3A_1355 = arith.select %and3A_1339, %broadcast_in_dim3A_5, %select_n3A_1267 : vector<16xi1>, vector<16xi32>
    %reduce_max3A_1356 = arith.constant true
    %reduce_max3A_1357 = vector.broadcast %reduce_max3A_1356 : i1 to vector<16xi1>
    %reduce_max3A_1358 = tpu.scan <max>, %select_n3A_1296 masked %reduce_max3A_1357 : vector<16xf32>, vector<16xi1> -> vector<16xf32>
    %reduce_max3A_1359 = vector.extract %reduce_max3A_1358[15] : f32 from vector<16xf32>
    %eq3A_1360 = vector.broadcast %reduce_max3A_1359 : f32 to vector<16xf32>
    %eq3A_1361 = arith.cmpf oeq, %select_n3A_1296, %eq3A_1360 : vector<16xf32>
    %select_n3A_1362 = arith.select %eq3A_1361, %select_n3A_1297, %broadcast_in_dim3A_5 : vector<16xi1>, vector<16xi32>
    %reduce_min3A_1363 = arith.constant true
    %reduce_min3A_1364 = vector.broadcast %reduce_min3A_1363 : i1 to vector<16xi1>
    %reduce_min3A_1365 = arith.constant -2147483648 : i32
    %reduce_min3A_1366 = vector.broadcast %reduce_min3A_1365 : i32 to vector<16xi32>
    %reduce_min3A_1367 = arith.xori %select_n3A_1362, %reduce_min3A_1366 : vector<16xi32>
    %reduce_min3A_1368 = tpu.scan <min>, %reduce_min3A_1367 masked %reduce_min3A_1364 : vector<16xi32>, vector<16xi1> -> vector<16xi32>
    %reduce_min3A_1369 = arith.xori %reduce_min3A_1368, %reduce_min3A_1366 : vector<16xi32>
    %reduce_min3A_1370 = vector.extract %reduce_min3A_1369[15] : i32 from vector<16xi32>
    %eq3A_1371 = arith.constant 6 : i32
    %eq3A_1372 = vector.broadcast %eq3A_1371 : i32 to vector<16xi32>
    %eq3A_1373 = arith.cmpi eq, %iota3A, %eq3A_1372 : vector<16xi32>
    %broadcast_in_dim3A_1374 = vector.broadcast %reduce_max3A_1359 : f32 to vector<16xf32>
    %select_n3A_1375 = arith.select %eq3A_1373, %broadcast_in_dim3A_1374, %select_n3A_1287 : vector<16xi1>, vector<16xf32>
    %eq3A_1376 = arith.constant 6 : i32
    %eq3A_1377 = vector.broadcast %eq3A_1376 : i32 to vector<16xi32>
    %eq3A_1378 = arith.cmpi eq, %iota3A, %eq3A_1377 : vector<16xi32>
    %broadcast_in_dim3A_1379 = vector.broadcast %reduce_min3A_1370 : i32 to vector<16xi32>
    %select_n3A_1380 = arith.select %eq3A_1378, %broadcast_in_dim3A_1379, %select_n3A_1292 : vector<16xi1>, vector<16xi32>
    %eq3A_1381 = vector.broadcast %reduce_min3A_1370 : i32 to vector<16xi32>
    %eq3A_1382 = arith.cmpi eq, %select_n3A_1297, %eq3A_1381 : vector<16xi32>
    %and3A_1383 = arith.andi %eq3A_1361, %eq3A_1382 : vector<16xi1>
    %select_n3A_1384 = arith.select %and3A_1383, %select_n3A_1298, %select_n3A_1296 : vector<16xi1>, vector<16xf32>
    %select_n3A_1385 = arith.select %and3A_1383, %select_n3A_1299, %select_n3A_1297 : vector<16xi1>, vector<16xi32>
    %select_n3A_1386 = arith.select %and3A_1383, %select_n3A_1300, %select_n3A_1298 : vector<16xi1>, vector<16xf32>
    %select_n3A_1387 = arith.select %and3A_1383, %select_n3A_1301, %select_n3A_1299 : vector<16xi1>, vector<16xi32>
    %select_n3A_1388 = arith.select %and3A_1383, %select_n3A_1302, %select_n3A_1300 : vector<16xi1>, vector<16xf32>
    %select_n3A_1389 = arith.select %and3A_1383, %select_n3A_1303, %select_n3A_1301 : vector<16xi1>, vector<16xi32>
    %select_n3A_1390 = arith.select %and3A_1383, %select_n3A_1304, %select_n3A_1302 : vector<16xi1>, vector<16xf32>
    %select_n3A_1391 = arith.select %and3A_1383, %select_n3A_1305, %select_n3A_1303 : vector<16xi1>, vector<16xi32>
    %select_n3A_1392 = arith.select %and3A_1383, %select_n3A_1306, %select_n3A_1304 : vector<16xi1>, vector<16xf32>
    %select_n3A_1393 = arith.select %and3A_1383, %select_n3A_1307, %select_n3A_1305 : vector<16xi1>, vector<16xi32>
    %select_n3A_1394 = arith.select %and3A_1383, %select_n3A_1308, %select_n3A_1306 : vector<16xi1>, vector<16xf32>
    %select_n3A_1395 = arith.select %and3A_1383, %select_n3A_1309, %select_n3A_1307 : vector<16xi1>, vector<16xi32>
    %select_n3A_1396 = arith.select %and3A_1383, %select_n3A_1310, %select_n3A_1308 : vector<16xi1>, vector<16xf32>
    %select_n3A_1397 = arith.select %and3A_1383, %select_n3A_1311, %select_n3A_1309 : vector<16xi1>, vector<16xi32>
    %select_n3A_1398 = arith.select %and3A_1383, %broadcast_in_dim3A_3, %select_n3A_1310 : vector<16xi1>, vector<16xf32>
    %select_n3A_1399 = arith.select %and3A_1383, %broadcast_in_dim3A_5, %select_n3A_1311 : vector<16xi1>, vector<16xi32>
    %reduce_max3A_1400 = arith.constant true
    %reduce_max3A_1401 = vector.broadcast %reduce_max3A_1400 : i1 to vector<16xi1>
    %reduce_max3A_1402 = tpu.scan <max>, %select_n3A_1340 masked %reduce_max3A_1401 : vector<16xf32>, vector<16xi1> -> vector<16xf32>
    %reduce_max3A_1403 = vector.extract %reduce_max3A_1402[15] : f32 from vector<16xf32>
    %eq3A_1404 = vector.broadcast %reduce_max3A_1403 : f32 to vector<16xf32>
    %eq3A_1405 = arith.cmpf oeq, %select_n3A_1340, %eq3A_1404 : vector<16xf32>
    %select_n3A_1406 = arith.select %eq3A_1405, %select_n3A_1341, %broadcast_in_dim3A_5 : vector<16xi1>, vector<16xi32>
    %reduce_min3A_1407 = arith.constant true
    %reduce_min3A_1408 = vector.broadcast %reduce_min3A_1407 : i1 to vector<16xi1>
    %reduce_min3A_1409 = arith.constant -2147483648 : i32
    %reduce_min3A_1410 = vector.broadcast %reduce_min3A_1409 : i32 to vector<16xi32>
    %reduce_min3A_1411 = arith.xori %select_n3A_1406, %reduce_min3A_1410 : vector<16xi32>
    %reduce_min3A_1412 = tpu.scan <min>, %reduce_min3A_1411 masked %reduce_min3A_1408 : vector<16xi32>, vector<16xi1> -> vector<16xi32>
    %reduce_min3A_1413 = arith.xori %reduce_min3A_1412, %reduce_min3A_1410 : vector<16xi32>
    %reduce_min3A_1414 = vector.extract %reduce_min3A_1413[15] : i32 from vector<16xi32>
    %eq3A_1415 = arith.constant 14 : i32
    %eq3A_1416 = vector.broadcast %eq3A_1415 : i32 to vector<16xi32>
    %eq3A_1417 = arith.cmpi eq, %iota3A, %eq3A_1416 : vector<16xi32>
    %broadcast_in_dim3A_1418 = vector.broadcast %reduce_max3A_1403 : f32 to vector<16xf32>
    %select_n3A_1419 = arith.select %eq3A_1417, %broadcast_in_dim3A_1418, %select_n3A_1331 : vector<16xi1>, vector<16xf32>
    %eq3A_1420 = arith.constant 14 : i32
    %eq3A_1421 = vector.broadcast %eq3A_1420 : i32 to vector<16xi32>
    %eq3A_1422 = arith.cmpi eq, %iota3A, %eq3A_1421 : vector<16xi32>
    %broadcast_in_dim3A_1423 = vector.broadcast %reduce_min3A_1414 : i32 to vector<16xi32>
    %select_n3A_1424 = arith.select %eq3A_1422, %broadcast_in_dim3A_1423, %select_n3A_1336 : vector<16xi1>, vector<16xi32>
    %eq3A_1425 = vector.broadcast %reduce_min3A_1414 : i32 to vector<16xi32>
    %eq3A_1426 = arith.cmpi eq, %select_n3A_1341, %eq3A_1425 : vector<16xi32>
    %and3A_1427 = arith.andi %eq3A_1405, %eq3A_1426 : vector<16xi1>
    %select_n3A_1428 = arith.select %and3A_1427, %select_n3A_1342, %select_n3A_1340 : vector<16xi1>, vector<16xf32>
    %select_n3A_1429 = arith.select %and3A_1427, %select_n3A_1343, %select_n3A_1341 : vector<16xi1>, vector<16xi32>
    %select_n3A_1430 = arith.select %and3A_1427, %select_n3A_1344, %select_n3A_1342 : vector<16xi1>, vector<16xf32>
    %select_n3A_1431 = arith.select %and3A_1427, %select_n3A_1345, %select_n3A_1343 : vector<16xi1>, vector<16xi32>
    %select_n3A_1432 = arith.select %and3A_1427, %select_n3A_1346, %select_n3A_1344 : vector<16xi1>, vector<16xf32>
    %select_n3A_1433 = arith.select %and3A_1427, %select_n3A_1347, %select_n3A_1345 : vector<16xi1>, vector<16xi32>
    %select_n3A_1434 = arith.select %and3A_1427, %select_n3A_1348, %select_n3A_1346 : vector<16xi1>, vector<16xf32>
    %select_n3A_1435 = arith.select %and3A_1427, %select_n3A_1349, %select_n3A_1347 : vector<16xi1>, vector<16xi32>
    %select_n3A_1436 = arith.select %and3A_1427, %select_n3A_1350, %select_n3A_1348 : vector<16xi1>, vector<16xf32>
    %select_n3A_1437 = arith.select %and3A_1427, %select_n3A_1351, %select_n3A_1349 : vector<16xi1>, vector<16xi32>
    %select_n3A_1438 = arith.select %and3A_1427, %select_n3A_1352, %select_n3A_1350 : vector<16xi1>, vector<16xf32>
    %select_n3A_1439 = arith.select %and3A_1427, %select_n3A_1353, %select_n3A_1351 : vector<16xi1>, vector<16xi32>
    %select_n3A_1440 = arith.select %and3A_1427, %select_n3A_1354, %select_n3A_1352 : vector<16xi1>, vector<16xf32>
    %select_n3A_1441 = arith.select %and3A_1427, %select_n3A_1355, %select_n3A_1353 : vector<16xi1>, vector<16xi32>
    %select_n3A_1442 = arith.select %and3A_1427, %broadcast_in_dim3A_3, %select_n3A_1354 : vector<16xi1>, vector<16xf32>
    %select_n3A_1443 = arith.select %and3A_1427, %broadcast_in_dim3A_5, %select_n3A_1355 : vector<16xi1>, vector<16xi32>
    %reduce_max3A_1444 = arith.constant true
    %reduce_max3A_1445 = vector.broadcast %reduce_max3A_1444 : i1 to vector<16xi1>
    %reduce_max3A_1446 = tpu.scan <max>, %select_n3A_1384 masked %reduce_max3A_1445 : vector<16xf32>, vector<16xi1> -> vector<16xf32>
    %reduce_max3A_1447 = vector.extract %reduce_max3A_1446[15] : f32 from vector<16xf32>
    %eq3A_1448 = vector.broadcast %reduce_max3A_1447 : f32 to vector<16xf32>
    %eq3A_1449 = arith.cmpf oeq, %select_n3A_1384, %eq3A_1448 : vector<16xf32>
    %select_n3A_1450 = arith.select %eq3A_1449, %select_n3A_1385, %broadcast_in_dim3A_5 : vector<16xi1>, vector<16xi32>
    %reduce_min3A_1451 = arith.constant true
    %reduce_min3A_1452 = vector.broadcast %reduce_min3A_1451 : i1 to vector<16xi1>
    %reduce_min3A_1453 = arith.constant -2147483648 : i32
    %reduce_min3A_1454 = vector.broadcast %reduce_min3A_1453 : i32 to vector<16xi32>
    %reduce_min3A_1455 = arith.xori %select_n3A_1450, %reduce_min3A_1454 : vector<16xi32>
    %reduce_min3A_1456 = tpu.scan <min>, %reduce_min3A_1455 masked %reduce_min3A_1452 : vector<16xi32>, vector<16xi1> -> vector<16xi32>
    %reduce_min3A_1457 = arith.xori %reduce_min3A_1456, %reduce_min3A_1454 : vector<16xi32>
    %reduce_min3A_1458 = vector.extract %reduce_min3A_1457[15] : i32 from vector<16xi32>
    %eq3A_1459 = arith.constant 7 : i32
    %eq3A_1460 = vector.broadcast %eq3A_1459 : i32 to vector<16xi32>
    %eq3A_1461 = arith.cmpi eq, %iota3A, %eq3A_1460 : vector<16xi32>
    %broadcast_in_dim3A_1462 = vector.broadcast %reduce_max3A_1447 : f32 to vector<16xf32>
    %select_n3A_1463 = arith.select %eq3A_1461, %broadcast_in_dim3A_1462, %select_n3A_1375 : vector<16xi1>, vector<16xf32>
    %eq3A_1464 = arith.constant 7 : i32
    %eq3A_1465 = vector.broadcast %eq3A_1464 : i32 to vector<16xi32>
    %eq3A_1466 = arith.cmpi eq, %iota3A, %eq3A_1465 : vector<16xi32>
    %broadcast_in_dim3A_1467 = vector.broadcast %reduce_min3A_1458 : i32 to vector<16xi32>
    %select_n3A_1468 = arith.select %eq3A_1466, %broadcast_in_dim3A_1467, %select_n3A_1380 : vector<16xi1>, vector<16xi32>
    %eq3A_1469 = vector.broadcast %reduce_min3A_1458 : i32 to vector<16xi32>
    %eq3A_1470 = arith.cmpi eq, %select_n3A_1385, %eq3A_1469 : vector<16xi32>
    %and3A_1471 = arith.andi %eq3A_1449, %eq3A_1470 : vector<16xi1>
    %select_n3A_1472 = arith.select %and3A_1471, %select_n3A_1386, %select_n3A_1384 : vector<16xi1>, vector<16xf32>
    %select_n3A_1473 = arith.select %and3A_1471, %select_n3A_1387, %select_n3A_1385 : vector<16xi1>, vector<16xi32>
    %select_n3A_1474 = arith.select %and3A_1471, %select_n3A_1388, %select_n3A_1386 : vector<16xi1>, vector<16xf32>
    %select_n3A_1475 = arith.select %and3A_1471, %select_n3A_1389, %select_n3A_1387 : vector<16xi1>, vector<16xi32>
    %select_n3A_1476 = arith.select %and3A_1471, %select_n3A_1390, %select_n3A_1388 : vector<16xi1>, vector<16xf32>
    %select_n3A_1477 = arith.select %and3A_1471, %select_n3A_1391, %select_n3A_1389 : vector<16xi1>, vector<16xi32>
    %select_n3A_1478 = arith.select %and3A_1471, %select_n3A_1392, %select_n3A_1390 : vector<16xi1>, vector<16xf32>
    %select_n3A_1479 = arith.select %and3A_1471, %select_n3A_1393, %select_n3A_1391 : vector<16xi1>, vector<16xi32>
    %select_n3A_1480 = arith.select %and3A_1471, %select_n3A_1394, %select_n3A_1392 : vector<16xi1>, vector<16xf32>
    %select_n3A_1481 = arith.select %and3A_1471, %select_n3A_1395, %select_n3A_1393 : vector<16xi1>, vector<16xi32>
    %select_n3A_1482 = arith.select %and3A_1471, %select_n3A_1396, %select_n3A_1394 : vector<16xi1>, vector<16xf32>
    %select_n3A_1483 = arith.select %and3A_1471, %select_n3A_1397, %select_n3A_1395 : vector<16xi1>, vector<16xi32>
    %select_n3A_1484 = arith.select %and3A_1471, %select_n3A_1398, %select_n3A_1396 : vector<16xi1>, vector<16xf32>
    %select_n3A_1485 = arith.select %and3A_1471, %select_n3A_1399, %select_n3A_1397 : vector<16xi1>, vector<16xi32>
    %select_n3A_1486 = arith.select %and3A_1471, %broadcast_in_dim3A_3, %select_n3A_1398 : vector<16xi1>, vector<16xf32>
    %select_n3A_1487 = arith.select %and3A_1471, %broadcast_in_dim3A_5, %select_n3A_1399 : vector<16xi1>, vector<16xi32>
    %reduce_max3A_1488 = arith.constant true
    %reduce_max3A_1489 = vector.broadcast %reduce_max3A_1488 : i1 to vector<16xi1>
    %reduce_max3A_1490 = tpu.scan <max>, %select_n3A_1428 masked %reduce_max3A_1489 : vector<16xf32>, vector<16xi1> -> vector<16xf32>
    %reduce_max3A_1491 = vector.extract %reduce_max3A_1490[15] : f32 from vector<16xf32>
    %eq3A_1492 = vector.broadcast %reduce_max3A_1491 : f32 to vector<16xf32>
    %eq3A_1493 = arith.cmpf oeq, %select_n3A_1428, %eq3A_1492 : vector<16xf32>
    %select_n3A_1494 = arith.select %eq3A_1493, %select_n3A_1429, %broadcast_in_dim3A_5 : vector<16xi1>, vector<16xi32>
    %reduce_min3A_1495 = arith.constant true
    %reduce_min3A_1496 = vector.broadcast %reduce_min3A_1495 : i1 to vector<16xi1>
    %reduce_min3A_1497 = arith.constant -2147483648 : i32
    %reduce_min3A_1498 = vector.broadcast %reduce_min3A_1497 : i32 to vector<16xi32>
    %reduce_min3A_1499 = arith.xori %select_n3A_1494, %reduce_min3A_1498 : vector<16xi32>
    %reduce_min3A_1500 = tpu.scan <min>, %reduce_min3A_1499 masked %reduce_min3A_1496 : vector<16xi32>, vector<16xi1> -> vector<16xi32>
    %reduce_min3A_1501 = arith.xori %reduce_min3A_1500, %reduce_min3A_1498 : vector<16xi32>
    %reduce_min3A_1502 = vector.extract %reduce_min3A_1501[15] : i32 from vector<16xi32>
    %eq3A_1503 = arith.constant 15 : i32
    %eq3A_1504 = vector.broadcast %eq3A_1503 : i32 to vector<16xi32>
    %eq3A_1505 = arith.cmpi eq, %iota3A, %eq3A_1504 : vector<16xi32>
    %broadcast_in_dim3A_1506 = vector.broadcast %reduce_max3A_1491 : f32 to vector<16xf32>
    %select_n3A_1507 = arith.select %eq3A_1505, %broadcast_in_dim3A_1506, %select_n3A_1419 : vector<16xi1>, vector<16xf32>
    %eq3A_1508 = arith.constant 15 : i32
    %eq3A_1509 = vector.broadcast %eq3A_1508 : i32 to vector<16xi32>
    %eq3A_1510 = arith.cmpi eq, %iota3A, %eq3A_1509 : vector<16xi32>
    %broadcast_in_dim3A_1511 = vector.broadcast %reduce_min3A_1502 : i32 to vector<16xi32>
    %select_n3A_1512 = arith.select %eq3A_1510, %broadcast_in_dim3A_1511, %select_n3A_1424 : vector<16xi1>, vector<16xi32>
    %eq3A_1513 = vector.broadcast %reduce_min3A_1502 : i32 to vector<16xi32>
    %eq3A_1514 = arith.cmpi eq, %select_n3A_1429, %eq3A_1513 : vector<16xi32>
    %and3A_1515 = arith.andi %eq3A_1493, %eq3A_1514 : vector<16xi1>
    %select_n3A_1516 = arith.select %and3A_1515, %select_n3A_1430, %select_n3A_1428 : vector<16xi1>, vector<16xf32>
    %select_n3A_1517 = arith.select %and3A_1515, %select_n3A_1431, %select_n3A_1429 : vector<16xi1>, vector<16xi32>
    %select_n3A_1518 = arith.select %and3A_1515, %select_n3A_1432, %select_n3A_1430 : vector<16xi1>, vector<16xf32>
    %select_n3A_1519 = arith.select %and3A_1515, %select_n3A_1433, %select_n3A_1431 : vector<16xi1>, vector<16xi32>
    %select_n3A_1520 = arith.select %and3A_1515, %select_n3A_1434, %select_n3A_1432 : vector<16xi1>, vector<16xf32>
    %select_n3A_1521 = arith.select %and3A_1515, %select_n3A_1435, %select_n3A_1433 : vector<16xi1>, vector<16xi32>
    %select_n3A_1522 = arith.select %and3A_1515, %select_n3A_1436, %select_n3A_1434 : vector<16xi1>, vector<16xf32>
    %select_n3A_1523 = arith.select %and3A_1515, %select_n3A_1437, %select_n3A_1435 : vector<16xi1>, vector<16xi32>
    %select_n3A_1524 = arith.select %and3A_1515, %select_n3A_1438, %select_n3A_1436 : vector<16xi1>, vector<16xf32>
    %select_n3A_1525 = arith.select %and3A_1515, %select_n3A_1439, %select_n3A_1437 : vector<16xi1>, vector<16xi32>
    %select_n3A_1526 = arith.select %and3A_1515, %select_n3A_1440, %select_n3A_1438 : vector<16xi1>, vector<16xf32>
    %select_n3A_1527 = arith.select %and3A_1515, %select_n3A_1441, %select_n3A_1439 : vector<16xi1>, vector<16xi32>
    %select_n3A_1528 = arith.select %and3A_1515, %select_n3A_1442, %select_n3A_1440 : vector<16xi1>, vector<16xf32>
    %select_n3A_1529 = arith.select %and3A_1515, %select_n3A_1443, %select_n3A_1441 : vector<16xi1>, vector<16xi32>
    %select_n3A_1530 = arith.select %and3A_1515, %broadcast_in_dim3A_3, %select_n3A_1442 : vector<16xi1>, vector<16xf32>
    %select_n3A_1531 = arith.select %and3A_1515, %broadcast_in_dim3A_5, %select_n3A_1443 : vector<16xi1>, vector<16xi32>
    %lt3A_1532 = arith.constant 8 : i32
    %lt3A_1533 = vector.broadcast %lt3A_1532 : i32 to vector<16xi32>
    %lt3A_1534 = arith.cmpi slt, %iota3A, %lt3A_1533 : vector<16xi32>
    %select_n3A_1535 = arith.select %lt3A_1534, %select_n3A_1463, %select_n3A_1507 : vector<16xi1>, vector<16xf32>
    %swap3A_1536 = arith.constant 1 : i32
    %swap3A_1537 = arith.index_cast %swap3A_1536 : i32 to index
    %swap3A_1538 = arith.constant 0 : index
    %swap3A_1539 = tpu.vector_load %arg7[%swap3A_1537, %swap3A_1538] {strides = array<i32>} : memref<2x16xf32, #tpu.memory_space<vmem>>, vector<16xf32>,
    tpu.vector_store %arg7[%swap3A_1537, %swap3A_1538], %select_n3A_1535 {strides = array<i32>} : memref<2x16xf32, #tpu.memory_space<vmem>>, vector<16xf32>,
    %select_n3A_1540 = arith.select %lt3A_1534, %select_n3A_1468, %select_n3A_1512 : vector<16xi1>, vector<16xi32>
    %swap3A_1541 = arith.constant 1 : i32
    %swap3A_1542 = arith.index_cast %swap3A_1541 : i32 to index
    %swap3A_1543 = arith.constant 0 : index
    %swap3A_1544 = tpu.vector_load %arg8[%swap3A_1542, %swap3A_1543] {strides = array<i32>} : memref<2x16xi32, #tpu.memory_space<vmem>>, vector<16xi32>,
    tpu.vector_store %arg8[%swap3A_1542, %swap3A_1543], %select_n3A_1540 {strides = array<i32>} : memref<2x16xi32, #tpu.memory_space<vmem>>, vector<16xi32>,
    %mul3A_1545 = arith.constant 2 : i32
    %mul3A_1546 = arith.muli %add3A, %mul3A_1545 : i32
    "tpu.region"() ({
      %run_scoped3A = tpu.sem_alloc : memref<!tpu.dma_semaphore, #tpu.memory_space<semaphore_mem>>
      %dma_start3A = arith.constant 0 : i32
      %dma_start3A_1549 = tpu.memref_slice %arg3[%mul3A_1546, %dma_start3A] : memref<64x16xf32, #tpu.memory_space<hbm>> -> memref<2x16xf32, #tpu.memory_space<hbm>>
      %dma_start3A_1550 = arith.constant 0 : i32
      %dma_start3A_1551 = tpu.memref_slice %arg3[%mul3A_1546, %dma_start3A_1550] : memref<64x16xf32, #tpu.memory_space<hbm>> -> memref<2x16xf32, #tpu.memory_space<hbm>>
      tpu.enqueue_dma source(%arg7 : memref<2x16xf32, #tpu.memory_space<vmem>>) target(%dma_start3A_1551 : memref<2x16xf32, #tpu.memory_space<hbm>>) target_semaphore(%run_scoped3A : memref<!tpu.dma_semaphore, #tpu.memory_space<semaphore_mem>>)
      %dma_wait3A = arith.constant 0 : i32
      %dma_wait3A_1552 = tpu.memref_slice %arg3[%mul3A_1546, %dma_wait3A] : memref<64x16xf32, #tpu.memory_space<hbm>> -> memref<2x16xf32, #tpu.memory_space<hbm>>
      %dma_wait3A_1553 = arith.constant 0 : i32
      %dma_wait3A_1554 = tpu.memref_slice %arg3[%mul3A_1546, %dma_wait3A_1553] : memref<64x16xf32, #tpu.memory_space<hbm>> -> memref<2x16xf32, #tpu.memory_space<hbm>>
      tpu.wait_dma2 semaphore(%run_scoped3A : memref<!tpu.dma_semaphore, #tpu.memory_space<semaphore_mem>>) src(%arg7 : memref<2x16xf32, #tpu.memory_space<vmem>>) dst(%dma_wait3A_1554 : memref<2x16xf32, #tpu.memory_space<hbm>>)
      tpu.yield
    }) : () -> ()
    %mul3A_1547 = arith.constant 2 : i32
    %mul3A_1548 = arith.muli %add3A, %mul3A_1547 : i32
    "tpu.region"() ({
      %run_scoped3A = tpu.sem_alloc : memref<!tpu.dma_semaphore, #tpu.memory_space<semaphore_mem>>
      %dma_start3A = arith.constant 0 : i32
      %dma_start3A_1549 = tpu.memref_slice %arg4[%mul3A_1548, %dma_start3A] : memref<64x16xi32, #tpu.memory_space<hbm>> -> memref<2x16xi32, #tpu.memory_space<hbm>>
      %dma_start3A_1550 = arith.constant 0 : i32
      %dma_start3A_1551 = tpu.memref_slice %arg4[%mul3A_1548, %dma_start3A_1550] : memref<64x16xi32, #tpu.memory_space<hbm>> -> memref<2x16xi32, #tpu.memory_space<hbm>>
      tpu.enqueue_dma source(%arg8 : memref<2x16xi32, #tpu.memory_space<vmem>>) target(%dma_start3A_1551 : memref<2x16xi32, #tpu.memory_space<hbm>>) target_semaphore(%run_scoped3A : memref<!tpu.dma_semaphore, #tpu.memory_space<semaphore_mem>>)
      %dma_wait3A = arith.constant 0 : i32
      %dma_wait3A_1552 = tpu.memref_slice %arg4[%mul3A_1548, %dma_wait3A] : memref<64x16xi32, #tpu.memory_space<hbm>> -> memref<2x16xi32, #tpu.memory_space<hbm>>
      %dma_wait3A_1553 = arith.constant 0 : i32
      %dma_wait3A_1554 = tpu.memref_slice %arg4[%mul3A_1548, %dma_wait3A_1553] : memref<64x16xi32, #tpu.memory_space<hbm>> -> memref<2x16xi32, #tpu.memory_space<hbm>>
      tpu.wait_dma2 semaphore(%run_scoped3A : memref<!tpu.dma_semaphore, #tpu.memory_space<semaphore_mem>>) src(%arg8 : memref<2x16xi32, #tpu.memory_space<vmem>>) dst(%dma_wait3A_1554 : memref<2x16xi32, #tpu.memory_space<hbm>>)
      tpu.yield
    }) : () -> ()
    return
  }
}

</mosaic_0001>

<sc_bundles>
// kernel: _topk.3.cloned.1.call-start
scs
__scs_entry_jumppad:
0x0: {  	(pc) =	sbr.rel $0x88, $3  }
0x1: {  	(tag) =	ssettag $0x0;
	lr =	simm.s32 $0x1  }
0x2: {  	[smem:$0x3FA0] =	sst lr;
	_ =	strace $0xD0000000  }
0x3: {  	_ = 	snop  }
0x4: {  	_ = 	snop  }
0x5: {  	_ = 	snop  }
0x6: {  	_ = 	snop  }
0x7: {  	_ = 	snop  }
__scs_overlays_trampoline_lowered:
0x8: {  	[smem:$0x3FAF] =	sst s0  }
0x9: {  	[smem:$0x3FB0] =	sst s1  }
0xa: {  	[smem:$0x3FB1] =	sst s2  }
0xb: {  	[smem:$0x3FB2] =	sst s3  }
0xc: {  	[smem:$0x3FB3] =	sst s4  }
0xd: {  	[smem:$0x3FB4] =	sst s5  }
0xe: {  	[smem:$0x3FB5] =	sst s6  }
0xf: {  	[smem:$0x3FB6] =	sst s7  }
0x10: {  	[smem:$0x3FB7] =	sst s8  }
0x11: {  	[smem:$0x3FB8] =	sst s9;
	s0 =	simm.s32 @!p0 $0x0  }
0x12: {  	s1 =	sld [smem:$0x3F9E];
	s0 =	simm.s32 @p0 $0x1  }
0x13: {  	[smem:$0x3FB9] =	sst s0;
	s0 =	simm.s32 @!p1 $0x0  }
0x14: {  	s2 =	sld [smem:$0x3F9D];
	s0 =	simm.s32 @p1 $0x1  }
0x15: {  	[smem:$0x3FBA] =	sst s0;
	s0 =	simm.s32 @!p2 $0x0  }
0x16: {  	s3 =	sld [smem:$0x3FDB];
	s0 =	simm.s32 @p2 $0x1  }
0x17: {  	s4 =	simm.s32 $0x1BF5;
	[smem:$0x3FBC] =	sst s0  }
0x18: {  	s0 =	sld [smem:$0x3F9F];
	_ =	swait.ge [sflag:s4], $0x0  }
0x19: {  	s7 =	sld [smem:$0x3FA0]  }
0x1a: {  	s8 =	sadd.s32 $0xFFFFE003, lr  }
0x1b: {  	s9 =	sadd.s32 $0xFFFFFEF7, lr;
	s5 =	simm.s32 $0xFFFFFFFF;
	p2 =	slt.u32 s8, $0xFFFFF086  }
0x1c: {  	p1 =	slt.u32 s9, $0xF7A;
	s5 =	simm.s32 @!p2 $0x0  }
0x1d: {  	s5 =	simm.s32 @p1 $0x1;
	p0 =	seq.s32 s7, s2  }
0x1e: {  	s7 =	smul.u32 @!p0 $0xF7A, s2;
	p2 =	seq.s32 @!p0 s5, $0x0  }
0x1f: {  	s9 =	smul.u32 $0xF7A, s1;
	s8 =	simm.s32 @!p0 $0x1BF5;
	p2 =	por !p2, p0  }
0x20: {  	[sflag:s8] =	ssyncset.s32 @!p0 $0xFFFFF086;
	s6 =	sadd.s32 @!p0 s3, s7;
	s7 =	simm.s32 @!p0 $0x108  }
0x21: {  	s3 =	sadd.s32 s3, s9;
	s6 =	sadd.s32 @!p0 $0x88, s6;
	s7 =	simm.s32 @p2 $0x1082  }
0x22: {  	[simem:s7], [sflag:s8] =	dma.local @!p0 [hbm:s6], $0xF7A  }
0x23: {  	s9 =	sor.u32 $0xD0000000, s2;
	s6 =	simm.s32 $0x108;
	_ =	swait.ge @!p0 [sflag:s8], $0x0  }
0x24: {  	s3 =	sadd.s32 $0x88, s3;
	s6 =	simm.s32 @!p1 $0x1082;
	[sflag:s4] =	ssyncset.s32 $0xFFFFF086  }
0x25: {  	[simem:s6], [sflag:s4] =	dma.local [hbm:s3], $0xF7A  }
0x26: {  	[smem:$0x3FA0] =	sst s1;
	(tag) =	ssettag s2;
	_ =	strace s9  }
0x27: {  	s1 =	sld [smem:$0x3FB0]  }
0x28: {  	s2 =	sld [smem:$0x3FB1]  }
0x29: {  	s4 =	sld [smem:$0x3FB3]  }
0x2a: {  	p0 =	seq.s32 s5, $0x0;
	s5 =	sld [smem:$0x3FB4]  }
0x2b: {  	s6 =	sld [smem:$0x3FB5]  }
0x2c: {  	s7 =	sld [smem:$0x3FB6]  }
0x2d: {  	s3 =	simm.s32 $0x108;
	s8 =	sld [smem:$0x3FB7]  }
0x2e: {  	s3 =	simm.s32 @!p0 $0x1082;
	s9 =	sld [smem:$0x3FB8]  }
0x2f: {  	lr =	sadd.s32 s0, s3;
	s0 =	sld [smem:$0x3FAF]  }
0x30: {  	s3 =	sld [smem:$0x3FB2]  }
0x31: {  	[smem:$0x3FBB] =	sst s10  }
0x32: {  	s10 =	sld [smem:$0x3FB9];
	_ =	sdelay $0x3  }
0x33: {  	p0 =	seq.s32 s10, $0x1;
	s10 =	sld [smem:$0x3FBB];
	_ =	sdelay $0x3  }
0x34: {  	[smem:$0x3FBB] =	sst s10  }
0x35: {  	s10 =	sld [smem:$0x3FBA];
	_ =	sdelay $0x3  }
0x36: {  	p1 =	seq.s32 s10, $0x1;
	s10 =	sld [smem:$0x3FBB];
	_ =	sdelay $0x3  }
0x37: {  	[smem:$0x3FBB] =	sst s10  }
0x38: {  	s10 =	sld [smem:$0x3FBC]  }
0x39: {  	_ = 	snop;
	(pc) =	sbr.ind lr, $3  }
0x3a: {  	_ = 	snop  }
0x3b: {  	_ = 	snop  }
0x3c: {  	p2 =	seq.s32 s10, $0x1;
	s10 =	sld [smem:$0x3FBB]  }
0x3d: {  	_ =	shalt  }
0x3e: {  	_ =	shalt  }
0x3f: {  	_ =	shalt  }
0x40: {  	_ =	shalt  }
0x41: {  	_ =	shalt  }
0x42: {  	_ =	shalt  }
0x43: {  	_ =	shalt  }
0x44: {  	_ =	shalt  }
0x45: {  	_ =	shalt  }
0x46: {  	_ =	shalt  }
0x47: {  	_ =	shalt  }
0x48: {  	_ =	shalt  }
0x49: {  	_ =	shalt  }
0x4a: {  	_ =	shalt  }
0x4b: {  	_ =	shalt  }
0x4c: {  	_ =	shalt  }
0x4d: {  	_ =	shalt  }
0x4e: {  	_ =	shalt  }
0x4f: {  	_ =	shalt  }
0x50: {  	_ =	shalt  }
0x51: {  	_ =	shalt  }
0x52: {  	_ =	shalt  }
0x53: {  	_ =	shalt  }
0x54: {  	_ =	shalt  }
0x55: {  	_ =	shalt  }
0x56: {  	_ =	shalt  }
0x57: {  	_ =	shalt  }
0x58: {  	_ =	shalt  }
0x59: {  	_ =	shalt  }
0x5a: {  	_ =	shalt  }
0x5b: {  	_ =	shalt  }
0x5c: {  	_ =	shalt  }
0x5d: {  	_ =	shalt  }
0x5e: {  	_ =	shalt  }
0x5f: {  	_ =	shalt  }
0x60: {  	_ =	shalt  }
0x61: {  	_ =	shalt  }
0x62: {  	_ =	shalt  }
0x63: {  	_ =	shalt  }
0x64: {  	_ =	shalt  }
0x65: {  	_ =	shalt  }
0x66: {  	_ =	shalt  }
0x67: {  	_ =	shalt  }
0x68: {  	_ =	shalt  }
0x69: {  	_ =	shalt  }
0x6a: {  	_ =	shalt  }
0x6b: {  	_ =	shalt  }
0x6c: {  	_ =	shalt  }
0x6d: {  	_ =	shalt  }
0x6e: {  	_ =	shalt  }
0x6f: {  	_ =	shalt  }
0x70: {  	_ =	shalt  }
0x71: {  	_ =	shalt  }
0x72: {  	_ =	shalt  }
0x73: {  	_ =	shalt  }
0x74: {  	_ =	shalt  }
0x75: {  	_ =	shalt  }
0x76: {  	_ =	shalt  }
0x77: {  	_ =	shalt  }
0x78: {  	_ =	shalt  }
0x79: {  	_ =	shalt  }
0x7a: {  	_ =	shalt  }
0x7b: {  	_ =	shalt  }
0x7c: {  	_ =	shalt  }
0x7d: {  	_ =	shalt  }
0x7e: {  	_ =	shalt  }
0x7f: {  	_ =	shalt  }
0x80: {  	_ =	shalt  }
0x81: {  	_ =	shalt  }
0x82: {  	_ =	shalt  }
0x83: {  	_ =	shalt  }
0x84: {  	_ =	shalt  }
0x85: {  	_ =	shalt  }
0x86: {  	_ =	shalt  }
0x87: {  	_ =	shalt  }
.Lfunc_end0:
.L_simem_size_0:
called_computation_lowered:
.L_overlay_start_0:
0x88: {  	s2 =	sld [smem:$0x3FD9]  }
0x89: {  	s3 =	sld [smem:$0x3FFE];
	_ =	sdelay $0x1  }
0x8a: {  	s1 =	srdreg.scid  }
0x8b: {  	s0 =	sand.u32 $0x1, s1  }
0x8c: {  	s17 =	sshll.u32 s0, $0xA;
	s2 =	sadd.s32 s3, s2  }
0x8d: {  	s2 =	sadd.s32 s2, s17  }
0x8e: {  	[smem:$0x3FC7] =	sst s2  }
0x8f: {  	_ = 	snop  }
0x90: {  	s2 =	sld [smem:$0x3FC9];
	(tm) =	ssettm $0x1  }
0x91: {  	s18 =	sld [smem:$0x3FFB];
	_ =	sdelay $0x3  }
0x92: {  	_ =	strace s18  }
0x93: {  	s3 =	sld [smem:$0x3FFC];
	_ =	sdelay $0x3  }
0x94: {  	_ =	strace s3  }
0x95: {  	s3 =	sld [smem:$0x3FFD];
	_ =	sdelay $0x3  }
0x96: {  	_ =	strace s3  }
0x97: {  	_ =	strace $0x8FFFFFFF  }
0x98: {  	s19 =	sld [smem:$0x3FDB];
	_ =	sdelay $0x1  }
0x99: {  	s4 =	simm.s32 $_scs_section_size  }
0x9a: {  	s5 =	simm.s32 $_size__tile_overlayer_lowered;
	s6 =	simm.s32 $_tile_overlayer_lowered  }
0x9b: {  	s22 =	simm.s32 $0x1BFF;
	s21 =	sshll.u32 s6, $0x1;
	s3 =	sadd.s32 s4, s19  }
0x9c: {  	s7 =	simm.s32 $0x0;
	s20 =	sshll.u32 s5, $0x1;
	s5 =	sadd.s32 s21, s3  }
0x9d: {  	[timem:s7], [sflag:s22] =	dma.local [hbm:s5], s20  }
0x9e: {  	_ =	swait.ge [sflag:s22], s20  }
0x9f: {  	s4 =	ssub.s32 $0x0, s20;
	[sflag:s22] =	ssyncset.done $0x0  }
0xa0: {  	[sflag:s22] =	ssyncadd.s32 s4;
	_ =	sdelay $0x1  }
0xa1: {  	s23 =	simm.s32 $0x1B8B  }
0xa2: {  	_ =	swait.ge [sflag:s23], $0x1  }
0xa3: {  	[sflag:s23] =	ssyncset.done $0x0  }
0xa4: {  	s25 =	simm.s32 $0x1B8E;
	s24 =	sld [smem:$0x3FFE];
	[sflag:s23] =	ssyncadd.s32 $0xFFFFFFFF  }
0xa5: {  	s26 =	simm.s32 $execute0_lowered;
	[smem:$0x3FD2] =	sst s25  }
0xa6: {  	s5 =	sshll.u32 s26, $0x1;
	_ =	strace $0x80000046;
	[dreg:$0x1] =	wrdreg $0xFFFFFFFF  }
0xa7: {  	s28 =	simm.s32 $_size_execute0_lowered;
	s3 =	sadd.s32 s3, s5;
	[dreg:$0x0] =	wrdreg $0x0  }
0xa8: {  	s5 =	sshll.u32 s28, $0x1;
	[dreg:$0x2] =	wrdreg s3  }
0xa9: {  	[dreg:$0x3] =	wrdreg s5  }
0xaa: {  	[dreg:$0x4] =	wrdreg $0xC0  }
0xab: {  	_ =	task [dreg:s7], $0x5FFFF  }
0xac: {  	[dreg:$0x1] =	wrdreg $0xFFFFFFFF  }
0xad: {  	[dreg:$0x0] =	wrdreg $0x60  }
0xae: {  	[dreg:$0x2] =	wrdreg s2  }
0xaf: {  	[dreg:$0x3] =	wrdreg s24  }
0xb0: {  	[dreg:$0x4] =	wrdreg $0x9  }
0xb1: {  	_ =	task.clear_ibuf [dreg:s7], $0x5FFFF;
	_ =	strace $0x90000046  }
0xb2: {  	s29 =	simm.s32 $0x9;
	_ =	strace $0x80000048  }
0xb3: {  	_ =	swait.ge [sflag:s29], $0x1  }
0xb4: {  	[sflag:s29] =	ssyncadd.s32 $0xFFFFFFFF  }
0xb5: {  	_ =	strace $0x90000048  }
0xb6: {  	_ =	sfence  }
0xb7: {  	s30 =	sld [smem:$0x0];
	_ =	sdelay $0x2  }
0xb8: {  	s31 =	sshll.u32 s1, $0xD;
	s1 =	sshrl.u32 s1, $0x2  }
0xb9: {  	s3 =	sand.u32 $0x4000, s31;
	s1 =	sadd.s32 s1, s30  }
0xba: {  	s0 =	sor.u32 s3, s0;
	s1 =	sshll.u32 s1, $0x11  }
0xbb: {  	s0 =	sor.u32 s1, s0  }
0xbc: {  	s0 =	sadd.s32 $0x8F2B, s0  }
0xbd: {  	[sflag:s0] =	ssyncadd.remote.s32 $0x1  }
0xbe: {  	_ =	sfence.sel $0xFFFF  }
0xbf: {  	[dreg:$0x0] =	wrdreg $0xFFFFFFFF;
	(pc) =	sbr.abs _section_cstart, $3  }
0xc0: {  	[dreg:$0x1] =	wrdreg $0xFFFFFFFF  }
0xc1: {  	_ =	task.clear_ibuf [dreg:s7], $0x2FFFF;
	_ =	strace $0x9FFFFFFF  }
0xc2: {  	(tm) =	ssettm $0x7FFFFFFF  }
0xc3: {  	_ =	shalt  }
tec
execute0_lowered:
.L_overlay_start_1:
0x0: {  	(tag) =	ssettag $0x1  }
0x1: {  	s3 =	rddreg [dreg:$0x0]  }
0x2: {  	s4 =	rddreg [dreg:$0x1]  }
0x3: {  	s0 =	rddreg [dreg:$0x2]  }
0x4: {  	s2 =	simm.s32 $0x0;
	s5 =	srdreg.scid;
	s1 =	stileid.u32  }
0x5: {  	s10 =	simm.s32 $0x4080;
	s11 =	simm.s32 $0x4180;
	s12 =	simm.s32 $0x0  }
0x6: {  	[smem:$0x7FF] =	sst s2;
	s5 =	sand.u32 $0x1, s5;
	s6 =	sshll.u32 s1, $0x6  }
0x7: {  	s9 =	sshll.u32 s1, $0xB;
	_ =	strace $0x80000047;
	s7 =	sshll.u32 s5, $0x5  }
.Ltmp0:
0x8: {  	s29 =	ssub.s32 $0x2, s5;
	s5 =	sshll.u32 s5, $0x6;
	(pc) =	sbr.rel .LBB2_1-.Ltmp0, $4  }
0x9: {  	s6 =	sor.u32 s7, s6;
	s8 =	sshrl.u32 s29, $0x1;
	s3 =	sadd.s32 s3, s5  }
0xa: {  	s7 =	simm.s32 $0x200;
	s30 =	sadd.s32 s6, s4;
	s31 =	ssub.s32 s29, s8  }
0xb: {  	s3 =	sadd.s32 s9, s3;
	s8 =	simm.s32 $0x400;
	s9 =	simm.s32 $0x1  }
0xc: {  	v0 =	vlaneseq.u32;
	vm15 =	vcmask $0x2320;
	s4 =	sadd.s32 $0xA00, s30;
	s5 =	sadd.s32 $0xE00, s30;
	s6 =	smax.u32 s31, $0x1  }
.LBB2_16:
0xd: {  	vm6 =	vlt.s32 v44, v15;
	v39 =	vsel vm1, v37, v17;
	v36 =	vsel vm0, v38, v36  }
0xe: {  	v38 =	vsel vm3, v41, v24;
	v37 =	vsel vm0, v48, v25;
	v24 =	vsel vm4, v45, v34  }
0xf: {  	v25 =	vsel vm4, v46, v35;
	vm10 =	vgt.f32 v47, v31;
	vm11 =	vlt.s32 v42, v29  }
0x10: {  	vm4 =	veq.f32 v43, v28;
	v33 =	vsel vm3, v40, v33;
	vm9 =	vmand vm5, vm6  }
0x11: {  	vm5 =	vgt.f32 v43, v28;
	vm1 =	vmand vm4, vm11;
	vm0 =	vmor vm10, vm9  }
0x12: {  	v27 =	vsel vm2, v26, v27;
	vm1 =	vmor vm5, vm1;
	v15 =	vsel vm0, v44, v15  }
0x13: {  	v18 =	vsel vm0, v31, v47;
	v62 =	vsel vm1, v28, v43;
	v17 =	vsel vm1, v29, v42  }
0x14: {  	v16 =	vsel vm0, v47, v31;
	v32 =	vsel vm0, v32, v44;
	v31 =	vsel vm1, v43, v28  }
0x15: {  	v28 =	vsel vm1, v42, v29;
	vm5 =	veq.f32 v62, v23;
	vm6 =	vlt.s32 v17, v30  }
0x16: {  	vm12 =	vgt.f32 v18, v19;
	vm8 =	vgt.f32 v62, v23;
	vm5 =	vmand vm5, vm6  }
0x17: {  	vm4 =	veq.f32 v18, v19;
	vm13 =	vmor vm8, vm5;
	vm8 =	vlt.s32 v32, v21  }
0x18: {  	v29 =	vsel vm13, v23, v62;
	v63 =	vsel vm13, v30, v17;
	v17 =	vsel vm13, v17, v30  }
0x19: {  	vm15 =	vmand vm4, vm8;
	vm14 =	veq.f32 v29, v20;
	vm5 =	vlt.s32 v63, v22  }
0x1a: {  	vm6 =	vgt.f32 v29, v20;
	vm0 =	vmor vm12, vm15;
	vm1 =	vmand vm14, vm5  }
0x1b: {  	v23 =	vsel vm13, v62, v23;
	v21 =	vsel vm0, v32, v21;
	vm1 =	vmor vm6, vm1  }
0x1c: {  	v26 =	vsel vm1, v29, v20;
	v20 =	vsel vm0, v18, v19;
	v22 =	vsel vm1, v63, v22  }
.LBB2_17:
0x1d: {  	(xrf0) =	vmax.scan.msk.f32 $0xffff, v1;
	_ =	sdelay $0x5  }
0x1e: {  	v18, _, _ =	vpop (xrf0)  }
0x1f: {  	v18 =	vbroadcast v18, $0xF;
	_ =	sdelay $0x1  }
0x20: {  	v19 =	vxor.u32 $0x80000000, v2;
	vm0 =	veq.f32 v1, v18  }
0x21: {  	v19 =	vnsel vm0, $0xFFFFFFFF, v19  }
0x22: {  	(xrf0) =	vmin.scan.msk.u32 $0xffff, v19  }
0x23: {  	(xrf0) =	vmax.scan.msk.f32 $0xffff, v12;
	_ =	sdelay $0x4  }
0x24: {  	v19, _, _ =	vpop (xrf0)  }
0x25: {  	(v2sf) =	vpush v19, $0xF;
	v45, _, _ =	vpop (xrf0)  }
0x26: {  	v19 =	vbroadcast v45, $0xF;
	_ =	sdelay $0x1  }
0x27: {  	v29 =	vxor.u32 $0x80000000, v14;
	vm1 =	veq.f32 v12, v19  }
0x28: {  	v29 =	vnsel vm1, $0xFFFFFFFF, v29  }
0x29: {  	(xrf0) =	vmin.scan.msk.u32 $0xffff, v29;
	_ =	sdelay $0x5  }
0x2a: {  	v29, _, _ =	vpop (xrf0)  }
0x2b: {  	(v2sf) =	vpush v29, $0xF;
	_ =	sdelay $0x2  }
0x2c: {  	s13 =	spop (v2sf)  }
0x2d: {  	s14 =	sxor.u32 $0x80000000, s13  }
0x2e: {  	vm2 =	veq.s32 v2, s14  }
0x2f: {  	vm3 =	vmand vm0, vm2  }
0x30: {  	v46 =	vsel vm3, v10, v1  }
0x31: {  	(xrf0) =	vmax.scan.msk.f32 $0xffff, v46;
	_ =	sdelay $0x5  }
0x32: {  	v1, _, _ =	vpop (xrf0)  }
0x33: {  	s29 =	spop (v2sf);
	v1 =	vbroadcast v1, $0xF  }
0x34: {  	v30 =	vsel vm3, v13, v2;
	s13 =	sxor.u32 $0x80000000, s29  }
0x35: {  	v2 =	vxor.u32 $0x80000000, v30;
	vm10 =	veq.s32 v14, s13;
	vm4 =	veq.f32 v46, v1  }
0x36: {  	vm2 =	vmand vm1, vm10;
	v2 =	vnsel vm4, $0xFFFFFFFF, v2  }
0x37: {  	v47 =	vsel vm2, v9, v12;
	(xrf0) =	vmin.scan.msk.u32 $0xffff, v2  }
0x38: {  	(xrf0) =	vmax.scan.msk.f32 $0xffff, v47;
	_ =	sdelay $0x4  }
0x39: {  	v2, _, _ =	vpop (xrf0)  }
0x3a: {  	(v2sf) =	vpush v2, $0xF;
	v2, _, _ =	vpop (xrf0)  }
0x3b: {  	v2 =	vbroadcast v2, $0xF  }
0x3c: {  	v48 =	vsel vm2, v11, v14  }
0x3d: {  	v32 =	vxor.u32 $0x80000000, v48;
	vm11 =	veq.f32 v47, v2  }
0x3e: {  	v32 =	vnsel vm11, $0xFFFFFFFF, v32  }
0x3f: {  	(xrf0) =	vmin.scan.msk.u32 $0xffff, v32;
	_ =	sdelay $0x5  }
0x40: {  	v32, _, _ =	vpop (xrf0)  }
0x41: {  	(v2sf) =	vpush v32, $0xF;
	_ =	sdelay $0x2  }
0x42: {  	s15 =	spop (v2sf)  }
0x43: {  	s15 =	sxor.u32 $0x80000000, s15  }
0x44: {  	vm9 =	veq.s32 v30, s15  }
0x45: {  	v49 =	vsel vm3, v6, v10;
	vm5 =	vmand vm4, vm9  }
0x46: {  	v29 =	vsel vm5, v49, v46  }
0x47: {  	(xrf0) =	vmax.scan.msk.f32 $0xffff, v29;
	_ =	sdelay $0x5  }
0x48: {  	v50, _, _ =	vpop (xrf0)  }
0x49: {  	v51 =	vsel vm3, v7, v13;
	s16 =	spop (v2sf);
	v10 =	vbroadcast v50, $0xF  }
0x4a: {  	v30 =	vsel vm5, v51, v30;
	s16 =	sxor.u32 $0x80000000, s16  }
0x4b: {  	v34 =	vxor.u32 $0x80000000, v30;
	vm10 =	veq.s32 v48, s16;
	vm6 =	veq.f32 v29, v10  }
0x4c: {  	v35 =	vsel vm2, v39, v9;
	vm4 =	vmand vm11, vm10;
	v52 =	vnsel vm6, $0xFFFFFFFF, v34  }
0x4d: {  	v12 =	vsel vm4, v35, v47;
	(xrf0) =	vmin.scan.msk.u32 $0xffff, v52  }
0x4e: {  	(xrf0) =	vmax.scan.msk.f32 $0xffff, v12;
	_ =	sdelay $0x4  }
0x4f: {  	v9, _, _ =	vpop (xrf0)  }
0x50: {  	(v2sf) =	vpush v9, $0xF;
	v53, _, _ =	vpop (xrf0)  }
0x51: {  	v54 =	vsel vm2, v8, v11;
	v9 =	vbroadcast v53, $0xF  }
0x52: {  	v14 =	vsel vm4, v54, v48  }
0x53: {  	v55 =	vxor.u32 $0x80000000, v14;
	vm0 =	veq.f32 v12, v9  }
0x54: {  	v34 =	vnsel vm0, $0xFFFFFFFF, v55  }
0x55: {  	(xrf0) =	vmin.scan.msk.u32 $0xffff, v34;
	_ =	sdelay $0x5  }
0x56: {  	v34, _, _ =	vpop (xrf0)  }
0x57: {  	(v2sf) =	vpush v34, $0xF;
	_ =	sdelay $0x2  }
0x58: {  	s17 =	spop (v2sf)  }
0x59: {  	s17 =	sxor.u32 $0x80000000, s17  }
0x5a: {  	v56 =	vsel vm3, v27, v6;
	vm11 =	veq.s32 v30, s17  }
0x5b: {  	v32 =	vsel vm5, v56, v49;
	vm8 =	vmand vm6, vm11  }
0x5c: {  	v29 =	vsel vm8, v32, v29  }
0x5d: {  	(xrf0) =	vmax.scan.msk.f32 $0xffff, v29;
	_ =	sdelay $0x5  }
0x5e: {  	v40 =	vsel vm3, v5, v7;
	v57, _, _ =	vpop (xrf0)  }
0x5f: {  	v13 =	vsel vm5, v40, v51;
	s18 =	spop (v2sf);
	v6 =	vbroadcast v57, $0xF  }
0x60: {  	v58 =	vsel vm2, v38, v39;
	v30 =	vsel vm8, v13, v30;
	s18 =	sxor.u32 $0x80000000, s18  }
0x61: {  	v59 =	vxor.u32 $0x80000000, v30;
	vm6 =	veq.s32 v14, s18;
	vm9 =	veq.f32 v29, v6  }
0x62: {  	v35 =	vsel vm4, v58, v35;
	vm6 =	vmand vm0, vm6;
	v7 =	vnsel vm9, $0xFFFFFFFF, v59  }
0x63: {  	v12 =	vsel vm6, v35, v12;
	(xrf0) =	vmin.scan.msk.u32 $0xffff, v7  }
0x64: {  	(xrf0) =	vmax.scan.msk.f32 $0xffff, v12;
	_ =	sdelay $0x4  }
0x65: {  	v7, _, _ =	vpop (xrf0)  }
0x66: {  	v60 =	vsel vm2, v33, v8;
	(v2sf) =	vpush v7, $0xF;
	v61, _, _ =	vpop (xrf0)  }
0x67: {  	v11 =	vsel vm4, v60, v54;
	v7 =	vbroadcast v61, $0xF  }
0x68: {  	v14 =	vsel vm6, v11, v14  }
0x69: {  	v41 =	vxor.u32 $0x80000000, v14;
	vm0 =	veq.f32 v12, v7  }
0x6a: {  	v41 =	vnsel vm0, $0xFFFFFFFF, v41  }
0x6b: {  	(xrf0) =	vmin.scan.msk.u32 $0xffff, v41;
	_ =	sdelay $0x5  }
0x6c: {  	v41, _, _ =	vpop (xrf0)  }
0x6d: {  	(v2sf) =	vpush v41, $0xF;
	_ =	sdelay $0x2  }
0x6e: {  	s19 =	spop (v2sf)  }
0x6f: {  	v62 =	vsel vm3, v3, v27;
	s19 =	sxor.u32 $0x80000000, s19  }
0x70: {  	v34 =	vsel vm5, v62, v56;
	vm11 =	veq.s32 v30, s19  }
0x71: {  	v32 =	vsel vm8, v34, v32;
	vm1 =	vmand vm9, vm11  }
0x72: {  	v29 =	vsel vm1, v32, v29  }
0x73: {  	(xrf0) =	vmax.scan.msk.f32 $0xffff, v29;
	_ =	sdelay $0x4  }
0x74: {  	v63 =	vsel vm3, v4, v5  }
0x75: {  	v40 =	vsel vm5, v63, v40;
	v48, _, _ =	vpop (xrf0)  }
0x76: {  	v49 =	vsel vm2, v37, v38;
	v13 =	vsel vm8, v40, v13;
	s20 =	spop (v2sf);
	v5 =	vbroadcast v48, $0xF  }
0x77: {  	v39 =	vsel vm4, v49, v58;
	v30 =	vsel vm1, v13, v30;
	s20 =	sxor.u32 $0x80000000, s20  }
0x78: {  	v42 =	vxor.u32 $0x80000000, v30;
	vm9 =	veq.s32 v14, s20;
	vm10 =	veq.f32 v29, v5  }
0x79: {  	v35 =	vsel vm6, v39, v35;
	vm12 =	vmand vm0, vm9;
	v42 =	vnsel vm10, $0xFFFFFFFF, v42  }
0x7a: {  	v12 =	vsel vm12, v35, v12;
	(xrf0) =	vmin.scan.msk.u32 $0xffff, v42  }
0x7b: {  	(xrf0) =	vmax.scan.msk.f32 $0xffff, v12;
	_ =	sdelay $0x4  }
0x7c: {  	v50 =	vsel vm2, v36, v33;
	v42, _, _ =	vpop (xrf0)  }
0x7d: {  	v43 =	vsel vm4, v50, v60;
	(v2sf) =	vpush v42, $0xF;
	v51, _, _ =	vpop (xrf0)  }
0x7e: {  	v11 =	vsel vm6, v43, v11;
	v8 =	vbroadcast v51, $0xF  }
0x7f: {  	v14 =	vsel vm12, v11, v14  }
0x80: {  	v52 =	vxor.u32 $0x80000000, v14;
	vm0 =	veq.f32 v12, v8  }
0x81: {  	v42 =	vnsel vm0, $0xFFFFFFFF, v52  }
0x82: {  	(xrf0) =	vmin.scan.msk.u32 $0xffff, v42;
	_ =	sdelay $0x5  }
0x83: {  	v42, _, _ =	vpop (xrf0)  }
0x84: {  	(v2sf) =	vpush v42, $0xF;
	_ =	sdelay $0x2  }
0x85: {  	v53 =	vsel vm3, v24, v3;
	s21 =	spop (v2sf)  }
0x86: {  	v27 =	vsel vm5, v53, v62;
	s21 =	sxor.u32 $0x80000000, s21  }
0x87: {  	v34 =	vsel vm8, v27, v34;
	vm9 =	veq.s32 v30, s21  }
0x88: {  	v32 =	vsel vm1, v34, v32;
	vm15 =	vmand vm10, vm9  }
0x89: {  	v29 =	vsel vm15, v32, v29  }
0x8a: {  	(xrf0) =	vmax.scan.msk.f32 $0xffff, v29;
	_ =	sdelay $0x3  }
0x8b: {  	v44 =	vsel vm3, v25, v4  }
0x8c: {  	v41 =	vsel vm5, v44, v63  }
0x8d: {  	v54 =	vsel vm2, v31, v37;
	v40 =	vsel vm8, v41, v40;
	v3, _, _ =	vpop (xrf0)  }
0x8e: {  	v38 =	vsel vm4, v54, v49;
	v13 =	vsel vm1, v40, v13;
	s22 =	spop (v2sf);
	v3 =	vbroadcast v3, $0xF  }
0x8f: {  	v39 =	vsel vm6, v38, v39;
	v30 =	vsel vm15, v13, v30;
	s22 =	sxor.u32 $0x80000000, s22  }
0x90: {  	v55 =	vxor.u32 $0x80000000, v30;
	vm9 =	veq.s32 v14, s22;
	vm10 =	veq.f32 v29, v3  }
0x91: {  	v35 =	vsel vm12, v39, v35;
	vm14 =	vmand vm0, vm9;
	v4 =	vnsel vm10, $0xFFFFFFFF, v55  }
0x92: {  	v12 =	vsel vm14, v35, v12;
	(xrf0) =	vmin.scan.msk.u32 $0xffff, v4  }
0x93: {  	(xrf0) =	vmax.scan.msk.f32 $0xffff, v12;
	_ =	sdelay $0x3  }
0x94: {  	v56 =	vsel vm2, v28, v36  }
0x95: {  	v33 =	vsel vm4, v56, v50;
	v4, _, _ =	vpop (xrf0)  }
0x96: {  	v43 =	vsel vm6, v33, v43;
	(v2sf) =	vpush v4, $0xF;
	v57, _, _ =	vpop (xrf0)  }
0x97: {  	v11 =	vsel vm12, v43, v11;
	v4 =	vbroadcast v57, $0xF  }
0x98: {  	v14 =	vsel vm14, v11, v14  }
0x99: {  	v45 =	vxor.u32 $0x80000000, v14;
	vm0 =	veq.f32 v12, v4  }
0x9a: {  	v45 =	vnsel vm0, $0xFFFFFFFF, v45  }
0x9b: {  	(xrf0) =	vmin.scan.msk.u32 $0xffff, v45;
	_ =	sdelay $0x5  }
0x9c: {  	v45, _, _ =	vpop (xrf0)  }
0x9d: {  	(v2sf) =	vpush v45, $0xF;
	_ =	sdelay $0x1  }
0x9e: {  	v58 =	vsel vm3, v16, v24  }
0x9f: {  	v42 =	vsel vm5, v58, v53;
	s23 =	spop (v2sf)  }
0xa0: {  	v27 =	vsel vm8, v42, v27;
	s23 =	sxor.u32 $0x80000000, s23  }
0xa1: {  	v34 =	vsel vm1, v27, v34;
	vm9 =	veq.s32 v30, s23  }
0xa2: {  	v32 =	vsel vm15, v34, v32;
	vm9 =	vmand vm10, vm9  }
0xa3: {  	v29 =	vsel vm9, v32, v29  }
0xa4: {  	(xrf0) =	vmax.scan.msk.f32 $0xffff, v29;
	_ =	sdelay $0x2  }
0xa5: {  	v59 =	vsel vm3, v15, v25  }
0xa6: {  	v44 =	vsel vm5, v59, v44  }
0xa7: {  	v60 =	vsel vm2, v23, v31;
	v41 =	vsel vm8, v44, v41  }
0xa8: {  	v37 =	vsel vm4, v60, v54;
	v40 =	vsel vm1, v41, v40;
	v61, _, _ =	vpop (xrf0)  }
0xa9: {  	v38 =	vsel vm6, v37, v38;
	v13 =	vsel vm15, v40, v13;
	s24 =	spop (v2sf);
	v45 =	vbroadcast v61, $0xF  }
0xaa: {  	v39 =	vsel vm12, v38, v39;
	v30 =	vsel vm9, v13, v30;
	s24 =	sxor.u32 $0x80000000, s24  }
0xab: {  	v46 =	vxor.u32 $0x80000000, v30;
	vm10 =	veq.s32 v14, s24;
	vm11 =	veq.f32 v29, v45  }
0xac: {  	v35 =	vsel vm14, v39, v35;
	vm0 =	vmand vm0, vm10;
	v46 =	vnsel vm11, $0xFFFFFFFF, v46  }
0xad: {  	v12 =	vsel vm0, v35, v12;
	(xrf0) =	vmin.scan.msk.u32 $0xffff, v46  }
0xae: {  	(xrf0) =	vmax.scan.msk.f32 $0xffff, v12;
	_ =	sdelay $0x2  }
0xaf: {  	v62 =	vsel vm2, v17, v28  }
0xb0: {  	v36 =	vsel vm4, v62, v56  }
0xb1: {  	v33 =	vsel vm6, v36, v33;
	v46, _, _ =	vpop (xrf0)  }
0xb2: {  	v43 =	vsel vm12, v33, v43;
	(v2sf) =	vpush v46, $0xF;
	v63, _, _ =	vpop (xrf0)  }
0xb3: {  	v11 =	vsel vm14, v43, v11;
	v46 =	vbroadcast v63, $0xF  }
0xb4: {  	v14 =	vsel vm0, v11, v14  }
0xb5: {  	v47 =	vxor.u32 $0x80000000, v14;
	vm10 =	veq.f32 v12, v46  }
0xb6: {  	v47 =	vnsel vm10, $0xFFFFFFFF, v47  }
0xb7: {  	(xrf0) =	vmin.scan.msk.u32 $0xffff, v47;
	_ =	sdelay $0x5  }
0xb8: {  	v47, _, _ =	vpop (xrf0)  }
0xb9: {  	(v2sf) =	vpush v47, $0xF  }
0xba: {  	v20 =	vsel vm3, v20, v16  }
0xbb: {  	v16 =	vsel vm5, v20, v58  }
0xbc: {  	v16 =	vsel vm8, v16, v42;
	s25 =	spop (v2sf)  }
0xbd: {  	v16 =	vsel vm1, v16, v27;
	s25 =	sxor.u32 $0x80000000, s25  }
0xbe: {  	v16 =	vsel vm15, v16, v34;
	vm13 =	veq.s32 v30, s25  }
0xbf: {  	v16 =	vsel vm9, v16, v32;
	vm11 =	vmand vm11, vm13  }
0xc0: {  	v16 =	vsel vm11, v16, v29  }
0xc1: {  	(xrf0) =	vmax.scan.msk.f32 $0xffff, v16;
	_ =	sdelay $0x1  }
0xc2: {  	v32 =	vsel vm3, v21, v15  }
0xc3: {  	v15 =	vsel vm5, v32, v59  }
0xc4: {  	v34 =	vsel vm2, v26, v23;
	v15 =	vsel vm8, v15, v44  }
0xc5: {  	v20 =	vsel vm4, v34, v60;
	v15 =	vsel vm1, v15, v41  }
0xc6: {  	v20 =	vsel vm6, v20, v37;
	v15 =	vsel vm15, v15, v40;
	v42, _, _ =	vpop (xrf0)  }
0xc7: {  	v44 =	vsel vm12, v20, v38;
	v13 =	vsel vm9, v15, v13;
	s26 =	spop (v2sf);
	v47 =	vbroadcast v42, $0xF  }
0xc8: {  	v15 =	vsel vm14, v44, v39;
	v13 =	vsel vm11, v13, v30;
	s26 =	sxor.u32 $0x80000000, s26  }
0xc9: {  	v13 =	vxor.u32 $0x80000000, v13;
	vm9 =	veq.s32 v14, s26;
	vm11 =	veq.f32 v16, v47  }
0xca: {  	v15 =	vsel vm0, v15, v35;
	vm1 =	vmand vm10, vm9;
	v13 =	vnsel vm11, $0xFFFFFFFF, v13  }
0xcb: {  	v12 =	vsel vm1, v15, v12;
	(xrf0) =	vmin.scan.msk.u32 $0xffff, v13  }
0xcc: {  	(xrf0) =	vmax.scan.msk.f32 $0xffff, v12;
	_ =	sdelay $0x1  }
0xcd: {  	v48 =	vsel vm2, v22, v17  }
0xce: {  	v13 =	vsel vm4, v48, v62  }
0xcf: {  	v13 =	vsel vm6, v13, v36  }
0xd0: {  	v13 =	vsel vm12, v13, v33;
	v49, _, _ =	vpop (xrf0)  }
0xd1: {  	v13 =	vsel vm14, v13, v43;
	v50, _, _ =	vpop (xrf0)  }
0xd2: {  	v11 =	vsel vm0, v13, v11;
	v51 =	vbroadcast v50, $0xF  }
0xd3: {  	v11 =	vsel vm1, v11, v14  }
0xd4: {  	v11 =	vxor.u32 $0x80000000, v11;
	vm8 =	veq.f32 v12, v51  }
0xd5: {  	v11 =	vnsel vm8, $0xFFFFFFFF, v11  }
0xd6: {  	(xrf0) =	vmin.scan.msk.u32 $0xffff, v11;
	_ =	sdelay $0x3  }
0xd7: {  	v56 =	vld [tilespmem:$0x1FFB0]  }
0xd8: {  	v53 =	vld [tilespmem:$0x1FF90]  }
0xd9: {  	v54 =	vld [tilespmem:$0x1FFA0];
	(v2sf) =	vpush v49, $0xF;
	v11, _, _ =	vpop (xrf0)  }
0xda: {  	(v2sf) =	vpush v11, $0xF  }
0xdb: {  	v52 =	vmov s15;
	v58 =	vld [tilespmem:$0x1FFC0]  }
0xdc: {  	v57 =	vmov s16;
	vm5 =	vnez.u8 v56;
	vm15 =	vcmask $0x2320  }
0xdd: {  	v2 =	vsel vm15, v19, v2;
	v59 =	vsel vm15, s13, v57;
	vm10 =	vnez.u8 v53;
	v62 =	vld [tilespmem:$0x1FFF0]  }
0xde: {  	v60 =	vld [tilespmem:$0x1FFD0];
	vm9 =	veq.s32 v0, $0x0;
	vm11 =	vnez.u8 v54;
	v1 =	vsel vm10, v18, v1  }
0xdf: {  	vm4 =	vcmask $0xB08;
	vm10 =	vcmask $0x2B20;
	v1 =	vsel vm11, v1, v10  }
0xe0: {  	v61 =	vld [tilespmem:$0x1FFE0];
	vm6 =	vnez.u8 v58;
	v1 =	vsel vm5, v1, v6;
	vm8 =	vcmask $0x2720  }
0xe1: {  	vm11 =	vcmask $0x2F20;
	v1 =	vsel vm6, v1, v5;
	v2 =	vsel vm8, v2, v9  }
0xe2: {  	v5 =	vnsel vm8, s18, v59;
	vm8 =	vnez.u8 v62;
	v2 =	vsel vm10, v2, v7  }
0xe3: {  	v2 =	vsel vm11, v2, v8;
	v11 =	vsel vm9, s14, v52;
	vm9 =	vnez.u8 v60  }
0xe4: {  	v55 =	vsel vm4, s17, v11;
	v1 =	vsel vm9, v1, v3;
	v3 =	vnsel vm10, s20, v5  }
0xe5: {  	vm4 =	vnez.u8 v61;
	vm10 =	veq.s32 v0, $0x7;
	v10 =	vnsel vm5, s19, v55  }
0xe6: {  	v3 =	vnsel vm11, s22, v3;
	vm5 =	vcmask $0x3320;
	v1 =	vsel vm4, v1, v45  }
0xe7: {  	vm11 =	veq.s32 v0, $0xF;
	v10 =	vnsel vm6, s21, v10;
	v2 =	vsel vm5, v2, v4  }
0xe8: {  	s30 =	spop (v2sf);
	v3 =	vnsel vm5, s24, v3;
	vm6 =	vcmask $0x3720;
	v1 =	vsel vm8, v1, v47  }
0xe9: {  	v6 =	vnsel vm9, s23, v10;
	v2 =	vsel vm6, v2, v46;
	vm9 =	vcmask $0x3B20;
	s31 =	spop (v2sf)  }
0xea: {  	v3 =	vnsel vm6, s26, v3;
	s13 =	sxor.u32 $0x80000000, s30;
	v5 =	vnsel vm4, s25, v6;
	v2 =	vsel vm9, v2, v50;
	s14 =	sxor.u32 $0x80000000, s31  }
0xeb: {  	v63 =	vsel vm10, s13, v5;
	v1 =	vsel vm7, v1, v2;
	v3 =	vsel vm11, s14, v3  }
0xec: {  	[tilespmem:$0x4100] =	vst v1;
	v2 =	vsel vm7, v63, v3  }
0xed: {  	[tilespmem:$0x4200] =	vst v2  }
0xee: {  	[hbm4b:s4+s2] =	stream.linear.scatter [tilespmem:s10], [sflag:$0x1], $0x100, $0x38;
	[tilespmem:$0x4280] =	vst v63  }
0xef: {  	s12 =	sadd.s32 $0x1, s12;
	_ =	swait.ge [sflag:s9], $0x100  }
0xf0: {  	p0 =	sne.s32 s12, s6;
	[sflag:s9] =	ssyncset.done $0x0  }
.Ltmp1:
0xf1: {  	[sflag:s9] =	ssyncadd.s32 $0xFFFFFF00;
	(pc) =	sbr.rel @!p0 .LBB2_18-.Ltmp1, $4  }
0xf2: {  	[hbm4b:s5+s2] =	stream.linear.scatter [tilespmem:s11], [sflag:$0x1], $0x100, $0x38;
	[tilespmem:$0x4280] =	vst v63  }
0xf3: {  	_ =	swait.ge [sflag:s9], $0x100  }
0xf4: {  	[sflag:s9] =	ssyncset.done $0x0  }
0xf5: {  	[sflag:s9] =	ssyncadd.s32 $0xFFFFFF00  }
.LBB2_1:
0xf6: {  	[tilespmem:s2], [sflag:$0x1] =	stream.strided.gather [hbm4b:s3+s7], $0x2000, s8, s7, $0x38;
	[tilespmem:$0x4280] =	vst v63  }
0xf7: {  	s13 =	sand.u32 $0x3, s2  }
0xf8: {  	_ =	swait.ge [sflag:s9], $0x2000;
	s13 =	sshll.u32 s13, $0x5  }
0xf9: {  	[sflag:s9] =	ssyncset.done $0x0;
	s13 =	sadd.s32 $0x0, s13  }
0xfa: {  	[sflag:s9] =	ssyncadd.s32 $0xFFFFE000;
	s14 =	sor.u32 $0x180, s13;
	s13 =	sadd.s32 $0x10, s13  }
0xfb: {  	s15 =	sand.u32 $0x60, s2;
	s16 =	sand.u32 $0x1E00, s2;
	v4 =	vld [tilespmem:s14+$0x0];
	s31 =	sor.u32 $0x180, s13  }
0xfc: {  	s13 =	sor.u32 s15, s16;
	v5 =	vld [tilespmem:s31+$0x0]  }
0xfd: {  	v2 =	vimm.f32 $-Inf;
	v3 =	vimm.f32 $-Inf;
	v13 =	vld [tilespmem:s13+$0x0]  }
0xfe: {  	s18 =	simm.s32 $0x20;
	v9 =	vimm.f32 $-Inf;
	v10 =	vimm.f32 $-Inf;
	v7 =	vimm.f32 $-Inf;
	s14 =	simm.s32 $0x1;
	v11 =	vld [tilespmem:s13+$0x10]  }
0xff: {  	v8 =	vimm.f32 $-Inf;
	v1 =	vimm.f32 $-Inf;
	v6 =	vimm.f32 $-Inf;
	s15 =	simm.s32 $0x40;
	s16 =	simm.s32 $0x0;
	s17 =	sand.u32 $0x3, s14;
	v12 =	vld [tilespmem:s13+$0x80]  }
.LBB2_2:
0x100: {  	p0 =	sne.s32 s15, $0x7E0;
	s17 =	sshll.u32 s17, $0x5;
	v14 =	vld [tilespmem:s13+$0x90];
	v2 =	vmax.f32 v2, v4;
	s16 =	sadd.s32 $0x80, s16  }
0x101: {  	s18 =	sand.u32 $0x60, s18;
	s17 =	sadd.s32 s17, s16;
	s19 =	sand.u32 $0x1E00, s16;
	v15 =	vld [tilespmem:s13+$0x100];
	v3 =	vmax.f32 v3, v5  }
0x102: {  	s20 =	sor.u32 $0x180, s17;
	s17 =	sadd.s32 $0x10, s17;
	v9 =	vmax.f32 v9, v13;
	v16 =	vld [tilespmem:s13+$0x110];
	s13 =	sor.u32 s18, s19  }
.Ltmp2:
0x103: {  	s18 =	smov.u32 s15;
	v4 =	vld [tilespmem:s20+$0x0];
	s17 =	sor.u32 $0x180, s17;
	v10 =	vmax.f32 v10, v11;
	(pc) =	sbr.rel @p0 .LBB2_2-.Ltmp2, $4  }
0x104: {  	v5 =	vld [tilespmem:s17+$0x0];
	v7 =	vmax.f32 v7, v12  }
0x105: {  	v13 =	vld [tilespmem:s13+$0x0];
	v8 =	vmax.f32 v8, v14  }
0x106: {  	s14 =	sadd.s32 $0x1, s14;
	v11 =	vld [tilespmem:s13+$0x10];
	v1 =	vmax.f32 v1, v15  }
0x107: {  	s15 =	sadd.s32 $0x20, s15;
	s17 =	sand.u32 $0x3, s14;
	v12 =	vld [tilespmem:s13+$0x80];
	v6 =	vmax.f32 v6, v16  }
0x108: {  	s15 =	sadd.s32 $0x80, s16  }
0x109: {  	s14 =	sand.u32 $0x60, s18;
	s16 =	sand.u32 $0x1E00, s15  }
0x10a: {  	s14 =	sor.u32 s14, s16  }
0x10b: {  	v14 =	vld [tilespmem:s14+$0x0]  }
0x10c: {  	v15 =	vld [tilespmem:s14+$0x10];
	_ =	sdelay $0x3  }
0x10d: {  	v9 =	vmax.f32 v9, v13;
	v10 =	vmax.f32 v10, v11  }
0x10e: {  	v56 =	vld [tilespmem:s13+$0x90];
	v9 =	vmax.f32 v9, v14;
	v10 =	vmax.f32 v10, v15  }
0x10f: {  	v57 =	vld [tilespmem:s14+$0x80];
	v9 =	vmax.f32 v9, v10  }
0x110: {  	v58 =	vld [tilespmem:s14+$0x90];
	(xrf1) =	vsort.ascd.msk.f32 $0xffff, v9, v9;
	_ =	sdelay $0x3  }
0x111: {  	v59 =	vld [tilespmem:s13+$0x100];
	v7 =	vmax.f32 v7, v12;
	v8 =	vmax.f32 v8, v56  }
0x112: {  	v60 =	vld [tilespmem:s13+$0x110];
	v7 =	vmax.f32 v7, v57;
	v8 =	vmax.f32 v8, v58  }
0x113: {  	v61 =	vld [tilespmem:s14+$0x100];
	v7 =	vmax.f32 v7, v8  }
0x114: {  	v8 =	vld [tilespmem:s14+$0x110];
	(xrf1) =	vsort.ascd.msk.f32 $0xffff, v7, v7;
	_ =	sdelay $0x1  }
0x115: {  	s13 =	simm.s32 $0x0;
	s21 =	sshll.u32 s17, $0x5  }
0x116: {  	s22 =	sand.u32 $0x40, s13;
	s15 =	sadd.s32 s21, s15;
	s14 =	sand.u32 $0x1E00, s13  }
0x117: {  	s24 =	sor.u32 $0x180, s15;
	s15 =	sadd.s32 $0x10, s15;
	v1 =	vmax.f32 v1, v59;
	v6 =	vmax.f32 v6, v60;
	s23 =	sor.u32 s22, s14  }
0x118: {  	s15 =	sor.u32 $0x180, s15;
	v1 =	vmax.f32 v1, v61;
	v7 =	vld [tilespmem:s23+$0x0];
	v6 =	vmax.f32 v6, v8  }
0x119: {  	v1 =	vmax.f32 v1, v6;
	v6 =	vld [tilespmem:s15+$0x0]  }
0x11a: {  	v8 =	vld [tilespmem:s24+$0x0];
	v62, _, _ =	vpop (xrf1);
	(xrf1) =	vsort.ascd.msk.f32 $0xffff, v1, v1  }
0x11b: {  	v1 =	vbroadcast v62, $0x8;
	_ =	sdelay $0x1  }
0x11c: {  	v63 =	vor.u32 s13, v0;
	v3 =	vmax.f32 v3, v5;
	vm0 =	vge.f32 v7, v1  }
0x11d: {  	v2 =	vmax.f32 v2, v4;
	v3 =	vmax.f32 v3, v6;
	[tilespmem:s13+$0x2000] =	vst.msk vm0, v63  }
0x11e: {  	v2 =	vmax.f32 v2, v8;
	v4 =	vld [tilespmem:s23+$0x80]  }
0x11f: {  	v2 =	vmax.f32 v2, v3  }
0x120: {  	p0 =	por $0x0, $0x0;
	s15 =	simm.s32 $0x1;
	v3, _, _ =	vpop (xrf1);
	(xrf1) =	vsort.ascd.msk.f32 $0xffff, v2, v2  }
0x121: {  	s15 =	simm.s32 @!p0 $0x0;
	v3 =	vbroadcast v3, $0x8  }
0x122: {  	s15 =	sshll.u32 s15, $0x6  }
0x123: {  	s15 =	sadd.s32 $0x0, s15;
	vm1 =	vge.f32 v4, v3  }
0x124: {  	s25 =	sor.u32 $0x100, s15;
	[tilespmem:s13+$0x2810] =	vst.msk vm1, v63  }
0x125: {  	v4 =	vld [tilespmem:s25+$0x0]  }
0x126: {  	v5 =	vmpcnt.ones.xlane vm0  }
0x127: {  	v2, _, _ =	vpop (xrf1)  }
0x128: {  	(v2sf) =	vpush v5, $0x0;
	v2 =	vbroadcast v2, $0x8;
	_ =	sdelay $0x1  }
0x129: {  	vm4 =	vge.f32 v4, v2  }
0x12a: {  	s15 =	sor.u32 $0x180, s15;
	[tilespmem:s13+$0x3020] =	vst.msk vm4, v63  }
0x12b: {  	v4 =	vmpcnt.ones.xlane vm4;
	v5 =	vld [tilespmem:s15+$0x0]  }
0x12c: {  	v6 =	vmpcnt.ones.xlane vm1  }
0x12d: {  	v7, _, _ =	vpop (xrf1);
	(v2sf) =	vpush v4, $0x0  }
0x12e: {  	v4 =	vbroadcast v7, $0x8;
	(v2sf) =	vpush v6, $0x0  }
0x12f: {  	s26 =	simm.s32 $0x10  }
0x130: {  	s28 =	sand.u32 $0x50, s26;
	vm5 =	vge.f32 v5, v4  }
0x131: {  	s16 =	sor.u32 s28, s14;
	[tilespmem:s13+$0x3830] =	vst.msk vm5, v63  }
0x132: {  	v5 =	vld [tilespmem:s16+$0x0];
	_ =	sdelay $0x3  }
0x133: {  	s29 =	spop (v2sf)  }
0x134: {  	v6 =	vor.u32 s26, v0;
	s17 =	sadd.s32 $0x0, s29;
	vm6 =	vge.f32 v5, v1  }
0x135: {  	[tilespmem:s17+$0x2000] =	vst.msk vm6, v6  }
0x136: {  	v5 =	vld [tilespmem:s16+$0x80]  }
0x137: {  	v7 =	vmpcnt.ones.xlane vm5  }
0x138: {  	s30 =	sand.u32 $0x7, s13  }
0x139: {  	s15 =	sshll.u32 s30, $0x4;
	(v2sf) =	vpush v7, $0x0;
	s31 =	spop (v2sf)  }
0x13a: {  	s15 =	sadd.s32 $0x0, s15;
	s21 =	spop (v2sf)  }
0x13b: {  	s19 =	sadd.s32 $0x10, s15;
	s18 =	sadd.s32 $0x0, s21;
	vm7 =	vge.f32 v5, v3  }
0x13c: {  	s20 =	sor.u32 $0x100, s19;
	[tilespmem:s18+$0x2810] =	vst.msk vm7, v6  }
0x13d: {  	v5 =	vld [tilespmem:s20+$0x0]  }
0x13e: {  	v7 =	vmpcnt.ones.xlane vm6;
	_ =	sdelay $0x1  }
0x13f: {  	(v2sf) =	vpush v7, $0x0;
	_ =	sdelay $0x1  }
0x140: {  	s16 =	sadd.s32 $0x0, s31;
	vm8 =	vge.f32 v5, v2  }
0x141: {  	s19 =	sor.u32 $0x180, s19;
	[tilespmem:s16+$0x3020] =	vst.msk vm8, v6  }
0x142: {  	v5 =	vld [tilespmem:s19+$0x0]  }
0x143: {  	v7 =	vmpcnt.ones.xlane vm7;
	_ =	sdelay $0x1  }
0x144: {  	(v2sf) =	vpush v7, $0x0  }
0x145: {  	s23 =	simm.s32 $0x20;
	s22 =	spop (v2sf)  }
0x146: {  	s21 =	sand.u32 $0x60, s23;
	s19 =	sadd.s32 $0x0, s22;
	vm9 =	vge.f32 v5, v4  }
0x147: {  	s21 =	sor.u32 s21, s14;
	[tilespmem:s19+$0x3830] =	vst.msk vm9, v6  }
0x148: {  	v5 =	vld [tilespmem:s21+$0x0]  }
0x149: {  	v6 =	vmpcnt.ones.xlane vm8;
	_ =	sdelay $0x1  }
0x14a: {  	(v2sf) =	vpush v6, $0x0  }
0x14b: {  	s22 =	spop (v2sf)  }
0x14c: {  	s17 =	sadd.s32 s17, s22;
	v6 =	vor.u32 s23, v0;
	vm10 =	vge.f32 v5, v1  }
0x14d: {  	[tilespmem:s17+$0x2000] =	vst.msk vm10, v6  }
0x14e: {  	v5 =	vld [tilespmem:s21+$0x80]  }
0x14f: {  	v7 =	vmpcnt.ones.xlane vm9  }
0x150: {  	s24 =	sand.u32 $0x3, s13  }
0x151: {  	s20 =	sshll.u32 s24, $0x5;
	(v2sf) =	vpush v7, $0x0  }
0x152: {  	s20 =	sadd.s32 $0x0, s20;
	s25 =	spop (v2sf)  }
0x153: {  	s20 =	sadd.s32 $0x20, s20;
	s18 =	sadd.s32 s18, s25;
	vm11 =	vge.f32 v5, v3  }
0x154: {  	s26 =	sor.u32 $0x100, s20;
	[tilespmem:s18+$0x2810] =	vst.msk vm11, v6  }
0x155: {  	v5 =	vld [tilespmem:s26+$0x0]  }
0x156: {  	v7 =	vmpcnt.ones.xlane vm10;
	_ =	sdelay $0x1  }
0x157: {  	(v2sf) =	vpush v7, $0x0  }
0x158: {  	s28 =	spop (v2sf)  }
0x159: {  	s16 =	sadd.s32 s16, s28;
	vm4 =	vge.f32 v5, v2  }
0x15a: {  	s20 =	sor.u32 $0x180, s20;
	[tilespmem:s16+$0x3020] =	vst.msk vm4, v6  }
0x15b: {  	v5 =	vld [tilespmem:s20+$0x0]  }
0x15c: {  	v7 =	vmpcnt.ones.xlane vm11;
	_ =	sdelay $0x1  }
0x15d: {  	(v2sf) =	vpush v7, $0x0  }
0x15e: {  	s30 =	simm.s32 $0x30;
	s29 =	spop (v2sf)  }
0x15f: {  	s31 =	sand.u32 $0x70, s30;
	s19 =	sadd.s32 s19, s29;
	vm5 =	vge.f32 v5, v4  }
0x160: {  	s14 =	sor.u32 s31, s14;
	[tilespmem:s19+$0x3830] =	vst.msk vm5, v6  }
0x161: {  	v5 =	vld [tilespmem:s14+$0x0]  }
0x162: {  	v6 =	vmpcnt.ones.xlane vm4;
	_ =	sdelay $0x1  }
0x163: {  	(v2sf) =	vpush v6, $0x0  }
0x164: {  	s22 =	spop (v2sf)  }
0x165: {  	s20 =	sadd.s32 s17, s22;
	v6 =	vor.u32 s30, v0;
	vm6 =	vge.f32 v5, v1  }
0x166: {  	[tilespmem:s20+$0x2000] =	vst.msk vm6, v6  }
0x167: {  	v5 =	vld [tilespmem:s14+$0x80];
	_ =	sdelay $0x1  }
0x168: {  	v7 =	vmpcnt.ones.xlane vm5;
	_ =	sdelay $0x1  }
0x169: {  	s23 =	spop (v2sf);
	(v2sf) =	vpush v7, $0x0  }
0x16a: {  	s24 =	sadd.s32 $0x30, s15;
	s18 =	sadd.s32 s18, s23;
	vm7 =	vge.f32 v5, v3  }
0x16b: {  	s15 =	sor.u32 $0x100, s24;
	[tilespmem:s18+$0x2810] =	vst.msk vm7, v6  }
0x16c: {  	v5 =	vld [tilespmem:s15+$0x0];
	_ =	sdelay $0x1  }
0x16d: {  	v7 =	vmpcnt.ones.xlane vm6;
	_ =	sdelay $0x1  }
0x16e: {  	s25 =	spop (v2sf);
	(v2sf) =	vpush v7, $0x0;
	v7 =	vmpcnt.ones.xlane vm7  }
0x16f: {  	s16 =	sadd.s32 s16, s25;
	vm8 =	vge.f32 v5, v2  }
0x170: {  	s14 =	sor.u32 $0x180, s24;
	(v2sf) =	vpush v7, $0x0;
	[tilespmem:s16+$0x3020] =	vst.msk vm8, v6;
	v7 =	vmpcnt.ones.xlane vm8  }
0x171: {  	v5 =	vld [tilespmem:s14+$0x0]  }
0x172: {  	(v2sf) =	vpush v7, $0x0;
	_ =	sdelay $0x3  }
0x173: {  	s15 =	simm.s32 $0x100;
	s26 =	spop (v2sf);
	s14 =	simm.s32 $0x40;
	vm9 =	vge.f32 v5, v4  }
0x174: {  	s17 =	sand.u32 $0x1E00, s15;
	s22 =	sadd.s32 s19, s26;
	s28 =	sand.u32 $0x40, s14;
	v5 =	vmpcnt.ones.xlane vm9  }
0x175: {  	s19 =	sor.u32 s28, s17;
	[tilespmem:s22+$0x3830] =	vst.msk vm9, v6  }
0x176: {  	v6 =	vld [tilespmem:s19+$0x0];
	(v2sf) =	vpush v5, $0x0;
	_ =	sdelay $0x3  }
0x177: {  	s29 =	spop (v2sf)  }
0x178: {  	v5 =	vor.u32 s14, v0;
	s20 =	sadd.s32 s20, s29;
	vm10 =	vge.f32 v6, v1  }
0x179: {  	[tilespmem:s20+$0x2000] =	vst.msk vm10, v5;
	v7 =	vmpcnt.ones.xlane vm10  }
0x17a: {  	s30 =	spop (v2sf);
	v6 =	vld [tilespmem:s19+$0x80]  }
0x17b: {  	s31 =	spop (v2sf);
	(v2sf) =	vpush v7, $0x0  }
0x17c: {  	p0 =	por !p0, !p0;
	s19 =	simm.s32 $0x1  }
0x17d: {  	s19 =	simm.s32 @!p0 $0x0  }
0x17e: {  	s23 =	sshll.u32 s19, $0x6  }
0x17f: {  	s19 =	sadd.s32 s18, s30;
	s24 =	sadd.s32 $0x100, s23;
	vm11 =	vge.f32 v6, v3  }
0x180: {  	s23 =	sor.u32 $0x100, s24;
	[tilespmem:s19+$0x2810] =	vst.msk vm11, v5  }
0x181: {  	s25 =	simm.s32 $0x200;
	v7 =	vld [tilespmem:s23+$0x0]  }
0x182: {  	s21 =	sadd.s32 s16, s31;
	s16 =	simm.s32 $0x2;
	v6 =	vmpcnt.ones.xlane vm11;
	s23 =	spop (v2sf)  }
.LBB2_4:
0x183: {  	s23 =	sadd.s32 s22, s23  }
0x184: {  	s13 =	sadd.s32 $0x4, s13;
	s22 =	smov.u32 s25;
	s18 =	sadd.s32 $0x100, s25  }
0x185: {  	p1 =	sne.s32 s25, $0x1F00  }
0x186: {  	vm0 =	vge.f32 v7, v2  }
0x187: {  	s24 =	sor.u32 $0x180, s24;
	[tilespmem:s21+$0x3020] =	vst.msk vm0, v5;
	v7 =	vmpcnt.ones.xlane vm0  }
0x188: {  	v8 =	vld [tilespmem:s24+$0x0]  }
0x189: {  	(v2sf) =	vpush v7, $0x0  }
0x18a: {  	s24 =	spop (v2sf)  }
0x18b: {  	(v2sf) =	vpush v6, $0x0  }
0x18c: {  	s25 =	sadd.s32 $0x10, s14  }
0x18d: {  	s26 =	sand.u32 $0x50, s25;
	vm0 =	vge.f32 v8, v4  }
0x18e: {  	s26 =	sor.u32 s26, s17;
	[tilespmem:s23+$0x3830] =	vst.msk vm0, v5;
	v5 =	vmpcnt.ones.xlane vm0  }
0x18f: {  	v6 =	vld [tilespmem:s26+$0x0]  }
0x190: {  	(v2sf) =	vpush v5, $0x0;
	_ =	sdelay $0x3  }
0x191: {  	s24 =	sadd.s32 s20, s24;
	v5 =	vor.u32 s25, v0;
	vm0 =	vge.f32 v6, v1  }
0x192: {  	[tilespmem:s24+$0x2000] =	vst.msk vm0, v5;
	v6 =	vmpcnt.ones.xlane vm0  }
0x193: {  	v7 =	vld [tilespmem:s26+$0x80]  }
0x194: {  	(v2sf) =	vpush v6, $0x0  }
0x195: {  	s20 =	sand.u32 $0x7, s13;
	s25 =	spop (v2sf)  }
0x196: {  	s20 =	sshll.u32 s20, $0x4  }
0x197: {  	s20 =	sadd.s32 s15, s20;
	s26 =	spop (v2sf)  }
0x198: {  	s26 =	sadd.s32 s19, s26;
	vm0 =	vge.f32 v7, v3;
	s19 =	sadd.s32 $0x10, s20  }
0x199: {  	[tilespmem:s26+$0x2810] =	vst.msk vm0, v5;
	v6 =	vmpcnt.ones.xlane vm0;
	s28 =	sor.u32 $0x100, s19  }
0x19a: {  	v7 =	vld [tilespmem:s28+$0x0]  }
0x19b: {  	(v2sf) =	vpush v6, $0x0  }
0x19c: {  	s28 =	spop (v2sf);
	_ =	sdelay $0x2  }
0x19d: {  	s25 =	sadd.s32 s21, s25;
	vm0 =	vge.f32 v7, v2  }
0x19e: {  	s19 =	sor.u32 $0x180, s19;
	[tilespmem:s25+$0x3020] =	vst.msk vm0, v5;
	v6 =	vmpcnt.ones.xlane vm0  }
0x19f: {  	v7 =	vld [tilespmem:s19+$0x0]  }
0x1a0: {  	(v2sf) =	vpush v6, $0x0  }
0x1a1: {  	s19 =	spop (v2sf)  }
0x1a2: {  	s19 =	sadd.s32 s24, s19  }
0x1a3: {  	s29 =	sadd.s32 $0x20, s14  }
0x1a4: {  	s21 =	sand.u32 $0x60, s29;
	s24 =	sadd.s32 s23, s28;
	vm0 =	vge.f32 v7, v4  }
0x1a5: {  	s23 =	sor.u32 s21, s17;
	[tilespmem:s24+$0x3830] =	vst.msk vm0, v5;
	v5 =	vmpcnt.ones.xlane vm0  }
0x1a6: {  	v6 =	vld [tilespmem:s23+$0x0]  }
0x1a7: {  	(v2sf) =	vpush v5, $0x0  }
0x1a8: {  	s21 =	spop (v2sf)  }
0x1a9: {  	s21 =	sadd.s32 s26, s21;
	_ =	sdelay $0x1  }
0x1aa: {  	v5 =	vor.u32 s29, v0;
	vm0 =	vge.f32 v6, v1  }
0x1ab: {  	[tilespmem:s19+$0x2000] =	vst.msk vm0, v5;
	v6 =	vmpcnt.ones.xlane vm0  }
0x1ac: {  	v7 =	vld [tilespmem:s23+$0x80]  }
0x1ad: {  	(v2sf) =	vpush v6, $0x0  }
0x1ae: {  	s23 =	sand.u32 $0x3, s16;
	s26 =	spop (v2sf)  }
0x1af: {  	s28 =	sshll.u32 s23, $0x5;
	s23 =	sadd.s32 s25, s26  }
0x1b0: {  	s25 =	sadd.s32 s15, s28;
	s15 =	smov.u32 s22  }
0x1b1: {  	s22 =	sadd.s32 $0x20, s25;
	vm0 =	vge.f32 v7, v3  }
0x1b2: {  	s25 =	sor.u32 $0x100, s22;
	[tilespmem:s21+$0x2810] =	vst.msk vm0, v5;
	v6 =	vmpcnt.ones.xlane vm0  }
0x1b3: {  	v7 =	vld [tilespmem:s25+$0x0]  }
0x1b4: {  	(v2sf) =	vpush v6, $0x0  }
0x1b5: {  	s25 =	spop (v2sf);
	_ =	sdelay $0x2  }
0x1b6: {  	vm0 =	vge.f32 v7, v2  }
0x1b7: {  	s22 =	sor.u32 $0x180, s22;
	[tilespmem:s23+$0x3020] =	vst.msk vm0, v5;
	v6 =	vmpcnt.ones.xlane vm0  }
0x1b8: {  	v7 =	vld [tilespmem:s22+$0x0]  }
0x1b9: {  	(v2sf) =	vpush v6, $0x0  }
0x1ba: {  	s22 =	spop (v2sf);
	_ =	sdelay $0x1  }
0x1bb: {  	s26 =	sadd.s32 $0x30, s14  }
0x1bc: {  	s24 =	sadd.s32 s24, s25;
	s25 =	sand.u32 $0x70, s26;
	vm0 =	vge.f32 v7, v4  }
0x1bd: {  	s17 =	sor.u32 s25, s17;
	[tilespmem:s24+$0x3830] =	vst.msk vm0, v5;
	v5 =	vmpcnt.ones.xlane vm0  }
0x1be: {  	v6 =	vld [tilespmem:s17+$0x0]  }
0x1bf: {  	(v2sf) =	vpush v5, $0x0  }
0x1c0: {  	s25 =	spop (v2sf);
	_ =	sdelay $0x2  }
0x1c1: {  	s19 =	sadd.s32 s19, s22;
	v5 =	vor.u32 s26, v0;
	vm0 =	vge.f32 v6, v1  }
0x1c2: {  	[tilespmem:s19+$0x2000] =	vst.msk vm0, v5;
	v6 =	vmpcnt.ones.xlane vm0  }
0x1c3: {  	v7 =	vld [tilespmem:s17+$0x80]  }
0x1c4: {  	(v2sf) =	vpush v6, $0x0  }
0x1c5: {  	s17 =	spop (v2sf);
	_ =	sdelay $0x2  }
0x1c6: {  	s20 =	sadd.s32 $0x30, s20;
	s21 =	sadd.s32 s21, s25;
	vm0 =	vge.f32 v7, v3  }
0x1c7: {  	s22 =	sor.u32 $0x100, s20;
	[tilespmem:s21+$0x2810] =	vst.msk vm0, v5;
	v6 =	vmpcnt.ones.xlane vm0  }
0x1c8: {  	v7 =	vld [tilespmem:s22+$0x0]  }
0x1c9: {  	(v2sf) =	vpush v6, $0x0  }
0x1ca: {  	s22 =	spop (v2sf)  }
0x1cb: {  	s22 =	sadd.s32 s24, s22;
	_ =	sdelay $0x1  }
0x1cc: {  	s23 =	sadd.s32 s23, s17;
	vm0 =	vge.f32 v7, v2  }
0x1cd: {  	s17 =	sor.u32 $0x180, s20;
	[tilespmem:s23+$0x3020] =	vst.msk vm0, v5;
	v6 =	vmpcnt.ones.xlane vm0  }
0x1ce: {  	v7 =	vld [tilespmem:s17+$0x0]  }
0x1cf: {  	(v2sf) =	vpush v6, $0x0  }
0x1d0: {  	s17 =	spop (v2sf)  }
0x1d1: {  	s20 =	sadd.s32 s19, s17  }
0x1d2: {  	s14 =	sadd.s32 $0x40, s14  }
0x1d3: {  	s19 =	sand.u32 $0x40, s14;
	s17 =	sand.u32 $0x1E00, s15;
	vm0 =	vge.f32 v7, v4  }
0x1d4: {  	s24 =	sor.u32 s19, s17;
	[tilespmem:s22+$0x3830] =	vst.msk vm0, v5;
	v5 =	vmpcnt.ones.xlane vm0  }
0x1d5: {  	v6 =	vld [tilespmem:s24+$0x0]  }
0x1d6: {  	(v2sf) =	vpush v5, $0x0  }
0x1d7: {  	s19 =	spop (v2sf)  }
0x1d8: {  	s19 =	sadd.s32 s21, s19;
	_ =	sdelay $0x1  }
0x1d9: {  	v5 =	vor.u32 s14, v0;
	vm0 =	vge.f32 v6, v1  }
0x1da: {  	[tilespmem:s20+$0x2000] =	vst.msk vm0, v5;
	v6 =	vmpcnt.ones.xlane vm0  }
0x1db: {  	v7 =	vld [tilespmem:s24+$0x80]  }
0x1dc: {  	(v2sf) =	vpush v6, $0x0  }
0x1dd: {  	p0 =	por !p0, !p0;
	s24 =	simm.s32 $0x1;
	s21 =	spop (v2sf)  }
0x1de: {  	s24 =	simm.s32 @!p0 $0x0;
	s21 =	sadd.s32 s23, s21  }
0x1df: {  	s23 =	sshll.u32 s24, $0x6  }
.Ltmp3:
0x1e0: {  	s24 =	sadd.s32 s23, s15;
	vm0 =	vge.f32 v7, v3;
	(pc) =	sbr.rel @p1 .LBB2_4-.Ltmp3, $3  }
0x1e1: {  	s23 =	sor.u32 $0x100, s24;
	[tilespmem:s19+$0x2810] =	vst.msk vm0, v5;
	v6 =	vmpcnt.ones.xlane vm0  }
0x1e2: {  	v7 =	vld [tilespmem:s23+$0x0];
	_ =	sdelay $0x1  }
0x1e3: {  	s16 =	sadd.s32 $0x2, s16;
	s25 =	smov.u32 s18;
	s23 =	spop (v2sf)  }
0x1e4: {  	_ =	sdelay $0x1  }
0x1e5: {  	vm0 =	vge.f32 v7, v2  }
0x1e6: {  	s18 =	sor.u32 $0x180, s24;
	[tilespmem:s21+$0x3020] =	vst.msk vm0, v5  }
0x1e7: {  	v7 =	vmpcnt.ones.xlane vm0;
	v8 =	vld [tilespmem:s18+$0x0];
	_ =	sdelay $0x1  }
0x1e8: {  	(v2sf) =	vpush v7, $0x0  }
0x1e9: {  	(v2sf) =	vpush v6, $0x0  }
0x1ea: {  	s25 =	sadd.s32 $0x10, s14  }
0x1eb: {  	s22 =	sadd.s32 s22, s23;
	s26 =	sand.u32 $0x50, s25;
	vm9 =	vge.f32 v8, v4  }
0x1ec: {  	s23 =	sor.u32 s26, s17;
	[tilespmem:s22+$0x3830] =	vst.msk vm9, v5  }
0x1ed: {  	v5 =	vld [tilespmem:s23+$0x0];
	_ =	sdelay $0x3  }
0x1ee: {  	s28 =	spop (v2sf)  }
0x1ef: {  	v6 =	vor.u32 s25, v0;
	s20 =	sadd.s32 s20, s28;
	vm1 =	vge.f32 v5, v1  }
0x1f0: {  	[tilespmem:s20+$0x2000] =	vst.msk vm1, v6  }
0x1f1: {  	v5 =	vld [tilespmem:s23+$0x80]  }
0x1f2: {  	s13 =	sadd.s32 $0x4, s13;
	v7 =	vmpcnt.ones.xlane vm9  }
0x1f3: {  	s13 =	sand.u32 $0x7, s13  }
0x1f4: {  	s13 =	sshll.u32 s13, $0x4;
	(v2sf) =	vpush v7, $0x0;
	s29 =	spop (v2sf)  }
0x1f5: {  	s18 =	sadd.s32 s15, s13;
	s30 =	spop (v2sf)  }
0x1f6: {  	s31 =	sadd.s32 $0x10, s18;
	s13 =	sadd.s32 s19, s30;
	vm10 =	vge.f32 v5, v3  }
0x1f7: {  	s25 =	sor.u32 $0x100, s31;
	[tilespmem:s13+$0x2810] =	vst.msk vm10, v6  }
0x1f8: {  	v5 =	vld [tilespmem:s25+$0x0]  }
0x1f9: {  	v7 =	vmpcnt.ones.xlane vm1;
	_ =	sdelay $0x1  }
0x1fa: {  	(v2sf) =	vpush v7, $0x0;
	_ =	sdelay $0x1  }
0x1fb: {  	s21 =	sadd.s32 s21, s29;
	vm11 =	vge.f32 v5, v2  }
0x1fc: {  	s19 =	sor.u32 $0x180, s31;
	[tilespmem:s21+$0x3020] =	vst.msk vm11, v6  }
0x1fd: {  	v5 =	vld [tilespmem:s19+$0x0]  }
0x1fe: {  	v7 =	vmpcnt.ones.xlane vm10;
	_ =	sdelay $0x1  }
0x1ff: {  	(v2sf) =	vpush v7, $0x0  }
0x200: {  	s28 =	sadd.s32 $0x20, s14;
	s26 =	spop (v2sf)  }
0x201: {  	s29 =	sand.u32 $0x60, s28;
	s19 =	sadd.s32 s22, s26;
	vm4 =	vge.f32 v5, v4  }
0x202: {  	s22 =	sor.u32 s29, s17;
	[tilespmem:s19+$0x3830] =	vst.msk vm4, v6  }
0x203: {  	v5 =	vld [tilespmem:s22+$0x0]  }
0x204: {  	v6 =	vmpcnt.ones.xlane vm11;
	_ =	sdelay $0x1  }
0x205: {  	(v2sf) =	vpush v6, $0x0  }
0x206: {  	s30 =	spop (v2sf)  }
0x207: {  	s20 =	sadd.s32 s20, s30;
	v6 =	vor.u32 s28, v0;
	vm5 =	vge.f32 v5, v1  }
0x208: {  	[tilespmem:s20+$0x2000] =	vst.msk vm5, v6  }
0x209: {  	v5 =	vld [tilespmem:s22+$0x80]  }
0x20a: {  	v7 =	vmpcnt.ones.xlane vm4  }
0x20b: {  	s16 =	sand.u32 $0x3, s16  }
0x20c: {  	s16 =	sshll.u32 s16, $0x5;
	(v2sf) =	vpush v7, $0x0  }
0x20d: {  	s16 =	sadd.s32 s15, s16;
	s31 =	spop (v2sf)  }
0x20e: {  	s24 =	sadd.s32 $0x20, s16;
	s23 =	sadd.s32 s13, s31;
	vm6 =	vge.f32 v5, v3  }
0x20f: {  	s15 =	sor.u32 $0x100, s24;
	[tilespmem:s23+$0x2810] =	vst.msk vm6, v6  }
0x210: {  	v5 =	vld [tilespmem:s15+$0x0]  }
0x211: {  	v7 =	vmpcnt.ones.xlane vm5;
	_ =	sdelay $0x1  }
0x212: {  	(v2sf) =	vpush v7, $0x0  }
0x213: {  	s25 =	spop (v2sf)  }
0x214: {  	s15 =	sadd.s32 s21, s25;
	vm7 =	vge.f32 v5, v2  }
0x215: {  	s13 =	sor.u32 $0x180, s24;
	[tilespmem:s15+$0x3020] =	vst.msk vm7, v6  }
0x216: {  	v5 =	vld [tilespmem:s13+$0x0];
	_ =	sdelay $0x2  }
0x217: {  	v7 =	vmpcnt.ones.xlane vm6  }
0x218: {  	s28 =	sadd.s32 $0x30, s14;
	s26 =	spop (v2sf)  }
0x219: {  	s29 =	sand.u32 $0x70, s28;
	(v2sf) =	vpush v7, $0x0;
	s13 =	sadd.s32 s19, s26;
	vm8 =	vge.f32 v5, v4  }
0x21a: {  	s30 =	sor.u32 s29, s17;
	[tilespmem:s13+$0x3830] =	vst.msk vm8, v6  }
0x21b: {  	v5 =	vld [tilespmem:s30+$0x0];
	_ =	sdelay $0x2  }
0x21c: {  	v6 =	vmpcnt.ones.xlane vm7  }
0x21d: {  	s31 =	spop (v2sf)  }
0x21e: {  	v12 =	vor.u32 s28, v0;
	s19 =	sadd.s32 s20, s31;
	(v2sf) =	vpush v6, $0x0;
	vm9 =	vge.f32 v5, v1  }
0x21f: {  	[tilespmem:s19+$0x2000] =	vst.msk vm9, v12  }
0x220: {  	v1 =	vld [tilespmem:s30+$0x80];
	_ =	sdelay $0x4  }
0x221: {  	vm2 =	vge.f32 v1, v3;
	v1 =	vmpcnt.ones.xlane vm8  }
0x222: {  	s17 =	spop (v2sf);
	v5 =	vmpcnt.ones.xlane vm9  }
0x223: {  	s18 =	sadd.s32 $0x30, s18;
	s16 =	sadd.s32 s23, s17;
	(v2sf) =	vpush v1, $0x0;
	v1 =	vmpcnt.ones.xlane vm2  }
0x224: {  	s20 =	sor.u32 $0x100, s18;
	[tilespmem:s16+$0x2810] =	vst.msk vm2, v12;
	(v2sf) =	vpush v5, $0x0  }
0x225: {  	v3 =	vld [tilespmem:s20+$0x0];
	(v2sf) =	vpush v1, $0x0;
	_ =	sdelay $0x3  }
0x226: {  	s21 =	spop (v2sf)  }
0x227: {  	s14 =	sadd.s32 s15, s21;
	vm10 =	vge.f32 v3, v2  }
0x228: {  	s22 =	sor.u32 $0x180, s18;
	[tilespmem:s14+$0x3020] =	vst.msk vm10, v12  }
0x229: {  	v1 =	vld [tilespmem:s22+$0x0];
	_ =	sdelay $0x4  }
0x22a: {  	v2 =	vmpcnt.ones.xlane vm10;
	vm11 =	vge.f32 v1, v4  }
0x22b: {  	v1 =	vmpcnt.ones.xlane vm11;
	s23 =	spop (v2sf)  }
0x22c: {  	(v2sf) =	vpush v2, $0x0;
	s24 =	spop (v2sf)  }
0x22d: {  	(v2sf) =	vpush v1, $0x0;
	s25 =	spop (v2sf)  }
0x22e: {  	s17 =	sadd.s32 s19, s24;
	s16 =	sadd.s32 s16, s25  }
0x22f: {  	p0 =	sgt.s32 s17, s16;
	s15 =	smov.u32 s16  }
0x230: {  	s15 =	smov.u32 @p0 s17  }
0x231: {  	s15 =	sadd.s32 $0xF, s15  }
0x232: {  	v24 =	vimm.f32 $-Inf;
	s26 =	sand.u32 $0xF, s15  }
0x233: {  	v21 =	vimm.f32 $-Inf;
	v19 =	vimm.f32 $-Inf;
	v32 =	vimm.f32 $-Inf;
	s28 =	sshra.s32 s15, $0x1F;
	p6 =	slt.s32 s15, $0x1;
	p1 =	sne.s32 s26, $0x0  }
0x234: {  	v23 =	vimm.f32 $-Inf;
	v10 =	vimm.f32 $-Inf;
	v11 =	vimm.f32 $-Inf;
	s29 =	sshrl.u32 s28, $0x1C;
	p0 =	por !p6, !p1  }
0x235: {  	v25 =	vimm.s32 $0x7FFFFFFF;
	v15 =	vimm.s32 $0x7FFFFFFF;
	v31 =	vimm.s32 $0x7FFFFFFF;
	s19 =	simm.s32 $0x1;
	s15 =	sadd.s32 s29, s15;
	p0 =	por !p0, !p0  }
0x236: {  	v28 =	vimm.s32 $0x7FFFFFFF;
	v13 =	vimm.s32 $0x7FFFFFFF;
	v16 =	vimm.s32 $0x7FFFFFFF;
	s15 =	sshra.s32 s15, $0x4;
	s19 =	simm.s32 @!p0 $0x0  }
0x237: {  	v9 =	vimm.f32 $-Inf;
	v22 =	vimm.f32 $-Inf;
	v36 =	vimm.f32 $-Inf;
	s15 =	ssub.s32 s15, s19  }
0x238: {  	v34 =	vimm.f32 $-Inf;
	v29 =	vimm.f32 $-Inf;
	v30 =	vimm.f32 $-Inf;
	p0 =	slt.s32 s15, $0x1  }
.Ltmp4:
0x239: {  	v27 =	vimm.s32 $0x7FFFFFFF;
	v20 =	vimm.s32 $0x7FFFFFFF;
	v14 =	vimm.s32 $0x7FFFFFFF;
	(pc) =	sbr.rel @p0 .LBB2_13-.Ltmp4, $4  }
0x23a: {  	v35 =	vimm.s32 $0x7FFFFFFF;
	v33 =	vimm.s32 $0x7FFFFFFF;
	v18 =	vimm.s32 $0x7FFFFFFF  }
0x23b: {  	v26 =	vimm.s32 $0x7FFFFFFF;
	v8 =	vimm.f32 $-Inf;
	v7 =	vimm.s32 $0x7FFFFFFF;
	s30 =	spop (v2sf)  }
0x23c: {  	v6 =	vimm.s32 $0x7FFFFFFF;
	v5 =	vimm.s32 $0x7FFFFFFF;
	v3 =	vimm.f32 $-Inf;
	s13 =	sadd.s32 s13, s23;
	s31 =	spop (v2sf)  }
0x23d: {  	v2 =	vimm.s32 $0x7FFFFFFF;
	v4 =	vimm.f32 $-Inf;
	v1 =	vimm.f32 $-Inf;
	[tilespmem:s13+$0x3830] =	vst.msk vm11, v12;
	s14 =	sadd.s32 s14, s30;
	s13 =	sadd.s32 s13, s31  }
0x23e: {  	s18 =	simm.s32 $0x2810  }
0x23f: {  	v3 =	vld [tilespmem:s18+$0xFFFFF7F0];
	_ =	sdelay $0x1  }
0x240: {  	v4 =	vld [tilespmem:s18+$0x0];
	_ =	sdelay $0x2  }
0x241: {  	vm0 =	vgt.s32 v3, $0x0  }
0x242: {  	v3 =	vnsel vm0, $0x0, v3  }
0x243: {  	vm0 =	vgt.s32 v4, $0x0;
	v3 =	vmin.u32 v3, $0x7FF  }
0x244: {  	v4 =	vnsel vm0, $0x0, v4;
	v5 =	vshll.u32 v3, $0x2  }
0x245: {  	v4 =	vmin.u32 v4, $0x7FF;
	v6 =	vand.u32 $0x7F, v3;
	v5 =	vand.u32 $0x1E00, v5  }
0x246: {  	v5 =	vor.u32 v6, v5;
	v6 =	vshll.u32 v4, $0x2  }
0x247: {  	v7 =	vand.u32 $0x7F, v4;
	v6 =	vand.u32 $0x1E00, v6  }
0x248: {  	v6 =	vor.u32 v6, v7  }
0x249: {  	v6 =	vor.u32 $0x80, v6;
	_ =	sdelay $0x1  }
0x24a: {  	v5 =	vld.idx.msk [tilespmem:v5+s2+$0x0], $0xffff;
	_ =	sdelay $0x1  }
0x24b: {  	s31 =	simm.s32 $0x0  }
0x24c: {  	v16 =	vmov s17;
	v7 =	vor.u32 s31, v0;
	v6 =	vld.idx.msk [tilespmem:v6+s2+$0x0], $0xffff  }
0x24d: {  	v10 =	vimm.f32 $-Inf;
	vm0 =	vlt.s32 v7, v16  }
0x24e: {  	v11 =	vimm.s32 $0x7FFFFFFF;
	v3 =	vnsel vm0, $0x7FFFFFFF, v3;
	v5 =	vnsel vm0, $0xFF800000, v5  }
0x24f: {  	v17 =	vmov s16;
	vm1 =	vlt.s32 v3, v11;
	vm0 =	veq.f32 v5, v10  }
0x250: {  	vm2 =	vlt.s32 v7, v17;
	vm3 =	vgt.f32 v5, v10;
	vm0 =	vmand vm0, vm1  }
0x251: {  	v4 =	vnsel vm2, $0x7FFFFFFF, v4;
	vm0 =	vmor vm3, vm0;
	v6 =	vnsel vm2, $0xFF800000, v6  }
0x252: {  	vm1 =	vlt.s32 v4, v11;
	v24 =	vsel vm0, v5, v10;
	vm2 =	veq.f32 v6, v10  }
0x253: {  	v5 =	vsel vm0, v10, v5;
	vm3 =	vgt.f32 v6, v10;
	vm1 =	vmand vm2, vm1  }
0x254: {  	v7 =	vsel vm0, v11, v3;
	vm2 =	veq.f32 v5, v10;
	vm1 =	vmor vm3, vm1  }
0x255: {  	vm4 =	vgt.f32 v5, v10;
	vm3 =	vlt.s32 v7, v11;
	v8 =	vsel vm1, v10, v6  }
0x256: {  	v12 =	vsel vm1, v11, v4;
	v27 =	vsel vm1, v4, v11;
	v9 =	vsel vm1, v6, v10  }
0x257: {  	vm1 =	vmand vm2, vm3;
	v6 =	vsel vm0, v3, v11;
	vm5 =	veq.f32 v8, v10  }
0x258: {  	vm6 =	vlt.s32 v12, v11;
	vm11 =	vgt.f32 v8, v10;
	vm0 =	vmor vm4, vm1  }
0x259: {  	vm5 =	vmand vm5, vm6;
	v21 =	vsel vm0, v5, v10;
	v13 =	vsel vm0, v11, v7  }
0x25a: {  	v25 =	vsel vm0, v7, v11;
	v5 =	vsel vm0, v10, v5;
	vm2 =	vmor vm11, vm5  }
0x25b: {  	vm0 =	vlt.s32 v13, v11;
	vm3 =	veq.f32 v5, v10;
	vm4 =	vgt.f32 v5, v10  }
0x25c: {  	v22 =	vsel vm2, v8, v10;
	v3 =	vsel vm2, v11, v12;
	v4 =	vsel vm2, v10, v8  }
0x25d: {  	vm0 =	vmand vm3, vm0;
	v7 =	vsel vm2, v12, v11;
	vm1 =	vlt.s32 v3, v11  }
0x25e: {  	vm5 =	veq.f32 v4, v10;
	vm3 =	vgt.f32 v4, v10;
	vm0 =	vmor vm4, vm0  }
0x25f: {  	vm1 =	vmand vm5, vm1;
	v8 =	vsel vm0, v11, v13;
	v51 =	vsel vm0, v10, v5  }
0x260: {  	vm1 =	vmor vm3, vm1;
	vm2 =	vgt.f32 v51, v10;
	vm3 =	veq.f32 v51, v10  }
0x261: {  	v20 =	vsel vm1, v3, v11;
	v52 =	vsel vm1, v10, v4;
	v4 =	vsel vm1, v4, v10  }
0x262: {  	p1 =	sne.s32 s15, $0x1;
	v12 =	vsel vm1, v11, v3;
	v3 =	vsel vm0, v5, v10;
	vm1 =	vlt.s32 v8, v11  }
.Ltmp5:
0x263: {  	vm4 =	vlt.s32 v12, v11;
	vm1 =	vmand vm3, vm1;
	vm3 =	veq.f32 v52, v10;
	(pc) =	sbr.rel @!p1 .LBB2_7-.Ltmp5, $4  }
0x264: {  	vm5 =	vgt.f32 v52, v10;
	vm2 =	vmor vm2, vm1;
	vm1 =	vmand vm3, vm4  }
0x265: {  	v5 =	vsel vm0, v13, v11;
	v15 =	vsel vm2, v8, v11;
	vm3 =	vmor vm5, vm1  }
0x266: {  	v50 =	vsel vm2, v11, v8;
	v13 =	vsel vm2, v10, v51;
	v8 =	vsel vm3, v52, v10  }
0x267: {  	s16 =	sadd.s32 $0xFFFFFFFF, s15;
	s15 =	simm.s32 $0x2820;
	p0 =	por $0x0, $0x0;
	v14 =	vsel vm3, v12, v11;
	vm0 =	vlt.s32 v50, v11;
	v12 =	vsel vm3, v11, v12  }
0x268: {  	v18 =	vld [tilespmem:s15+$0xFFFFF7F0];
	_ =	sdelay $0x1  }
0x269: {  	v19 =	vld [tilespmem:s15+$0x0];
	_ =	sdelay $0x2  }
0x26a: {  	vm1 =	vgt.s32 v18, $0x0  }
0x26b: {  	v18 =	vnsel vm1, $0x0, v18  }
0x26c: {  	vm1 =	vgt.s32 v19, $0x0;
	v23 =	vmin.u32 v18, $0x7FF  }
0x26d: {  	v18 =	vnsel vm1, $0x0, v19;
	v19 =	vshll.u32 v23, $0x2  }
0x26e: {  	v26 =	vmin.u32 v18, $0x7FF;
	v18 =	vand.u32 $0x7F, v23;
	v19 =	vand.u32 $0x1E00, v19  }
0x26f: {  	v18 =	vor.u32 v18, v19;
	v19 =	vshll.u32 v26, $0x2  }
0x270: {  	v28 =	vand.u32 $0x7F, v26;
	v19 =	vand.u32 $0x1E00, v19  }
0x271: {  	v19 =	vor.u32 v19, v28  }
0x272: {  	v28 =	vor.u32 $0x80, v19  }
0x273: {  	s15 =	simm.s32 $0x10;
	v34 =	vimm.f32 $-Inf;
	v42 =	vimm.f32 $-Inf;
	v37 =	vimm.s32 $0x7FFFFFFF  }
0x274: {  	v36 =	vimm.f32 $-Inf;
	v38 =	vimm.f32 $-Inf;
	v30 =	vor.u32 s15, v0;
	v29 =	vld.idx.msk [tilespmem:v18+s2+$0x0], $0xffff  }
0x275: {  	v39 =	vimm.s32 $0x7FFFFFFF;
	v32 =	vimm.s32 $0x7FFFFFFF;
	vm4 =	vlt.s32 v30, v16  }
0x276: {  	v33 =	vimm.s32 $0x7FFFFFFF;
	v40 =	vimm.f32 $-Inf;
	v23 =	vnsel vm4, $0x7FFFFFFF, v23  }
0x277: {  	v47 =	vimm.s32 $0x7FFFFFFF;
	v45 =	vimm.s32 $0x7FFFFFFF;
	vm6 =	vlt.s32 v23, v6;
	v28 =	vld.idx.msk [tilespmem:v28+s2+$0x0], $0xffff  }
0x278: {  	v19 =	vsel vm2, v51, v10;
	vm2 =	vgt.f32 v13, v10;
	v18 =	vsel vm3, v10, v52  }
0x279: {  	vm3 =	veq.f32 v13, v10;
	vm1 =	veq.f32 v18, v10;
	v29 =	vnsel vm4, $0xFF800000, v29  }
0x27a: {  	vm0 =	vmand vm3, vm0;
	vm4 =	vlt.s32 v30, v17;
	vm5 =	veq.f32 v29, v24  }
0x27b: {  	vm7 =	vgt.f32 v29, v24;
	v26 =	vnsel vm4, $0x7FFFFFFF, v26;
	vm5 =	vmand vm5, vm6  }
0x27c: {  	vm6 =	vlt.s32 v26, v27;
	vm5 =	vmor vm7, vm5;
	v28 =	vnsel vm4, $0xFF800000, v28  }
0x27d: {  	v35 =	vsel vm5, v29, v24;
	v30 =	vsel vm5, v6, v23;
	vm4 =	veq.f32 v28, v9  }
0x27e: {  	v24 =	vsel vm5, v24, v29;
	vm7 =	vgt.f32 v28, v9;
	v6 =	vsel vm5, v23, v6  }
0x27f: {  	vm4 =	vmand vm4, vm6;
	vm6 =	veq.f32 v24, v21;
	vm8 =	vlt.s32 v30, v25  }
0x280: {  	vm4 =	vmor vm7, vm4;
	vm7 =	vgt.f32 v24, v21;
	vm6 =	vmand vm6, vm8  }
0x281: {  	v29 =	vsel vm4, v9, v28;
	v31 =	vsel vm4, v27, v26;
	v27 =	vsel vm4, v26, v27  }
0x282: {  	v9 =	vsel vm4, v28, v9;
	vm5 =	vmor vm7, vm6;
	v28 =	vimm.f32 $-Inf  }
0x283: {  	vm9 =	veq.f32 v29, v22;
	vm10 =	vlt.s32 v31, v7;
	vm4 =	vgt.f32 v29, v22  }
0x284: {  	v44 =	vsel vm5, v24, v21;
	v41 =	vsel vm5, v30, v25;
	v26 =	vsel vm5, v25, v30  }
0x285: {  	v21 =	vsel vm5, v21, v24;
	v30 =	vimm.s32 $0x7FFFFFFF;
	vm9 =	vmand vm9, vm10  }
0x286: {  	vm5 =	vlt.s32 v26, v5;
	vm8 =	veq.f32 v21, v3;
	vm4 =	vmor vm4, vm9  }
0x287: {  	vm7 =	vgt.f32 v21, v3;
	vm5 =	vmand vm8, vm5;
	v43 =	vsel vm4, v29, v22  }
0x288: {  	v23 =	vsel vm4, v7, v31;
	v22 =	vsel vm4, v22, v29;
	v7 =	vsel vm4, v31, v7  }
0x289: {  	vm5 =	vmor vm7, vm5;
	v31 =	vimm.f32 $-Inf;
	v29 =	vimm.f32 $-Inf  }
0x28a: {  	vm6 =	vlt.s32 v23, v20;
	vm9 =	vgt.f32 v22, v4;
	vm10 =	veq.f32 v22, v4  }
0x28b: {  	v24 =	vsel vm5, v5, v26;
	v51 =	vsel vm5, v3, v21;
	v3 =	vsel vm5, v21, v3  }
0x28c: {  	v5 =	vsel vm5, v26, v5;
	v26 =	vimm.s32 $0x7FFFFFFF;
	vm4 =	vmand vm10, vm6  }
0x28d: {  	vm3 =	vlt.s32 v24, v15;
	vm5 =	vgt.f32 v51, v19;
	vm4 =	vmor vm9, vm4  }
0x28e: {  	v25 =	vsel vm4, v23, v20;
	v52 =	vsel vm4, v4, v22;
	v20 =	vsel vm4, v20, v23  }
0x28f: {  	v4 =	vsel vm4, v22, v4;
	vm4 =	veq.f32 v51, v19;
	vm6 =	vlt.s32 v20, v14  }
0x290: {  	p1 =	sne.s32 s16, $0x1;
	vm3 =	vmand vm4, vm3;
	vm7 =	vgt.f32 v52, v8;
	vm4 =	vmor vm2, vm0  }
.Ltmp6:
0x291: {  	vm0 =	veq.f32 v52, v8;
	vm2 =	vmor vm5, vm3;
	v23 =	vsel vm4, v50, v11;
	(pc) =	sbr.rel @!p1 .LBB2_9-.Ltmp6, $4  }
0x292: {  	vm0 =	vmand vm0, vm6;
	v54 =	vsel vm4, v11, v50;
	v55 =	vsel vm4, v10, v13  }
0x293: {  	v48 =	vsel vm2, v24, v15;
	v49 =	vsel vm2, v15, v24;
	vm3 =	vmor vm7, vm0  }
0x294: {  	v56 =	vsel vm2, v19, v51;
	vm5 =	vlt.s32 v54, v11;
	v50 =	vsel vm3, v52, v8  }
0x295: {  	s16 =	sadd.s32 $0xFFFFFFFF, s16;
	s17 =	simm.s32 $0x2830;
	p0 =	por $0x1, $0x1;
	v46 =	vmovc v23;
	v15 =	vsel vm3, v20, v14;
	vm0 =	vlt.s32 v49, v23;
	v53 =	vsel vm3, v14, v20  }
.LBB2_10:
0x296: {  	v57 =	vld [tilespmem:s17+$0xFFFFF7F0];
	p1 =	sne.s32 s16, $0x1;
	s16 =	sadd.s32 $0xFFFFFFFF, s16;
	v52 =	vsel vm3, v8, v52;
	vm3 =	veq.f32 v55, v34;
	vm6 =	vlt.s32 v12, v26;
	v58 =	vmovc v35  }
0x297: {  	vm7 =	vgt.f32 v55, v34;
	v24 =	vmovc v27;
	v21 =	vmovc v43;
	v59 =	vld [tilespmem:s17+$0x0];
	vm3 =	vmand vm3, vm5;
	vm1 =	vmand vm1, vm6  }
0x298: {  	v19 =	vsel vm2, v51, v19;
	v42 =	vsel vm4, v13, v42;
	v22 =	vmovc v44;
	v20 =	vmovc v25;
	vm2 =	vmor vm7, vm3  }
0x299: {  	v13 =	vmovc v56;
	v51 =	vsel vm2, v34, v55;
	v34 =	vsel vm2, v55, v34;
	v55 =	vsel vm2, v37, v54  }
0x29a: {  	v8 =	vmovc v50;
	v37 =	vsel vm2, v54, v37;
	vm2 =	veq.f32 v51, v36;
	vm3 =	vlt.s32 v55, v30  }
0x29b: {  	v14 =	vmovc v15;
	vm5 =	vgt.f32 v51, v36;
	vm4 =	vgt.s32 v57, $0x0;
	vm2 =	vmand vm2, vm3  }
0x29c: {  	v54 =	vnsel vm4, $0x0, v57;
	vm3 =	vgt.s32 v59, $0x0;
	vm2 =	vmor vm5, vm2  }
0x29d: {  	v54 =	vmin.u32 v54, $0x7FF;
	v56 =	vnsel vm3, $0x0, v59;
	v57 =	vsel vm2, v36, v51  }
0x29e: {  	v59 =	vshll.u32 v54, $0x2;
	v56 =	vmin.u32 v56, $0x7FF;
	vm3 =	veq.f32 v57, v38  }
0x29f: {  	v61 =	vsel vm2, v30, v55;
	v60 =	vand.u32 $0x7F, v54;
	v59 =	vand.u32 $0x1E00, v59  }
0x2a0: {  	vm4 =	vlt.s32 v61, v39;
	v59 =	vor.u32 v60, v59;
	v60 =	vand.u32 $0x7F, v56  }
0x2a1: {  	vm5 =	vgt.f32 v57, v38;
	v62 =	vshll.u32 v56, $0x2;
	vm3 =	vmand vm3, vm4  }
0x2a2: {  	v36 =	vsel vm2, v51, v36;
	v62 =	vand.u32 $0x1E00, v62;
	vm3 =	vmor vm5, vm3  }
0x2a3: {  	vm4 =	vgt.f32 v18, v31;
	v51 =	vor.u32 v62, v60;
	v38 =	vsel vm3, v57, v38  }
0x2a4: {  	vm1 =	vmor vm4, vm1;
	v39 =	vsel vm3, v61, v39;
	v51 =	vor.u32 $0x80, v51  }
0x2a5: {  	v30 =	vsel vm2, v55, v30;
	v55 =	vsel vm1, v31, v18;
	v57 =	vld.idx.msk [tilespmem:v59+s2+$0x0], $0xffff;
	v59 =	vsel vm1, v26, v12  }
0x2a6: {  	vm4 =	vgt.f32 v55, v28;
	vm5 =	veq.f32 v55, v28;
	vm6 =	vlt.s32 v59, v32  }
0x2a7: {  	vm2 =	vgt.f32 v13, v42;
	vm3 =	veq.f32 v13, v42;
	vm5 =	vmand vm5, vm6  }
0x2a8: {  	s15 =	sadd.s32 $0x10, s15;
	v31 =	vsel vm1, v18, v31;
	v18 =	vmovc v52;
	v26 =	vsel vm1, v12, v26;
	v12 =	vmovc v53;
	vm4 =	vmor vm4, vm5  }
0x2a9: {  	v52 =	vor.u32 s15, v0;
	vm1 =	veq.f32 v18, v31;
	v53 =	vsel vm4, v28, v55  }
0x2aa: {  	vm6 =	vlt.s32 v52, v17;
	vm5 =	vlt.s32 v52, v16;
	v52 =	vsel vm4, v32, v59;
	v51 =	vld.idx.msk [tilespmem:v51+s2+$0x0], $0xffff  }
0x2ab: {  	v54 =	vnsel vm5, $0x7FFFFFFF, v54;
	v32 =	vsel vm4, v59, v32;
	v57 =	vnsel vm5, $0xFF800000, v57  }
0x2ac: {  	vm8 =	vgt.f32 v53, v29;
	vm5 =	vgt.f32 v57, v35;
	vm7 =	veq.f32 v57, v35  }
0x2ad: {  	v56 =	vnsel vm6, $0x7FFFFFFF, v56;
	vm9 =	vlt.s32 v54, v6;
	vm10 =	veq.f32 v53, v29  }
0x2ae: {  	v28 =	vsel vm4, v55, v28;
	vm7 =	vmand vm7, vm9;
	vm9 =	vlt.s32 v52, v33  }
0x2af: {  	vm4 =	vmor vm5, vm7;
	vm5 =	vlt.s32 v56, v27;
	vm7 =	vmand vm10, vm9  }
0x2b0: {  	v35 =	vsel vm4, v57, v35;
	v51 =	vnsel vm6, $0xFF800000, v51;
	vm6 =	vmor vm8, vm7  }
0x2b1: {  	v55 =	vsel vm4, v6, v54;
	vm7 =	veq.f32 v51, v9;
	v59 =	vsel vm6, v29, v53  }
0x2b2: {  	v57 =	vsel vm4, v58, v57;
	vm8 =	vgt.f32 v51, v9;
	v33 =	vsel vm6, v52, v33  }
0x2b3: {  	vm9 =	veq.f32 v57, v44;
	vm5 =	vmand vm7, vm5;
	vm7 =	veq.f32 v59, v40  }
0x2b4: {  	vm10 =	vlt.s32 v55, v41;
	vm5 =	vmor vm8, vm5;
	vm8 =	vgt.f32 v59, v40  }
0x2b5: {  	vm11 =	vgt.f32 v57, v44;
	v27 =	vsel vm5, v56, v27;
	v58 =	vsel vm5, v9, v51  }
0x2b6: {  	v29 =	vsel vm6, v53, v29;
	v9 =	vsel vm5, v51, v9;
	v24 =	vsel vm5, v24, v56  }
0x2b7: {  	v51 =	vsel vm6, v47, v52;
	v47 =	vmovc v33;
	vm5 =	vgt.f32 v58, v43;
	vm12 =	veq.f32 v58, v43  }
0x2b8: {  	vm6 =	vmand vm9, vm10;
	vm9 =	vlt.s32 v24, v7;
	vm10 =	vlt.s32 v51, v45  }
0x2b9: {  	v6 =	vsel vm4, v54, v6;
	vm4 =	vmand vm12, vm9;
	vm7 =	vmand vm7, vm10  }
0x2ba: {  	vm6 =	vmor vm11, vm6;
	vm4 =	vmor vm5, vm4;
	vm5 =	vmor vm8, vm7  }
0x2bb: {  	v43 =	vsel vm4, v58, v43;
	v53 =	vsel vm4, v7, v24;
	v40 =	vsel vm5, v59, v40  }
0x2bc: {  	v44 =	vsel vm6, v57, v44;
	v54 =	vsel vm6, v41, v55;
	v41 =	vsel vm6, v55, v41  }
0x2bd: {  	v22 =	vsel vm6, v22, v57;
	vm6 =	vlt.s32 v54, v5;
	vm7 =	vlt.s32 v53, v25  }
0x2be: {  	vm8 =	vgt.f32 v22, v3;
	vm9 =	veq.f32 v22, v3;
	v21 =	vsel vm4, v21, v58  }
0x2bf: {  	v45 =	vsel vm5, v51, v45;
	vm10 =	vgt.f32 v21, v4;
	vm11 =	veq.f32 v21, v4  }
0x2c0: {  	vm5 =	vmand vm9, vm6;
	v7 =	vsel vm4, v24, v7;
	vm4 =	vmand vm11, vm7  }
0x2c1: {  	vm0 =	vmand vm3, vm0;
	vm5 =	vmor vm8, vm5;
	vm4 =	vmor vm10, vm4  }
0x2c2: {  	v24 =	vsel vm5, v5, v54;
	v25 =	vsel vm4, v53, v25;
	v52 =	vsel vm4, v4, v21  }
0x2c3: {  	v51 =	vsel vm5, v3, v22;
	v4 =	vsel vm4, v21, v4;
	v20 =	vsel vm4, v20, v53  }
0x2c4: {  	v3 =	vsel vm5, v22, v3;
	v5 =	vsel vm5, v54, v5;
	vm3 =	vlt.s32 v24, v48  }
0x2c5: {  	vm5 =	vgt.f32 v51, v19;
	vm4 =	veq.f32 v51, v19;
	vm6 =	vlt.s32 v20, v15  }
0x2c6: {  	vm3 =	vmand vm4, vm3;
	vm7 =	vgt.f32 v52, v50;
	vm4 =	vmor vm2, vm0  }
.Ltmp7:
0x2c7: {  	vm0 =	veq.f32 v52, v50;
	vm2 =	vmor vm5, vm3;
	v23 =	vsel vm4, v49, v23;
	(pc) =	sbr.rel @p1 .LBB2_10-.Ltmp7, $4  }
0x2c8: {  	vm0 =	vmand vm0, vm6;
	v21 =	vsel vm2, v48, v24;
	v48 =	vsel vm2, v24, v48  }
0x2c9: {  	v54 =	vsel vm4, v46, v49;
	v56 =	vsel vm2, v19, v51;
	vm3 =	vmor vm7, vm0;
	v46 =	vmovc v23;
	v49 =	vmovc v21  }
0x2ca: {  	vm5 =	vlt.s32 v54, v37;
	v50 =	vsel vm3, v52, v50;
	v15 =	vsel vm3, v20, v15  }
0x2cb: {  	s17 =	sadd.s32 $0x10, s17;
	v55 =	vsel vm4, v42, v13;
	v53 =	vsel vm3, v14, v20;
	vm0 =	vlt.s32 v49, v23  }
0x2cc: {  	v17 =	vmovc v8;
	v16 =	vmov v12;
	v57 =	vmov v13;
	v24 =	vmov v35  }
0x2cd: {  	v22 =	vmovc v43;
	v21 =	vmovc v44;
	v20 =	vmov v25;
	v13 =	vmov v56;
	v8 =	vmov v50  }
0x2ce: {  	v14 =	vmovc v15;
	v12 =	vmovc v53;
	v25 =	vmov v41;
	v15 =	vmov v48;
	v50 =	vmov v49  }
.LBB2_12:
0x2cf: {  	vm6 =	veq.f32 @p0 v55, v34  }
0x2d0: {  	v17 =	vsel vm3, v17, v52;
	v19 =	vsel vm2, v51, v19;
	v42 =	vsel @p0 vm4, v57, v42  }
0x2d1: {  	vm5 =	vmand @p0 vm6, vm5;
	vm6 =	vgt.f32 @p0 v55, v34;
	v42 =	vpsel p0, v42, v10  }
0x2d2: {  	vm5 =	vmor @p0 vm6, vm5;
	vm6 =	vlt.s32 @p0 v16, v26;
	vm11 =	vgt.f32 v13, v42  }
0x2d3: {  	vm9 =	veq.f32 v13, v42;
	v35 =	vsel @p0 vm5, v34, v55;
	v41 =	vsel @p0 vm5, v37, v54  }
0x2d4: {  	vm1 =	vmand @p0 vm1, vm6;
	v34 =	vsel @p0 vm5, v55, v34;
	v37 =	vsel @p0 vm5, v54, v37  }
0x2d5: {  	vm0 =	vmand vm9, vm0;
	vm2 =	veq.f32 @p0 v35, v36;
	vm3 =	vlt.s32 @p0 v41, v30  }
0x2d6: {  	vm0 =	vmor vm11, vm0;
	vm2 =	vmand @p0 vm2, vm3;
	vm3 =	vgt.f32 @p0 v35, v36  }
0x2d7: {  	v37 =	vpsel p0, v37, v11;
	v34 =	vpsel p0, v34, v10;
	vm2 =	vmor @p0 vm3, vm2  }
0x2d8: {  	v51 =	vsel vm0, v46, v50;
	v43 =	vsel @p0 vm2, v36, v35;
	v44 =	vsel @p0 vm2, v30, v41  }
0x2d9: {  	vm10 =	vlt.s32 v51, v37;
	vm3 =	veq.f32 @p0 v43, v38;
	vm4 =	vlt.s32 @p0 v44, v39  }
0x2da: {  	v35 =	vsel @p0 vm2, v35, v36;
	vm5 =	vgt.f32 @p0 v43, v38;
	vm3 =	vmand @p0 vm3, vm4  }
0x2db: {  	v30 =	vsel @p0 vm2, v41, v30;
	vm4 =	vgt.f32 @p0 v18, v31;
	vm3 =	vmor @p0 vm5, vm3  }
0x2dc: {  	v30 =	vpsel p0, v30, v11;
	vm1 =	vmor @p0 vm4, vm1;
	v36 =	vsel @p0 vm3, v43, v38  }
0x2dd: {  	v38 =	vsel @p0 vm1, v31, v18;
	v43 =	vsel @p0 vm1, v26, v16;
	v39 =	vsel @p0 vm3, v44, v39  }
0x2de: {  	v18 =	vsel @p0 vm1, v18, v31;
	v16 =	vsel @p0 vm1, v16, v26;
	vm3 =	veq.f32 @p0 v38, v28  }
0x2df: {  	vm4 =	vlt.s32 @p0 v43, v32;
	vm5 =	vgt.f32 @p0 v38, v28;
	v18 =	vpsel p0, v18, v10  }
0x2e0: {  	v52 =	vpsel p0, v16, v11;
	v16 =	vpsel p0, v35, v10;
	vm3 =	vmand @p0 vm3, vm4  }
0x2e1: {  	v53 =	vpsel p0, v36, v10;
	v54 =	vpsel p0, v39, v11;
	vm3 =	vmor @p0 vm5, vm3  }
0x2e2: {  	vm1 =	veq.f32 v17, v18;
	v41 =	vsel @p0 vm3, v28, v38;
	v44 =	vsel @p0 vm3, v32, v43  }
0x2e3: {  	vm9 =	vlt.s32 v12, v52;
	vm5 =	veq.f32 @p0 v41, v29;
	vm6 =	vlt.s32 @p0 v44, v33  }
0x2e4: {  	vm1 =	vmand vm1, vm9;
	vm7 =	vgt.f32 @p0 v41, v29;
	vm5 =	vmand @p0 vm5, vm6  }
0x2e5: {  	v26 =	vsel @p0 vm3, v43, v32;
	v28 =	vsel @p0 vm3, v38, v28;
	vm5 =	vmor @p0 vm7, vm5  }
0x2e6: {  	v55 =	vpsel p0, v28, v10;
	v31 =	vsel @p0 vm5, v29, v41;
	v32 =	vsel @p0 vm5, v47, v44  }
0x2e7: {  	v26 =	vpsel p0, v26, v11;
	vm3 =	veq.f32 @p0 v31, v40;
	vm6 =	vlt.s32 @p0 v32, v45  }
0x2e8: {  	v33 =	vsel @p0 vm5, v44, v33;
	vm7 =	vgt.f32 @p0 v31, v40;
	vm3 =	vmand @p0 vm3, vm6  }
0x2e9: {  	v29 =	vsel @p0 vm5, v41, v29;
	v49 =	vpsel p0, v33, v11;
	vm3 =	vmor @p0 vm7, vm3  }
0x2ea: {  	v33 =	vsel @p0 vm3, v31, v40;
	v31 =	vsel vm0, v50, v23;
	v23 =	vsel vm0, v42, v13  }
0x2eb: {  	v29 =	vpsel p0, v29, v10;
	v32 =	vsel @p0 vm3, v32, v45;
	vm11 =	veq.f32 v23, v34  }
0x2ec: {  	vm8 =	vgt.f32 v23, v34;
	v56 =	vpsel p0, v33, v10;
	vm2 =	vmand vm11, vm10  }
0x2ed: {  	v57 =	vpsel p0, v32, v11;
	v32 =	vsel vm0, v13, v42;
	vm2 =	vmor vm8, vm2  }
0x2ee: {  	vm8 =	vgt.f32 v17, v18;
	v10 =	vsel vm2, v34, v23;
	v58 =	vsel vm2, v37, v51  }
0x2ef: {  	v23 =	vsel vm2, v23, v34;
	v28 =	vsel vm2, v51, v37;
	vm1 =	vmor vm8, vm1  }
0x2f0: {  	vm10 =	veq.f32 v10, v16;
	vm11 =	vlt.s32 v58, v30;
	vm7 =	vgt.f32 v10, v16  }
0x2f1: {  	v59 =	vsel vm1, v18, v17;
	v60 =	vsel vm1, v52, v12;
	v36 =	vsel vm1, v17, v18  }
0x2f2: {  	v35 =	vsel vm1, v12, v52;
	vm3 =	vmand vm10, vm11;
	vm9 =	vlt.s32 v60, v26  }
0x2f3: {  	vm11 =	vgt.f32 v59, v55;
	vm0 =	vmor vm7, vm3;
	vm3 =	veq.f32 v59, v55  }
0x2f4: {  	v11 =	vsel vm0, v16, v10;
	v13 =	vsel vm0, v30, v58;
	vm3 =	vmand vm3, vm9  }
0x2f5: {  	v10 =	vsel vm0, v10, v16;
	vm2 =	veq.f32 v11, v53;
	vm3 =	vmor vm11, vm3  }
0x2f6: {  	vm10 =	vlt.s32 v13, v54;
	v61 =	vsel vm3, v55, v59;
	v62 =	vsel vm3, v26, v60  }
0x2f7: {  	vm2 =	vmand vm2, vm10;
	vm9 =	veq.f32 v61, v29;
	vm10 =	vlt.s32 v62, v49  }
0x2f8: {  	vm8 =	vgt.f32 v11, v53;
	vm11 =	vgt.f32 v61, v29;
	vm4 =	vmand vm9, vm10  }
0x2f9: {  	v33 =	vsel vm3, v60, v26;
	vm2 =	vmor vm8, vm2;
	vm8 =	vmor vm11, vm4  }
0x2fa: {  	v34 =	vsel vm3, v59, v55;
	v17 =	vsel vm8, v29, v61;
	v63 =	vsel vm8, v49, v62  }
0x2fb: {  	v11 =	vsel vm2, v11, v53;
	vm9 =	veq.f32 v17, v56;
	vm10 =	vlt.s32 v63, v57  }
0x2fc: {  	v16 =	vsel vm2, v13, v54;
	vm11 =	vgt.f32 v17, v56;
	vm1 =	vmand vm9, vm10  }
0x2fd: {  	v13 =	vsel vm0, v58, v30;
	v18 =	vsel vm8, v62, v49;
	vm1 =	vmor vm11, vm1  }
0x2fe: {  	v29 =	vsel vm8, v61, v29;
	v30 =	vsel vm1, v17, v56;
	v26 =	vsel vm1, v63, v57  }
.LBB2_13:
0x2ff: {  	(xrf0) =	vmax.scan.msk.f32 $0xffff, v24;
	_ =	sdelay $0x5  }
0x300: {  	v12, _, _ =	vpop (xrf0)  }
0x301: {  	v12 =	vbroadcast v12, $0xF;
	_ =	sdelay $0x1  }
0x302: {  	v17 =	vxor.u32 $0x80000000, v6;
	vm0 =	veq.f32 v24, v12  }
0x303: {  	v17 =	vnsel vm0, $0xFFFFFFFF, v17  }
0x304: {  	(xrf0) =	vmin.scan.msk.u32 $0xffff, v17  }
0x305: {  	(xrf0) =	vmax.scan.msk.f32 $0xffff, v9;
	_ =	sdelay $0x4  }
0x306: {  	v17, _, _ =	vpop (xrf0)  }
0x307: {  	(v2sf) =	vpush v17, $0xF;
	v17, _, _ =	vpop (xrf0)  }
0x308: {  	v17 =	vbroadcast v17, $0xF;
	_ =	sdelay $0x1  }
0x309: {  	v37 =	vxor.u32 $0x80000000, v27;
	vm2 =	veq.f32 v9, v17  }
0x30a: {  	v37 =	vnsel vm2, $0xFFFFFFFF, v37  }
0x30b: {  	(xrf0) =	vmin.scan.msk.u32 $0xffff, v37;
	_ =	sdelay $0x5  }
0x30c: {  	v37, _, _ =	vpop (xrf0)  }
0x30d: {  	(v2sf) =	vpush v37, $0xF;
	_ =	sdelay $0x2  }
0x30e: {  	s15 =	spop (v2sf)  }
0x30f: {  	s15 =	sxor.u32 $0x80000000, s15  }
0x310: {  	vm1 =	veq.s32 v6, s15  }
0x311: {  	vm1 =	vmand vm0, vm1  }
0x312: {  	v52 =	vsel vm1, v21, v24  }
0x313: {  	(xrf0) =	vmax.scan.msk.f32 $0xffff, v52;
	_ =	sdelay $0x5  }
0x314: {  	v24, _, _ =	vpop (xrf0)  }
0x315: {  	s16 =	spop (v2sf);
	v24 =	vbroadcast v24, $0xF  }
0x316: {  	v38 =	vsel vm1, v25, v6;
	s16 =	sxor.u32 $0x80000000, s16  }
0x317: {  	v6 =	vxor.u32 $0x80000000, v38;
	vm12 =	veq.s32 v27, s16;
	vm3 =	veq.f32 v52, v24  }
0x318: {  	vm0 =	vmand vm2, vm12;
	v6 =	vnsel vm3, $0xFFFFFFFF, v6  }
0x319: {  	v39 =	vsel vm0, v22, v9;
	(xrf0) =	vmin.scan.msk.u32 $0xffff, v6  }
0x31a: {  	(xrf0) =	vmax.scan.msk.f32 $0xffff, v39;
	_ =	sdelay $0x4  }
0x31b: {  	v6, _, _ =	vpop (xrf0)  }
0x31c: {  	(v2sf) =	vpush v6, $0xF;
	v6, _, _ =	vpop (xrf0)  }
0x31d: {  	v6 =	vbroadcast v6, $0xF  }
0x31e: {  	v27 =	vsel vm0, v7, v27  }
0x31f: {  	v9 =	vxor.u32 $0x80000000, v27;
	vm13 =	veq.f32 v39, v6  }
0x320: {  	v9 =	vnsel vm13, $0xFFFFFFFF, v9  }
0x321: {  	(xrf0) =	vmin.scan.msk.u32 $0xffff, v9;
	_ =	sdelay $0x5  }
0x322: {  	v9, _, _ =	vpop (xrf0)  }
0x323: {  	(v2sf) =	vpush v9, $0xF;
	_ =	sdelay $0x2  }
0x324: {  	s17 =	spop (v2sf)  }
0x325: {  	s17 =	sxor.u32 $0x80000000, s17  }
0x326: {  	vm4 =	veq.s32 v38, s17  }
0x327: {  	v21 =	vsel vm1, v3, v21;
	vm3 =	vmand vm3, vm4  }
0x328: {  	v37 =	vsel vm3, v21, v52  }
0x329: {  	(xrf0) =	vmax.scan.msk.f32 $0xffff, v37;
	_ =	sdelay $0x5  }
0x32a: {  	v9, _, _ =	vpop (xrf0)  }
0x32b: {  	v25 =	vsel vm1, v5, v25;
	s18 =	spop (v2sf);
	v9 =	vbroadcast v9, $0xF  }
0x32c: {  	v38 =	vsel vm3, v25, v38;
	s18 =	sxor.u32 $0x80000000, s18  }
0x32d: {  	v40 =	vxor.u32 $0x80000000, v38;
	vm4 =	veq.s32 v27, s18;
	vm5 =	veq.f32 v37, v9  }
0x32e: {  	v22 =	vsel vm0, v4, v22;
	vm2 =	vmand vm13, vm4;
	v40 =	vnsel vm5, $0xFFFFFFFF, v40  }
0x32f: {  	v39 =	vsel vm2, v22, v39;
	(xrf0) =	vmin.scan.msk.u32 $0xffff, v40  }
0x330: {  	(xrf0) =	vmax.scan.msk.f32 $0xffff, v39;
	_ =	sdelay $0x4  }
0x331: {  	v40, _, _ =	vpop (xrf0)  }
0x332: {  	(v2sf) =	vpush v40, $0xF;
	v53, _, _ =	vpop (xrf0)  }
0x333: {  	v41 =	vsel vm0, v20, v7;
	v7 =	vbroadcast v53, $0xF  }
0x334: {  	v27 =	vsel vm2, v41, v27  }
0x335: {  	v54 =	vxor.u32 $0x80000000, v27;
	vm4 =	veq.f32 v39, v7  }
0x336: {  	v40 =	vnsel vm4, $0xFFFFFFFF, v54  }
0x337: {  	(xrf0) =	vmin.scan.msk.u32 $0xffff, v40;
	_ =	sdelay $0x5  }
0x338: {  	v40, _, _ =	vpop (xrf0)  }
0x339: {  	(v2sf) =	vpush v40, $0xF;
	_ =	sdelay $0x2  }
0x33a: {  	s19 =	spop (v2sf)  }
0x33b: {  	s19 =	sxor.u32 $0x80000000, s19  }
0x33c: {  	v55 =	vsel vm1, v19, v3;
	vm6 =	veq.s32 v38, s19  }
0x33d: {  	v21 =	vsel vm3, v55, v21;
	vm5 =	vmand vm5, vm6  }
0x33e: {  	v37 =	vsel vm5, v21, v37  }
0x33f: {  	(xrf0) =	vmax.scan.msk.f32 $0xffff, v37;
	_ =	sdelay $0x5  }
0x340: {  	v5 =	vsel vm1, v15, v5;
	v3, _, _ =	vpop (xrf0)  }
0x341: {  	v25 =	vsel vm3, v5, v25;
	s20 =	spop (v2sf);
	v3 =	vbroadcast v3, $0xF  }
0x342: {  	v42 =	vsel vm0, v8, v4;
	v38 =	vsel vm5, v25, v38;
	s20 =	sxor.u32 $0x80000000, s20  }
0x343: {  	v4 =	vxor.u32 $0x80000000, v38;
	vm6 =	veq.s32 v27, s20;
	vm7 =	veq.f32 v37, v3  }
0x344: {  	v22 =	vsel vm2, v42, v22;
	vm4 =	vmand vm4, vm6;
	v4 =	vnsel vm7, $0xFFFFFFFF, v4  }
0x345: {  	v39 =	vsel vm4, v22, v39;
	(xrf0) =	vmin.scan.msk.u32 $0xffff, v4  }
0x346: {  	(xrf0) =	vmax.scan.msk.f32 $0xffff, v39;
	_ =	sdelay $0x4  }
0x347: {  	v4, _, _ =	vpop (xrf0)  }
0x348: {  	v20 =	vsel vm0, v14, v20;
	(v2sf) =	vpush v4, $0xF;
	v4, _, _ =	vpop (xrf0)  }
0x349: {  	v41 =	vsel vm2, v20, v41;
	v4 =	vbroadcast v4, $0xF  }
0x34a: {  	v27 =	vsel vm4, v41, v27  }
0x34b: {  	v43 =	vxor.u32 $0x80000000, v27;
	vm6 =	veq.f32 v39, v4  }
0x34c: {  	v43 =	vnsel vm6, $0xFFFFFFFF, v43  }
0x34d: {  	(xrf0) =	vmin.scan.msk.u32 $0xffff, v43;
	_ =	sdelay $0x5  }
0x34e: {  	v43, _, _ =	vpop (xrf0)  }
0x34f: {  	(v2sf) =	vpush v43, $0xF;
	_ =	sdelay $0x2  }
0x350: {  	s21 =	spop (v2sf)  }
0x351: {  	v19 =	vsel vm1, v32, v19;
	s21 =	sxor.u32 $0x80000000, s21  }
0x352: {  	v40 =	vsel vm3, v19, v55;
	vm8 =	veq.s32 v38, s21  }
0x353: {  	v21 =	vsel vm5, v40, v21;
	vm7 =	vmand vm7, vm8  }
0x354: {  	v37 =	vsel vm7, v21, v37  }
0x355: {  	(xrf0) =	vmax.scan.msk.f32 $0xffff, v37;
	_ =	sdelay $0x4  }
0x356: {  	v15 =	vsel vm1, v31, v15  }
0x357: {  	v56 =	vsel vm3, v15, v5;
	v5, _, _ =	vpop (xrf0)  }
0x358: {  	v44 =	vsel vm0, v36, v8;
	v25 =	vsel vm5, v56, v25;
	s22 =	spop (v2sf);
	v5 =	vbroadcast v5, $0xF  }
0x359: {  	v42 =	vsel vm2, v44, v42;
	v38 =	vsel vm7, v25, v38;
	s22 =	sxor.u32 $0x80000000, s22  }
0x35a: {  	v8 =	vxor.u32 $0x80000000, v38;
	vm8 =	veq.s32 v27, s22;
	vm9 =	veq.f32 v37, v5  }
0x35b: {  	v22 =	vsel vm4, v42, v22;
	vm6 =	vmand vm6, vm8;
	v8 =	vnsel vm9, $0xFFFFFFFF, v8  }
0x35c: {  	v39 =	vsel vm6, v22, v39;
	(xrf0) =	vmin.scan.msk.u32 $0xffff, v8  }
0x35d: {  	(xrf0) =	vmax.scan.msk.f32 $0xffff, v39;
	_ =	sdelay $0x4  }
0x35e: {  	v45 =	vsel vm0, v35, v14;
	v8, _, _ =	vpop (xrf0)  }
0x35f: {  	v20 =	vsel vm2, v45, v20;
	(v2sf) =	vpush v8, $0xF;
	v8, _, _ =	vpop (xrf0)  }
0x360: {  	v41 =	vsel vm4, v20, v41;
	v8 =	vbroadcast v8, $0xF  }
0x361: {  	v27 =	vsel vm6, v41, v27  }
0x362: {  	v14 =	vxor.u32 $0x80000000, v27;
	vm8 =	veq.f32 v39, v8  }
0x363: {  	v14 =	vnsel vm8, $0xFFFFFFFF, v14  }
0x364: {  	(xrf0) =	vmin.scan.msk.u32 $0xffff, v14;
	_ =	sdelay $0x5  }
0x365: {  	v14, _, _ =	vpop (xrf0)  }
0x366: {  	(v2sf) =	vpush v14, $0xF;
	_ =	sdelay $0x2  }
0x367: {  	v57 =	vsel vm1, v23, v32;
	s23 =	spop (v2sf)  }
0x368: {  	v19 =	vsel vm3, v57, v19;
	s23 =	sxor.u32 $0x80000000, s23  }
0x369: {  	v40 =	vsel vm5, v19, v40;
	vm10 =	veq.s32 v38, s23  }
0x36a: {  	v21 =	vsel vm7, v40, v21;
	vm9 =	vmand vm9, vm10  }
0x36b: {  	v37 =	vsel vm9, v21, v37  }
0x36c: {  	(xrf0) =	vmax.scan.msk.f32 $0xffff, v37;
	_ =	sdelay $0x3  }
0x36d: {  	v31 =	vsel vm1, v28, v31  }
0x36e: {  	v46 =	vsel vm3, v31, v15  }
0x36f: {  	v58 =	vsel vm0, v34, v36;
	v43 =	vsel vm5, v46, v56;
	v14, _, _ =	vpop (xrf0)  }
0x370: {  	v44 =	vsel vm2, v58, v44;
	v25 =	vsel vm7, v43, v25;
	s24 =	spop (v2sf);
	v14 =	vbroadcast v14, $0xF  }
0x371: {  	v42 =	vsel vm4, v44, v42;
	v38 =	vsel vm9, v25, v38;
	s24 =	sxor.u32 $0x80000000, s24  }
0x372: {  	v15 =	vxor.u32 $0x80000000, v38;
	vm14 =	veq.s32 v27, s24;
	vm11 =	veq.f32 v37, v14  }
0x373: {  	v22 =	vsel vm6, v42, v22;
	vm8 =	vmand vm8, vm14;
	v15 =	vnsel vm11, $0xFFFFFFFF, v15  }
0x374: {  	v39 =	vsel vm8, v22, v39;
	(xrf0) =	vmin.scan.msk.u32 $0xffff, v15  }
0x375: {  	(xrf0) =	vmax.scan.msk.f32 $0xffff, v39;
	_ =	sdelay $0x3  }
0x376: {  	v59 =	vsel vm0, v33, v35  }
0x377: {  	v45 =	vsel vm2, v59, v45;
	v15, _, _ =	vpop (xrf0)  }
0x378: {  	v20 =	vsel vm4, v45, v20;
	(v2sf) =	vpush v15, $0xF;
	v15, _, _ =	vpop (xrf0)  }
0x379: {  	v41 =	vsel vm6, v20, v41;
	v15 =	vbroadcast v15, $0xF  }
0x37a: {  	v27 =	vsel vm8, v41, v27  }
0x37b: {  	v47 =	vxor.u32 $0x80000000, v27;
	vm10 =	veq.f32 v39, v15  }
0x37c: {  	v47 =	vnsel vm10, $0xFFFFFFFF, v47  }
0x37d: {  	(xrf0) =	vmin.scan.msk.u32 $0xffff, v47;
	_ =	sdelay $0x5  }
0x37e: {  	v47, _, _ =	vpop (xrf0)  }
0x37f: {  	(v2sf) =	vpush v47, $0xF;
	_ =	sdelay $0x1  }
0x380: {  	v23 =	vsel vm1, v10, v23  }
0x381: {  	v32 =	vsel vm3, v23, v57;
	s25 =	spop (v2sf)  }
0x382: {  	v19 =	vsel vm5, v32, v19;
	s25 =	sxor.u32 $0x80000000, s25  }
0x383: {  	v40 =	vsel vm7, v19, v40;
	vm12 =	veq.s32 v38, s25  }
0x384: {  	v21 =	vsel vm9, v40, v21;
	vm11 =	vmand vm11, vm12  }
0x385: {  	v37 =	vsel vm11, v21, v37  }
0x386: {  	(xrf0) =	vmax.scan.msk.f32 $0xffff, v37;
	_ =	sdelay $0x2  }
0x387: {  	v28 =	vsel vm1, v13, v28  }
0x388: {  	v31 =	vsel vm3, v28, v31  }
0x389: {  	v60 =	vsel vm0, v29, v34;
	v46 =	vsel vm5, v31, v46  }
0x38a: {  	v36 =	vsel vm2, v60, v58;
	v43 =	vsel vm7, v46, v43;
	v61, _, _ =	vpop (xrf0)  }
0x38b: {  	v44 =	vsel vm4, v36, v44;
	v25 =	vsel vm9, v43, v25;
	s26 =	spop (v2sf);
	v47 =	vbroadcast v61, $0xF  }
0x38c: {  	v42 =	vsel vm6, v44, v42;
	v38 =	vsel vm11, v25, v38;
	s26 =	sxor.u32 $0x80000000, s26  }
0x38d: {  	v48 =	vxor.u32 $0x80000000, v38;
	vm12 =	veq.s32 v27, s26;
	vm13 =	veq.f32 v37, v47  }
0x38e: {  	v22 =	vsel vm8, v42, v22;
	vm10 =	vmand vm10, vm12;
	v48 =	vnsel vm13, $0xFFFFFFFF, v48  }
0x38f: {  	v39 =	vsel vm10, v22, v39;
	(xrf0) =	vmin.scan.msk.u32 $0xffff, v48  }
0x390: {  	(xrf0) =	vmax.scan.msk.f32 $0xffff, v39;
	_ =	sdelay $0x2  }
0x391: {  	v62 =	vsel vm0, v18, v33  }
0x392: {  	v35 =	vsel vm2, v62, v59  }
0x393: {  	v45 =	vsel vm4, v35, v45;
	v48, _, _ =	vpop (xrf0)  }
0x394: {  	v20 =	vsel vm6, v45, v20;
	(v2sf) =	vpush v48, $0xF;
	v63, _, _ =	vpop (xrf0)  }
0x395: {  	v41 =	vsel vm8, v20, v41;
	v48 =	vbroadcast v63, $0xF  }
0x396: {  	v27 =	vsel vm10, v41, v27  }
0x397: {  	v49 =	vxor.u32 $0x80000000, v27;
	vm12 =	veq.f32 v39, v48  }
0x398: {  	v49 =	vnsel vm12, $0xFFFFFFFF, v49  }
0x399: {  	(xrf0) =	vmin.scan.msk.u32 $0xffff, v49;
	_ =	sdelay $0x5  }
0x39a: {  	v49, _, _ =	vpop (xrf0)  }
0x39b: {  	(v2sf) =	vpush v49, $0xF  }
0x39c: {  	v10 =	vsel vm1, v11, v10  }
0x39d: {  	v10 =	vsel vm3, v10, v23  }
0x39e: {  	v10 =	vsel vm5, v10, v32;
	s28 =	spop (v2sf)  }
0x39f: {  	v10 =	vsel vm7, v10, v19;
	s28 =	sxor.u32 $0x80000000, s28  }
0x3a0: {  	v10 =	vsel vm9, v10, v40;
	vm14 =	veq.s32 v38, s28  }
0x3a1: {  	v10 =	vsel vm11, v10, v21;
	vm13 =	vmand vm13, vm14  }
0x3a2: {  	v10 =	vsel vm13, v10, v37  }
0x3a3: {  	(xrf0) =	vmax.scan.msk.f32 $0xffff, v10;
	_ =	sdelay $0x1  }
0x3a4: {  	v11 =	vsel vm1, v16, v13  }
0x3a5: {  	v11 =	vsel vm3, v11, v28  }
0x3a6: {  	v13 =	vsel vm0, v30, v29;
	v11 =	vsel vm5, v11, v31  }
0x3a7: {  	v13 =	vsel vm2, v13, v60;
	v11 =	vsel vm7, v11, v46  }
0x3a8: {  	v13 =	vsel vm4, v13, v36;
	v11 =	vsel vm9, v11, v43;
	v16, _, _ =	vpop (xrf0)  }
0x3a9: {  	v13 =	vsel vm6, v13, v44;
	v11 =	vsel vm11, v11, v25;
	s29 =	spop (v2sf);
	v16 =	vbroadcast v16, $0xF  }
0x3aa: {  	v13 =	vsel vm8, v13, v42;
	v11 =	vsel vm13, v11, v38;
	s29 =	sxor.u32 $0x80000000, s29  }
0x3ab: {  	vm9 =	veq.s32 v27, s29;
	vm11 =	veq.f32 v10, v16;
	v10 =	vxor.u32 $0x80000000, v11  }
0x3ac: {  	v11 =	vsel vm10, v13, v22;
	vm1 =	vmand vm12, vm9;
	v10 =	vnsel vm11, $0xFFFFFFFF, v10  }
0x3ad: {  	v11 =	vsel vm1, v11, v39;
	(xrf0) =	vmin.scan.msk.u32 $0xffff, v10  }
0x3ae: {  	(xrf0) =	vmax.scan.msk.f32 $0xffff, v11;
	_ =	sdelay $0x1  }
0x3af: {  	v10 =	vsel vm0, v26, v18  }
0x3b0: {  	v10 =	vsel vm2, v10, v62  }
0x3b1: {  	v10 =	vsel vm4, v10, v35  }
0x3b2: {  	v33 =	vimm.s32 $0x7FFFFFFF;
	v10 =	vsel vm6, v10, v45;
	v13, _, _ =	vpop (xrf0)  }
0x3b3: {  	v6 =	vsel vm15, v17, v6;
	v23 =	vimm.f32 $-Inf;
	v10 =	vsel vm8, v10, v20;
	v18, _, _ =	vpop (xrf0)  }
0x3b4: {  	v28 =	vimm.s32 $0x7FFFFFFF;
	v10 =	vsel vm10, v10, v41;
	v19 =	vbroadcast v18, $0xF  }
0x3b5: {  	v36 =	vimm.s32 $0x7FFFFFFF;
	v10 =	vsel vm1, v10, v27;
	(v2sf) =	vpush v13, $0xF  }
0x3b6: {  	vm5 =	vmmov $0x3;
	v10 =	vxor.u32 $0x80000000, v10;
	vm13 =	veq.f32 v11, v19  }
0x3b7: {  	v31 =	vimm.f32 $-Inf;
	vm7 =	vmmov $0xff;
	v10 =	vnsel vm13, $0xFFFFFFFF, v10  }
0x3b8: {  	v25 =	vimm.s32 $0x7FFFFFFF;
	v21 =	vimm.s32 $0x7FFFFFFF;
	vm14 =	veq.s32 v0, $0x0;
	(xrf0) =	vmin.scan.msk.u32 $0xffff, v10  }
0x3b9: {  	v38 =	vimm.f32 $-Inf;
	v37 =	vimm.f32 $-Inf;
	vm11 =	vcmask $0x2720  }
0x3ba: {  	v22 =	vimm.s32 $0x7FFFFFFF;
	vm12 =	vcmask $0x2B20;
	v6 =	vsel vm11, v6, v7  }
0x3bb: {  	v4 =	vsel vm12, v6, v4;
	v6 =	vimm.s32 $0x0;
	vm4 =	vmmov $0xf  }
0x3bc: {  	vm9 =	vcmask $0xB08;
	v7 =	vimm.s32 $0x0;
	v6 =	vsel vm4, $0xFFFFFFFF, v6  }
0x3bd: {  	v39 =	vimm.f32 $-Inf;
	[tilespmem:$0x1FFC0] =	vst v6;
	v6 =	vimm.s32 $0x0;
	vm10 =	vmmov $0x7  }
0x3be: {  	v7 =	vsel vm10, $0xFFFFFFFF, v7;
	v13 =	vimm.s32 $0x0;
	v11 =	vmov s18;
	v10, _, _ =	vpop (xrf0)  }
0x3bf: {  	v11 =	vsel vm15, s16, v11;
	(v2sf) =	vpush v10, $0xF;
	v10 =	vmov s17  }
0x3c0: {  	vm13 =	vmmov $0x1;
	vm15 =	vmmov $0x1f;
	v10 =	vsel vm14, s15, v10  }
0x3c1: {  	v11 =	vnsel vm11, s20, v11;
	v13 =	vsel vm13, $0xFFFFFFFF, v13;
	v10 =	vsel vm9, s19, v10  }
0x3c2: {  	v12 =	vsel vm13, v12, v24;
	vm13 =	veq.s32 v0, $0x7;
	v10 =	vnsel vm10, s21, v10  }
0x3c3: {  	v9 =	vsel vm5, v12, v9;
	vm9 =	vmmov $0x3f;
	v10 =	vnsel vm4, s23, v10  }
0x3c4: {  	[tilespmem:$0x1FFB0] =	vst v7;
	v3 =	vsel vm10, v9, v3;
	v6 =	vsel vm9, $0xFFFFFFFF, v6;
	v7 =	vnsel vm15, s25, v10;
	s25 =	spop (v2sf)  }
0x3c5: {  	v11 =	vnsel vm12, s22, v11;
	v3 =	vsel vm4, v3, v5;
	[tilespmem:$0x1FFE0] =	vst v6;
	v6 =	vnsel vm9, s28, v7;
	s15 =	sxor.u32 $0x80000000, s25  }
0x3c6: {  	p0 =	sgt.s32 s14, s13;
	v5 =	vimm.s32 $0x0;
	vm14 =	vcmask $0x2F20;
	v6 =	vsel vm13, s15, v6;
	s15 =	smov.u32 s13  }
0x3c7: {  	v5 =	vsel vm15, $0xFFFFFFFF, v5;
	v11 =	vnsel vm14, s24, v11;
	vm10 =	vcmask $0x3320;
	s15 =	smov.u32 @p0 s14  }
0x3c8: {  	v26 =	vimm.f32 $-Inf;
	vm11 =	vcmask $0x3720;
	[tilespmem:$0x1FFD0] =	vst v5;
	v5 =	vnsel vm10, s26, v11;
	s15 =	sadd.s32 $0xF, s15  }
0x3c9: {  	v20 =	vimm.f32 $-Inf;
	v27 =	vimm.f32 $-Inf;
	v5 =	vnsel vm11, s29, v5;
	s29 =	sand.u32 $0xF, s15  }
0x3ca: {  	v24 =	vimm.f32 $-Inf;
	[tilespmem:$0x1FF90] =	vst v13;
	v13 =	vimm.s32 $0x0;
	vm12 =	vmmov $0x7f;
	s30 =	sshra.s32 s15, $0x1F;
	p6 =	slt.s32 s15, $0x1;
	p1 =	sne.s32 s29, $0x0  }
0x3cb: {  	v12 =	vimm.f32 $-Inf;
	v13 =	vsel vm5, $0xFFFFFFFF, v13;
	v9 =	vimm.f32 $-Inf;
	s31 =	sshrl.u32 s30, $0x1C;
	p0 =	por !p6, !p1  }
0x3cc: {  	s16 =	simm.s32 $0x1;
	[tilespmem:$0x1FFA0] =	vst v13;
	v13 =	vimm.s32 $0x7FFFFFFF;
	v3 =	vsel vm15, v3, v14;
	v14 =	vimm.s32 $0x7FFFFFFF;
	s15 =	sadd.s32 s31, s15;
	p0 =	por !p0, !p0  }
0x3cd: {  	v4 =	vsel vm14, v4, v8;
	vm14 =	veq.s32 v0, $0xF;
	v3 =	vsel vm9, v3, v47;
	s15 =	sshra.s32 s15, $0x4;
	s16 =	simm.s32 @!p0 $0x0  }
0x3ce: {  	v4 =	vsel vm10, v4, v15;
	v3 =	vsel vm12, v3, v16;
	v16 =	vimm.f32 $-Inf;
	s16 =	ssub.s32 s15, s16  }
0x3cf: {  	v15 =	vimm.s32 $0x7FFFFFFF;
	v4 =	vsel vm11, v4, v48;
	vm15 =	vcmask $0x3B20;
	p0 =	slt.s32 s16, $0x1  }
.Ltmp8:
0x3d0: {  	v11 =	vimm.s32 $0x7FFFFFFF;
	v7 =	vimm.s32 $0x0;
	v4 =	vsel vm15, v4, v18;
	s26 =	spop (v2sf);
	(pc) =	sbr.rel @p0 .LBB2_17-.Ltmp8, $4  }
0x3d1: {  	v10 =	vimm.f32 $-Inf;
	v7 =	vsel vm12, $0xFFFFFFFF, v7;
	v8 =	vsel vm7, v3, v4;
	s28 =	sxor.u32 $0x80000000, s26  }
0x3d2: {  	v3 =	vimm.f32 $-Inf;
	v4 =	vimm.s32 $0x7FFFFFFF;
	[tilespmem:$0x1FFF0] =	vst v7;
	v5 =	vsel vm14, s28, v5  }
0x3d3: {  	v7 =	vimm.s32 $0x7FFFFFFF;
	[tilespmem:$0x4080] =	vst v8;
	v8 =	vimm.s32 $0x7FFFFFFF;
	v17 =	vsel vm7, v6, v5  }
0x3d4: {  	v6 =	vimm.f32 $-Inf;
	v5 =	vimm.s32 $0x7FFFFFFF;
	[tilespmem:$0x4180] =	vst v17;
	v17 =	vimm.s32 $0x7FFFFFFF  }
0x3d5: {  	s15 =	simm.s32 $0x3830  }
0x3d6: {  	v1 =	vld [tilespmem:s15+$0xFFFFF7F0];
	_ =	sdelay $0x3  }
0x3d7: {  	v2 =	vld [tilespmem:s15+$0x0]  }
0x3d8: {  	vm0 =	vgt.s32 v1, $0x0  }
0x3d9: {  	v1 =	vnsel vm0, $0x0, v1  }
0x3da: {  	v1 =	vmin.u32 v1, $0x7FF  }
0x3db: {  	v3 =	vshll.u32 v1, $0x2  }
0x3dc: {  	vm0 =	vgt.s32 v2, $0x0;
	v4 =	vand.u32 $0x7F, v1;
	v3 =	vand.u32 $0x1E00, v3  }
0x3dd: {  	v2 =	vnsel vm0, $0x0, v2;
	v3 =	vor.u32 v3, v4  }
0x3de: {  	v2 =	vmin.u32 v2, $0x7FF;
	v3 =	vor.u32 $0x100, v3  }
0x3df: {  	v4 =	vshll.u32 v2, $0x2  }
0x3e0: {  	v5 =	vand.u32 $0x7F, v2;
	v4 =	vand.u32 $0x1E00, v4  }
0x3e1: {  	v16 =	vmov s14;
	v4 =	vor.u32 v4, v5  }
0x3e2: {  	v17 =	vimm.f32 $-Inf;
	v15 =	vimm.s32 $0x7FFFFFFF;
	v4 =	vor.u32 $0x180, v4  }
0x3e3: {  	v18 =	vmov s13;
	v36 =	vimm.s32 $0x7FFFFFFF;
	v24 =	vimm.f32 $-Inf;
	v3 =	vld.idx.msk [tilespmem:v3+s2+$0x0], $0xffff  }
0x3e4: {  	v25 =	vimm.f32 $-Inf;
	v34 =	vimm.f32 $-Inf;
	v35 =	vimm.s32 $0x7FFFFFFF  }
0x3e5: {  	v31 =	vimm.f32 $-Inf;
	v28 =	vimm.f32 $-Inf;
	v33 =	vimm.s32 $0x7FFFFFFF;
	s15 =	simm.s32 $0x0  }
0x3e6: {  	v32 =	vimm.s32 $0x7FFFFFFF;
	v29 =	vimm.s32 $0x7FFFFFFF;
	v5 =	vor.u32 s15, v0  }
0x3e7: {  	v23 =	vimm.f32 $-Inf;
	v30 =	vimm.s32 $0x7FFFFFFF;
	vm0 =	vlt.s32 v5, v16;
	v4 =	vld.idx.msk [tilespmem:v4+s2+$0x0], $0xffff  }
0x3e8: {  	v20 =	vimm.f32 $-Inf;
	v13 =	vnsel vm0, $0x7FFFFFFF, v1;
	v3 =	vnsel vm0, $0xFF800000, v3  }
0x3e9: {  	v22 =	vimm.s32 $0x7FFFFFFF;
	vm1 =	vlt.s32 v13, v15;
	vm0 =	veq.f32 v3, v17  }
0x3ea: {  	v21 =	vimm.s32 $0x7FFFFFFF;
	vm2 =	vgt.f32 v3, v17;
	vm0 =	vmand vm0, vm1  }
0x3eb: {  	v27 =	vimm.f32 $-Inf;
	vm1 =	vlt.s32 v5, v18;
	vm0 =	vmor vm2, vm0  }
0x3ec: {  	v4 =	vnsel vm1, $0xFF800000, v4;
	v2 =	vnsel vm1, $0x7FFFFFFF, v2;
	v5 =	vsel vm0, v17, v3  }
0x3ed: {  	v19 =	vsel vm0, v15, v13;
	vm1 =	veq.f32 v4, v17;
	vm3 =	vlt.s32 v2, v15  }
0x3ee: {  	vm5 =	vgt.f32 v4, v17;
	vm2 =	veq.f32 v5, v17;
	vm4 =	vlt.s32 v19, v15  }
0x3ef: {  	vm1 =	vmand vm1, vm3;
	vm3 =	vgt.f32 v5, v17;
	vm2 =	vmand vm2, vm4  }
0x3f0: {  	v1 =	vsel vm0, v3, v17;
	vm4 =	vmor vm5, vm1;
	vm3 =	vmor vm3, vm2  }
0x3f1: {  	v3 =	vsel vm4, v17, v4;
	v10 =	vsel vm4, v15, v2;
	v12 =	vsel vm4, v4, v17  }
0x3f2: {  	v14 =	vsel vm4, v2, v15;
	v2 =	vsel vm0, v13, v15;
	v8 =	vsel vm3, v17, v5  }
0x3f3: {  	vm1 =	veq.f32 v3, v17;
	v11 =	vsel vm3, v15, v19;
	vm2 =	vgt.f32 v3, v17  }
0x3f4: {  	vm5 =	vlt.s32 v10, v15;
	vm6 =	veq.f32 v8, v17;
	vm8 =	vlt.s32 v11, v15  }
0x3f5: {  	vm1 =	vmand vm1, vm5;
	vm5 =	vgt.f32 v8, v17;
	vm6 =	vmand vm6, vm8  }
0x3f6: {  	v13 =	vsel vm3, v19, v15;
	vm1 =	vmor vm2, vm1;
	vm2 =	vmor vm5, vm6  }
0x3f7: {  	v9 =	vsel vm1, v3, v17;
	v37 =	vsel vm1, v17, v3;
	v3 =	vsel vm1, v15, v10  }
0x3f8: {  	v6 =	vsel vm2, v8, v17;
	v7 =	vsel vm2, v11, v15;
	v26 =	vsel vm2, v17, v8  }
0x3f9: {  	v4 =	vsel vm2, v15, v11;
	vm2 =	veq.f32 v37, v17;
	vm6 =	vgt.f32 v37, v17  }
0x3fa: {  	vm8 =	vlt.s32 v3, v15;
	v11 =	vsel vm1, v10, v15;
	v10 =	vsel vm3, v5, v17  }
0x3fb: {  	vm5 =	veq.f32 v26, v17;
	vm9 =	vlt.s32 v4, v15;
	vm1 =	vmand vm2, vm8  }
0x3fc: {  	vm2 =	vgt.f32 v26, v17;
	vm5 =	vmand vm5, vm9;
	vm1 =	vmor vm6, vm1  }
0x3fd: {  	vm2 =	vmor vm2, vm5;
	v41 =	vsel vm1, v17, v37;
	v8 =	vsel vm1, v3, v15  }
0x3fe: {  	v40 =	vsel vm1, v15, v3;
	vm5 =	veq.f32 v41, v17;
	v5 =	vsel vm2, v4, v15  }
0x3ff: {  	v4 =	vsel vm2, v15, v4;
	v3 =	vsel vm2, v17, v26;
	vm4 =	vgt.f32 v41, v17  }
0x400: {  	vm10 =	vlt.s32 v40, v15;
	vm6 =	vlt.s32 v4, v15;
	vm15 =	veq.f32 v3, v17  }
0x401: {  	vm8 =	vgt.f32 v3, v17;
	vm5 =	vmand vm5, vm10;
	vm0 =	vmand vm15, vm6  }
0x402: {  	v19 =	vimm.f32 $-Inf;
	vm3 =	vmor vm4, vm5;
	vm0 =	vmor vm8, vm0  }
0x403: {  	v48 =	vsel vm3, v17, v41;
	v38 =	vsel vm3, v15, v40;
	v45 =	vsel vm0, v17, v3  }
0x404: {  	p0 =	sne.s32 s16, $0x1;
	v46 =	vsel vm0, v15, v4;
	vm6 =	vlt.s32 v38, v15;
	v3 =	vsel vm0, v3, v17  }
.Ltmp9:
0x405: {  	v4 =	vsel vm0, v4, v15;
	vm4 =	veq.f32 v45, v17;
	vm5 =	vlt.s32 v46, v15;
	(pc) =	sbr.rel @!p0 .LBB2_16-.Ltmp9, $4  }
0x406: {  	vm8 =	vgt.f32 v45, v17;
	vm4 =	vmand vm4, vm5;
	vm5 =	veq.f32 v48, v17  }
0x407: {  	vm5 =	vmand vm5, vm6;
	vm4 =	vmor vm8, vm4;
	vm6 =	vgt.f32 v48, v17  }
0x408: {  	v47 =	vsel vm4, v17, v45;
	vm0 =	vmor vm6, vm5;
	v44 =	vsel vm4, v15, v46  }
0x409: {  	s13 =	sadd.s32 $0xFFFFFFFF, s16;
	s14 =	simm.s32 $0x3840;
	vm5 =	veq.f32 v47, v17;
	v43 =	vsel vm0, v17, v48;
	v42 =	vsel vm0, v15, v38  }
.LBB2_15:
0x40a: {  	v49 =	vld [tilespmem:s14+$0xFFFFF7F0];
	p0 =	sne.s32 s13, $0x1;
	s13 =	sadd.s32 $0xFFFFFFFF, s13;
	vm6 =	vlt.s32 v44, v15;
	v17 =	vsel vm1, v37, v17;
	v36 =	vsel vm0, v38, v36;
	s15 =	sadd.s32 $0x10, s15;
	v38 =	vmovc v6  }
0x40b: {  	v24 =	vsel vm3, v41, v24;
	v25 =	vsel vm0, v48, v25;
	v39 =	vmovc v7;
	v37 =	vld [tilespmem:s14+$0x0];
	vm1 =	vmand vm5, vm6  }
0x40c: {  	v34 =	vsel vm4, v45, v34;
	v35 =	vsel vm4, v46, v35;
	vm0 =	vgt.f32 v47, v31  }
0x40d: {  	vm4 =	vgt.f32 v43, v28;
	vm5 =	vmor vm0, vm1  }
0x40e: {  	v33 =	vsel vm3, v40, v33;
	v15 =	vsel vm5, v44, v15;
	v41 =	vsel vm5, v31, v47  }
0x40f: {  	vm0 =	vgt.f32 v41, v19;
	vm1 =	veq.f32 v41, v19;
	vm3 =	vgt.s32 v49, $0x0  }
0x410: {  	v31 =	vsel vm5, v47, v31;
	v40 =	vnsel vm3, $0x0, v49;
	vm3 =	vgt.s32 v37, $0x0  }
0x411: {  	v44 =	vsel vm5, v32, v44;
	v32 =	vmovc v15;
	v40 =	vmin.u32 v40, $0x7FF;
	v37 =	vnsel vm3, $0x0, v37  }
0x412: {  	vm3 =	vlt.s32 v42, v29;
	v45 =	vshll.u32 v40, $0x2;
	v37 =	vmin.u32 v37, $0x7FF  }
0x413: {  	vm5 =	veq.f32 v43, v28;
	v46 =	vand.u32 $0x7F, v40;
	v45 =	vand.u32 $0x1E00, v45  }
0x414: {  	vm3 =	vmand vm5, vm3;
	v45 =	vor.u32 v45, v46;
	v46 =	vand.u32 $0x7F, v37  }
0x415: {  	v47 =	vshll.u32 v37, $0x2;
	vm3 =	vmor vm4, vm3;
	v45 =	vor.u32 $0x100, v45  }
0x416: {  	v47 =	vand.u32 $0x1E00, v47;
	v48 =	vsel vm3, v28, v43;
	v49 =	vsel vm3, v29, v42  }
0x417: {  	v46 =	vor.u32 v47, v46;
	vm4 =	veq.f32 v48, v23;
	vm5 =	vlt.s32 v49, v30  }
0x418: {  	vm6 =	vgt.f32 v48, v23;
	v46 =	vor.u32 $0x180, v46;
	vm4 =	vmand vm4, vm5  }
0x419: {  	v28 =	vsel vm3, v43, v28;
	v29 =	vsel vm3, v42, v29;
	vm3 =	vmor vm6, vm4  }
0x41a: {  	v43 =	vsel vm3, v23, v48;
	v42 =	vld.idx.msk [tilespmem:v45+s2+$0x0], $0xffff;
	v45 =	vsel vm3, v30, v49;
	v30 =	vsel vm3, v49, v30  }
0x41b: {  	vm4 =	vgt.f32 v43, v20;
	vm5 =	veq.f32 v43, v20;
	vm6 =	vlt.s32 v45, v22  }
0x41c: {  	vm8 =	vlt.s32 v44, v21;
	v23 =	vsel vm3, v48, v23;
	vm3 =	vmand vm5, vm6  }
0x41d: {  	v27 =	vsel vm2, v26, v27;
	vm1 =	vmand vm1, vm8;
	v46 =	vld.idx.msk [tilespmem:v46+s2+$0x0], $0xffff;
	vm2 =	vmor vm4, vm3  }
0x41e: {  	v26 =	vor.u32 s15, v0;
	vm0 =	vmor vm0, vm1;
	v20 =	vsel vm2, v43, v20  }
0x41f: {  	vm1 =	vlt.s32 v26, v16;
	v19 =	vsel vm0, v41, v19;
	v21 =	vsel vm0, v44, v21  }
0x420: {  	v22 =	vsel vm2, v45, v22;
	v41 =	vnsel vm1, $0xFF800000, v42;
	v42 =	vnsel vm1, $0x7FFFFFFF, v40  }
0x421: {  	vm0 =	veq.f32 v41, v1;
	vm1 =	vlt.s32 v42, v2  }
0x422: {  	vm2 =	vgt.f32 v41, v1;
	vm0 =	vmand vm0, vm1;
	vm1 =	vlt.s32 v26, v18  }
0x423: {  	vm3 =	vmor vm2, vm0;
	v26 =	vnsel vm1, $0xFF800000, v46;
	v43 =	vnsel vm1, $0x7FFFFFFF, v37  }
0x424: {  	v40 =	vsel vm3, v1, v41;
	v44 =	vsel vm3, v2, v42;
	vm0 =	veq.f32 v26, v12  }
0x425: {  	vm4 =	vlt.s32 v43, v14;
	vm1 =	veq.f32 v40, v10;
	vm2 =	vlt.s32 v44, v13  }
0x426: {  	vm0 =	vmand vm0, vm4;
	vm1 =	vmand vm1, vm2;
	vm2 =	vgt.f32 v26, v12  }
0x427: {  	v1 =	vsel vm3, v41, v1;
	vm4 =	vgt.f32 v40, v10;
	vm0 =	vmor vm2, vm0  }
0x428: {  	vm4 =	vmor vm4, vm1;
	v41 =	vsel vm0, v12, v26;
	v12 =	vsel vm0, v26, v12  }
0x429: {  	v26 =	vsel vm4, v10, v40;
	v45 =	vsel vm0, v14, v43;
	vm1 =	veq.f32 v41, v9  }
0x42a: {  	v46 =	vsel vm4, v13, v44;
	vm2 =	vgt.f32 v41, v9;
	vm5 =	vlt.s32 v45, v11  }
0x42b: {  	vm6 =	veq.f32 v26, v6;
	vm8 =	vlt.s32 v46, v7;
	vm1 =	vmand vm1, vm5  }
0x42c: {  	vm5 =	vgt.f32 v26, v6;
	vm6 =	vmand vm6, vm8;
	vm1 =	vmor vm2, vm1  }
0x42d: {  	vm2 =	vmor vm5, vm6;
	v37 =	vsel vm1, v9, v41;
	v9 =	vsel vm1, v41, v9  }
0x42e: {  	v6 =	vsel vm2, v26, v6;
	v7 =	vsel vm2, v46, v7;
	v47 =	vsel vm1, v11, v45  }
0x42f: {  	v26 =	vsel vm2, v38, v26;
	v38 =	vsel vm2, v39, v46;
	vm2 =	veq.f32 v37, v17  }
0x430: {  	vm5 =	veq.f32 v26, v27;
	vm6 =	vgt.f32 v37, v17;
	vm8 =	vlt.s32 v47, v8  }
0x431: {  	v11 =	vsel vm1, v45, v11;
	vm9 =	vlt.s32 v38, v5;
	vm1 =	vmand vm2, vm8  }
0x432: {  	vm2 =	vgt.f32 v26, v27;
	vm5 =	vmand vm5, vm9;
	vm1 =	vmor vm6, vm1  }
0x433: {  	v10 =	vsel vm4, v40, v10;
	vm2 =	vmor vm2, vm5;
	v41 =	vsel vm1, v17, v37  }
0x434: {  	v40 =	vsel vm1, v8, v47;
	v8 =	vsel vm1, v47, v8;
	vm5 =	veq.f32 v41, v24  }
0x435: {  	v39 =	vsel vm2, v27, v26;
	v47 =	vsel vm2, v5, v38;
	v5 =	vsel vm2, v38, v5  }
0x436: {  	v14 =	vsel vm0, v43, v14;
	vm6 =	vlt.s32 v47, v4;
	vm0 =	vgt.f32 v41, v24  }
0x437: {  	vm8 =	vgt.f32 v39, v3;
	vm9 =	veq.f32 v39, v3;
	vm10 =	vlt.s32 v40, v33  }
0x438: {  	v2 =	vsel vm3, v42, v2;
	vm3 =	vmand vm9, vm6;
	vm5 =	vmand vm5, vm10  }
0x439: {  	v13 =	vsel vm4, v44, v13;
	vm4 =	vmor vm8, vm3;
	vm3 =	vmor vm0, vm5  }
0x43a: {  	v45 =	vsel vm4, v3, v39;
	v46 =	vsel vm4, v4, v47;
	v48 =	vsel vm3, v24, v41  }
0x43b: {  	v38 =	vsel vm3, v33, v40;
	vm0 =	veq.f32 v45, v34;
	vm5 =	vlt.s32 v46, v35  }
.Ltmp10:
0x43c: {  	vm6 =	vlt.s32 v38, v36;
	vm0 =	vmand vm0, vm5;
	vm5 =	veq.f32 v48, v25;
	(pc) =	sbr.rel @p0 .LBB2_15-.Ltmp10, $4  }
0x43d: {  	v3 =	vsel vm4, v39, v3;
	vm8 =	vgt.f32 v45, v34;
	vm5 =	vmand vm5, vm6  }
0x43e: {  	v4 =	vsel vm4, v47, v4;
	vm4 =	vmor vm8, vm0;
	vm0 =	vgt.f32 v48, v25  }
0x43f: {  	v47 =	vsel vm4, v34, v45;
	v44 =	vsel vm4, v35, v46;
	vm0 =	vmor vm0, vm5  }
0x440: {  	s14 =	sadd.s32 $0x10, s14;
	vm5 =	veq.f32 v47, v31;
	v43 =	vsel vm0, v25, v48;
	v42 =	vsel vm0, v36, v38  }
.Ltmp11:
0x441: {  	_ = 	snop;
	(pc) =	sbr.rel .LBB2_16-.Ltmp11, $1  }
0x442: {  	_ =	sdelay $0x3  }
.LBB2_7:
0x443: {  	v17 =	vimm.f32 $-Inf  }
0x444: {  	v34 =	vimm.f32 $-Inf;
	v26 =	vimm.s32 $0x7FFFFFFF;
	v19 =	vimm.f32 $-Inf  }
.Ltmp12:
0x445: {  	v42 =	vimm.f32 $-Inf;
	v37 =	vimm.s32 $0x7FFFFFFF;
	v36 =	vimm.f32 $-Inf;
	(pc) =	sbr.rel .LBB2_12-.Ltmp12, $4  }
0x446: {  	v30 =	vimm.s32 $0x7FFFFFFF;
	v38 =	vimm.f32 $-Inf;
	v39 =	vimm.s32 $0x7FFFFFFF  }
0x447: {  	v31 =	vimm.f32 $-Inf;
	v28 =	vimm.f32 $-Inf;
	v32 =	vimm.s32 $0x7FFFFFFF  }
0x448: {  	v29 =	vimm.f32 $-Inf;
	v33 =	vimm.s32 $0x7FFFFFFF;
	v40 =	vimm.f32 $-Inf  }
0x449: {  	v45 =	vimm.s32 $0x7FFFFFFF;
	v23 =	vimm.s32 $0x7FFFFFFF;
	v46 =	vimm.s32 $0x7FFFFFFF  }
.LBB2_9:
0x44a: {  	v34 =	vimm.f32 $-Inf  }
0x44b: {  	v26 =	vimm.s32 $0x7FFFFFFF;
	v42 =	vimm.f32 $-Inf;
	v37 =	vimm.s32 $0x7FFFFFFF  }
0x44c: {  	v36 =	vimm.f32 $-Inf;
	v30 =	vimm.s32 $0x7FFFFFFF;
	v38 =	vimm.f32 $-Inf  }
.Ltmp13:
0x44d: {  	v39 =	vimm.s32 $0x7FFFFFFF;
	v31 =	vimm.f32 $-Inf;
	v28 =	vimm.f32 $-Inf;
	v17 =	vmovc v8;
	(pc) =	sbr.rel .LBB2_12-.Ltmp13, $4  }
0x44e: {  	v16 =	vmovc v12;
	v57 =	vmovc v13;
	v32 =	vimm.s32 $0x7FFFFFFF;
	v29 =	vimm.f32 $-Inf;
	v33 =	vimm.s32 $0x7FFFFFFF  }
0x44f: {  	v24 =	vmovc v35;
	v22 =	vmovc v43;
	v21 =	vmov v44;
	v20 =	vmov v25;
	v13 =	vmov v56  }
0x450: {  	v8 =	vmovc v50;
	v14 =	vmovc v15;
	v12 =	vmov v53;
	v40 =	vimm.f32 $-Inf;
	v25 =	vmov v41  }
0x451: {  	v47 =	vimm.s32 $0x7FFFFFFF;
	v45 =	vimm.s32 $0x7FFFFFFF;
	v15 =	vmovc v48;
	v50 =	vmovc v49;
	v46 =	vmov v23  }
.LBB2_18:
0x452: {  	_ =	sfence.sel $0x180000  }
0x453: {  	[bflag:$0x0] =	sbarrier.arrive $0xFFFF  }
0x454: {  	p0 =	sne.s32 s1, $0x0;
	_ =	strace $0x90000047  }
0x455: {  	s0 =	sadd.s32 @!p0 $0x100000, s0;
	[bflag:$0x2] =	sbarrier.arrive $0xFFFF  }
0x456: {  	[sflag:s0] =	ssyncadd.tile.s32 @!p0 $0x1;
	_ =	shalt  }
.Lfunc_end2:
_tile_overlayer_lowered:
.L_overlay_start_2:
0x457: {  	(tag) =	ssettag $0x2  }
0x458: {  	s0 =	rddreg [dreg:$0x0];
	s2 =	stileid.u32  }
0x459: {  	s1 =	rddreg [dreg:$0x1];
	p0 =	sne.s32 s2, $0x0  }
0x45a: {  	s3 =	rddreg [dreg:$0x2];
	[bflag:$0x3] =	sbarrier.arrive $0xFFFF;
	s2 =	simm.s32 @!p0 $0x1C01  }
0x45b: {  	[timem:s3], [sflag:s2] =	dma.local @!p0 [hbm:s0], s1  }
0x45c: {  	s0 =	simm.s32 @!p0 $0x1  }
0x45d: {  	_ =	swait.ge @!p0 [sflag:s0], s1  }
0x45e: {  	s1 =	ssub.s32 @!p0 $0x0, s1;
	[sflag:s0] =	ssyncset.done @!p0 $0x0  }
0x45f: {  	[sflag:s0] =	ssyncadd.s32 @!p0 s1  }
0x460: {  	[bflag:$0x3] =	sbarrier.arrive $0xFFFF  }
0x461: {  	_ =	shalt  }

</sc_bundles>
